<compile_context>
chip_gen: v7x
topology: tpu7x:2x2x1
jax: 0.10.2.dev20260603
libtpu: 0.0.44.dev20260713+nightly
codegen_flags: <defaults>
</compile_context>

<pallas_src>
import jax
import jax.numpy as jnp
from jax import lax
from jax.experimental import pallas as pl
from jax.experimental.pallas import tpu as pltpu
from jax.experimental.pallas import tpu_sc as plsc

N = 50000
E = 800000
D = 64
DH = 32
G = 256
VOCAB = 3100
MTU = 1500
NB_CLASSES = 53
ITERS = 3

CHUNK = 128
N_CHUNKS = (N + CHUNK - 1) // CHUNK
N_TAIL = N - (N_CHUNKS - 1) * CHUNK
NSUB = 16

BLK = 8
E_CHUNKS = 6400
E_PAD = E_CHUNKS * CHUNK
CPT = E_CHUNKS // NSUB
BPT = CPT // BLK
AGG_ROWS = 50016
ROWS_PER_TILE = AGG_ROWS // NSUB
OUT_ROWS_PER_TILE = N // NSUB

BN = 5000
NB = N // BN

_mesh = plsc.VectorSubcoreMesh(core_axis_name="c", subcore_axis_name="s")
_sc_params = pltpu.CompilerParams(use_tc_tiling_on_sc=False)


def _embed_body(emb2_hbm, idx2d_hbm, h2_out, idx_v, rows_v, sem):
    c = lax.axis_index("c")
    s = lax.axis_index("s")
    n_s = (N_CHUNKS - s + NSUB - 1) // NSUB

    def body(i, _):
        j = s + NSUB * i
        pltpu.sync_copy(idx2d_hbm.at[j], idx_v)
        pltpu.async_copy(emb2_hbm.at[c].at[idx_v], rows_v, sem).wait()

        @pl.when(j < N_CHUNKS - 1)
        def _():
            pltpu.sync_copy(rows_v, h2_out.at[c, pl.ds(j * CHUNK, CHUNK)])

        @pl.when(j == N_CHUNKS - 1)
        def _():
            pltpu.sync_copy(rows_v.at[pl.ds(0, N_TAIL)],
                            h2_out.at[c, pl.ds(j * CHUNK, N_TAIL)])
        return 0

    lax.fori_loop(0, n_s, body, 0)


_embed_call = pl.kernel(
    _embed_body,
    out_type=jax.ShapeDtypeStruct((2, N, DH), jnp.float32),
    mesh=_mesh,
    compiler_params=_sc_params,
    scratch_types=[
        pltpu.VMEM((CHUNK,), jnp.int32),
        pltpu.VMEM((CHUNK, DH), jnp.float32),
        pltpu.SemaphoreType.DMA,
    ],
)


def _make_edge_call(nbuf, gd):

    def pipeline(h2_hbm, src2d_hbm, dst2d_hbm, zeros_hbm, agg_out,
                 agg_sp, sidx2, didx2, rowsg, rowsf, isem, sems):
        c = lax.axis_index("c")
        s = lax.axis_index("s")
        gsem = sems[:nbuf]
        ssem = sems[nbuf:]
        base = s * CPT

        def gsrc(p, j):
            return h2_hbm.at[c].at[sidx2.at[p, j]]

        def sdst(p, k):
            return agg_sp.at[didx2.at[p, k]]

        pltpu.sync_copy(zeros_hbm,
                        agg_sp.at[pl.ds(s * ROWS_PER_TILE, ROWS_PER_TILE)])
        plsc.subcore_barrier()

        pltpu.async_copy(src2d_hbm.at[pl.ds(base, BLK)], sidx2.at[0], isem)
        pltpu.async_copy(dst2d_hbm.at[pl.ds(base, BLK)], didx2.at[0], isem)

        def block(b, _):
            p = lax.rem(b, 3)
            boff = base + b * BLK
            pltpu.make_async_copy(src2d_hbm.at[pl.ds(boff, BLK)],
                                  sidx2.at[p], isem).wait()
            pltpu.make_async_copy(dst2d_hbm.at[pl.ds(boff, BLK)],
                                  didx2.at[p], isem).wait()

            @pl.when(b + 1 < BPT)
            def _():
                pn = lax.rem(b + 1, 3)
                noff = boff + BLK
                pltpu.async_copy(src2d_hbm.at[pl.ds(noff, BLK)],
                                 sidx2.at[pn], isem)
                pltpu.async_copy(dst2d_hbm.at[pl.ds(noff, BLK)],
                                 didx2.at[pn], isem)

            def scatter(p2, k):
                ks = k % nbuf
                pltpu.make_async_copy(gsrc(p2, k), rowsg.at[ks],
                                      gsem[ks]).wait()
                pltpu.async_copy(rowsf.at[ks], sdst(p2, k),
                                 ssem[ks], add=True)

            for j in range(BLK):
                slot = j % nbuf
                if j >= nbuf:
                    pltpu.make_async_copy(rowsf.at[slot],
                                          sdst(p, j - nbuf),
                                          ssem[slot]).wait()
                else:
                    @pl.when(b > 0)
                    def _(slot=slot, j=j, p=p):
                        pltpu.make_async_copy(rowsf.at[slot], sdst(p, j),
                                              ssem[slot]).wait()
                pltpu.async_copy(gsrc(p, j), rowsg.at[slot], gsem[slot])
                if j >= gd:
                    scatter(p, j - gd)
            for k in range(BLK - gd, BLK):
                scatter(p, k)
            return 0

        lax.fori_loop(0, BPT, block, 0)
        lastp = (BPT - 1) % 3
        for k in range(BLK - nbuf, BLK):
            ks = k % nbuf
            pltpu.make_async_copy(rowsf.at[ks], sdst(lastp, k),
                                  ssem[ks]).wait()
        plsc.subcore_barrier()
        pltpu.sync_copy(
            agg_sp.at[pl.ds(s * OUT_ROWS_PER_TILE, OUT_ROWS_PER_TILE)],
            agg_out.at[c, pl.ds(s * OUT_ROWS_PER_TILE, OUT_ROWS_PER_TILE)])

    scratch = [
        pltpu.VMEM_SHARED((AGG_ROWS, DH), jnp.float32),
        pltpu.VMEM((3, BLK, CHUNK), jnp.int32),
        pltpu.VMEM((3, BLK, CHUNK), jnp.int32),
        pltpu.VMEM((nbuf, CHUNK, DH), jnp.float32),
    ] + [pltpu.SemaphoreType.DMA] * (1 + 2 * nbuf)

    def body(h2_hbm, src2d_hbm, dst2d_hbm, zeros_hbm, agg_out,
             agg_sp, sidx2, didx2, rowsg, isem, *sems):
        pipeline(h2_hbm, src2d_hbm, dst2d_hbm, zeros_hbm, agg_out,
                 agg_sp, sidx2, didx2, rowsg, rowsg, isem, sems)

    return pl.kernel(
        body,
        out_type=jax.ShapeDtypeStruct((2, N, DH), jnp.float32),
        mesh=_mesh,
        compiler_params=_sc_params,
        scratch_types=scratch,
    )


_edge_call_f32 = _make_edge_call(6, 3)


def _mlp_body(h2_ref, agg_ref, w0_ref, b0_ref, w1_ref, b1_ref, w2_ref, b2_ref,
              eps_ref, u_ref, st_ref):
    i = pl.program_id(0)
    h = jnp.concatenate([h2_ref[0], h2_ref[1]], axis=-1)
    agg = jnp.concatenate([agg_ref[0], agg_ref[1]], axis=-1)
    z = (1.0 + eps_ref[0, 0]) * h + agg
    dn = (((1,), (1,)), ((), ()))
    z = jnp.maximum(lax.dot_general(z, w0_ref[...], dn,
                                    preferred_element_type=jnp.float32)
                    + b0_ref[...], 0.0)
    z = jnp.maximum(lax.dot_general(z, w1_ref[...], dn,
                                    preferred_element_type=jnp.float32)
                    + b1_ref[...], 0.0)
    z = jnp.maximum(lax.dot_general(z, w2_ref[...], dn,
                                    preferred_element_type=jnp.float32)
                    + b2_ref[...], 0.0)
    u_ref[...] = z
    st = jnp.concatenate([jnp.sum(z, axis=0, keepdims=True),
                          jnp.sum(z * z, axis=0, keepdims=True)], axis=0)

    @pl.when(i == 0)
    def _():
        st_ref[...] = st

    @pl.when(i > 0)
    def _():
        st_ref[...] += st


def _mlp_call(h2, agg2, W0, b0, W1, b1, W2, b2, eps):
    full = lambda shape: pl.BlockSpec(shape, lambda i: (0,) * len(shape))
    return pl.pallas_call(
        _mlp_body,
        grid=(NB,),
        in_specs=[
            pl.BlockSpec((2, BN, DH), lambda i: (0, i, 0)),
            pl.BlockSpec((2, BN, DH), lambda i: (0, i, 0)),
            full((D, D)), full((1, D)),
            full((D, D)), full((1, D)),
            full((D, D)), full((1, D)),
            full((1, 1)),
        ],
        out_specs=[
            pl.BlockSpec((BN, D), lambda i: (i, 0)),
            pl.BlockSpec((2, D), lambda i: (0, 0)),
        ],
        out_shape=[
            jax.ShapeDtypeStruct((N, D), jnp.float32),
            jax.ShapeDtypeStruct((2, D), jnp.float32),
        ],
    )(h2, agg2, W0, b0.reshape(1, D), W1, b1.reshape(1, D),
      W2, b2.reshape(1, D), eps.reshape(1, 1))


def _bn_pool_body(u_ref, st_ref, gamma_ref, beta_ref, gid_ref,
                  h2_ref, gf_ref):
    i = pl.program_id(0)
    inv_n = 1.0 / N
    mean = st_ref[0:1, :] * inv_n
    var = st_ref[1:2, :] * inv_n - mean * mean
    scale = lax.rsqrt(var + 1e-5) * gamma_ref[...]
    h = (u_ref[...] - mean) * scale + beta_ref[...]
    h2_ref[0] = h[:, :DH]
    h2_ref[1] = h[:, DH:]
    oh = (gid_ref[...] == lax.broadcasted_iota(jnp.int32, (1, G), 1)
          ).astype(jnp.float32)
    part = lax.dot_general(oh, h, (((0,), (0,)), ((), ())),
                           preferred_element_type=jnp.float32)

    @pl.when(i == 0)
    def _():
        gf_ref[...] = part

    @pl.when(i > 0)
    def _():
        gf_ref[...] += part


def _bn_pool_call(u, st, gamma, beta, gid2d):
    return pl.pallas_call(
        _bn_pool_body,
        grid=(NB,),
        in_specs=[
            pl.BlockSpec((BN, D), lambda i: (i, 0)),
            pl.BlockSpec((2, D), lambda i: (0, 0)),
            pl.BlockSpec((1, D), lambda i: (0, 0)),
            pl.BlockSpec((1, D), lambda i: (0, 0)),
            pl.BlockSpec((BN, 1), lambda i: (i, 0)),
        ],
        out_specs=[
            pl.BlockSpec((2, BN, DH), lambda i: (0, i, 0)),
            pl.BlockSpec((G, D), lambda i: (0, 0)),
        ],
        out_shape=[
            jax.ShapeDtypeStruct((2, N, DH), jnp.float32),
            jax.ShapeDtypeStruct((G, D), jnp.float32),
        ],
    )(u, st, gamma.reshape(1, D), beta.reshape(1, D), gid2d)


def _final_body(g0_ref, g1_ref, g2_ref, w_ref, b_ref, out_ref):
    dn = (((1,), (1,)), ((), ()))
    acc = lax.dot_general(g0_ref[...], w_ref[:, 0:D], dn,
                          preferred_element_type=jnp.float32)
    acc += lax.dot_general(g1_ref[...], w_ref[:, D:2 * D], dn,
                           preferred_element_type=jnp.float32)
    acc += lax.dot_general(g2_ref[...], w_ref[:, 2 * D:3 * D], dn,
                           preferred_element_type=jnp.float32)
    out_ref[...] = acc + b_ref[...]


def _final_call(g0, g1, g2, lin_W, lin_b):
    return pl.pallas_call(
        _final_body,
        out_shape=jax.ShapeDtypeStruct((G, NB_CLASSES), jnp.float32),
    )(g0, g1, g2, lin_W, lin_b.reshape(1, NB_CLASSES))


@jax.jit
def kernel(pkt_length, edge_index, node_graph_id, emb_table, W0, b0, W1, b1,
           W2, b2, bn_gamma, bn_beta, eps_gin, lin_W, lin_b):
    idx = (pkt_length + MTU).astype(jnp.int32)
    idx_pad = jnp.zeros((N_CHUNKS * CHUNK,), jnp.int32).at[:N].set(idx)
    idx2d = idx_pad.reshape(N_CHUNKS, CHUNK)
    npad = E_PAD - E
    src_pad = jnp.zeros((npad,), jnp.int32)
    dst_pad = N + (jnp.arange(npad, dtype=jnp.int32) % (AGG_ROWS - N))
    src2d = jnp.concatenate([edge_index[0].astype(jnp.int32), src_pad]
                            ).reshape(E_CHUNKS, CHUNK)
    dst2d = jnp.concatenate([edge_index[1].astype(jnp.int32), dst_pad]
                            ).reshape(E_CHUNKS, CHUNK)
    emb2 = emb_table.reshape(VOCAB, 2, DH).transpose(1, 0, 2)
    gid2d = node_graph_id.astype(jnp.int32).reshape(N, 1)
    zeros = jnp.zeros((ROWS_PER_TILE, DH), jnp.float32)

    h2 = _embed_call(emb2, idx2d)
    gfs = []
    for it in range(ITERS):
        agg2 = _edge_call_f32(h2, src2d, dst2d, zeros)
        u, st = _mlp_call(h2, agg2, W0, b0, W1, b1, W2, b2, eps_gin)
        h2, gf = _bn_pool_call(u, st, bn_gamma, bn_beta, gid2d)
        gfs.append(gf)
    return _final_call(gfs[0], gfs[1], gfs[2], lin_W, lin_b)

# --- scband reference (transcript-rebuilt; emitter-appended) ---
"""Pipeline reference for scband-dapp-classifier-87643102642497 (READ-ONLY COPY).

The authoritative reference and input builder live on the scoring server;
editing this copy changes nothing except your own understanding.
"""

import jax, jax.numpy as jnp
import numpy as np

N = 50000
E = 800000
D = 64
G = 256
VOCAB = 3100
MTU = 1500
NB_CLASSES = 53
ITER = 3


def setup_inputs(seed: int = 0) -> dict:
    key = jax.random.key(seed)
    ks = jax.random.split(key, 16)
    pkt_length = jax.random.randint(ks[0], (N,), 0, 1500)
    edge_index = jax.random.randint(ks[1], (2, E), 0, N)
    node_graph_id = jnp.sort(jax.random.randint(ks[2], (N,), 0, G))
    emb_table = jax.random.normal(ks[3], (VOCAB, D), dtype=jnp.float32) * 0.05
    W0 = jax.random.normal(ks[4], (D, D), dtype=jnp.float32) * 0.05
    b0 = jnp.zeros((D,), dtype=jnp.float32)
    W1 = jax.random.normal(ks[5], (D, D), dtype=jnp.float32) * 0.05
    b1 = jnp.zeros((D,), dtype=jnp.float32)
    W2 = jax.random.normal(ks[6], (D, D), dtype=jnp.float32) * 0.05
    b2 = jnp.zeros((D,), dtype=jnp.float32)
    bn_gamma = jnp.ones((D,), dtype=jnp.float32)
    bn_beta = jnp.zeros((D,), dtype=jnp.float32)
    eps_gin = jnp.zeros((), dtype=jnp.float32)
    lin_W = jax.random.normal(ks[7], (NB_CLASSES, ITER * D), dtype=jnp.float32) * 0.05
    lin_b = jnp.zeros((NB_CLASSES,), dtype=jnp.float32)
    return {
        "pkt_length": pkt_length,
        "edge_index": edge_index,
        "node_graph_id": node_graph_id,
        "emb_table": emb_table,
        "W0": W0, "b0": b0,
        "W1": W1, "b1": b1,
        "W2": W2, "b2": b2,
        "bn_gamma": bn_gamma, "bn_beta": bn_beta,
        "eps_gin": eps_gin,
        "lin_W": lin_W, "lin_b": lin_b,
    }


def _mlp_bn(z, W0, b0, W1, b1, W2, b2, bn_gamma, bn_beta):
    z = jax.nn.relu(z @ W0.T + b0)
    z = jax.nn.relu(z @ W1.T + b1)
    z = jax.nn.relu(z @ W2.T + b2)
    mean = jnp.mean(z, axis=0)
    var = jnp.var(z, axis=0)
    z = (z - mean) / jnp.sqrt(var + 1e-5) * bn_gamma + bn_beta
    return z


def reference(pkt_length, edge_index, node_graph_id, emb_table, W0, b0, W1, b1, W2, b2, bn_gamma, bn_beta, eps_gin, lin_W, lin_b):
    # Embedding lookup: pkt_length shifted by MTU
    idx = pkt_length + MTU  # in [1500, 2999) < 3100
    h = jnp.take(emb_table, idx, axis=0)
    src = edge_index[0]
    dst = edge_index[1]
    graph_feats = []
    for _ in range(ITER):
        # GINConv (sum aggregator, learn_eps): (1+eps)*x + sum_{j in N(i)} x_j
        msgs = jnp.take(h, src, axis=0)
        agg = jax.ops.segment_sum(msgs, dst, num_segments=N)
        z = (1.0 + eps_gin) * h + agg
        h = _mlp_bn(z, W0, b0, W1, b1, W2, b2, bn_gamma, bn_beta)
        # dgl.sum_nodes: per-graph sum pooling
        gf = jax.ops.segment_sum(h, node_graph_id, num_segments=G)
        graph_feats.append(gf)
    graph_features = jnp.concatenate(graph_feats, axis=-1)
    power = graph_features @ lin_W.T + lin_b
    return power

if __name__ == "__main__":
    import jax
    _d = setup_inputs()
    print(jax.jit(kernel)(*tuple(_d.values())))

</pallas_src>

<mosaic_0001>
#map = affine_map<(d0, d1) -> (0, 0, 0)>
#map1 = affine_map<(d0, d1) -> (0, 0)>
module attributes {stable_mosaic.version = 14 : i64} {
  func.func @body(%arg0: i32, %arg1: i32, %arg2: memref<2x50000x32xf32, #tpu.memory_space<hbm>>, %arg3: memref<6400x128xi32, #tpu.memory_space<hbm>>, %arg4: memref<6400x128xi32, #tpu.memory_space<hbm>>, %arg5: memref<3126x32xf32, #tpu.memory_space<hbm>>, %arg6: memref<2x50000x32xf32, #tpu.memory_space<hbm>>, %arg7: memref<50016x32xf32, #tpu.memory_space<vmem_shared>>, %arg8: memref<3x8x128xi32, #tpu.memory_space<vmem>>, %arg9: memref<3x8x128xi32, #tpu.memory_space<vmem>>, %arg10: memref<6x128x32xf32, #tpu.memory_space<vmem>>, %arg11: memref<!tpu.dma_semaphore, #tpu.memory_space<semaphore_mem>>, %arg12: memref<!tpu.dma_semaphore, #tpu.memory_space<semaphore_mem>>, %arg13: memref<!tpu.dma_semaphore, #tpu.memory_space<semaphore_mem>>, %arg14: memref<!tpu.dma_semaphore, #tpu.memory_space<semaphore_mem>>, %arg15: memref<!tpu.dma_semaphore, #tpu.memory_space<semaphore_mem>>, %arg16: memref<!tpu.dma_semaphore, #tpu.memory_space<semaphore_mem>>, %arg17: memref<!tpu.dma_semaphore, #tpu.memory_space<semaphore_mem>>, %arg18: memref<!tpu.dma_semaphore, #tpu.memory_space<semaphore_mem>>, %arg19: memref<!tpu.dma_semaphore, #tpu.memory_space<semaphore_mem>>, %arg20: memref<!tpu.dma_semaphore, #tpu.memory_space<semaphore_mem>>, %arg21: memref<!tpu.dma_semaphore, #tpu.memory_space<semaphore_mem>>, %arg22: memref<!tpu.dma_semaphore, #tpu.memory_space<semaphore_mem>>, %arg23: memref<!tpu.dma_semaphore, #tpu.memory_space<semaphore_mem>>) attributes {dimension_semantics = [#tpu.dimension_semantics<core_parallel>, #tpu.dimension_semantics<subcore_parallel>], iteration_bounds = array<i64: 2, 16>, scalar_prefetch = 0 : i64, scratch_operands = 17 : i64, tpu.core_type = #tpu.core_type<sc_vector_subcore>, window_params = [{transform_indices = #map}, {transform_indices = #map1}, {transform_indices = #map1}, {transform_indices = #map1}, {transform_indices = #map}]} {
    %mul3A = arith.constant 400 : i32
    %mul3A_0 = arith.muli %arg1, %mul3A : i32
    %mul3A_1 = arith.constant 3126 : i32
    %mul3A_2 = arith.muli %arg1, %mul3A_1 : i32
    "tpu.region"() ({
      %run_scoped3A = tpu.sem_alloc : memref<!tpu.dma_semaphore, #tpu.memory_space<semaphore_mem>>
      %dma_start3A_116 = arith.constant 0 : i32
      %dma_start3A_117 = tpu.memref_slice %arg7[%mul3A_2, %dma_start3A_116] : memref<50016x32xf32, #tpu.memory_space<vmem_shared>> -> memref<3126x32xf32, #tpu.memory_space<vmem_shared>>
      tpu.enqueue_dma source(%arg5 : memref<3126x32xf32, #tpu.memory_space<hbm>>) target(%dma_start3A_117 : memref<3126x32xf32, #tpu.memory_space<vmem_shared>>) target_semaphore(%run_scoped3A : memref<!tpu.dma_semaphore, #tpu.memory_space<semaphore_mem>>)
      %dma_wait3A_118 = arith.constant 0 : i32
      %dma_wait3A_119 = tpu.memref_slice %arg7[%mul3A_2, %dma_wait3A_118] : memref<50016x32xf32, #tpu.memory_space<vmem_shared>> -> memref<3126x32xf32, #tpu.memory_space<vmem_shared>>
      tpu.wait_dma2 semaphore(%run_scoped3A : memref<!tpu.dma_semaphore, #tpu.memory_space<semaphore_mem>>) src(%arg5 : memref<3126x32xf32, #tpu.memory_space<hbm>>) dst(%dma_wait3A_119 : memref<3126x32xf32, #tpu.memory_space<vmem_shared>>)
      tpu.yield
    }) : () -> ()
    %barrier3A = arith.constant 0 : index
    tpu.barrier barrier_id(%barrier3A)
    %dma_start3A = arith.constant 0 : i32
    %dma_start3A_3 = arith.constant 0 : i32
    %dma_start3A_4 = arith.constant 0 : i32
    %dma_start3A_5 = tpu.memref_slice %arg8[%dma_start3A, %dma_start3A_3, %dma_start3A_4] : memref<3x8x128xi32, #tpu.memory_space<vmem>> -> memref<1x8x128xi32, #tpu.memory_space<vmem>>
    %dma_start3A_6 = tpu.memref_squeeze %dma_start3A_5 : memref<1x8x128xi32, #tpu.memory_space<vmem>> -> memref<8x128xi32, #tpu.memory_space<vmem>>
    %dma_start3A_7 = arith.constant 0 : i32
    %dma_start3A_8 = tpu.memref_slice %arg3[%mul3A_0, %dma_start3A_7] : memref<6400x128xi32, #tpu.memory_space<hbm>> -> memref<8x128xi32, #tpu.memory_space<hbm>>
    %dma_start3A_9 = arith.constant 0 : i32
    %dma_start3A_10 = arith.constant 0 : i32
    %dma_start3A_11 = tpu.memref_slice %arg8[%dma_start3A, %dma_start3A_9, %dma_start3A_10] : memref<3x8x128xi32, #tpu.memory_space<vmem>> -> memref<1x8x128xi32, #tpu.memory_space<vmem>>
    %dma_start3A_12 = tpu.memref_squeeze %dma_start3A_11 : memref<1x8x128xi32, #tpu.memory_space<vmem>> -> memref<8x128xi32, #tpu.memory_space<vmem>>
    %dma_start3A_13 = arith.constant 0 : i32
    %dma_start3A_14 = tpu.memref_slice %arg3[%mul3A_0, %dma_start3A_13] : memref<6400x128xi32, #tpu.memory_space<hbm>> -> memref<8x128xi32, #tpu.memory_space<hbm>>
    tpu.enqueue_dma source(%dma_start3A_14 : memref<8x128xi32, #tpu.memory_space<hbm>>) target(%dma_start3A_12 : memref<8x128xi32, #tpu.memory_space<vmem>>) target_semaphore(%arg11 : memref<!tpu.dma_semaphore, #tpu.memory_space<semaphore_mem>>)
    %dma_start3A_15 = arith.constant 0 : i32
    %dma_start3A_16 = arith.constant 0 : i32
    %dma_start3A_17 = arith.constant 0 : i32
    %dma_start3A_18 = tpu.memref_slice %arg9[%dma_start3A_15, %dma_start3A_16, %dma_start3A_17] : memref<3x8x128xi32, #tpu.memory_space<vmem>> -> memref<1x8x128xi32, #tpu.memory_space<vmem>>
    %dma_start3A_19 = tpu.memref_squeeze %dma_start3A_18 : memref<1x8x128xi32, #tpu.memory_space<vmem>> -> memref<8x128xi32, #tpu.memory_space<vmem>>
    %dma_start3A_20 = arith.constant 0 : i32
    %dma_start3A_21 = tpu.memref_slice %arg4[%mul3A_0, %dma_start3A_20] : memref<6400x128xi32, #tpu.memory_space<hbm>> -> memref<8x128xi32, #tpu.memory_space<hbm>>
    %dma_start3A_22 = arith.constant 0 : i32
    %dma_start3A_23 = arith.constant 0 : i32
    %dma_start3A_24 = tpu.memref_slice %arg9[%dma_start3A_15, %dma_start3A_22, %dma_start3A_23] : memref<3x8x128xi32, #tpu.memory_space<vmem>> -> memref<1x8x128xi32, #tpu.memory_space<vmem>>
    %dma_start3A_25 = tpu.memref_squeeze %dma_start3A_24 : memref<1x8x128xi32, #tpu.memory_space<vmem>> -> memref<8x128xi32, #tpu.memory_space<vmem>>
    %dma_start3A_26 = arith.constant 0 : i32
    %dma_start3A_27 = tpu.memref_slice %arg4[%mul3A_0, %dma_start3A_26] : memref<6400x128xi32, #tpu.memory_space<hbm>> -> memref<8x128xi32, #tpu.memory_space<hbm>>
    tpu.enqueue_dma source(%dma_start3A_27 : memref<8x128xi32, #tpu.memory_space<hbm>>) target(%dma_start3A_25 : memref<8x128xi32, #tpu.memory_space<vmem>>) target_semaphore(%arg11 : memref<!tpu.dma_semaphore, #tpu.memory_space<semaphore_mem>>)
    %scan3A = arith.constant 0 : i32
    %scan3A_28 = arith.constant 0 : i32
    %scan3A_29 = arith.constant 50 : i32
    %scan3A_30 = arith.addi %scan3A_28, %scan3A_29 : i32
    %scan3A_31 = arith.constant 1 : i32
    %scan3A_32 = scf.for %scan3A_116 = %scan3A_28 to %scan3A_30 step %scan3A_31 iter_args(%scan3A_117 = %scan3A) -> (i32)  : i32 {
      %rem3A = arith.constant 3 : i32
      %rem3A_118 = arith.remsi %scan3A_116, %rem3A : i32
      %mul3A_119 = arith.constant 8 : i32
      %mul3A_120 = arith.muli %scan3A_116, %mul3A_119 : i32
      %add3A = arith.addi %mul3A_0, %mul3A_120 : i32
      %dma_wait3A_121 = arith.constant 0 : i32
      %dma_wait3A_122 = arith.constant 0 : i32
      %dma_wait3A_123 = tpu.memref_slice %arg8[%rem3A_118, %dma_wait3A_121, %dma_wait3A_122] : memref<3x8x128xi32, #tpu.memory_space<vmem>> -> memref<1x8x128xi32, #tpu.memory_space<vmem>>
      %dma_wait3A_124 = tpu.memref_squeeze %dma_wait3A_123 : memref<1x8x128xi32, #tpu.memory_space<vmem>> -> memref<8x128xi32, #tpu.memory_space<vmem>>
      %dma_wait3A_125 = arith.constant 0 : i32
      %dma_wait3A_126 = tpu.memref_slice %arg3[%add3A, %dma_wait3A_125] : memref<6400x128xi32, #tpu.memory_space<hbm>> -> memref<8x128xi32, #tpu.memory_space<hbm>>
      %dma_wait3A_127 = arith.constant 0 : i32
      %dma_wait3A_128 = arith.constant 0 : i32
      %dma_wait3A_129 = tpu.memref_slice %arg8[%rem3A_118, %dma_wait3A_127, %dma_wait3A_128] : memref<3x8x128xi32, #tpu.memory_space<vmem>> -> memref<1x8x128xi32, #tpu.memory_space<vmem>>
      %dma_wait3A_130 = tpu.memref_squeeze %dma_wait3A_129 : memref<1x8x128xi32, #tpu.memory_space<vmem>> -> memref<8x128xi32, #tpu.memory_space<vmem>>
      %dma_wait3A_131 = arith.constant 0 : i32
      %dma_wait3A_132 = tpu.memref_slice %arg3[%add3A, %dma_wait3A_131] : memref<6400x128xi32, #tpu.memory_space<hbm>> -> memref<8x128xi32, #tpu.memory_space<hbm>>
      tpu.wait_dma2 semaphore(%arg11 : memref<!tpu.dma_semaphore, #tpu.memory_space<semaphore_mem>>) src(%dma_wait3A_132 : memref<8x128xi32, #tpu.memory_space<hbm>>) dst(%dma_wait3A_130 : memref<8x128xi32, #tpu.memory_space<vmem>>)
      %dma_wait3A_133 = arith.constant 0 : i32
      %dma_wait3A_134 = arith.constant 0 : i32
      %dma_wait3A_135 = tpu.memref_slice %arg9[%rem3A_118, %dma_wait3A_133, %dma_wait3A_134] : memref<3x8x128xi32, #tpu.memory_space<vmem>> -> memref<1x8x128xi32, #tpu.memory_space<vmem>>
      %dma_wait3A_136 = tpu.memref_squeeze %dma_wait3A_135 : memref<1x8x128xi32, #tpu.memory_space<vmem>> -> memref<8x128xi32, #tpu.memory_space<vmem>>
      %dma_wait3A_137 = arith.constant 0 : i32
      %dma_wait3A_138 = tpu.memref_slice %arg4[%add3A, %dma_wait3A_137] : memref<6400x128xi32, #tpu.memory_space<hbm>> -> memref<8x128xi32, #tpu.memory_space<hbm>>
      %dma_wait3A_139 = arith.constant 0 : i32
      %dma_wait3A_140 = arith.constant 0 : i32
      %dma_wait3A_141 = tpu.memref_slice %arg9[%rem3A_118, %dma_wait3A_139, %dma_wait3A_140] : memref<3x8x128xi32, #tpu.memory_space<vmem>> -> memref<1x8x128xi32, #tpu.memory_space<vmem>>
      %dma_wait3A_142 = tpu.memref_squeeze %dma_wait3A_141 : memref<1x8x128xi32, #tpu.memory_space<vmem>> -> memref<8x128xi32, #tpu.memory_space<vmem>>
      %dma_wait3A_143 = arith.constant 0 : i32
      %dma_wait3A_144 = tpu.memref_slice %arg4[%add3A, %dma_wait3A_143] : memref<6400x128xi32, #tpu.memory_space<hbm>> -> memref<8x128xi32, #tpu.memory_space<hbm>>
      tpu.wait_dma2 semaphore(%arg11 : memref<!tpu.dma_semaphore, #tpu.memory_space<semaphore_mem>>) src(%dma_wait3A_144 : memref<8x128xi32, #tpu.memory_space<hbm>>) dst(%dma_wait3A_142 : memref<8x128xi32, #tpu.memory_space<vmem>>)
      %add3A_145 = arith.constant 1 : i32
      %add3A_146 = arith.addi %scan3A_116, %add3A_145 : i32
      %lt3A = arith.constant 50 : i32
      %lt3A_147 = arith.cmpi slt, %add3A_146, %lt3A : i32
      %convert_element_type3A = arith.extui %lt3A_147 : i1 to i32
      %cond3A = arith.constant 0 : i32
      %cond3A_148 = arith.cmpi ne, %convert_element_type3A, %cond3A : i32
      scf.if %cond3A_148 {
        %add3A_555 = arith.constant 1 : i32
        %add3A_556 = arith.addi %scan3A_116, %add3A_555 : i32
        %rem3A_557 = arith.constant 3 : i32
        %rem3A_558 = arith.remsi %add3A_556, %rem3A_557 : i32
        %add3A_559 = arith.constant 8 : i32
        %add3A_560 = arith.addi %add3A, %add3A_559 : i32
        %dma_start3A_561 = arith.constant 0 : i32
        %dma_start3A_562 = arith.constant 0 : i32
        %dma_start3A_563 = tpu.memref_slice %arg8[%rem3A_558, %dma_start3A_561, %dma_start3A_562] : memref<3x8x128xi32, #tpu.memory_space<vmem>> -> memref<1x8x128xi32, #tpu.memory_space<vmem>>
        %dma_start3A_564 = tpu.memref_squeeze %dma_start3A_563 : memref<1x8x128xi32, #tpu.memory_space<vmem>> -> memref<8x128xi32, #tpu.memory_space<vmem>>
        %dma_start3A_565 = arith.constant 0 : i32
        %dma_start3A_566 = tpu.memref_slice %arg3[%add3A_560, %dma_start3A_565] : memref<6400x128xi32, #tpu.memory_space<hbm>> -> memref<8x128xi32, #tpu.memory_space<hbm>>
        %dma_start3A_567 = arith.constant 0 : i32
        %dma_start3A_568 = arith.constant 0 : i32
        %dma_start3A_569 = tpu.memref_slice %arg8[%rem3A_558, %dma_start3A_567, %dma_start3A_568] : memref<3x8x128xi32, #tpu.memory_space<vmem>> -> memref<1x8x128xi32, #tpu.memory_space<vmem>>
        %dma_start3A_570 = tpu.memref_squeeze %dma_start3A_569 : memref<1x8x128xi32, #tpu.memory_space<vmem>> -> memref<8x128xi32, #tpu.memory_space<vmem>>
        %dma_start3A_571 = arith.constant 0 : i32
        %dma_start3A_572 = tpu.memref_slice %arg3[%add3A_560, %dma_start3A_571] : memref<6400x128xi32, #tpu.memory_space<hbm>> -> memref<8x128xi32, #tpu.memory_space<hbm>>
        tpu.enqueue_dma source(%dma_start3A_572 : memref<8x128xi32, #tpu.memory_space<hbm>>) target(%dma_start3A_570 : memref<8x128xi32, #tpu.memory_space<vmem>>) target_semaphore(%arg11 : memref<!tpu.dma_semaphore, #tpu.memory_space<semaphore_mem>>)
        %dma_start3A_573 = arith.constant 0 : i32
        %dma_start3A_574 = arith.constant 0 : i32
        %dma_start3A_575 = tpu.memref_slice %arg9[%rem3A_558, %dma_start3A_573, %dma_start3A_574] : memref<3x8x128xi32, #tpu.memory_space<vmem>> -> memref<1x8x128xi32, #tpu.memory_space<vmem>>
        %dma_start3A_576 = tpu.memref_squeeze %dma_start3A_575 : memref<1x8x128xi32, #tpu.memory_space<vmem>> -> memref<8x128xi32, #tpu.memory_space<vmem>>
        %dma_start3A_577 = arith.constant 0 : i32
        %dma_start3A_578 = tpu.memref_slice %arg4[%add3A_560, %dma_start3A_577] : memref<6400x128xi32, #tpu.memory_space<hbm>> -> memref<8x128xi32, #tpu.memory_space<hbm>>
        %dma_start3A_579 = arith.constant 0 : i32
        %dma_start3A_580 = arith.constant 0 : i32
        %dma_start3A_581 = tpu.memref_slice %arg9[%rem3A_558, %dma_start3A_579, %dma_start3A_580] : memref<3x8x128xi32, #tpu.memory_space<vmem>> -> memref<1x8x128xi32, #tpu.memory_space<vmem>>
        %dma_start3A_582 = tpu.memref_squeeze %dma_start3A_581 : memref<1x8x128xi32, #tpu.memory_space<vmem>> -> memref<8x128xi32, #tpu.memory_space<vmem>>
        %dma_start3A_583 = arith.constant 0 : i32
        %dma_start3A_584 = tpu.memref_slice %arg4[%add3A_560, %dma_start3A_583] : memref<6400x128xi32, #tpu.memory_space<hbm>> -> memref<8x128xi32, #tpu.memory_space<hbm>>
        tpu.enqueue_dma source(%dma_start3A_584 : memref<8x128xi32, #tpu.memory_space<hbm>>) target(%dma_start3A_582 : memref<8x128xi32, #tpu.memory_space<vmem>>) target_semaphore(%arg11 : memref<!tpu.dma_semaphore, #tpu.memory_space<semaphore_mem>>)
      } else {
      }
      %gt3A = arith.constant 0 : i32
      %gt3A_149 = arith.cmpi sgt, %scan3A_116, %gt3A : i32
      %convert_element_type3A_150 = arith.extui %gt3A_149 : i1 to i32
      %cond3A_151 = arith.constant 0 : i32
      %cond3A_152 = arith.cmpi ne, %convert_element_type3A_150, %cond3A_151 : i32
      scf.if %cond3A_152 {
        %dma_wait3A_555 = arith.constant 0 : i32
        %dma_wait3A_556 = arith.constant 0 : i32
        %dma_wait3A_557 = arith.constant 0 : i32
        %dma_wait3A_558 = arith.constant 0 : i32
        %dma_wait3A_559 = tpu.memref_slice %arg10[%dma_wait3A_555, %dma_wait3A_557, %dma_wait3A_558] : memref<6x128x32xf32, #tpu.memory_space<vmem>> -> memref<1x128x32xf32, #tpu.memory_space<vmem>>
        %dma_wait3A_560 = tpu.memref_squeeze %dma_wait3A_559 : memref<1x128x32xf32, #tpu.memory_space<vmem>> -> memref<128x32xf32, #tpu.memory_space<vmem>>
        %dma_wait3A_561 = arith.constant 0 : i32
        %dma_wait3A_562 = tpu.memref_slice %arg9[%rem3A_118, %dma_wait3A_556, %dma_wait3A_561] : memref<3x8x128xi32, #tpu.memory_space<vmem>> -> memref<1x1x128xi32, #tpu.memory_space<vmem>>
        %dma_wait3A_563 = tpu.memref_squeeze %dma_wait3A_562 : memref<1x1x128xi32, #tpu.memory_space<vmem>> -> memref<128xi32, #tpu.memory_space<vmem>>
        %dma_wait3A_564 = arith.constant 0 : i32
        %dma_wait3A_565 = arith.constant 0 : i32
        %dma_wait3A_566 = tpu.memref_slice %arg7[%dma_wait3A_564, %dma_wait3A_565] : memref<50016x32xf32, #tpu.memory_space<vmem_shared>> -> memref<50016x32xf32, #tpu.memory_space<vmem_shared>>
        tpu.wait_indirect_dma semaphore(%arg18 : memref<!tpu.dma_semaphore, #tpu.memory_space<semaphore_mem>>) src(%dma_wait3A_560 : memref<128x32xf32, #tpu.memory_space<vmem>>) dst(%dma_wait3A_566 : memref<50016x32xf32, #tpu.memory_space<vmem_shared>>)
      } else {
      }
      %dma_start3A_153 = arith.constant 0 : i32
      %dma_start3A_154 = arith.constant 0 : i32
      %dma_start3A_155 = arith.constant 0 : i32
      %dma_start3A_156 = arith.constant 0 : i32
      %dma_start3A_157 = tpu.memref_slice %arg10[%dma_start3A_154, %dma_start3A_155, %dma_start3A_156] : memref<6x128x32xf32, #tpu.memory_space<vmem>> -> memref<1x128x32xf32, #tpu.memory_space<vmem>>
      %dma_start3A_158 = tpu.memref_squeeze %dma_start3A_157 : memref<1x128x32xf32, #tpu.memory_space<vmem>> -> memref<128x32xf32, #tpu.memory_space<vmem>>
      %dma_start3A_159 = arith.constant 0 : i32
      %dma_start3A_160 = tpu.memref_slice %arg8[%rem3A_118, %dma_start3A_153, %dma_start3A_159] : memref<3x8x128xi32, #tpu.memory_space<vmem>> -> memref<1x1x128xi32, #tpu.memory_space<vmem>>
      %dma_start3A_161 = tpu.memref_squeeze %dma_start3A_160 : memref<1x1x128xi32, #tpu.memory_space<vmem>> -> memref<128xi32, #tpu.memory_space<vmem>>
      %dma_start3A_162 = arith.constant 0 : i32
      %dma_start3A_163 = arith.constant 0 : i32
      %dma_start3A_164 = tpu.memref_slice %arg2[%arg0, %dma_start3A_162, %dma_start3A_163] : memref<2x50000x32xf32, #tpu.memory_space<hbm>> -> memref<1x50000x32xf32, #tpu.memory_space<hbm>>
      %dma_start3A_165 = tpu.memref_squeeze %dma_start3A_164 : memref<1x50000x32xf32, #tpu.memory_space<hbm>> -> memref<50000x32xf32, #tpu.memory_space<hbm>>
      %dma_start3A_166 = arith.constant 0 : i32
      %dma_start3A_167 = arith.constant 0 : i32
      %dma_start3A_168 = tpu.memref_slice %dma_start3A_165[%dma_start3A_166, %dma_start3A_167] : memref<50000x32xf32, #tpu.memory_space<hbm>> -> memref<50000x32xf32, #tpu.memory_space<hbm>>
      tpu.enqueue_indirect_dma source(%dma_start3A_168 : memref<50000x32xf32, #tpu.memory_space<hbm>>) target(%dma_start3A_158 : memref<128x32xf32, #tpu.memory_space<vmem>>) offsets(%dma_start3A_161 : memref<128xi32, #tpu.memory_space<vmem>>) semaphore(%arg12 : memref<!tpu.dma_semaphore, #tpu.memory_space<semaphore_mem>>)
      %gt3A_169 = arith.constant 0 : i32
      %gt3A_170 = arith.cmpi sgt, %scan3A_116, %gt3A_169 : i32
      %convert_element_type3A_171 = arith.extui %gt3A_170 : i1 to i32
      %cond3A_172 = arith.constant 0 : i32
      %cond3A_173 = arith.cmpi ne, %convert_element_type3A_171, %cond3A_172 : i32
      scf.if %cond3A_173 {
        %dma_wait3A_555 = arith.constant 1 : i32
        %dma_wait3A_556 = arith.constant 1 : i32
        %dma_wait3A_557 = arith.constant 0 : i32
        %dma_wait3A_558 = arith.constant 0 : i32
        %dma_wait3A_559 = tpu.memref_slice %arg10[%dma_wait3A_555, %dma_wait3A_557, %dma_wait3A_558] : memref<6x128x32xf32, #tpu.memory_space<vmem>> -> memref<1x128x32xf32, #tpu.memory_space<vmem>>
        %dma_wait3A_560 = tpu.memref_squeeze %dma_wait3A_559 : memref<1x128x32xf32, #tpu.memory_space<vmem>> -> memref<128x32xf32, #tpu.memory_space<vmem>>
        %dma_wait3A_561 = arith.constant 0 : i32
        %dma_wait3A_562 = tpu.memref_slice %arg9[%rem3A_118, %dma_wait3A_556, %dma_wait3A_561] : memref<3x8x128xi32, #tpu.memory_space<vmem>> -> memref<1x1x128xi32, #tpu.memory_space<vmem>>
        %dma_wait3A_563 = tpu.memref_squeeze %dma_wait3A_562 : memref<1x1x128xi32, #tpu.memory_space<vmem>> -> memref<128xi32, #tpu.memory_space<vmem>>
        %dma_wait3A_564 = arith.constant 0 : i32
        %dma_wait3A_565 = arith.constant 0 : i32
        %dma_wait3A_566 = tpu.memref_slice %arg7[%dma_wait3A_564, %dma_wait3A_565] : memref<50016x32xf32, #tpu.memory_space<vmem_shared>> -> memref<50016x32xf32, #tpu.memory_space<vmem_shared>>
        tpu.wait_indirect_dma semaphore(%arg19 : memref<!tpu.dma_semaphore, #tpu.memory_space<semaphore_mem>>) src(%dma_wait3A_560 : memref<128x32xf32, #tpu.memory_space<vmem>>) dst(%dma_wait3A_566 : memref<50016x32xf32, #tpu.memory_space<vmem_shared>>)
      } else {
      }
      %dma_start3A_174 = arith.constant 1 : i32
      %dma_start3A_175 = arith.constant 1 : i32
      %dma_start3A_176 = arith.constant 0 : i32
      %dma_start3A_177 = arith.constant 0 : i32
      %dma_start3A_178 = tpu.memref_slice %arg10[%dma_start3A_175, %dma_start3A_176, %dma_start3A_177] : memref<6x128x32xf32, #tpu.memory_space<vmem>> -> memref<1x128x32xf32, #tpu.memory_space<vmem>>
      %dma_start3A_179 = tpu.memref_squeeze %dma_start3A_178 : memref<1x128x32xf32, #tpu.memory_space<vmem>> -> memref<128x32xf32, #tpu.memory_space<vmem>>
      %dma_start3A_180 = arith.constant 0 : i32
      %dma_start3A_181 = tpu.memref_slice %arg8[%rem3A_118, %dma_start3A_174, %dma_start3A_180] : memref<3x8x128xi32, #tpu.memory_space<vmem>> -> memref<1x1x128xi32, #tpu.memory_space<vmem>>
      %dma_start3A_182 = tpu.memref_squeeze %dma_start3A_181 : memref<1x1x128xi32, #tpu.memory_space<vmem>> -> memref<128xi32, #tpu.memory_space<vmem>>
      %dma_start3A_183 = arith.constant 0 : i32
      %dma_start3A_184 = arith.constant 0 : i32
      %dma_start3A_185 = tpu.memref_slice %arg2[%arg0, %dma_start3A_183, %dma_start3A_184] : memref<2x50000x32xf32, #tpu.memory_space<hbm>> -> memref<1x50000x32xf32, #tpu.memory_space<hbm>>
      %dma_start3A_186 = tpu.memref_squeeze %dma_start3A_185 : memref<1x50000x32xf32, #tpu.memory_space<hbm>> -> memref<50000x32xf32, #tpu.memory_space<hbm>>
      %dma_start3A_187 = arith.constant 0 : i32
      %dma_start3A_188 = arith.constant 0 : i32
      %dma_start3A_189 = tpu.memref_slice %dma_start3A_186[%dma_start3A_187, %dma_start3A_188] : memref<50000x32xf32, #tpu.memory_space<hbm>> -> memref<50000x32xf32, #tpu.memory_space<hbm>>
      tpu.enqueue_indirect_dma source(%dma_start3A_189 : memref<50000x32xf32, #tpu.memory_space<hbm>>) target(%dma_start3A_179 : memref<128x32xf32, #tpu.memory_space<vmem>>) offsets(%dma_start3A_182 : memref<128xi32, #tpu.memory_space<vmem>>) semaphore(%arg13 : memref<!tpu.dma_semaphore, #tpu.memory_space<semaphore_mem>>)
      %gt3A_190 = arith.constant 0 : i32
      %gt3A_191 = arith.cmpi sgt, %scan3A_116, %gt3A_190 : i32
      %convert_element_type3A_192 = arith.extui %gt3A_191 : i1 to i32
      %cond3A_193 = arith.constant 0 : i32
      %cond3A_194 = arith.cmpi ne, %convert_element_type3A_192, %cond3A_193 : i32
      scf.if %cond3A_194 {
        %dma_wait3A_555 = arith.constant 2 : i32
        %dma_wait3A_556 = arith.constant 2 : i32
        %dma_wait3A_557 = arith.constant 0 : i32
        %dma_wait3A_558 = arith.constant 0 : i32
        %dma_wait3A_559 = tpu.memref_slice %arg10[%dma_wait3A_555, %dma_wait3A_557, %dma_wait3A_558] : memref<6x128x32xf32, #tpu.memory_space<vmem>> -> memref<1x128x32xf32, #tpu.memory_space<vmem>>
        %dma_wait3A_560 = tpu.memref_squeeze %dma_wait3A_559 : memref<1x128x32xf32, #tpu.memory_space<vmem>> -> memref<128x32xf32, #tpu.memory_space<vmem>>
        %dma_wait3A_561 = arith.constant 0 : i32
        %dma_wait3A_562 = tpu.memref_slice %arg9[%rem3A_118, %dma_wait3A_556, %dma_wait3A_561] : memref<3x8x128xi32, #tpu.memory_space<vmem>> -> memref<1x1x128xi32, #tpu.memory_space<vmem>>
        %dma_wait3A_563 = tpu.memref_squeeze %dma_wait3A_562 : memref<1x1x128xi32, #tpu.memory_space<vmem>> -> memref<128xi32, #tpu.memory_space<vmem>>
        %dma_wait3A_564 = arith.constant 0 : i32
        %dma_wait3A_565 = arith.constant 0 : i32
        %dma_wait3A_566 = tpu.memref_slice %arg7[%dma_wait3A_564, %dma_wait3A_565] : memref<50016x32xf32, #tpu.memory_space<vmem_shared>> -> memref<50016x32xf32, #tpu.memory_space<vmem_shared>>
        tpu.wait_indirect_dma semaphore(%arg20 : memref<!tpu.dma_semaphore, #tpu.memory_space<semaphore_mem>>) src(%dma_wait3A_560 : memref<128x32xf32, #tpu.memory_space<vmem>>) dst(%dma_wait3A_566 : memref<50016x32xf32, #tpu.memory_space<vmem_shared>>)
      } else {
      }
      %dma_start3A_195 = arith.constant 2 : i32
      %dma_start3A_196 = arith.constant 2 : i32
      %dma_start3A_197 = arith.constant 0 : i32
      %dma_start3A_198 = arith.constant 0 : i32
      %dma_start3A_199 = tpu.memref_slice %arg10[%dma_start3A_196, %dma_start3A_197, %dma_start3A_198] : memref<6x128x32xf32, #tpu.memory_space<vmem>> -> memref<1x128x32xf32, #tpu.memory_space<vmem>>
      %dma_start3A_200 = tpu.memref_squeeze %dma_start3A_199 : memref<1x128x32xf32, #tpu.memory_space<vmem>> -> memref<128x32xf32, #tpu.memory_space<vmem>>
      %dma_start3A_201 = arith.constant 0 : i32
      %dma_start3A_202 = tpu.memref_slice %arg8[%rem3A_118, %dma_start3A_195, %dma_start3A_201] : memref<3x8x128xi32, #tpu.memory_space<vmem>> -> memref<1x1x128xi32, #tpu.memory_space<vmem>>
      %dma_start3A_203 = tpu.memref_squeeze %dma_start3A_202 : memref<1x1x128xi32, #tpu.memory_space<vmem>> -> memref<128xi32, #tpu.memory_space<vmem>>
      %dma_start3A_204 = arith.constant 0 : i32
      %dma_start3A_205 = arith.constant 0 : i32
      %dma_start3A_206 = tpu.memref_slice %arg2[%arg0, %dma_start3A_204, %dma_start3A_205] : memref<2x50000x32xf32, #tpu.memory_space<hbm>> -> memref<1x50000x32xf32, #tpu.memory_space<hbm>>
      %dma_start3A_207 = tpu.memref_squeeze %dma_start3A_206 : memref<1x50000x32xf32, #tpu.memory_space<hbm>> -> memref<50000x32xf32, #tpu.memory_space<hbm>>
      %dma_start3A_208 = arith.constant 0 : i32
      %dma_start3A_209 = arith.constant 0 : i32
      %dma_start3A_210 = tpu.memref_slice %dma_start3A_207[%dma_start3A_208, %dma_start3A_209] : memref<50000x32xf32, #tpu.memory_space<hbm>> -> memref<50000x32xf32, #tpu.memory_space<hbm>>
      tpu.enqueue_indirect_dma source(%dma_start3A_210 : memref<50000x32xf32, #tpu.memory_space<hbm>>) target(%dma_start3A_200 : memref<128x32xf32, #tpu.memory_space<vmem>>) offsets(%dma_start3A_203 : memref<128xi32, #tpu.memory_space<vmem>>) semaphore(%arg14 : memref<!tpu.dma_semaphore, #tpu.memory_space<semaphore_mem>>)
      %gt3A_211 = arith.constant 0 : i32
      %gt3A_212 = arith.cmpi sgt, %scan3A_116, %gt3A_211 : i32
      %convert_element_type3A_213 = arith.extui %gt3A_212 : i1 to i32
      %cond3A_214 = arith.constant 0 : i32
      %cond3A_215 = arith.cmpi ne, %convert_element_type3A_213, %cond3A_214 : i32
      scf.if %cond3A_215 {
        %dma_wait3A_555 = arith.constant 3 : i32
        %dma_wait3A_556 = arith.constant 3 : i32
        %dma_wait3A_557 = arith.constant 0 : i32
        %dma_wait3A_558 = arith.constant 0 : i32
        %dma_wait3A_559 = tpu.memref_slice %arg10[%dma_wait3A_555, %dma_wait3A_557, %dma_wait3A_558] : memref<6x128x32xf32, #tpu.memory_space<vmem>> -> memref<1x128x32xf32, #tpu.memory_space<vmem>>
        %dma_wait3A_560 = tpu.memref_squeeze %dma_wait3A_559 : memref<1x128x32xf32, #tpu.memory_space<vmem>> -> memref<128x32xf32, #tpu.memory_space<vmem>>
        %dma_wait3A_561 = arith.constant 0 : i32
        %dma_wait3A_562 = tpu.memref_slice %arg9[%rem3A_118, %dma_wait3A_556, %dma_wait3A_561] : memref<3x8x128xi32, #tpu.memory_space<vmem>> -> memref<1x1x128xi32, #tpu.memory_space<vmem>>
        %dma_wait3A_563 = tpu.memref_squeeze %dma_wait3A_562 : memref<1x1x128xi32, #tpu.memory_space<vmem>> -> memref<128xi32, #tpu.memory_space<vmem>>
        %dma_wait3A_564 = arith.constant 0 : i32
        %dma_wait3A_565 = arith.constant 0 : i32
        %dma_wait3A_566 = tpu.memref_slice %arg7[%dma_wait3A_564, %dma_wait3A_565] : memref<50016x32xf32, #tpu.memory_space<vmem_shared>> -> memref<50016x32xf32, #tpu.memory_space<vmem_shared>>
        tpu.wait_indirect_dma semaphore(%arg21 : memref<!tpu.dma_semaphore, #tpu.memory_space<semaphore_mem>>) src(%dma_wait3A_560 : memref<128x32xf32, #tpu.memory_space<vmem>>) dst(%dma_wait3A_566 : memref<50016x32xf32, #tpu.memory_space<vmem_shared>>)
      } else {
      }
      %dma_start3A_216 = arith.constant 3 : i32
      %dma_start3A_217 = arith.constant 3 : i32
      %dma_start3A_218 = arith.constant 0 : i32
      %dma_start3A_219 = arith.constant 0 : i32
      %dma_start3A_220 = tpu.memref_slice %arg10[%dma_start3A_217, %dma_start3A_218, %dma_start3A_219] : memref<6x128x32xf32, #tpu.memory_space<vmem>> -> memref<1x128x32xf32, #tpu.memory_space<vmem>>
      %dma_start3A_221 = tpu.memref_squeeze %dma_start3A_220 : memref<1x128x32xf32, #tpu.memory_space<vmem>> -> memref<128x32xf32, #tpu.memory_space<vmem>>
      %dma_start3A_222 = arith.constant 0 : i32
      %dma_start3A_223 = tpu.memref_slice %arg8[%rem3A_118, %dma_start3A_216, %dma_start3A_222] : memref<3x8x128xi32, #tpu.memory_space<vmem>> -> memref<1x1x128xi32, #tpu.memory_space<vmem>>
      %dma_start3A_224 = tpu.memref_squeeze %dma_start3A_223 : memref<1x1x128xi32, #tpu.memory_space<vmem>> -> memref<128xi32, #tpu.memory_space<vmem>>
      %dma_start3A_225 = arith.constant 0 : i32
      %dma_start3A_226 = arith.constant 0 : i32
      %dma_start3A_227 = tpu.memref_slice %arg2[%arg0, %dma_start3A_225, %dma_start3A_226] : memref<2x50000x32xf32, #tpu.memory_space<hbm>> -> memref<1x50000x32xf32, #tpu.memory_space<hbm>>
      %dma_start3A_228 = tpu.memref_squeeze %dma_start3A_227 : memref<1x50000x32xf32, #tpu.memory_space<hbm>> -> memref<50000x32xf32, #tpu.memory_space<hbm>>
      %dma_start3A_229 = arith.constant 0 : i32
      %dma_start3A_230 = arith.constant 0 : i32
      %dma_start3A_231 = tpu.memref_slice %dma_start3A_228[%dma_start3A_229, %dma_start3A_230] : memref<50000x32xf32, #tpu.memory_space<hbm>> -> memref<50000x32xf32, #tpu.memory_space<hbm>>
      tpu.enqueue_indirect_dma source(%dma_start3A_231 : memref<50000x32xf32, #tpu.memory_space<hbm>>) target(%dma_start3A_221 : memref<128x32xf32, #tpu.memory_space<vmem>>) offsets(%dma_start3A_224 : memref<128xi32, #tpu.memory_space<vmem>>) semaphore(%arg15 : memref<!tpu.dma_semaphore, #tpu.memory_space<semaphore_mem>>)
      %dma_wait3A_232 = arith.constant 0 : i32
      %dma_wait3A_233 = arith.constant 0 : i32
      %dma_wait3A_234 = arith.constant 0 : i32
      %dma_wait3A_235 = arith.constant 0 : i32
      %dma_wait3A_236 = tpu.memref_slice %arg10[%dma_wait3A_233, %dma_wait3A_234, %dma_wait3A_235] : memref<6x128x32xf32, #tpu.memory_space<vmem>> -> memref<1x128x32xf32, #tpu.memory_space<vmem>>
      %dma_wait3A_237 = tpu.memref_squeeze %dma_wait3A_236 : memref<1x128x32xf32, #tpu.memory_space<vmem>> -> memref<128x32xf32, #tpu.memory_space<vmem>>
      %dma_wait3A_238 = arith.constant 0 : i32
      %dma_wait3A_239 = tpu.memref_slice %arg8[%rem3A_118, %dma_wait3A_232, %dma_wait3A_238] : memref<3x8x128xi32, #tpu.memory_space<vmem>> -> memref<1x1x128xi32, #tpu.memory_space<vmem>>
      %dma_wait3A_240 = tpu.memref_squeeze %dma_wait3A_239 : memref<1x1x128xi32, #tpu.memory_space<vmem>> -> memref<128xi32, #tpu.memory_space<vmem>>
      %dma_wait3A_241 = arith.constant 0 : i32
      %dma_wait3A_242 = arith.constant 0 : i32
      %dma_wait3A_243 = tpu.memref_slice %arg2[%arg0, %dma_wait3A_241, %dma_wait3A_242] : memref<2x50000x32xf32, #tpu.memory_space<hbm>> -> memref<1x50000x32xf32, #tpu.memory_space<hbm>>
      %dma_wait3A_244 = tpu.memref_squeeze %dma_wait3A_243 : memref<1x50000x32xf32, #tpu.memory_space<hbm>> -> memref<50000x32xf32, #tpu.memory_space<hbm>>
      %dma_wait3A_245 = arith.constant 0 : i32
      %dma_wait3A_246 = arith.constant 0 : i32
      %dma_wait3A_247 = tpu.memref_slice %dma_wait3A_244[%dma_wait3A_245, %dma_wait3A_246] : memref<50000x32xf32, #tpu.memory_space<hbm>> -> memref<50000x32xf32, #tpu.memory_space<hbm>>
      tpu.wait_indirect_dma semaphore(%arg12 : memref<!tpu.dma_semaphore, #tpu.memory_space<semaphore_mem>>) src(%dma_wait3A_247 : memref<50000x32xf32, #tpu.memory_space<hbm>>) dst(%dma_wait3A_237 : memref<128x32xf32, #tpu.memory_space<vmem>>)
      %dma_start3A_248 = arith.constant 0 : i32
      %dma_start3A_249 = arith.constant 0 : i32
      %dma_start3A_250 = arith.constant 0 : i32
      %dma_start3A_251 = arith.constant 0 : i32
      %dma_start3A_252 = tpu.memref_slice %arg10[%dma_start3A_248, %dma_start3A_250, %dma_start3A_251] : memref<6x128x32xf32, #tpu.memory_space<vmem>> -> memref<1x128x32xf32, #tpu.memory_space<vmem>>
      %dma_start3A_253 = tpu.memref_squeeze %dma_start3A_252 : memref<1x128x32xf32, #tpu.memory_space<vmem>> -> memref<128x32xf32, #tpu.memory_space<vmem>>
      %dma_start3A_254 = arith.constant 0 : i32
      %dma_start3A_255 = tpu.memref_slice %arg9[%rem3A_118, %dma_start3A_249, %dma_start3A_254] : memref<3x8x128xi32, #tpu.memory_space<vmem>> -> memref<1x1x128xi32, #tpu.memory_space<vmem>>
      %dma_start3A_256 = tpu.memref_squeeze %dma_start3A_255 : memref<1x1x128xi32, #tpu.memory_space<vmem>> -> memref<128xi32, #tpu.memory_space<vmem>>
      %dma_start3A_257 = arith.constant 0 : i32
      %dma_start3A_258 = arith.constant 0 : i32
      %dma_start3A_259 = tpu.memref_slice %arg7[%dma_start3A_257, %dma_start3A_258] : memref<50016x32xf32, #tpu.memory_space<vmem_shared>> -> memref<50016x32xf32, #tpu.memory_space<vmem_shared>>
      tpu.enqueue_indirect_dma source(%dma_start3A_253 : memref<128x32xf32, #tpu.memory_space<vmem>>) target(%dma_start3A_259 : memref<50016x32xf32, #tpu.memory_space<vmem_shared>>) offsets(%dma_start3A_256 : memref<128xi32, #tpu.memory_space<vmem>>) semaphore(%arg18 : memref<!tpu.dma_semaphore, #tpu.memory_space<semaphore_mem>>) {add = true}
      %gt3A_260 = arith.constant 0 : i32
      %gt3A_261 = arith.cmpi sgt, %scan3A_116, %gt3A_260 : i32
      %convert_element_type3A_262 = arith.extui %gt3A_261 : i1 to i32
      %cond3A_263 = arith.constant 0 : i32
      %cond3A_264 = arith.cmpi ne, %convert_element_type3A_262, %cond3A_263 : i32
      scf.if %cond3A_264 {
        %dma_wait3A_555 = arith.constant 4 : i32
        %dma_wait3A_556 = arith.constant 4 : i32
        %dma_wait3A_557 = arith.constant 0 : i32
        %dma_wait3A_558 = arith.constant 0 : i32
        %dma_wait3A_559 = tpu.memref_slice %arg10[%dma_wait3A_555, %dma_wait3A_557, %dma_wait3A_558] : memref<6x128x32xf32, #tpu.memory_space<vmem>> -> memref<1x128x32xf32, #tpu.memory_space<vmem>>
        %dma_wait3A_560 = tpu.memref_squeeze %dma_wait3A_559 : memref<1x128x32xf32, #tpu.memory_space<vmem>> -> memref<128x32xf32, #tpu.memory_space<vmem>>
        %dma_wait3A_561 = arith.constant 0 : i32
        %dma_wait3A_562 = tpu.memref_slice %arg9[%rem3A_118, %dma_wait3A_556, %dma_wait3A_561] : memref<3x8x128xi32, #tpu.memory_space<vmem>> -> memref<1x1x128xi32, #tpu.memory_space<vmem>>
        %dma_wait3A_563 = tpu.memref_squeeze %dma_wait3A_562 : memref<1x1x128xi32, #tpu.memory_space<vmem>> -> memref<128xi32, #tpu.memory_space<vmem>>
        %dma_wait3A_564 = arith.constant 0 : i32
        %dma_wait3A_565 = arith.constant 0 : i32
        %dma_wait3A_566 = tpu.memref_slice %arg7[%dma_wait3A_564, %dma_wait3A_565] : memref<50016x32xf32, #tpu.memory_space<vmem_shared>> -> memref<50016x32xf32, #tpu.memory_space<vmem_shared>>
        tpu.wait_indirect_dma semaphore(%arg22 : memref<!tpu.dma_semaphore, #tpu.memory_space<semaphore_mem>>) src(%dma_wait3A_560 : memref<128x32xf32, #tpu.memory_space<vmem>>) dst(%dma_wait3A_566 : memref<50016x32xf32, #tpu.memory_space<vmem_shared>>)
      } else {
      }
      %dma_start3A_265 = arith.constant 4 : i32
      %dma_start3A_266 = arith.constant 4 : i32
      %dma_start3A_267 = arith.constant 0 : i32
      %dma_start3A_268 = arith.constant 0 : i32
      %dma_start3A_269 = tpu.memref_slice %arg10[%dma_start3A_266, %dma_start3A_267, %dma_start3A_268] : memref<6x128x32xf32, #tpu.memory_space<vmem>> -> memref<1x128x32xf32, #tpu.memory_space<vmem>>
      %dma_start3A_270 = tpu.memref_squeeze %dma_start3A_269 : memref<1x128x32xf32, #tpu.memory_space<vmem>> -> memref<128x32xf32, #tpu.memory_space<vmem>>
      %dma_start3A_271 = arith.constant 0 : i32
      %dma_start3A_272 = tpu.memref_slice %arg8[%rem3A_118, %dma_start3A_265, %dma_start3A_271] : memref<3x8x128xi32, #tpu.memory_space<vmem>> -> memref<1x1x128xi32, #tpu.memory_space<vmem>>
      %dma_start3A_273 = tpu.memref_squeeze %dma_start3A_272 : memref<1x1x128xi32, #tpu.memory_space<vmem>> -> memref<128xi32, #tpu.memory_space<vmem>>
      %dma_start3A_274 = arith.constant 0 : i32
      %dma_start3A_275 = arith.constant 0 : i32
      %dma_start3A_276 = tpu.memref_slice %arg2[%arg0, %dma_start3A_274, %dma_start3A_275] : memref<2x50000x32xf32, #tpu.memory_space<hbm>> -> memref<1x50000x32xf32, #tpu.memory_space<hbm>>
      %dma_start3A_277 = tpu.memref_squeeze %dma_start3A_276 : memref<1x50000x32xf32, #tpu.memory_space<hbm>> -> memref<50000x32xf32, #tpu.memory_space<hbm>>
      %dma_start3A_278 = arith.constant 0 : i32
      %dma_start3A_279 = arith.constant 0 : i32
      %dma_start3A_280 = tpu.memref_slice %dma_start3A_277[%dma_start3A_278, %dma_start3A_279] : memref<50000x32xf32, #tpu.memory_space<hbm>> -> memref<50000x32xf32, #tpu.memory_space<hbm>>
      tpu.enqueue_indirect_dma source(%dma_start3A_280 : memref<50000x32xf32, #tpu.memory_space<hbm>>) target(%dma_start3A_270 : memref<128x32xf32, #tpu.memory_space<vmem>>) offsets(%dma_start3A_273 : memref<128xi32, #tpu.memory_space<vmem>>) semaphore(%arg16 : memref<!tpu.dma_semaphore, #tpu.memory_space<semaphore_mem>>)
      %dma_wait3A_281 = arith.constant 1 : i32
      %dma_wait3A_282 = arith.constant 1 : i32
      %dma_wait3A_283 = arith.constant 0 : i32
      %dma_wait3A_284 = arith.constant 0 : i32
      %dma_wait3A_285 = tpu.memref_slice %arg10[%dma_wait3A_282, %dma_wait3A_283, %dma_wait3A_284] : memref<6x128x32xf32, #tpu.memory_space<vmem>> -> memref<1x128x32xf32, #tpu.memory_space<vmem>>
      %dma_wait3A_286 = tpu.memref_squeeze %dma_wait3A_285 : memref<1x128x32xf32, #tpu.memory_space<vmem>> -> memref<128x32xf32, #tpu.memory_space<vmem>>
      %dma_wait3A_287 = arith.constant 0 : i32
      %dma_wait3A_288 = tpu.memref_slice %arg8[%rem3A_118, %dma_wait3A_281, %dma_wait3A_287] : memref<3x8x128xi32, #tpu.memory_space<vmem>> -> memref<1x1x128xi32, #tpu.memory_space<vmem>>
      %dma_wait3A_289 = tpu.memref_squeeze %dma_wait3A_288 : memref<1x1x128xi32, #tpu.memory_space<vmem>> -> memref<128xi32, #tpu.memory_space<vmem>>
      %dma_wait3A_290 = arith.constant 0 : i32
      %dma_wait3A_291 = arith.constant 0 : i32
      %dma_wait3A_292 = tpu.memref_slice %arg2[%arg0, %dma_wait3A_290, %dma_wait3A_291] : memref<2x50000x32xf32, #tpu.memory_space<hbm>> -> memref<1x50000x32xf32, #tpu.memory_space<hbm>>
      %dma_wait3A_293 = tpu.memref_squeeze %dma_wait3A_292 : memref<1x50000x32xf32, #tpu.memory_space<hbm>> -> memref<50000x32xf32, #tpu.memory_space<hbm>>
      %dma_wait3A_294 = arith.constant 0 : i32
      %dma_wait3A_295 = arith.constant 0 : i32
      %dma_wait3A_296 = tpu.memref_slice %dma_wait3A_293[%dma_wait3A_294, %dma_wait3A_295] : memref<50000x32xf32, #tpu.memory_space<hbm>> -> memref<50000x32xf32, #tpu.memory_space<hbm>>
      tpu.wait_indirect_dma semaphore(%arg13 : memref<!tpu.dma_semaphore, #tpu.memory_space<semaphore_mem>>) src(%dma_wait3A_296 : memref<50000x32xf32, #tpu.memory_space<hbm>>) dst(%dma_wait3A_286 : memref<128x32xf32, #tpu.memory_space<vmem>>)
      %dma_start3A_297 = arith.constant 1 : i32
      %dma_start3A_298 = arith.constant 1 : i32
      %dma_start3A_299 = arith.constant 0 : i32
      %dma_start3A_300 = arith.constant 0 : i32
      %dma_start3A_301 = tpu.memref_slice %arg10[%dma_start3A_297, %dma_start3A_299, %dma_start3A_300] : memref<6x128x32xf32, #tpu.memory_space<vmem>> -> memref<1x128x32xf32, #tpu.memory_space<vmem>>
      %dma_start3A_302 = tpu.memref_squeeze %dma_start3A_301 : memref<1x128x32xf32, #tpu.memory_space<vmem>> -> memref<128x32xf32, #tpu.memory_space<vmem>>
      %dma_start3A_303 = arith.constant 0 : i32
      %dma_start3A_304 = tpu.memref_slice %arg9[%rem3A_118, %dma_start3A_298, %dma_start3A_303] : memref<3x8x128xi32, #tpu.memory_space<vmem>> -> memref<1x1x128xi32, #tpu.memory_space<vmem>>
      %dma_start3A_305 = tpu.memref_squeeze %dma_start3A_304 : memref<1x1x128xi32, #tpu.memory_space<vmem>> -> memref<128xi32, #tpu.memory_space<vmem>>
      %dma_start3A_306 = arith.constant 0 : i32
      %dma_start3A_307 = arith.constant 0 : i32
      %dma_start3A_308 = tpu.memref_slice %arg7[%dma_start3A_306, %dma_start3A_307] : memref<50016x32xf32, #tpu.memory_space<vmem_shared>> -> memref<50016x32xf32, #tpu.memory_space<vmem_shared>>
      tpu.enqueue_indirect_dma source(%dma_start3A_302 : memref<128x32xf32, #tpu.memory_space<vmem>>) target(%dma_start3A_308 : memref<50016x32xf32, #tpu.memory_space<vmem_shared>>) offsets(%dma_start3A_305 : memref<128xi32, #tpu.memory_space<vmem>>) semaphore(%arg19 : memref<!tpu.dma_semaphore, #tpu.memory_space<semaphore_mem>>) {add = true}
      %gt3A_309 = arith.constant 0 : i32
      %gt3A_310 = arith.cmpi sgt, %scan3A_116, %gt3A_309 : i32
      %convert_element_type3A_311 = arith.extui %gt3A_310 : i1 to i32
      %cond3A_312 = arith.constant 0 : i32
      %cond3A_313 = arith.cmpi ne, %convert_element_type3A_311, %cond3A_312 : i32
      scf.if %cond3A_313 {
        %dma_wait3A_555 = arith.constant 5 : i32
        %dma_wait3A_556 = arith.constant 5 : i32
        %dma_wait3A_557 = arith.constant 0 : i32
        %dma_wait3A_558 = arith.constant 0 : i32
        %dma_wait3A_559 = tpu.memref_slice %arg10[%dma_wait3A_555, %dma_wait3A_557, %dma_wait3A_558] : memref<6x128x32xf32, #tpu.memory_space<vmem>> -> memref<1x128x32xf32, #tpu.memory_space<vmem>>
        %dma_wait3A_560 = tpu.memref_squeeze %dma_wait3A_559 : memref<1x128x32xf32, #tpu.memory_space<vmem>> -> memref<128x32xf32, #tpu.memory_space<vmem>>
        %dma_wait3A_561 = arith.constant 0 : i32
        %dma_wait3A_562 = tpu.memref_slice %arg9[%rem3A_118, %dma_wait3A_556, %dma_wait3A_561] : memref<3x8x128xi32, #tpu.memory_space<vmem>> -> memref<1x1x128xi32, #tpu.memory_space<vmem>>
        %dma_wait3A_563 = tpu.memref_squeeze %dma_wait3A_562 : memref<1x1x128xi32, #tpu.memory_space<vmem>> -> memref<128xi32, #tpu.memory_space<vmem>>
        %dma_wait3A_564 = arith.constant 0 : i32
        %dma_wait3A_565 = arith.constant 0 : i32
        %dma_wait3A_566 = tpu.memref_slice %arg7[%dma_wait3A_564, %dma_wait3A_565] : memref<50016x32xf32, #tpu.memory_space<vmem_shared>> -> memref<50016x32xf32, #tpu.memory_space<vmem_shared>>
        tpu.wait_indirect_dma semaphore(%arg23 : memref<!tpu.dma_semaphore, #tpu.memory_space<semaphore_mem>>) src(%dma_wait3A_560 : memref<128x32xf32, #tpu.memory_space<vmem>>) dst(%dma_wait3A_566 : memref<50016x32xf32, #tpu.memory_space<vmem_shared>>)
      } else {
      }
      %dma_start3A_314 = arith.constant 5 : i32
      %dma_start3A_315 = arith.constant 5 : i32
      %dma_start3A_316 = arith.constant 0 : i32
      %dma_start3A_317 = arith.constant 0 : i32
      %dma_start3A_318 = tpu.memref_slice %arg10[%dma_start3A_315, %dma_start3A_316, %dma_start3A_317] : memref<6x128x32xf32, #tpu.memory_space<vmem>> -> memref<1x128x32xf32, #tpu.memory_space<vmem>>
      %dma_start3A_319 = tpu.memref_squeeze %dma_start3A_318 : memref<1x128x32xf32, #tpu.memory_space<vmem>> -> memref<128x32xf32, #tpu.memory_space<vmem>>
      %dma_start3A_320 = arith.constant 0 : i32
      %dma_start3A_321 = tpu.memref_slice %arg8[%rem3A_118, %dma_start3A_314, %dma_start3A_320] : memref<3x8x128xi32, #tpu.memory_space<vmem>> -> memref<1x1x128xi32, #tpu.memory_space<vmem>>
      %dma_start3A_322 = tpu.memref_squeeze %dma_start3A_321 : memref<1x1x128xi32, #tpu.memory_space<vmem>> -> memref<128xi32, #tpu.memory_space<vmem>>
      %dma_start3A_323 = arith.constant 0 : i32
      %dma_start3A_324 = arith.constant 0 : i32
      %dma_start3A_325 = tpu.memref_slice %arg2[%arg0, %dma_start3A_323, %dma_start3A_324] : memref<2x50000x32xf32, #tpu.memory_space<hbm>> -> memref<1x50000x32xf32, #tpu.memory_space<hbm>>
      %dma_start3A_326 = tpu.memref_squeeze %dma_start3A_325 : memref<1x50000x32xf32, #tpu.memory_space<hbm>> -> memref<50000x32xf32, #tpu.memory_space<hbm>>
      %dma_start3A_327 = arith.constant 0 : i32
      %dma_start3A_328 = arith.constant 0 : i32
      %dma_start3A_329 = tpu.memref_slice %dma_start3A_326[%dma_start3A_327, %dma_start3A_328] : memref<50000x32xf32, #tpu.memory_space<hbm>> -> memref<50000x32xf32, #tpu.memory_space<hbm>>
      tpu.enqueue_indirect_dma source(%dma_start3A_329 : memref<50000x32xf32, #tpu.memory_space<hbm>>) target(%dma_start3A_319 : memref<128x32xf32, #tpu.memory_space<vmem>>) offsets(%dma_start3A_322 : memref<128xi32, #tpu.memory_space<vmem>>) semaphore(%arg17 : memref<!tpu.dma_semaphore, #tpu.memory_space<semaphore_mem>>)
      %dma_wait3A_330 = arith.constant 2 : i32
      %dma_wait3A_331 = arith.constant 2 : i32
      %dma_wait3A_332 = arith.constant 0 : i32
      %dma_wait3A_333 = arith.constant 0 : i32
      %dma_wait3A_334 = tpu.memref_slice %arg10[%dma_wait3A_331, %dma_wait3A_332, %dma_wait3A_333] : memref<6x128x32xf32, #tpu.memory_space<vmem>> -> memref<1x128x32xf32, #tpu.memory_space<vmem>>
      %dma_wait3A_335 = tpu.memref_squeeze %dma_wait3A_334 : memref<1x128x32xf32, #tpu.memory_space<vmem>> -> memref<128x32xf32, #tpu.memory_space<vmem>>
      %dma_wait3A_336 = arith.constant 0 : i32
      %dma_wait3A_337 = tpu.memref_slice %arg8[%rem3A_118, %dma_wait3A_330, %dma_wait3A_336] : memref<3x8x128xi32, #tpu.memory_space<vmem>> -> memref<1x1x128xi32, #tpu.memory_space<vmem>>
      %dma_wait3A_338 = tpu.memref_squeeze %dma_wait3A_337 : memref<1x1x128xi32, #tpu.memory_space<vmem>> -> memref<128xi32, #tpu.memory_space<vmem>>
      %dma_wait3A_339 = arith.constant 0 : i32
      %dma_wait3A_340 = arith.constant 0 : i32
      %dma_wait3A_341 = tpu.memref_slice %arg2[%arg0, %dma_wait3A_339, %dma_wait3A_340] : memref<2x50000x32xf32, #tpu.memory_space<hbm>> -> memref<1x50000x32xf32, #tpu.memory_space<hbm>>
      %dma_wait3A_342 = tpu.memref_squeeze %dma_wait3A_341 : memref<1x50000x32xf32, #tpu.memory_space<hbm>> -> memref<50000x32xf32, #tpu.memory_space<hbm>>
      %dma_wait3A_343 = arith.constant 0 : i32
      %dma_wait3A_344 = arith.constant 0 : i32
      %dma_wait3A_345 = tpu.memref_slice %dma_wait3A_342[%dma_wait3A_343, %dma_wait3A_344] : memref<50000x32xf32, #tpu.memory_space<hbm>> -> memref<50000x32xf32, #tpu.memory_space<hbm>>
      tpu.wait_indirect_dma semaphore(%arg14 : memref<!tpu.dma_semaphore, #tpu.memory_space<semaphore_mem>>) src(%dma_wait3A_345 : memref<50000x32xf32, #tpu.memory_space<hbm>>) dst(%dma_wait3A_335 : memref<128x32xf32, #tpu.memory_space<vmem>>)
      %dma_start3A_346 = arith.constant 2 : i32
      %dma_start3A_347 = arith.constant 2 : i32
      %dma_start3A_348 = arith.constant 0 : i32
      %dma_start3A_349 = arith.constant 0 : i32
      %dma_start3A_350 = tpu.memref_slice %arg10[%dma_start3A_346, %dma_start3A_348, %dma_start3A_349] : memref<6x128x32xf32, #tpu.memory_space<vmem>> -> memref<1x128x32xf32, #tpu.memory_space<vmem>>
      %dma_start3A_351 = tpu.memref_squeeze %dma_start3A_350 : memref<1x128x32xf32, #tpu.memory_space<vmem>> -> memref<128x32xf32, #tpu.memory_space<vmem>>
      %dma_start3A_352 = arith.constant 0 : i32
      %dma_start3A_353 = tpu.memref_slice %arg9[%rem3A_118, %dma_start3A_347, %dma_start3A_352] : memref<3x8x128xi32, #tpu.memory_space<vmem>> -> memref<1x1x128xi32, #tpu.memory_space<vmem>>
      %dma_start3A_354 = tpu.memref_squeeze %dma_start3A_353 : memref<1x1x128xi32, #tpu.memory_space<vmem>> -> memref<128xi32, #tpu.memory_space<vmem>>
      %dma_start3A_355 = arith.constant 0 : i32
      %dma_start3A_356 = arith.constant 0 : i32
      %dma_start3A_357 = tpu.memref_slice %arg7[%dma_start3A_355, %dma_start3A_356] : memref<50016x32xf32, #tpu.memory_space<vmem_shared>> -> memref<50016x32xf32, #tpu.memory_space<vmem_shared>>
      tpu.enqueue_indirect_dma source(%dma_start3A_351 : memref<128x32xf32, #tpu.memory_space<vmem>>) target(%dma_start3A_357 : memref<50016x32xf32, #tpu.memory_space<vmem_shared>>) offsets(%dma_start3A_354 : memref<128xi32, #tpu.memory_space<vmem>>) semaphore(%arg20 : memref<!tpu.dma_semaphore, #tpu.memory_space<semaphore_mem>>) {add = true}
      %dma_wait3A_358 = arith.constant 0 : i32
      %dma_wait3A_359 = arith.constant 0 : i32
      %dma_wait3A_360 = arith.constant 0 : i32
      %dma_wait3A_361 = arith.constant 0 : i32
      %dma_wait3A_362 = tpu.memref_slice %arg10[%dma_wait3A_358, %dma_wait3A_360, %dma_wait3A_361] : memref<6x128x32xf32, #tpu.memory_space<vmem>> -> memref<1x128x32xf32, #tpu.memory_space<vmem>>
      %dma_wait3A_363 = tpu.memref_squeeze %dma_wait3A_362 : memref<1x128x32xf32, #tpu.memory_space<vmem>> -> memref<128x32xf32, #tpu.memory_space<vmem>>
      %dma_wait3A_364 = arith.constant 0 : i32
      %dma_wait3A_365 = tpu.memref_slice %arg9[%rem3A_118, %dma_wait3A_359, %dma_wait3A_364] : memref<3x8x128xi32, #tpu.memory_space<vmem>> -> memref<1x1x128xi32, #tpu.memory_space<vmem>>
      %dma_wait3A_366 = tpu.memref_squeeze %dma_wait3A_365 : memref<1x1x128xi32, #tpu.memory_space<vmem>> -> memref<128xi32, #tpu.memory_space<vmem>>
      %dma_wait3A_367 = arith.constant 0 : i32
      %dma_wait3A_368 = arith.constant 0 : i32
      %dma_wait3A_369 = tpu.memref_slice %arg7[%dma_wait3A_367, %dma_wait3A_368] : memref<50016x32xf32, #tpu.memory_space<vmem_shared>> -> memref<50016x32xf32, #tpu.memory_space<vmem_shared>>
      tpu.wait_indirect_dma semaphore(%arg18 : memref<!tpu.dma_semaphore, #tpu.memory_space<semaphore_mem>>) src(%dma_wait3A_363 : memref<128x32xf32, #tpu.memory_space<vmem>>) dst(%dma_wait3A_369 : memref<50016x32xf32, #tpu.memory_space<vmem_shared>>)
      %dma_start3A_370 = arith.constant 6 : i32
      %dma_start3A_371 = arith.constant 0 : i32
      %dma_start3A_372 = arith.constant 0 : i32
      %dma_start3A_373 = arith.constant 0 : i32
      %dma_start3A_374 = tpu.memref_slice %arg10[%dma_start3A_371, %dma_start3A_372, %dma_start3A_373] : memref<6x128x32xf32, #tpu.memory_space<vmem>> -> memref<1x128x32xf32, #tpu.memory_space<vmem>>
      %dma_start3A_375 = tpu.memref_squeeze %dma_start3A_374 : memref<1x128x32xf32, #tpu.memory_space<vmem>> -> memref<128x32xf32, #tpu.memory_space<vmem>>
      %dma_start3A_376 = arith.constant 0 : i32
      %dma_start3A_377 = tpu.memref_slice %arg8[%rem3A_118, %dma_start3A_370, %dma_start3A_376] : memref<3x8x128xi32, #tpu.memory_space<vmem>> -> memref<1x1x128xi32, #tpu.memory_space<vmem>>
      %dma_start3A_378 = tpu.memref_squeeze %dma_start3A_377 : memref<1x1x128xi32, #tpu.memory_space<vmem>> -> memref<128xi32, #tpu.memory_space<vmem>>
      %dma_start3A_379 = arith.constant 0 : i32
      %dma_start3A_380 = arith.constant 0 : i32
      %dma_start3A_381 = tpu.memref_slice %arg2[%arg0, %dma_start3A_379, %dma_start3A_380] : memref<2x50000x32xf32, #tpu.memory_space<hbm>> -> memref<1x50000x32xf32, #tpu.memory_space<hbm>>
      %dma_start3A_382 = tpu.memref_squeeze %dma_start3A_381 : memref<1x50000x32xf32, #tpu.memory_space<hbm>> -> memref<50000x32xf32, #tpu.memory_space<hbm>>
      %dma_start3A_383 = arith.constant 0 : i32
      %dma_start3A_384 = arith.constant 0 : i32
      %dma_start3A_385 = tpu.memref_slice %dma_start3A_382[%dma_start3A_383, %dma_start3A_384] : memref<50000x32xf32, #tpu.memory_space<hbm>> -> memref<50000x32xf32, #tpu.memory_space<hbm>>
      tpu.enqueue_indirect_dma source(%dma_start3A_385 : memref<50000x32xf32, #tpu.memory_space<hbm>>) target(%dma_start3A_375 : memref<128x32xf32, #tpu.memory_space<vmem>>) offsets(%dma_start3A_378 : memref<128xi32, #tpu.memory_space<vmem>>) semaphore(%arg12 : memref<!tpu.dma_semaphore, #tpu.memory_space<semaphore_mem>>)
      %dma_wait3A_386 = arith.constant 3 : i32
      %dma_wait3A_387 = arith.constant 3 : i32
      %dma_wait3A_388 = arith.constant 0 : i32
      %dma_wait3A_389 = arith.constant 0 : i32
      %dma_wait3A_390 = tpu.memref_slice %arg10[%dma_wait3A_387, %dma_wait3A_388, %dma_wait3A_389] : memref<6x128x32xf32, #tpu.memory_space<vmem>> -> memref<1x128x32xf32, #tpu.memory_space<vmem>>
      %dma_wait3A_391 = tpu.memref_squeeze %dma_wait3A_390 : memref<1x128x32xf32, #tpu.memory_space<vmem>> -> memref<128x32xf32, #tpu.memory_space<vmem>>
      %dma_wait3A_392 = arith.constant 0 : i32
      %dma_wait3A_393 = tpu.memref_slice %arg8[%rem3A_118, %dma_wait3A_386, %dma_wait3A_392] : memref<3x8x128xi32, #tpu.memory_space<vmem>> -> memref<1x1x128xi32, #tpu.memory_space<vmem>>
      %dma_wait3A_394 = tpu.memref_squeeze %dma_wait3A_393 : memref<1x1x128xi32, #tpu.memory_space<vmem>> -> memref<128xi32, #tpu.memory_space<vmem>>
      %dma_wait3A_395 = arith.constant 0 : i32
      %dma_wait3A_396 = arith.constant 0 : i32
      %dma_wait3A_397 = tpu.memref_slice %arg2[%arg0, %dma_wait3A_395, %dma_wait3A_396] : memref<2x50000x32xf32, #tpu.memory_space<hbm>> -> memref<1x50000x32xf32, #tpu.memory_space<hbm>>
      %dma_wait3A_398 = tpu.memref_squeeze %dma_wait3A_397 : memref<1x50000x32xf32, #tpu.memory_space<hbm>> -> memref<50000x32xf32, #tpu.memory_space<hbm>>
      %dma_wait3A_399 = arith.constant 0 : i32
      %dma_wait3A_400 = arith.constant 0 : i32
      %dma_wait3A_401 = tpu.memref_slice %dma_wait3A_398[%dma_wait3A_399, %dma_wait3A_400] : memref<50000x32xf32, #tpu.memory_space<hbm>> -> memref<50000x32xf32, #tpu.memory_space<hbm>>
      tpu.wait_indirect_dma semaphore(%arg15 : memref<!tpu.dma_semaphore, #tpu.memory_space<semaphore_mem>>) src(%dma_wait3A_401 : memref<50000x32xf32, #tpu.memory_space<hbm>>) dst(%dma_wait3A_391 : memref<128x32xf32, #tpu.memory_space<vmem>>)
      %dma_start3A_402 = arith.constant 3 : i32
      %dma_start3A_403 = arith.constant 3 : i32
      %dma_start3A_404 = arith.constant 0 : i32
      %dma_start3A_405 = arith.constant 0 : i32
      %dma_start3A_406 = tpu.memref_slice %arg10[%dma_start3A_402, %dma_start3A_404, %dma_start3A_405] : memref<6x128x32xf32, #tpu.memory_space<vmem>> -> memref<1x128x32xf32, #tpu.memory_space<vmem>>
      %dma_start3A_407 = tpu.memref_squeeze %dma_start3A_406 : memref<1x128x32xf32, #tpu.memory_space<vmem>> -> memref<128x32xf32, #tpu.memory_space<vmem>>
      %dma_start3A_408 = arith.constant 0 : i32
      %dma_start3A_409 = tpu.memref_slice %arg9[%rem3A_118, %dma_start3A_403, %dma_start3A_408] : memref<3x8x128xi32, #tpu.memory_space<vmem>> -> memref<1x1x128xi32, #tpu.memory_space<vmem>>
      %dma_start3A_410 = tpu.memref_squeeze %dma_start3A_409 : memref<1x1x128xi32, #tpu.memory_space<vmem>> -> memref<128xi32, #tpu.memory_space<vmem>>
      %dma_start3A_411 = arith.constant 0 : i32
      %dma_start3A_412 = arith.constant 0 : i32
      %dma_start3A_413 = tpu.memref_slice %arg7[%dma_start3A_411, %dma_start3A_412] : memref<50016x32xf32, #tpu.memory_space<vmem_shared>> -> memref<50016x32xf32, #tpu.memory_space<vmem_shared>>
      tpu.enqueue_indirect_dma source(%dma_start3A_407 : memref<128x32xf32, #tpu.memory_space<vmem>>) target(%dma_start3A_413 : memref<50016x32xf32, #tpu.memory_space<vmem_shared>>) offsets(%dma_start3A_410 : memref<128xi32, #tpu.memory_space<vmem>>) semaphore(%arg21 : memref<!tpu.dma_semaphore, #tpu.memory_space<semaphore_mem>>) {add = true}
      %dma_wait3A_414 = arith.constant 1 : i32
      %dma_wait3A_415 = arith.constant 1 : i32
      %dma_wait3A_416 = arith.constant 0 : i32
      %dma_wait3A_417 = arith.constant 0 : i32
      %dma_wait3A_418 = tpu.memref_slice %arg10[%dma_wait3A_414, %dma_wait3A_416, %dma_wait3A_417] : memref<6x128x32xf32, #tpu.memory_space<vmem>> -> memref<1x128x32xf32, #tpu.memory_space<vmem>>
      %dma_wait3A_419 = tpu.memref_squeeze %dma_wait3A_418 : memref<1x128x32xf32, #tpu.memory_space<vmem>> -> memref<128x32xf32, #tpu.memory_space<vmem>>
      %dma_wait3A_420 = arith.constant 0 : i32
      %dma_wait3A_421 = tpu.memref_slice %arg9[%rem3A_118, %dma_wait3A_415, %dma_wait3A_420] : memref<3x8x128xi32, #tpu.memory_space<vmem>> -> memref<1x1x128xi32, #tpu.memory_space<vmem>>
      %dma_wait3A_422 = tpu.memref_squeeze %dma_wait3A_421 : memref<1x1x128xi32, #tpu.memory_space<vmem>> -> memref<128xi32, #tpu.memory_space<vmem>>
      %dma_wait3A_423 = arith.constant 0 : i32
      %dma_wait3A_424 = arith.constant 0 : i32
      %dma_wait3A_425 = tpu.memref_slice %arg7[%dma_wait3A_423, %dma_wait3A_424] : memref<50016x32xf32, #tpu.memory_space<vmem_shared>> -> memref<50016x32xf32, #tpu.memory_space<vmem_shared>>
      tpu.wait_indirect_dma semaphore(%arg19 : memref<!tpu.dma_semaphore, #tpu.memory_space<semaphore_mem>>) src(%dma_wait3A_419 : memref<128x32xf32, #tpu.memory_space<vmem>>) dst(%dma_wait3A_425 : memref<50016x32xf32, #tpu.memory_space<vmem_shared>>)
      %dma_start3A_426 = arith.constant 7 : i32
      %dma_start3A_427 = arith.constant 1 : i32
      %dma_start3A_428 = arith.constant 0 : i32
      %dma_start3A_429 = arith.constant 0 : i32
      %dma_start3A_430 = tpu.memref_slice %arg10[%dma_start3A_427, %dma_start3A_428, %dma_start3A_429] : memref<6x128x32xf32, #tpu.memory_space<vmem>> -> memref<1x128x32xf32, #tpu.memory_space<vmem>>
      %dma_start3A_431 = tpu.memref_squeeze %dma_start3A_430 : memref<1x128x32xf32, #tpu.memory_space<vmem>> -> memref<128x32xf32, #tpu.memory_space<vmem>>
      %dma_start3A_432 = arith.constant 0 : i32
      %dma_start3A_433 = tpu.memref_slice %arg8[%rem3A_118, %dma_start3A_426, %dma_start3A_432] : memref<3x8x128xi32, #tpu.memory_space<vmem>> -> memref<1x1x128xi32, #tpu.memory_space<vmem>>
      %dma_start3A_434 = tpu.memref_squeeze %dma_start3A_433 : memref<1x1x128xi32, #tpu.memory_space<vmem>> -> memref<128xi32, #tpu.memory_space<vmem>>
      %dma_start3A_435 = arith.constant 0 : i32
      %dma_start3A_436 = arith.constant 0 : i32
      %dma_start3A_437 = tpu.memref_slice %arg2[%arg0, %dma_start3A_435, %dma_start3A_436] : memref<2x50000x32xf32, #tpu.memory_space<hbm>> -> memref<1x50000x32xf32, #tpu.memory_space<hbm>>
      %dma_start3A_438 = tpu.memref_squeeze %dma_start3A_437 : memref<1x50000x32xf32, #tpu.memory_space<hbm>> -> memref<50000x32xf32, #tpu.memory_space<hbm>>
      %dma_start3A_439 = arith.constant 0 : i32
      %dma_start3A_440 = arith.constant 0 : i32
      %dma_start3A_441 = tpu.memref_slice %dma_start3A_438[%dma_start3A_439, %dma_start3A_440] : memref<50000x32xf32, #tpu.memory_space<hbm>> -> memref<50000x32xf32, #tpu.memory_space<hbm>>
      tpu.enqueue_indirect_dma source(%dma_start3A_441 : memref<50000x32xf32, #tpu.memory_space<hbm>>) target(%dma_start3A_431 : memref<128x32xf32, #tpu.memory_space<vmem>>) offsets(%dma_start3A_434 : memref<128xi32, #tpu.memory_space<vmem>>) semaphore(%arg13 : memref<!tpu.dma_semaphore, #tpu.memory_space<semaphore_mem>>)
      %dma_wait3A_442 = arith.constant 4 : i32
      %dma_wait3A_443 = arith.constant 4 : i32
      %dma_wait3A_444 = arith.constant 0 : i32
      %dma_wait3A_445 = arith.constant 0 : i32
      %dma_wait3A_446 = tpu.memref_slice %arg10[%dma_wait3A_443, %dma_wait3A_444, %dma_wait3A_445] : memref<6x128x32xf32, #tpu.memory_space<vmem>> -> memref<1x128x32xf32, #tpu.memory_space<vmem>>
      %dma_wait3A_447 = tpu.memref_squeeze %dma_wait3A_446 : memref<1x128x32xf32, #tpu.memory_space<vmem>> -> memref<128x32xf32, #tpu.memory_space<vmem>>
      %dma_wait3A_448 = arith.constant 0 : i32
      %dma_wait3A_449 = tpu.memref_slice %arg8[%rem3A_118, %dma_wait3A_442, %dma_wait3A_448] : memref<3x8x128xi32, #tpu.memory_space<vmem>> -> memref<1x1x128xi32, #tpu.memory_space<vmem>>
      %dma_wait3A_450 = tpu.memref_squeeze %dma_wait3A_449 : memref<1x1x128xi32, #tpu.memory_space<vmem>> -> memref<128xi32, #tpu.memory_space<vmem>>
      %dma_wait3A_451 = arith.constant 0 : i32
      %dma_wait3A_452 = arith.constant 0 : i32
      %dma_wait3A_453 = tpu.memref_slice %arg2[%arg0, %dma_wait3A_451, %dma_wait3A_452] : memref<2x50000x32xf32, #tpu.memory_space<hbm>> -> memref<1x50000x32xf32, #tpu.memory_space<hbm>>
      %dma_wait3A_454 = tpu.memref_squeeze %dma_wait3A_453 : memref<1x50000x32xf32, #tpu.memory_space<hbm>> -> memref<50000x32xf32, #tpu.memory_space<hbm>>
      %dma_wait3A_455 = arith.constant 0 : i32
      %dma_wait3A_456 = arith.constant 0 : i32
      %dma_wait3A_457 = tpu.memref_slice %dma_wait3A_454[%dma_wait3A_455, %dma_wait3A_456] : memref<50000x32xf32, #tpu.memory_space<hbm>> -> memref<50000x32xf32, #tpu.memory_space<hbm>>
      tpu.wait_indirect_dma semaphore(%arg16 : memref<!tpu.dma_semaphore, #tpu.memory_space<semaphore_mem>>) src(%dma_wait3A_457 : memref<50000x32xf32, #tpu.memory_space<hbm>>) dst(%dma_wait3A_447 : memref<128x32xf32, #tpu.memory_space<vmem>>)
      %dma_start3A_458 = arith.constant 4 : i32
      %dma_start3A_459 = arith.constant 4 : i32
      %dma_start3A_460 = arith.constant 0 : i32
      %dma_start3A_461 = arith.constant 0 : i32
      %dma_start3A_462 = tpu.memref_slice %arg10[%dma_start3A_458, %dma_start3A_460, %dma_start3A_461] : memref<6x128x32xf32, #tpu.memory_space<vmem>> -> memref<1x128x32xf32, #tpu.memory_space<vmem>>
      %dma_start3A_463 = tpu.memref_squeeze %dma_start3A_462 : memref<1x128x32xf32, #tpu.memory_space<vmem>> -> memref<128x32xf32, #tpu.memory_space<vmem>>
      %dma_start3A_464 = arith.constant 0 : i32
      %dma_start3A_465 = tpu.memref_slice %arg9[%rem3A_118, %dma_start3A_459, %dma_start3A_464] : memref<3x8x128xi32, #tpu.memory_space<vmem>> -> memref<1x1x128xi32, #tpu.memory_space<vmem>>
      %dma_start3A_466 = tpu.memref_squeeze %dma_start3A_465 : memref<1x1x128xi32, #tpu.memory_space<vmem>> -> memref<128xi32, #tpu.memory_space<vmem>>
      %dma_start3A_467 = arith.constant 0 : i32
      %dma_start3A_468 = arith.constant 0 : i32
      %dma_start3A_469 = tpu.memref_slice %arg7[%dma_start3A_467, %dma_start3A_468] : memref<50016x32xf32, #tpu.memory_space<vmem_shared>> -> memref<50016x32xf32, #tpu.memory_space<vmem_shared>>
      tpu.enqueue_indirect_dma source(%dma_start3A_463 : memref<128x32xf32, #tpu.memory_space<vmem>>) target(%dma_start3A_469 : memref<50016x32xf32, #tpu.memory_space<vmem_shared>>) offsets(%dma_start3A_466 : memref<128xi32, #tpu.memory_space<vmem>>) semaphore(%arg22 : memref<!tpu.dma_semaphore, #tpu.memory_space<semaphore_mem>>) {add = true}
      %dma_wait3A_470 = arith.constant 5 : i32
      %dma_wait3A_471 = arith.constant 5 : i32
      %dma_wait3A_472 = arith.constant 0 : i32
      %dma_wait3A_473 = arith.constant 0 : i32
      %dma_wait3A_474 = tpu.memref_slice %arg10[%dma_wait3A_471, %dma_wait3A_472, %dma_wait3A_473] : memref<6x128x32xf32, #tpu.memory_space<vmem>> -> memref<1x128x32xf32, #tpu.memory_space<vmem>>
      %dma_wait3A_475 = tpu.memref_squeeze %dma_wait3A_474 : memref<1x128x32xf32, #tpu.memory_space<vmem>> -> memref<128x32xf32, #tpu.memory_space<vmem>>
      %dma_wait3A_476 = arith.constant 0 : i32
      %dma_wait3A_477 = tpu.memref_slice %arg8[%rem3A_118, %dma_wait3A_470, %dma_wait3A_476] : memref<3x8x128xi32, #tpu.memory_space<vmem>> -> memref<1x1x128xi32, #tpu.memory_space<vmem>>
      %dma_wait3A_478 = tpu.memref_squeeze %dma_wait3A_477 : memref<1x1x128xi32, #tpu.memory_space<vmem>> -> memref<128xi32, #tpu.memory_space<vmem>>
      %dma_wait3A_479 = arith.constant 0 : i32
      %dma_wait3A_480 = arith.constant 0 : i32
      %dma_wait3A_481 = tpu.memref_slice %arg2[%arg0, %dma_wait3A_479, %dma_wait3A_480] : memref<2x50000x32xf32, #tpu.memory_space<hbm>> -> memref<1x50000x32xf32, #tpu.memory_space<hbm>>
      %dma_wait3A_482 = tpu.memref_squeeze %dma_wait3A_481 : memref<1x50000x32xf32, #tpu.memory_space<hbm>> -> memref<50000x32xf32, #tpu.memory_space<hbm>>
      %dma_wait3A_483 = arith.constant 0 : i32
      %dma_wait3A_484 = arith.constant 0 : i32
      %dma_wait3A_485 = tpu.memref_slice %dma_wait3A_482[%dma_wait3A_483, %dma_wait3A_484] : memref<50000x32xf32, #tpu.memory_space<hbm>> -> memref<50000x32xf32, #tpu.memory_space<hbm>>
      tpu.wait_indirect_dma semaphore(%arg17 : memref<!tpu.dma_semaphore, #tpu.memory_space<semaphore_mem>>) src(%dma_wait3A_485 : memref<50000x32xf32, #tpu.memory_space<hbm>>) dst(%dma_wait3A_475 : memref<128x32xf32, #tpu.memory_space<vmem>>)
      %dma_start3A_486 = arith.constant 5 : i32
      %dma_start3A_487 = arith.constant 5 : i32
      %dma_start3A_488 = arith.constant 0 : i32
      %dma_start3A_489 = arith.constant 0 : i32
      %dma_start3A_490 = tpu.memref_slice %arg10[%dma_start3A_486, %dma_start3A_488, %dma_start3A_489] : memref<6x128x32xf32, #tpu.memory_space<vmem>> -> memref<1x128x32xf32, #tpu.memory_space<vmem>>
      %dma_start3A_491 = tpu.memref_squeeze %dma_start3A_490 : memref<1x128x32xf32, #tpu.memory_space<vmem>> -> memref<128x32xf32, #tpu.memory_space<vmem>>
      %dma_start3A_492 = arith.constant 0 : i32
      %dma_start3A_493 = tpu.memref_slice %arg9[%rem3A_118, %dma_start3A_487, %dma_start3A_492] : memref<3x8x128xi32, #tpu.memory_space<vmem>> -> memref<1x1x128xi32, #tpu.memory_space<vmem>>
      %dma_start3A_494 = tpu.memref_squeeze %dma_start3A_493 : memref<1x1x128xi32, #tpu.memory_space<vmem>> -> memref<128xi32, #tpu.memory_space<vmem>>
      %dma_start3A_495 = arith.constant 0 : i32
      %dma_start3A_496 = arith.constant 0 : i32
      %dma_start3A_497 = tpu.memref_slice %arg7[%dma_start3A_495, %dma_start3A_496] : memref<50016x32xf32, #tpu.memory_space<vmem_shared>> -> memref<50016x32xf32, #tpu.memory_space<vmem_shared>>
      tpu.enqueue_indirect_dma source(%dma_start3A_491 : memref<128x32xf32, #tpu.memory_space<vmem>>) target(%dma_start3A_497 : memref<50016x32xf32, #tpu.memory_space<vmem_shared>>) offsets(%dma_start3A_494 : memref<128xi32, #tpu.memory_space<vmem>>) semaphore(%arg23 : memref<!tpu.dma_semaphore, #tpu.memory_space<semaphore_mem>>) {add = true}
      %dma_wait3A_498 = arith.constant 6 : i32
      %dma_wait3A_499 = arith.constant 0 : i32
      %dma_wait3A_500 = arith.constant 0 : i32
      %dma_wait3A_501 = arith.constant 0 : i32
      %dma_wait3A_502 = tpu.memref_slice %arg10[%dma_wait3A_499, %dma_wait3A_500, %dma_wait3A_501] : memref<6x128x32xf32, #tpu.memory_space<vmem>> -> memref<1x128x32xf32, #tpu.memory_space<vmem>>
      %dma_wait3A_503 = tpu.memref_squeeze %dma_wait3A_502 : memref<1x128x32xf32, #tpu.memory_space<vmem>> -> memref<128x32xf32, #tpu.memory_space<vmem>>
      %dma_wait3A_504 = arith.constant 0 : i32
      %dma_wait3A_505 = tpu.memref_slice %arg8[%rem3A_118, %dma_wait3A_498, %dma_wait3A_504] : memref<3x8x128xi32, #tpu.memory_space<vmem>> -> memref<1x1x128xi32, #tpu.memory_space<vmem>>
      %dma_wait3A_506 = tpu.memref_squeeze %dma_wait3A_505 : memref<1x1x128xi32, #tpu.memory_space<vmem>> -> memref<128xi32, #tpu.memory_space<vmem>>
      %dma_wait3A_507 = arith.constant 0 : i32
      %dma_wait3A_508 = arith.constant 0 : i32
      %dma_wait3A_509 = tpu.memref_slice %arg2[%arg0, %dma_wait3A_507, %dma_wait3A_508] : memref<2x50000x32xf32, #tpu.memory_space<hbm>> -> memref<1x50000x32xf32, #tpu.memory_space<hbm>>
      %dma_wait3A_510 = tpu.memref_squeeze %dma_wait3A_509 : memref<1x50000x32xf32, #tpu.memory_space<hbm>> -> memref<50000x32xf32, #tpu.memory_space<hbm>>
      %dma_wait3A_511 = arith.constant 0 : i32
      %dma_wait3A_512 = arith.constant 0 : i32
      %dma_wait3A_513 = tpu.memref_slice %dma_wait3A_510[%dma_wait3A_511, %dma_wait3A_512] : memref<50000x32xf32, #tpu.memory_space<hbm>> -> memref<50000x32xf32, #tpu.memory_space<hbm>>
      tpu.wait_indirect_dma semaphore(%arg12 : memref<!tpu.dma_semaphore, #tpu.memory_space<semaphore_mem>>) src(%dma_wait3A_513 : memref<50000x32xf32, #tpu.memory_space<hbm>>) dst(%dma_wait3A_503 : memref<128x32xf32, #tpu.memory_space<vmem>>)
      %dma_start3A_514 = arith.constant 0 : i32
      %dma_start3A_515 = arith.constant 6 : i32
      %dma_start3A_516 = arith.constant 0 : i32
      %dma_start3A_517 = arith.constant 0 : i32
      %dma_start3A_518 = tpu.memref_slice %arg10[%dma_start3A_514, %dma_start3A_516, %dma_start3A_517] : memref<6x128x32xf32, #tpu.memory_space<vmem>> -> memref<1x128x32xf32, #tpu.memory_space<vmem>>
      %dma_start3A_519 = tpu.memref_squeeze %dma_start3A_518 : memref<1x128x32xf32, #tpu.memory_space<vmem>> -> memref<128x32xf32, #tpu.memory_space<vmem>>
      %dma_start3A_520 = arith.constant 0 : i32
      %dma_start3A_521 = tpu.memref_slice %arg9[%rem3A_118, %dma_start3A_515, %dma_start3A_520] : memref<3x8x128xi32, #tpu.memory_space<vmem>> -> memref<1x1x128xi32, #tpu.memory_space<vmem>>
      %dma_start3A_522 = tpu.memref_squeeze %dma_start3A_521 : memref<1x1x128xi32, #tpu.memory_space<vmem>> -> memref<128xi32, #tpu.memory_space<vmem>>
      %dma_start3A_523 = arith.constant 0 : i32
      %dma_start3A_524 = arith.constant 0 : i32
      %dma_start3A_525 = tpu.memref_slice %arg7[%dma_start3A_523, %dma_start3A_524] : memref<50016x32xf32, #tpu.memory_space<vmem_shared>> -> memref<50016x32xf32, #tpu.memory_space<vmem_shared>>
      tpu.enqueue_indirect_dma source(%dma_start3A_519 : memref<128x32xf32, #tpu.memory_space<vmem>>) target(%dma_start3A_525 : memref<50016x32xf32, #tpu.memory_space<vmem_shared>>) offsets(%dma_start3A_522 : memref<128xi32, #tpu.memory_space<vmem>>) semaphore(%arg18 : memref<!tpu.dma_semaphore, #tpu.memory_space<semaphore_mem>>) {add = true}
      %dma_wait3A_526 = arith.constant 7 : i32
      %dma_wait3A_527 = arith.constant 1 : i32
      %dma_wait3A_528 = arith.constant 0 : i32
      %dma_wait3A_529 = arith.constant 0 : i32
      %dma_wait3A_530 = tpu.memref_slice %arg10[%dma_wait3A_527, %dma_wait3A_528, %dma_wait3A_529] : memref<6x128x32xf32, #tpu.memory_space<vmem>> -> memref<1x128x32xf32, #tpu.memory_space<vmem>>
      %dma_wait3A_531 = tpu.memref_squeeze %dma_wait3A_530 : memref<1x128x32xf32, #tpu.memory_space<vmem>> -> memref<128x32xf32, #tpu.memory_space<vmem>>
      %dma_wait3A_532 = arith.constant 0 : i32
      %dma_wait3A_533 = tpu.memref_slice %arg8[%rem3A_118, %dma_wait3A_526, %dma_wait3A_532] : memref<3x8x128xi32, #tpu.memory_space<vmem>> -> memref<1x1x128xi32, #tpu.memory_space<vmem>>
      %dma_wait3A_534 = tpu.memref_squeeze %dma_wait3A_533 : memref<1x1x128xi32, #tpu.memory_space<vmem>> -> memref<128xi32, #tpu.memory_space<vmem>>
      %dma_wait3A_535 = arith.constant 0 : i32
      %dma_wait3A_536 = arith.constant 0 : i32
      %dma_wait3A_537 = tpu.memref_slice %arg2[%arg0, %dma_wait3A_535, %dma_wait3A_536] : memref<2x50000x32xf32, #tpu.memory_space<hbm>> -> memref<1x50000x32xf32, #tpu.memory_space<hbm>>
      %dma_wait3A_538 = tpu.memref_squeeze %dma_wait3A_537 : memref<1x50000x32xf32, #tpu.memory_space<hbm>> -> memref<50000x32xf32, #tpu.memory_space<hbm>>
      %dma_wait3A_539 = arith.constant 0 : i32
      %dma_wait3A_540 = arith.constant 0 : i32
      %dma_wait3A_541 = tpu.memref_slice %dma_wait3A_538[%dma_wait3A_539, %dma_wait3A_540] : memref<50000x32xf32, #tpu.memory_space<hbm>> -> memref<50000x32xf32, #tpu.memory_space<hbm>>
      tpu.wait_indirect_dma semaphore(%arg13 : memref<!tpu.dma_semaphore, #tpu.memory_space<semaphore_mem>>) src(%dma_wait3A_541 : memref<50000x32xf32, #tpu.memory_space<hbm>>) dst(%dma_wait3A_531 : memref<128x32xf32, #tpu.memory_space<vmem>>)
      %dma_start3A_542 = arith.constant 1 : i32
      %dma_start3A_543 = arith.constant 7 : i32
      %dma_start3A_544 = arith.constant 0 : i32
      %dma_start3A_545 = arith.constant 0 : i32
      %dma_start3A_546 = tpu.memref_slice %arg10[%dma_start3A_542, %dma_start3A_544, %dma_start3A_545] : memref<6x128x32xf32, #tpu.memory_space<vmem>> -> memref<1x128x32xf32, #tpu.memory_space<vmem>>
      %dma_start3A_547 = tpu.memref_squeeze %dma_start3A_546 : memref<1x128x32xf32, #tpu.memory_space<vmem>> -> memref<128x32xf32, #tpu.memory_space<vmem>>
      %dma_start3A_548 = arith.constant 0 : i32
      %dma_start3A_549 = tpu.memref_slice %arg9[%rem3A_118, %dma_start3A_543, %dma_start3A_548] : memref<3x8x128xi32, #tpu.memory_space<vmem>> -> memref<1x1x128xi32, #tpu.memory_space<vmem>>
      %dma_start3A_550 = tpu.memref_squeeze %dma_start3A_549 : memref<1x1x128xi32, #tpu.memory_space<vmem>> -> memref<128xi32, #tpu.memory_space<vmem>>
      %dma_start3A_551 = arith.constant 0 : i32
      %dma_start3A_552 = arith.constant 0 : i32
      %dma_start3A_553 = tpu.memref_slice %arg7[%dma_start3A_551, %dma_start3A_552] : memref<50016x32xf32, #tpu.memory_space<vmem_shared>> -> memref<50016x32xf32, #tpu.memory_space<vmem_shared>>
      tpu.enqueue_indirect_dma source(%dma_start3A_547 : memref<128x32xf32, #tpu.memory_space<vmem>>) target(%dma_start3A_553 : memref<50016x32xf32, #tpu.memory_space<vmem_shared>>) offsets(%dma_start3A_550 : memref<128xi32, #tpu.memory_space<vmem>>) semaphore(%arg19 : memref<!tpu.dma_semaphore, #tpu.memory_space<semaphore_mem>>) {add = true}
      %scan3A_554 = arith.constant 0 : i32
      scf.yield %scan3A_554 : i32
    }
    %scan3A_33 = arith.constant 50 : i32
    %dma_wait3A = arith.constant 2 : i32
    %dma_wait3A_34 = arith.constant 1 : i32
    %dma_wait3A_35 = arith.constant 2 : i32
    %dma_wait3A_36 = arith.constant 0 : i32
    %dma_wait3A_37 = arith.constant 0 : i32
    %dma_wait3A_38 = tpu.memref_slice %arg10[%dma_wait3A, %dma_wait3A_36, %dma_wait3A_37] : memref<6x128x32xf32, #tpu.memory_space<vmem>> -> memref<1x128x32xf32, #tpu.memory_space<vmem>>
    %dma_wait3A_39 = tpu.memref_squeeze %dma_wait3A_38 : memref<1x128x32xf32, #tpu.memory_space<vmem>> -> memref<128x32xf32, #tpu.memory_space<vmem>>
    %dma_wait3A_40 = arith.constant 0 : i32
    %dma_wait3A_41 = tpu.memref_slice %arg9[%dma_wait3A_34, %dma_wait3A_35, %dma_wait3A_40] : memref<3x8x128xi32, #tpu.memory_space<vmem>> -> memref<1x1x128xi32, #tpu.memory_space<vmem>>
    %dma_wait3A_42 = tpu.memref_squeeze %dma_wait3A_41 : memref<1x1x128xi32, #tpu.memory_space<vmem>> -> memref<128xi32, #tpu.memory_space<vmem>>
    %dma_wait3A_43 = arith.constant 0 : i32
    %dma_wait3A_44 = arith.constant 0 : i32
    %dma_wait3A_45 = tpu.memref_slice %arg7[%dma_wait3A_43, %dma_wait3A_44] : memref<50016x32xf32, #tpu.memory_space<vmem_shared>> -> memref<50016x32xf32, #tpu.memory_space<vmem_shared>>
    tpu.wait_indirect_dma semaphore(%arg20 : memref<!tpu.dma_semaphore, #tpu.memory_space<semaphore_mem>>) src(%dma_wait3A_39 : memref<128x32xf32, #tpu.memory_space<vmem>>) dst(%dma_wait3A_45 : memref<50016x32xf32, #tpu.memory_space<vmem_shared>>)
    %dma_wait3A_46 = arith.constant 3 : i32
    %dma_wait3A_47 = arith.constant 1 : i32
    %dma_wait3A_48 = arith.constant 3 : i32
    %dma_wait3A_49 = arith.constant 0 : i32
    %dma_wait3A_50 = arith.constant 0 : i32
    %dma_wait3A_51 = tpu.memref_slice %arg10[%dma_wait3A_46, %dma_wait3A_49, %dma_wait3A_50] : memref<6x128x32xf32, #tpu.memory_space<vmem>> -> memref<1x128x32xf32, #tpu.memory_space<vmem>>
    %dma_wait3A_52 = tpu.memref_squeeze %dma_wait3A_51 : memref<1x128x32xf32, #tpu.memory_space<vmem>> -> memref<128x32xf32, #tpu.memory_space<vmem>>
    %dma_wait3A_53 = arith.constant 0 : i32
    %dma_wait3A_54 = tpu.memref_slice %arg9[%dma_wait3A_47, %dma_wait3A_48, %dma_wait3A_53] : memref<3x8x128xi32, #tpu.memory_space<vmem>> -> memref<1x1x128xi32, #tpu.memory_space<vmem>>
    %dma_wait3A_55 = tpu.memref_squeeze %dma_wait3A_54 : memref<1x1x128xi32, #tpu.memory_space<vmem>> -> memref<128xi32, #tpu.memory_space<vmem>>
    %dma_wait3A_56 = arith.constant 0 : i32
    %dma_wait3A_57 = arith.constant 0 : i32
    %dma_wait3A_58 = tpu.memref_slice %arg7[%dma_wait3A_56, %dma_wait3A_57] : memref<50016x32xf32, #tpu.memory_space<vmem_shared>> -> memref<50016x32xf32, #tpu.memory_space<vmem_shared>>
    tpu.wait_indirect_dma semaphore(%arg21 : memref<!tpu.dma_semaphore, #tpu.memory_space<semaphore_mem>>) src(%dma_wait3A_52 : memref<128x32xf32, #tpu.memory_space<vmem>>) dst(%dma_wait3A_58 : memref<50016x32xf32, #tpu.memory_space<vmem_shared>>)
    %dma_wait3A_59 = arith.constant 4 : i32
    %dma_wait3A_60 = arith.constant 1 : i32
    %dma_wait3A_61 = arith.constant 4 : i32
    %dma_wait3A_62 = arith.constant 0 : i32
    %dma_wait3A_63 = arith.constant 0 : i32
    %dma_wait3A_64 = tpu.memref_slice %arg10[%dma_wait3A_59, %dma_wait3A_62, %dma_wait3A_63] : memref<6x128x32xf32, #tpu.memory_space<vmem>> -> memref<1x128x32xf32, #tpu.memory_space<vmem>>
    %dma_wait3A_65 = tpu.memref_squeeze %dma_wait3A_64 : memref<1x128x32xf32, #tpu.memory_space<vmem>> -> memref<128x32xf32, #tpu.memory_space<vmem>>
    %dma_wait3A_66 = arith.constant 0 : i32
    %dma_wait3A_67 = tpu.memref_slice %arg9[%dma_wait3A_60, %dma_wait3A_61, %dma_wait3A_66] : memref<3x8x128xi32, #tpu.memory_space<vmem>> -> memref<1x1x128xi32, #tpu.memory_space<vmem>>
    %dma_wait3A_68 = tpu.memref_squeeze %dma_wait3A_67 : memref<1x1x128xi32, #tpu.memory_space<vmem>> -> memref<128xi32, #tpu.memory_space<vmem>>
    %dma_wait3A_69 = arith.constant 0 : i32
    %dma_wait3A_70 = arith.constant 0 : i32
    %dma_wait3A_71 = tpu.memref_slice %arg7[%dma_wait3A_69, %dma_wait3A_70] : memref<50016x32xf32, #tpu.memory_space<vmem_shared>> -> memref<50016x32xf32, #tpu.memory_space<vmem_shared>>
    tpu.wait_indirect_dma semaphore(%arg22 : memref<!tpu.dma_semaphore, #tpu.memory_space<semaphore_mem>>) src(%dma_wait3A_65 : memref<128x32xf32, #tpu.memory_space<vmem>>) dst(%dma_wait3A_71 : memref<50016x32xf32, #tpu.memory_space<vmem_shared>>)
    %dma_wait3A_72 = arith.constant 5 : i32
    %dma_wait3A_73 = arith.constant 1 : i32
    %dma_wait3A_74 = arith.constant 5 : i32
    %dma_wait3A_75 = arith.constant 0 : i32
    %dma_wait3A_76 = arith.constant 0 : i32
    %dma_wait3A_77 = tpu.memref_slice %arg10[%dma_wait3A_72, %dma_wait3A_75, %dma_wait3A_76] : memref<6x128x32xf32, #tpu.memory_space<vmem>> -> memref<1x128x32xf32, #tpu.memory_space<vmem>>
    %dma_wait3A_78 = tpu.memref_squeeze %dma_wait3A_77 : memref<1x128x32xf32, #tpu.memory_space<vmem>> -> memref<128x32xf32, #tpu.memory_space<vmem>>
    %dma_wait3A_79 = arith.constant 0 : i32
    %dma_wait3A_80 = tpu.memref_slice %arg9[%dma_wait3A_73, %dma_wait3A_74, %dma_wait3A_79] : memref<3x8x128xi32, #tpu.memory_space<vmem>> -> memref<1x1x128xi32, #tpu.memory_space<vmem>>
    %dma_wait3A_81 = tpu.memref_squeeze %dma_wait3A_80 : memref<1x1x128xi32, #tpu.memory_space<vmem>> -> memref<128xi32, #tpu.memory_space<vmem>>
    %dma_wait3A_82 = arith.constant 0 : i32
    %dma_wait3A_83 = arith.constant 0 : i32
    %dma_wait3A_84 = tpu.memref_slice %arg7[%dma_wait3A_82, %dma_wait3A_83] : memref<50016x32xf32, #tpu.memory_space<vmem_shared>> -> memref<50016x32xf32, #tpu.memory_space<vmem_shared>>
    tpu.wait_indirect_dma semaphore(%arg23 : memref<!tpu.dma_semaphore, #tpu.memory_space<semaphore_mem>>) src(%dma_wait3A_78 : memref<128x32xf32, #tpu.memory_space<vmem>>) dst(%dma_wait3A_84 : memref<50016x32xf32, #tpu.memory_space<vmem_shared>>)
    %dma_wait3A_85 = arith.constant 0 : i32
    %dma_wait3A_86 = arith.constant 1 : i32
    %dma_wait3A_87 = arith.constant 6 : i32
    %dma_wait3A_88 = arith.constant 0 : i32
    %dma_wait3A_89 = arith.constant 0 : i32
    %dma_wait3A_90 = tpu.memref_slice %arg10[%dma_wait3A_85, %dma_wait3A_88, %dma_wait3A_89] : memref<6x128x32xf32, #tpu.memory_space<vmem>> -> memref<1x128x32xf32, #tpu.memory_space<vmem>>
    %dma_wait3A_91 = tpu.memref_squeeze %dma_wait3A_90 : memref<1x128x32xf32, #tpu.memory_space<vmem>> -> memref<128x32xf32, #tpu.memory_space<vmem>>
    %dma_wait3A_92 = arith.constant 0 : i32
    %dma_wait3A_93 = tpu.memref_slice %arg9[%dma_wait3A_86, %dma_wait3A_87, %dma_wait3A_92] : memref<3x8x128xi32, #tpu.memory_space<vmem>> -> memref<1x1x128xi32, #tpu.memory_space<vmem>>
    %dma_wait3A_94 = tpu.memref_squeeze %dma_wait3A_93 : memref<1x1x128xi32, #tpu.memory_space<vmem>> -> memref<128xi32, #tpu.memory_space<vmem>>
    %dma_wait3A_95 = arith.constant 0 : i32
    %dma_wait3A_96 = arith.constant 0 : i32
    %dma_wait3A_97 = tpu.memref_slice %arg7[%dma_wait3A_95, %dma_wait3A_96] : memref<50016x32xf32, #tpu.memory_space<vmem_shared>> -> memref<50016x32xf32, #tpu.memory_space<vmem_shared>>
    tpu.wait_indirect_dma semaphore(%arg18 : memref<!tpu.dma_semaphore, #tpu.memory_space<semaphore_mem>>) src(%dma_wait3A_91 : memref<128x32xf32, #tpu.memory_space<vmem>>) dst(%dma_wait3A_97 : memref<50016x32xf32, #tpu.memory_space<vmem_shared>>)
    %dma_wait3A_98 = arith.constant 1 : i32
    %dma_wait3A_99 = arith.constant 1 : i32
    %dma_wait3A_100 = arith.constant 7 : i32
    %dma_wait3A_101 = arith.constant 0 : i32
    %dma_wait3A_102 = arith.constant 0 : i32
    %dma_wait3A_103 = tpu.memref_slice %arg10[%dma_wait3A_98, %dma_wait3A_101, %dma_wait3A_102] : memref<6x128x32xf32, #tpu.memory_space<vmem>> -> memref<1x128x32xf32, #tpu.memory_space<vmem>>
    %dma_wait3A_104 = tpu.memref_squeeze %dma_wait3A_103 : memref<1x128x32xf32, #tpu.memory_space<vmem>> -> memref<128x32xf32, #tpu.memory_space<vmem>>
    %dma_wait3A_105 = arith.constant 0 : i32
    %dma_wait3A_106 = tpu.memref_slice %arg9[%dma_wait3A_99, %dma_wait3A_100, %dma_wait3A_105] : memref<3x8x128xi32, #tpu.memory_space<vmem>> -> memref<1x1x128xi32, #tpu.memory_space<vmem>>
    %dma_wait3A_107 = tpu.memref_squeeze %dma_wait3A_106 : memref<1x1x128xi32, #tpu.memory_space<vmem>> -> memref<128xi32, #tpu.memory_space<vmem>>
    %dma_wait3A_108 = arith.constant 0 : i32
    %dma_wait3A_109 = arith.constant 0 : i32
    %dma_wait3A_110 = tpu.memref_slice %arg7[%dma_wait3A_108, %dma_wait3A_109] : memref<50016x32xf32, #tpu.memory_space<vmem_shared>> -> memref<50016x32xf32, #tpu.memory_space<vmem_shared>>
    tpu.wait_indirect_dma semaphore(%arg19 : memref<!tpu.dma_semaphore, #tpu.memory_space<semaphore_mem>>) src(%dma_wait3A_104 : memref<128x32xf32, #tpu.memory_space<vmem>>) dst(%dma_wait3A_110 : memref<50016x32xf32, #tpu.memory_space<vmem_shared>>)
    %barrier3A_111 = arith.constant 0 : index
    tpu.barrier barrier_id(%barrier3A_111)
    %mul3A_112 = arith.constant 3125 : i32
    %mul3A_113 = arith.muli %arg1, %mul3A_112 : i32
    %mul3A_114 = arith.constant 3125 : i32
    %mul3A_115 = arith.muli %arg1, %mul3A_114 : i32
    "tpu.region"() ({
      %run_scoped3A = tpu.sem_alloc : memref<!tpu.dma_semaphore, #tpu.memory_space<semaphore_mem>>
      %dma_start3A_116 = arith.constant 0 : i32
      %dma_start3A_117 = tpu.memref_slice %arg6[%arg0, %mul3A_115, %dma_start3A_116] : memref<2x50000x32xf32, #tpu.memory_space<hbm>> -> memref<1x3125x32xf32, #tpu.memory_space<hbm>>
      %dma_start3A_118 = tpu.memref_squeeze %dma_start3A_117 : memref<1x3125x32xf32, #tpu.memory_space<hbm>> -> memref<3125x32xf32, #tpu.memory_space<hbm>>
      %dma_start3A_119 = arith.constant 0 : i32
      %dma_start3A_120 = tpu.memref_slice %arg7[%mul3A_113, %dma_start3A_119] : memref<50016x32xf32, #tpu.memory_space<vmem_shared>> -> memref<3125x32xf32, #tpu.memory_space<vmem_shared>>
      tpu.enqueue_dma source(%dma_start3A_120 : memref<3125x32xf32, #tpu.memory_space<vmem_shared>>) target(%dma_start3A_118 : memref<3125x32xf32, #tpu.memory_space<hbm>>) target_semaphore(%run_scoped3A : memref<!tpu.dma_semaphore, #tpu.memory_space<semaphore_mem>>)
      %dma_wait3A_121 = arith.constant 0 : i32
      %dma_wait3A_122 = tpu.memref_slice %arg6[%arg0, %mul3A_115, %dma_wait3A_121] : memref<2x50000x32xf32, #tpu.memory_space<hbm>> -> memref<1x3125x32xf32, #tpu.memory_space<hbm>>
      %dma_wait3A_123 = tpu.memref_squeeze %dma_wait3A_122 : memref<1x3125x32xf32, #tpu.memory_space<hbm>> -> memref<3125x32xf32, #tpu.memory_space<hbm>>
      %dma_wait3A_124 = arith.constant 0 : i32
      %dma_wait3A_125 = tpu.memref_slice %arg7[%mul3A_113, %dma_wait3A_124] : memref<50016x32xf32, #tpu.memory_space<vmem_shared>> -> memref<3125x32xf32, #tpu.memory_space<vmem_shared>>
      tpu.wait_dma2 semaphore(%run_scoped3A : memref<!tpu.dma_semaphore, #tpu.memory_space<semaphore_mem>>) src(%dma_wait3A_125 : memref<3125x32xf32, #tpu.memory_space<vmem_shared>>) dst(%dma_wait3A_123 : memref<3125x32xf32, #tpu.memory_space<hbm>>)
      tpu.yield
    }) : () -> ()
    return
  }
}

#map = affine_map<(d0, d1) -> (0, 0, 0)>
#map1 = affine_map<(d0, d1) -> (0, 0)>
module attributes {stable_mosaic.version = 14 : i64} {
  func.func @_embed_body(%arg0: i32, %arg1: i32, %arg2: memref<2x3100x32xf32, #tpu.memory_space<hbm>>, %arg3: memref<391x128xi32, #tpu.memory_space<hbm>>, %arg4: memref<2x50000x32xf32, #tpu.memory_space<hbm>>, %arg5: memref<128xi32, #tpu.memory_space<vmem>>, %arg6: memref<128x32xf32, #tpu.memory_space<vmem>>, %arg7: memref<!tpu.dma_semaphore, #tpu.memory_space<semaphore_mem>>) attributes {dimension_semantics = [#tpu.dimension_semantics<core_parallel>, #tpu.dimension_semantics<subcore_parallel>], iteration_bounds = array<i64: 2, 16>, scalar_prefetch = 0 : i64, scratch_operands = 3 : i64, tpu.core_type = #tpu.core_type<sc_vector_subcore>, window_params = [{transform_indices = #map}, {transform_indices = #map1}, {transform_indices = #map}]} {
    %sub3A = arith.constant 391 : i32
    %sub3A_0 = arith.subi %sub3A, %arg1 : i32
    %add3A = arith.constant 16 : i32
    %add3A_1 = arith.addi %sub3A_0, %add3A : i32
    %sub3A_2 = arith.constant 1 : i32
    %sub3A_3 = arith.subi %add3A_1, %sub3A_2 : i32
    %jit3A = arith.constant 16 : i32
    %div3A = arith.divsi %sub3A_3, %jit3A : i32
    %sign3A = arith.constant 0 : i32
    %sign3A_4 = arith.cmpi sgt, %sub3A_3, %sign3A : i32
    %sign3A_5 = arith.extui %sign3A_4 : i1 to i32
    %sign3A_6 = arith.constant 0 : i32
    %sign3A_7 = arith.cmpi slt, %sub3A_3, %sign3A_6 : i32
    %sign3A_8 = arith.extui %sign3A_7 : i1 to i32
    %sign3A_9 = arith.subi %sign3A_5, %sign3A_8 : i32
    %sign3A_10 = arith.constant 0 : i32
    %sign3A_11 = arith.cmpi sgt, %jit3A, %sign3A_10 : i32
    %sign3A_12 = arith.extui %sign3A_11 : i1 to i32
    %sign3A_13 = arith.constant 0 : i32
    %sign3A_14 = arith.cmpi slt, %jit3A, %sign3A_13 : i32
    %sign3A_15 = arith.extui %sign3A_14 : i1 to i32
    %sign3A_16 = arith.subi %sign3A_12, %sign3A_15 : i32
    %ne3A = arith.cmpi ne, %sign3A_9, %sign3A_16 : i32
    %rem3A = arith.remsi %sub3A_3, %jit3A : i32
    %ne3A_17 = arith.constant 0 : i32
    %ne3A_18 = arith.cmpi ne, %rem3A, %ne3A_17 : i32
    %and3A = arith.andi %ne3A, %ne3A_18 : i1
    %sub3A_19 = arith.constant 1 : i32
    %sub3A_20 = arith.subi %div3A, %sub3A_19 : i32
    %select_n3A = arith.select %and3A, %sub3A_20, %div3A : i32
    %while3A = arith.constant 0 : i32
    %while3A_21 = arith.constant 0 : i32
    %while3A_22 = arith.subi %select_n3A, %while3A : i32
    %while3A_23 = arith.addi %while3A, %while3A_22 : i32
    %while3A_24 = arith.constant 1 : i32
    %while3A_25 = arith.divsi %while3A_22, %while3A_24 : i32
    %while3A_26 = arith.muli %while3A_25, %while3A_24 : i32
    %while3A_27 = arith.addi %while3A, %while3A_26 : i32
    %while3A_28 = arith.constant 1 : i32
    %while3A_29 = scf.for %while3A_32 = %while3A to %while3A_27 step %while3A_28 iter_args(%while3A_33 = %while3A_21) -> (i32)  : i32 {
      %mul3A = arith.constant 16 : i32
      %mul3A_34 = arith.muli %mul3A, %while3A_32 : i32
      %add3A_35 = arith.addi %arg1, %mul3A_34 : i32
      "tpu.region"() ({
        %run_scoped3A = tpu.sem_alloc : memref<!tpu.dma_semaphore, #tpu.memory_space<semaphore_mem>>
        %dma_start3A_55 = arith.constant 0 : i32
        %dma_start3A_56 = tpu.memref_slice %arg3[%add3A_35, %dma_start3A_55] : memref<391x128xi32, #tpu.memory_space<hbm>> -> memref<1x128xi32, #tpu.memory_space<hbm>>
        %dma_start3A_57 = tpu.memref_squeeze %dma_start3A_56 : memref<1x128xi32, #tpu.memory_space<hbm>> -> memref<128xi32, #tpu.memory_space<hbm>>
        %dma_start3A_58 = arith.constant 0 : i32
        %dma_start3A_59 = tpu.memref_slice %arg3[%add3A_35, %dma_start3A_58] : memref<391x128xi32, #tpu.memory_space<hbm>> -> memref<1x128xi32, #tpu.memory_space<hbm>>
        %dma_start3A_60 = tpu.memref_squeeze %dma_start3A_59 : memref<1x128xi32, #tpu.memory_space<hbm>> -> memref<128xi32, #tpu.memory_space<hbm>>
        tpu.enqueue_dma source(%dma_start3A_60 : memref<128xi32, #tpu.memory_space<hbm>>) target(%arg5 : memref<128xi32, #tpu.memory_space<vmem>>) target_semaphore(%run_scoped3A : memref<!tpu.dma_semaphore, #tpu.memory_space<semaphore_mem>>)
        %dma_wait3A_61 = arith.constant 0 : i32
        %dma_wait3A_62 = tpu.memref_slice %arg3[%add3A_35, %dma_wait3A_61] : memref<391x128xi32, #tpu.memory_space<hbm>> -> memref<1x128xi32, #tpu.memory_space<hbm>>
        %dma_wait3A_63 = tpu.memref_squeeze %dma_wait3A_62 : memref<1x128xi32, #tpu.memory_space<hbm>> -> memref<128xi32, #tpu.memory_space<hbm>>
        %dma_wait3A_64 = arith.constant 0 : i32
        %dma_wait3A_65 = tpu.memref_slice %arg3[%add3A_35, %dma_wait3A_64] : memref<391x128xi32, #tpu.memory_space<hbm>> -> memref<1x128xi32, #tpu.memory_space<hbm>>
        %dma_wait3A_66 = tpu.memref_squeeze %dma_wait3A_65 : memref<1x128xi32, #tpu.memory_space<hbm>> -> memref<128xi32, #tpu.memory_space<hbm>>
        tpu.wait_dma2 semaphore(%run_scoped3A : memref<!tpu.dma_semaphore, #tpu.memory_space<semaphore_mem>>) src(%dma_wait3A_66 : memref<128xi32, #tpu.memory_space<hbm>>) dst(%arg5 : memref<128xi32, #tpu.memory_space<vmem>>)
        tpu.yield
      }) : () -> ()
      %dma_start3A = arith.constant 0 : i32
      %dma_start3A_36 = arith.constant 0 : i32
      %dma_start3A_37 = tpu.memref_slice %arg2[%arg0, %dma_start3A, %dma_start3A_36] : memref<2x3100x32xf32, #tpu.memory_space<hbm>> -> memref<1x3100x32xf32, #tpu.memory_space<hbm>>
      %dma_start3A_38 = tpu.memref_squeeze %dma_start3A_37 : memref<1x3100x32xf32, #tpu.memory_space<hbm>> -> memref<3100x32xf32, #tpu.memory_space<hbm>>
      %dma_start3A_39 = arith.constant 0 : i32
      %dma_start3A_40 = arith.constant 0 : i32
      %dma_start3A_41 = tpu.memref_slice %dma_start3A_38[%dma_start3A_39, %dma_start3A_40] : memref<3100x32xf32, #tpu.memory_space<hbm>> -> memref<3100x32xf32, #tpu.memory_space<hbm>>
      tpu.enqueue_indirect_dma source(%dma_start3A_41 : memref<3100x32xf32, #tpu.memory_space<hbm>>) target(%arg6 : memref<128x32xf32, #tpu.memory_space<vmem>>) offsets(%arg5 : memref<128xi32, #tpu.memory_space<vmem>>) semaphore(%arg7 : memref<!tpu.dma_semaphore, #tpu.memory_space<semaphore_mem>>)
      %dma_wait3A = arith.constant 0 : i32
      %dma_wait3A_42 = arith.constant 0 : i32
      %dma_wait3A_43 = tpu.memref_slice %arg2[%arg0, %dma_wait3A, %dma_wait3A_42] : memref<2x3100x32xf32, #tpu.memory_space<hbm>> -> memref<1x3100x32xf32, #tpu.memory_space<hbm>>
      %dma_wait3A_44 = tpu.memref_squeeze %dma_wait3A_43 : memref<1x3100x32xf32, #tpu.memory_space<hbm>> -> memref<3100x32xf32, #tpu.memory_space<hbm>>
      %dma_wait3A_45 = arith.constant 0 : i32
      %dma_wait3A_46 = arith.constant 0 : i32
      %dma_wait3A_47 = tpu.memref_slice %dma_wait3A_44[%dma_wait3A_45, %dma_wait3A_46] : memref<3100x32xf32, #tpu.memory_space<hbm>> -> memref<3100x32xf32, #tpu.memory_space<hbm>>
      tpu.wait_indirect_dma semaphore(%arg7 : memref<!tpu.dma_semaphore, #tpu.memory_space<semaphore_mem>>) src(%dma_wait3A_47 : memref<3100x32xf32, #tpu.memory_space<hbm>>) dst(%arg6 : memref<128x32xf32, #tpu.memory_space<vmem>>)
      %lt3A = arith.constant 390 : i32
      %lt3A_48 = arith.cmpi slt, %add3A_35, %lt3A : i32
      %convert_element_type3A = arith.extui %lt3A_48 : i1 to i32
      %cond3A = arith.constant 0 : i32
      %cond3A_49 = arith.cmpi ne, %convert_element_type3A, %cond3A : i32
      scf.if %cond3A_49 {
        %mul3A_55 = arith.constant 128 : i32
        %mul3A_56 = arith.muli %add3A_35, %mul3A_55 : i32
        "tpu.region"() ({
          %run_scoped3A = tpu.sem_alloc : memref<!tpu.dma_semaphore, #tpu.memory_space<semaphore_mem>>
          %dma_start3A_57 = arith.constant 0 : i32
          %dma_start3A_58 = tpu.memref_slice %arg4[%arg0, %mul3A_56, %dma_start3A_57] : memref<2x50000x32xf32, #tpu.memory_space<hbm>> -> memref<1x128x32xf32, #tpu.memory_space<hbm>>
          %dma_start3A_59 = tpu.memref_squeeze %dma_start3A_58 : memref<1x128x32xf32, #tpu.memory_space<hbm>> -> memref<128x32xf32, #tpu.memory_space<hbm>>
          %dma_start3A_60 = arith.constant 0 : i32
          %dma_start3A_61 = tpu.memref_slice %arg4[%arg0, %mul3A_56, %dma_start3A_60] : memref<2x50000x32xf32, #tpu.memory_space<hbm>> -> memref<1x128x32xf32, #tpu.memory_space<hbm>>
          %dma_start3A_62 = tpu.memref_squeeze %dma_start3A_61 : memref<1x128x32xf32, #tpu.memory_space<hbm>> -> memref<128x32xf32, #tpu.memory_space<hbm>>
          tpu.enqueue_dma source(%arg6 : memref<128x32xf32, #tpu.memory_space<vmem>>) target(%dma_start3A_62 : memref<128x32xf32, #tpu.memory_space<hbm>>) target_semaphore(%run_scoped3A : memref<!tpu.dma_semaphore, #tpu.memory_space<semaphore_mem>>)
          %dma_wait3A_63 = arith.constant 0 : i32
          %dma_wait3A_64 = tpu.memref_slice %arg4[%arg0, %mul3A_56, %dma_wait3A_63] : memref<2x50000x32xf32, #tpu.memory_space<hbm>> -> memref<1x128x32xf32, #tpu.memory_space<hbm>>
          %dma_wait3A_65 = tpu.memref_squeeze %dma_wait3A_64 : memref<1x128x32xf32, #tpu.memory_space<hbm>> -> memref<128x32xf32, #tpu.memory_space<hbm>>
          %dma_wait3A_66 = arith.constant 0 : i32
          %dma_wait3A_67 = tpu.memref_slice %arg4[%arg0, %mul3A_56, %dma_wait3A_66] : memref<2x50000x32xf32, #tpu.memory_space<hbm>> -> memref<1x128x32xf32, #tpu.memory_space<hbm>>
          %dma_wait3A_68 = tpu.memref_squeeze %dma_wait3A_67 : memref<1x128x32xf32, #tpu.memory_space<hbm>> -> memref<128x32xf32, #tpu.memory_space<hbm>>
          tpu.wait_dma2 semaphore(%run_scoped3A : memref<!tpu.dma_semaphore, #tpu.memory_space<semaphore_mem>>) src(%arg6 : memref<128x32xf32, #tpu.memory_space<vmem>>) dst(%dma_wait3A_68 : memref<128x32xf32, #tpu.memory_space<hbm>>)
          tpu.yield
        }) : () -> ()
      } else {
      }
      %eq3A = arith.constant 390 : i32
      %eq3A_50 = arith.cmpi eq, %add3A_35, %eq3A : i32
      %convert_element_type3A_51 = arith.extui %eq3A_50 : i1 to i32
      %cond3A_52 = arith.constant 0 : i32
      %cond3A_53 = arith.cmpi ne, %convert_element_type3A_51, %cond3A_52 : i32
      scf.if %cond3A_53 {
        %mul3A_55 = arith.constant 128 : i32
        %mul3A_56 = arith.muli %add3A_35, %mul3A_55 : i32
        "tpu.region"() ({
          %run_scoped3A = tpu.sem_alloc : memref<!tpu.dma_semaphore, #tpu.memory_space<semaphore_mem>>
          %dma_start3A_57 = arith.constant 0 : i32
          %dma_start3A_58 = arith.constant 0 : i32
          %dma_start3A_59 = tpu.memref_slice %arg6[%dma_start3A_57, %dma_start3A_58] : memref<128x32xf32, #tpu.memory_space<vmem>> -> memref<80x32xf32, #tpu.memory_space<vmem>>
          %dma_start3A_60 = arith.constant 0 : i32
          %dma_start3A_61 = tpu.memref_slice %arg4[%arg0, %mul3A_56, %dma_start3A_60] : memref<2x50000x32xf32, #tpu.memory_space<hbm>> -> memref<1x80x32xf32, #tpu.memory_space<hbm>>
          %dma_start3A_62 = tpu.memref_squeeze %dma_start3A_61 : memref<1x80x32xf32, #tpu.memory_space<hbm>> -> memref<80x32xf32, #tpu.memory_space<hbm>>
          %dma_start3A_63 = arith.constant 0 : i32
          %dma_start3A_64 = tpu.memref_slice %arg4[%arg0, %mul3A_56, %dma_start3A_63] : memref<2x50000x32xf32, #tpu.memory_space<hbm>> -> memref<1x80x32xf32, #tpu.memory_space<hbm>>
          %dma_start3A_65 = tpu.memref_squeeze %dma_start3A_64 : memref<1x80x32xf32, #tpu.memory_space<hbm>> -> memref<80x32xf32, #tpu.memory_space<hbm>>
          %dma_start3A_66 = arith.constant 0 : i32
          %dma_start3A_67 = arith.constant 0 : i32
          %dma_start3A_68 = tpu.memref_slice %arg6[%dma_start3A_66, %dma_start3A_67] : memref<128x32xf32, #tpu.memory_space<vmem>> -> memref<80x32xf32, #tpu.memory_space<vmem>>
          tpu.enqueue_dma source(%dma_start3A_68 : memref<80x32xf32, #tpu.memory_space<vmem>>) target(%dma_start3A_65 : memref<80x32xf32, #tpu.memory_space<hbm>>) target_semaphore(%run_scoped3A : memref<!tpu.dma_semaphore, #tpu.memory_space<semaphore_mem>>)
          %dma_wait3A_69 = arith.constant 0 : i32
          %dma_wait3A_70 = arith.constant 0 : i32
          %dma_wait3A_71 = tpu.memref_slice %arg6[%dma_wait3A_69, %dma_wait3A_70] : memref<128x32xf32, #tpu.memory_space<vmem>> -> memref<80x32xf32, #tpu.memory_space<vmem>>
          %dma_wait3A_72 = arith.constant 0 : i32
          %dma_wait3A_73 = tpu.memref_slice %arg4[%arg0, %mul3A_56, %dma_wait3A_72] : memref<2x50000x32xf32, #tpu.memory_space<hbm>> -> memref<1x80x32xf32, #tpu.memory_space<hbm>>
          %dma_wait3A_74 = tpu.memref_squeeze %dma_wait3A_73 : memref<1x80x32xf32, #tpu.memory_space<hbm>> -> memref<80x32xf32, #tpu.memory_space<hbm>>
          %dma_wait3A_75 = arith.constant 0 : i32
          %dma_wait3A_76 = tpu.memref_slice %arg4[%arg0, %mul3A_56, %dma_wait3A_75] : memref<2x50000x32xf32, #tpu.memory_space<hbm>> -> memref<1x80x32xf32, #tpu.memory_space<hbm>>
          %dma_wait3A_77 = tpu.memref_squeeze %dma_wait3A_76 : memref<1x80x32xf32, #tpu.memory_space<hbm>> -> memref<80x32xf32, #tpu.memory_space<hbm>>
          %dma_wait3A_78 = arith.constant 0 : i32
          %dma_wait3A_79 = arith.constant 0 : i32
          %dma_wait3A_80 = tpu.memref_slice %arg6[%dma_wait3A_78, %dma_wait3A_79] : memref<128x32xf32, #tpu.memory_space<vmem>> -> memref<80x32xf32, #tpu.memory_space<vmem>>
          tpu.wait_dma2 semaphore(%run_scoped3A : memref<!tpu.dma_semaphore, #tpu.memory_space<semaphore_mem>>) src(%dma_wait3A_80 : memref<80x32xf32, #tpu.memory_space<vmem>>) dst(%dma_wait3A_77 : memref<80x32xf32, #tpu.memory_space<hbm>>)
          tpu.yield
        }) : () -> ()
      } else {
      }
      %while3A_54 = arith.constant 0 : i32
      scf.yield %while3A_54 : i32
    }
    %while3A_30 = arith.constant 1 : i32
    %while3A_31 = scf.for %while3A_32 = %while3A_27 to %while3A_23 step %while3A_30 iter_args(%while3A_33 = %while3A_29) -> (i32)  : i32 {
      %mul3A = arith.constant 16 : i32
      %mul3A_34 = arith.muli %mul3A, %while3A_32 : i32
      %add3A_35 = arith.addi %arg1, %mul3A_34 : i32
      "tpu.region"() ({
        %run_scoped3A = tpu.sem_alloc : memref<!tpu.dma_semaphore, #tpu.memory_space<semaphore_mem>>
        %dma_start3A_55 = arith.constant 0 : i32
        %dma_start3A_56 = tpu.memref_slice %arg3[%add3A_35, %dma_start3A_55] : memref<391x128xi32, #tpu.memory_space<hbm>> -> memref<1x128xi32, #tpu.memory_space<hbm>>
        %dma_start3A_57 = tpu.memref_squeeze %dma_start3A_56 : memref<1x128xi32, #tpu.memory_space<hbm>> -> memref<128xi32, #tpu.memory_space<hbm>>
        %dma_start3A_58 = arith.constant 0 : i32
        %dma_start3A_59 = tpu.memref_slice %arg3[%add3A_35, %dma_start3A_58] : memref<391x128xi32, #tpu.memory_space<hbm>> -> memref<1x128xi32, #tpu.memory_space<hbm>>
        %dma_start3A_60 = tpu.memref_squeeze %dma_start3A_59 : memref<1x128xi32, #tpu.memory_space<hbm>> -> memref<128xi32, #tpu.memory_space<hbm>>
        tpu.enqueue_dma source(%dma_start3A_60 : memref<128xi32, #tpu.memory_space<hbm>>) target(%arg5 : memref<128xi32, #tpu.memory_space<vmem>>) target_semaphore(%run_scoped3A : memref<!tpu.dma_semaphore, #tpu.memory_space<semaphore_mem>>)
        %dma_wait3A_61 = arith.constant 0 : i32
        %dma_wait3A_62 = tpu.memref_slice %arg3[%add3A_35, %dma_wait3A_61] : memref<391x128xi32, #tpu.memory_space<hbm>> -> memref<1x128xi32, #tpu.memory_space<hbm>>
        %dma_wait3A_63 = tpu.memref_squeeze %dma_wait3A_62 : memref<1x128xi32, #tpu.memory_space<hbm>> -> memref<128xi32, #tpu.memory_space<hbm>>
        %dma_wait3A_64 = arith.constant 0 : i32
        %dma_wait3A_65 = tpu.memref_slice %arg3[%add3A_35, %dma_wait3A_64] : memref<391x128xi32, #tpu.memory_space<hbm>> -> memref<1x128xi32, #tpu.memory_space<hbm>>
        %dma_wait3A_66 = tpu.memref_squeeze %dma_wait3A_65 : memref<1x128xi32, #tpu.memory_space<hbm>> -> memref<128xi32, #tpu.memory_space<hbm>>
        tpu.wait_dma2 semaphore(%run_scoped3A : memref<!tpu.dma_semaphore, #tpu.memory_space<semaphore_mem>>) src(%dma_wait3A_66 : memref<128xi32, #tpu.memory_space<hbm>>) dst(%arg5 : memref<128xi32, #tpu.memory_space<vmem>>)
        tpu.yield
      }) : () -> ()
      %dma_start3A = arith.constant 0 : i32
      %dma_start3A_36 = arith.constant 0 : i32
      %dma_start3A_37 = tpu.memref_slice %arg2[%arg0, %dma_start3A, %dma_start3A_36] : memref<2x3100x32xf32, #tpu.memory_space<hbm>> -> memref<1x3100x32xf32, #tpu.memory_space<hbm>>
      %dma_start3A_38 = tpu.memref_squeeze %dma_start3A_37 : memref<1x3100x32xf32, #tpu.memory_space<hbm>> -> memref<3100x32xf32, #tpu.memory_space<hbm>>
      %dma_start3A_39 = arith.constant 0 : i32
      %dma_start3A_40 = arith.constant 0 : i32
      %dma_start3A_41 = tpu.memref_slice %dma_start3A_38[%dma_start3A_39, %dma_start3A_40] : memref<3100x32xf32, #tpu.memory_space<hbm>> -> memref<3100x32xf32, #tpu.memory_space<hbm>>
      tpu.enqueue_indirect_dma source(%dma_start3A_41 : memref<3100x32xf32, #tpu.memory_space<hbm>>) target(%arg6 : memref<128x32xf32, #tpu.memory_space<vmem>>) offsets(%arg5 : memref<128xi32, #tpu.memory_space<vmem>>) semaphore(%arg7 : memref<!tpu.dma_semaphore, #tpu.memory_space<semaphore_mem>>)
      %dma_wait3A = arith.constant 0 : i32
      %dma_wait3A_42 = arith.constant 0 : i32
      %dma_wait3A_43 = tpu.memref_slice %arg2[%arg0, %dma_wait3A, %dma_wait3A_42] : memref<2x3100x32xf32, #tpu.memory_space<hbm>> -> memref<1x3100x32xf32, #tpu.memory_space<hbm>>
      %dma_wait3A_44 = tpu.memref_squeeze %dma_wait3A_43 : memref<1x3100x32xf32, #tpu.memory_space<hbm>> -> memref<3100x32xf32, #tpu.memory_space<hbm>>
      %dma_wait3A_45 = arith.constant 0 : i32
      %dma_wait3A_46 = arith.constant 0 : i32
      %dma_wait3A_47 = tpu.memref_slice %dma_wait3A_44[%dma_wait3A_45, %dma_wait3A_46] : memref<3100x32xf32, #tpu.memory_space<hbm>> -> memref<3100x32xf32, #tpu.memory_space<hbm>>
      tpu.wait_indirect_dma semaphore(%arg7 : memref<!tpu.dma_semaphore, #tpu.memory_space<semaphore_mem>>) src(%dma_wait3A_47 : memref<3100x32xf32, #tpu.memory_space<hbm>>) dst(%arg6 : memref<128x32xf32, #tpu.memory_space<vmem>>)
      %lt3A = arith.constant 390 : i32
      %lt3A_48 = arith.cmpi slt, %add3A_35, %lt3A : i32
      %convert_element_type3A = arith.extui %lt3A_48 : i1 to i32
      %cond3A = arith.constant 0 : i32
      %cond3A_49 = arith.cmpi ne, %convert_element_type3A, %cond3A : i32
      scf.if %cond3A_49 {
        %mul3A_55 = arith.constant 128 : i32
        %mul3A_56 = arith.muli %add3A_35, %mul3A_55 : i32
        "tpu.region"() ({
          %run_scoped3A = tpu.sem_alloc : memref<!tpu.dma_semaphore, #tpu.memory_space<semaphore_mem>>
          %dma_start3A_57 = arith.constant 0 : i32
          %dma_start3A_58 = tpu.memref_slice %arg4[%arg0, %mul3A_56, %dma_start3A_57] : memref<2x50000x32xf32, #tpu.memory_space<hbm>> -> memref<1x128x32xf32, #tpu.memory_space<hbm>>
          %dma_start3A_59 = tpu.memref_squeeze %dma_start3A_58 : memref<1x128x32xf32, #tpu.memory_space<hbm>> -> memref<128x32xf32, #tpu.memory_space<hbm>>
          %dma_start3A_60 = arith.constant 0 : i32
          %dma_start3A_61 = tpu.memref_slice %arg4[%arg0, %mul3A_56, %dma_start3A_60] : memref<2x50000x32xf32, #tpu.memory_space<hbm>> -> memref<1x128x32xf32, #tpu.memory_space<hbm>>
          %dma_start3A_62 = tpu.memref_squeeze %dma_start3A_61 : memref<1x128x32xf32, #tpu.memory_space<hbm>> -> memref<128x32xf32, #tpu.memory_space<hbm>>
          tpu.enqueue_dma source(%arg6 : memref<128x32xf32, #tpu.memory_space<vmem>>) target(%dma_start3A_62 : memref<128x32xf32, #tpu.memory_space<hbm>>) target_semaphore(%run_scoped3A : memref<!tpu.dma_semaphore, #tpu.memory_space<semaphore_mem>>)
          %dma_wait3A_63 = arith.constant 0 : i32
          %dma_wait3A_64 = tpu.memref_slice %arg4[%arg0, %mul3A_56, %dma_wait3A_63] : memref<2x50000x32xf32, #tpu.memory_space<hbm>> -> memref<1x128x32xf32, #tpu.memory_space<hbm>>
          %dma_wait3A_65 = tpu.memref_squeeze %dma_wait3A_64 : memref<1x128x32xf32, #tpu.memory_space<hbm>> -> memref<128x32xf32, #tpu.memory_space<hbm>>
          %dma_wait3A_66 = arith.constant 0 : i32
          %dma_wait3A_67 = tpu.memref_slice %arg4[%arg0, %mul3A_56, %dma_wait3A_66] : memref<2x50000x32xf32, #tpu.memory_space<hbm>> -> memref<1x128x32xf32, #tpu.memory_space<hbm>>
          %dma_wait3A_68 = tpu.memref_squeeze %dma_wait3A_67 : memref<1x128x32xf32, #tpu.memory_space<hbm>> -> memref<128x32xf32, #tpu.memory_space<hbm>>
          tpu.wait_dma2 semaphore(%run_scoped3A : memref<!tpu.dma_semaphore, #tpu.memory_space<semaphore_mem>>) src(%arg6 : memref<128x32xf32, #tpu.memory_space<vmem>>) dst(%dma_wait3A_68 : memref<128x32xf32, #tpu.memory_space<hbm>>)
          tpu.yield
        }) : () -> ()
      } else {
      }
      %eq3A = arith.constant 390 : i32
      %eq3A_50 = arith.cmpi eq, %add3A_35, %eq3A : i32
      %convert_element_type3A_51 = arith.extui %eq3A_50 : i1 to i32
      %cond3A_52 = arith.constant 0 : i32
      %cond3A_53 = arith.cmpi ne, %convert_element_type3A_51, %cond3A_52 : i32
      scf.if %cond3A_53 {
        %mul3A_55 = arith.constant 128 : i32
        %mul3A_56 = arith.muli %add3A_35, %mul3A_55 : i32
        "tpu.region"() ({
          %run_scoped3A = tpu.sem_alloc : memref<!tpu.dma_semaphore, #tpu.memory_space<semaphore_mem>>
          %dma_start3A_57 = arith.constant 0 : i32
          %dma_start3A_58 = arith.constant 0 : i32
          %dma_start3A_59 = tpu.memref_slice %arg6[%dma_start3A_57, %dma_start3A_58] : memref<128x32xf32, #tpu.memory_space<vmem>> -> memref<80x32xf32, #tpu.memory_space<vmem>>
          %dma_start3A_60 = arith.constant 0 : i32
          %dma_start3A_61 = tpu.memref_slice %arg4[%arg0, %mul3A_56, %dma_start3A_60] : memref<2x50000x32xf32, #tpu.memory_space<hbm>> -> memref<1x80x32xf32, #tpu.memory_space<hbm>>
          %dma_start3A_62 = tpu.memref_squeeze %dma_start3A_61 : memref<1x80x32xf32, #tpu.memory_space<hbm>> -> memref<80x32xf32, #tpu.memory_space<hbm>>
          %dma_start3A_63 = arith.constant 0 : i32
          %dma_start3A_64 = tpu.memref_slice %arg4[%arg0, %mul3A_56, %dma_start3A_63] : memref<2x50000x32xf32, #tpu.memory_space<hbm>> -> memref<1x80x32xf32, #tpu.memory_space<hbm>>
          %dma_start3A_65 = tpu.memref_squeeze %dma_start3A_64 : memref<1x80x32xf32, #tpu.memory_space<hbm>> -> memref<80x32xf32, #tpu.memory_space<hbm>>
          %dma_start3A_66 = arith.constant 0 : i32
          %dma_start3A_67 = arith.constant 0 : i32
          %dma_start3A_68 = tpu.memref_slice %arg6[%dma_start3A_66, %dma_start3A_67] : memref<128x32xf32, #tpu.memory_space<vmem>> -> memref<80x32xf32, #tpu.memory_space<vmem>>
          tpu.enqueue_dma source(%dma_start3A_68 : memref<80x32xf32, #tpu.memory_space<vmem>>) target(%dma_start3A_65 : memref<80x32xf32, #tpu.memory_space<hbm>>) target_semaphore(%run_scoped3A : memref<!tpu.dma_semaphore, #tpu.memory_space<semaphore_mem>>)
          %dma_wait3A_69 = arith.constant 0 : i32
          %dma_wait3A_70 = arith.constant 0 : i32
          %dma_wait3A_71 = tpu.memref_slice %arg6[%dma_wait3A_69, %dma_wait3A_70] : memref<128x32xf32, #tpu.memory_space<vmem>> -> memref<80x32xf32, #tpu.memory_space<vmem>>
          %dma_wait3A_72 = arith.constant 0 : i32
          %dma_wait3A_73 = tpu.memref_slice %arg4[%arg0, %mul3A_56, %dma_wait3A_72] : memref<2x50000x32xf32, #tpu.memory_space<hbm>> -> memref<1x80x32xf32, #tpu.memory_space<hbm>>
          %dma_wait3A_74 = tpu.memref_squeeze %dma_wait3A_73 : memref<1x80x32xf32, #tpu.memory_space<hbm>> -> memref<80x32xf32, #tpu.memory_space<hbm>>
          %dma_wait3A_75 = arith.constant 0 : i32
          %dma_wait3A_76 = tpu.memref_slice %arg4[%arg0, %mul3A_56, %dma_wait3A_75] : memref<2x50000x32xf32, #tpu.memory_space<hbm>> -> memref<1x80x32xf32, #tpu.memory_space<hbm>>
          %dma_wait3A_77 = tpu.memref_squeeze %dma_wait3A_76 : memref<1x80x32xf32, #tpu.memory_space<hbm>> -> memref<80x32xf32, #tpu.memory_space<hbm>>
          %dma_wait3A_78 = arith.constant 0 : i32
          %dma_wait3A_79 = arith.constant 0 : i32
          %dma_wait3A_80 = tpu.memref_slice %arg6[%dma_wait3A_78, %dma_wait3A_79] : memref<128x32xf32, #tpu.memory_space<vmem>> -> memref<80x32xf32, #tpu.memory_space<vmem>>
          tpu.wait_dma2 semaphore(%run_scoped3A : memref<!tpu.dma_semaphore, #tpu.memory_space<semaphore_mem>>) src(%dma_wait3A_80 : memref<80x32xf32, #tpu.memory_space<vmem>>) dst(%dma_wait3A_77 : memref<80x32xf32, #tpu.memory_space<hbm>>)
          tpu.yield
        }) : () -> ()
      } else {
      }
      %while3A_54 = arith.constant 0 : i32
      scf.yield %while3A_54 : i32
    }
    return
  }
}

#map = affine_map<(d0, d1) -> (0, 0, 0)>
#map1 = affine_map<(d0, d1) -> (0, 0)>
module attributes {stable_mosaic.version = 14 : i64} {
  func.func @body(%arg0: i32, %arg1: i32, %arg2: memref<2x50000x32xf32, #tpu.memory_space<hbm>>, %arg3: memref<6400x128xi32, #tpu.memory_space<hbm>>, %arg4: memref<6400x128xi32, #tpu.memory_space<hbm>>, %arg5: memref<3126x32xf32, #tpu.memory_space<hbm>>, %arg6: memref<2x50000x32xf32, #tpu.memory_space<hbm>>, %arg7: memref<50016x32xf32, #tpu.memory_space<vmem_shared>>, %arg8: memref<3x8x128xi32, #tpu.memory_space<vmem>>, %arg9: memref<3x8x128xi32, #tpu.memory_space<vmem>>, %arg10: memref<6x128x32xf32, #tpu.memory_space<vmem>>, %arg11: memref<!tpu.dma_semaphore, #tpu.memory_space<semaphore_mem>>, %arg12: memref<!tpu.dma_semaphore, #tpu.memory_space<semaphore_mem>>, %arg13: memref<!tpu.dma_semaphore, #tpu.memory_space<semaphore_mem>>, %arg14: memref<!tpu.dma_semaphore, #tpu.memory_space<semaphore_mem>>, %arg15: memref<!tpu.dma_semaphore, #tpu.memory_space<semaphore_mem>>, %arg16: memref<!tpu.dma_semaphore, #tpu.memory_space<semaphore_mem>>, %arg17: memref<!tpu.dma_semaphore, #tpu.memory_space<semaphore_mem>>, %arg18: memref<!tpu.dma_semaphore, #tpu.memory_space<semaphore_mem>>, %arg19: memref<!tpu.dma_semaphore, #tpu.memory_space<semaphore_mem>>, %arg20: memref<!tpu.dma_semaphore, #tpu.memory_space<semaphore_mem>>, %arg21: memref<!tpu.dma_semaphore, #tpu.memory_space<semaphore_mem>>, %arg22: memref<!tpu.dma_semaphore, #tpu.memory_space<semaphore_mem>>, %arg23: memref<!tpu.dma_semaphore, #tpu.memory_space<semaphore_mem>>) attributes {dimension_semantics = [#tpu.dimension_semantics<core_parallel>, #tpu.dimension_semantics<subcore_parallel>], iteration_bounds = array<i64: 2, 16>, scalar_prefetch = 0 : i64, scratch_operands = 17 : i64, tpu.core_type = #tpu.core_type<sc_vector_subcore>, window_params = [{transform_indices = #map}, {transform_indices = #map1}, {transform_indices = #map1}, {transform_indices = #map1}, {transform_indices = #map}]} {
    %mul3A = arith.constant 400 : i32
    %mul3A_0 = arith.muli %arg1, %mul3A : i32
    %mul3A_1 = arith.constant 3126 : i32
    %mul3A_2 = arith.muli %arg1, %mul3A_1 : i32
    "tpu.region"() ({
      %run_scoped3A = tpu.sem_alloc : memref<!tpu.dma_semaphore, #tpu.memory_space<semaphore_mem>>
      %dma_start3A_116 = arith.constant 0 : i32
      %dma_start3A_117 = tpu.memref_slice %arg7[%mul3A_2, %dma_start3A_116] : memref<50016x32xf32, #tpu.memory_space<vmem_shared>> -> memref<3126x32xf32, #tpu.memory_space<vmem_shared>>
      tpu.enqueue_dma source(%arg5 : memref<3126x32xf32, #tpu.memory_space<hbm>>) target(%dma_start3A_117 : memref<3126x32xf32, #tpu.memory_space<vmem_shared>>) target_semaphore(%run_scoped3A : memref<!tpu.dma_semaphore, #tpu.memory_space<semaphore_mem>>)
      %dma_wait3A_118 = arith.constant 0 : i32
      %dma_wait3A_119 = tpu.memref_slice %arg7[%mul3A_2, %dma_wait3A_118] : memref<50016x32xf32, #tpu.memory_space<vmem_shared>> -> memref<3126x32xf32, #tpu.memory_space<vmem_shared>>
      tpu.wait_dma2 semaphore(%run_scoped3A : memref<!tpu.dma_semaphore, #tpu.memory_space<semaphore_mem>>) src(%arg5 : memref<3126x32xf32, #tpu.memory_space<hbm>>) dst(%dma_wait3A_119 : memref<3126x32xf32, #tpu.memory_space<vmem_shared>>)
      tpu.yield
    }) : () -> ()
    %barrier3A = arith.constant 0 : index
    tpu.barrier barrier_id(%barrier3A)
    %dma_start3A = arith.constant 0 : i32
    %dma_start3A_3 = arith.constant 0 : i32
    %dma_start3A_4 = arith.constant 0 : i32
    %dma_start3A_5 = tpu.memref_slice %arg8[%dma_start3A, %dma_start3A_3, %dma_start3A_4] : memref<3x8x128xi32, #tpu.memory_space<vmem>> -> memref<1x8x128xi32, #tpu.memory_space<vmem>>
    %dma_start3A_6 = tpu.memref_squeeze %dma_start3A_5 : memref<1x8x128xi32, #tpu.memory_space<vmem>> -> memref<8x128xi32, #tpu.memory_space<vmem>>
    %dma_start3A_7 = arith.constant 0 : i32
    %dma_start3A_8 = tpu.memref_slice %arg3[%mul3A_0, %dma_start3A_7] : memref<6400x128xi32, #tpu.memory_space<hbm>> -> memref<8x128xi32, #tpu.memory_space<hbm>>
    %dma_start3A_9 = arith.constant 0 : i32
    %dma_start3A_10 = arith.constant 0 : i32
    %dma_start3A_11 = tpu.memref_slice %arg8[%dma_start3A, %dma_start3A_9, %dma_start3A_10] : memref<3x8x128xi32, #tpu.memory_space<vmem>> -> memref<1x8x128xi32, #tpu.memory_space<vmem>>
    %dma_start3A_12 = tpu.memref_squeeze %dma_start3A_11 : memref<1x8x128xi32, #tpu.memory_space<vmem>> -> memref<8x128xi32, #tpu.memory_space<vmem>>
    %dma_start3A_13 = arith.constant 0 : i32
    %dma_start3A_14 = tpu.memref_slice %arg3[%mul3A_0, %dma_start3A_13] : memref<6400x128xi32, #tpu.memory_space<hbm>> -> memref<8x128xi32, #tpu.memory_space<hbm>>
    tpu.enqueue_dma source(%dma_start3A_14 : memref<8x128xi32, #tpu.memory_space<hbm>>) target(%dma_start3A_12 : memref<8x128xi32, #tpu.memory_space<vmem>>) target_semaphore(%arg11 : memref<!tpu.dma_semaphore, #tpu.memory_space<semaphore_mem>>)
    %dma_start3A_15 = arith.constant 0 : i32
    %dma_start3A_16 = arith.constant 0 : i32
    %dma_start3A_17 = arith.constant 0 : i32
    %dma_start3A_18 = tpu.memref_slice %arg9[%dma_start3A_15, %dma_start3A_16, %dma_start3A_17] : memref<3x8x128xi32, #tpu.memory_space<vmem>> -> memref<1x8x128xi32, #tpu.memory_space<vmem>>
    %dma_start3A_19 = tpu.memref_squeeze %dma_start3A_18 : memref<1x8x128xi32, #tpu.memory_space<vmem>> -> memref<8x128xi32, #tpu.memory_space<vmem>>
    %dma_start3A_20 = arith.constant 0 : i32
    %dma_start3A_21 = tpu.memref_slice %arg4[%mul3A_0, %dma_start3A_20] : memref<6400x128xi32, #tpu.memory_space<hbm>> -> memref<8x128xi32, #tpu.memory_space<hbm>>
    %dma_start3A_22 = arith.constant 0 : i32
    %dma_start3A_23 = arith.constant 0 : i32
    %dma_start3A_24 = tpu.memref_slice %arg9[%dma_start3A_15, %dma_start3A_22, %dma_start3A_23] : memref<3x8x128xi32, #tpu.memory_space<vmem>> -> memref<1x8x128xi32, #tpu.memory_space<vmem>>
    %dma_start3A_25 = tpu.memref_squeeze %dma_start3A_24 : memref<1x8x128xi32, #tpu.memory_space<vmem>> -> memref<8x128xi32, #tpu.memory_space<vmem>>
    %dma_start3A_26 = arith.constant 0 : i32
    %dma_start3A_27 = tpu.memref_slice %arg4[%mul3A_0, %dma_start3A_26] : memref<6400x128xi32, #tpu.memory_space<hbm>> -> memref<8x128xi32, #tpu.memory_space<hbm>>
    tpu.enqueue_dma source(%dma_start3A_27 : memref<8x128xi32, #tpu.memory_space<hbm>>) target(%dma_start3A_25 : memref<8x128xi32, #tpu.memory_space<vmem>>) target_semaphore(%arg11 : memref<!tpu.dma_semaphore, #tpu.memory_space<semaphore_mem>>)
    %scan3A = arith.constant 0 : i32
    %scan3A_28 = arith.constant 0 : i32
    %scan3A_29 = arith.constant 50 : i32
    %scan3A_30 = arith.addi %scan3A_28, %scan3A_29 : i32
    %scan3A_31 = arith.constant 1 : i32
    %scan3A_32 = scf.for %scan3A_116 = %scan3A_28 to %scan3A_30 step %scan3A_31 iter_args(%scan3A_117 = %scan3A) -> (i32)  : i32 {
      %rem3A = arith.constant 3 : i32
      %rem3A_118 = arith.remsi %scan3A_116, %rem3A : i32
      %mul3A_119 = arith.constant 8 : i32
      %mul3A_120 = arith.muli %scan3A_116, %mul3A_119 : i32
      %add3A = arith.addi %mul3A_0, %mul3A_120 : i32
      %dma_wait3A_121 = arith.constant 0 : i32
      %dma_wait3A_122 = arith.constant 0 : i32
      %dma_wait3A_123 = tpu.memref_slice %arg8[%rem3A_118, %dma_wait3A_121, %dma_wait3A_122] : memref<3x8x128xi32, #tpu.memory_space<vmem>> -> memref<1x8x128xi32, #tpu.memory_space<vmem>>
      %dma_wait3A_124 = tpu.memref_squeeze %dma_wait3A_123 : memref<1x8x128xi32, #tpu.memory_space<vmem>> -> memref<8x128xi32, #tpu.memory_space<vmem>>
      %dma_wait3A_125 = arith.constant 0 : i32
      %dma_wait3A_126 = tpu.memref_slice %arg3[%add3A, %dma_wait3A_125] : memref<6400x128xi32, #tpu.memory_space<hbm>> -> memref<8x128xi32, #tpu.memory_space<hbm>>
      %dma_wait3A_127 = arith.constant 0 : i32
      %dma_wait3A_128 = arith.constant 0 : i32
      %dma_wait3A_129 = tpu.memref_slice %arg8[%rem3A_118, %dma_wait3A_127, %dma_wait3A_128] : memref<3x8x128xi32, #tpu.memory_space<vmem>> -> memref<1x8x128xi32, #tpu.memory_space<vmem>>
      %dma_wait3A_130 = tpu.memref_squeeze %dma_wait3A_129 : memref<1x8x128xi32, #tpu.memory_space<vmem>> -> memref<8x128xi32, #tpu.memory_space<vmem>>
      %dma_wait3A_131 = arith.constant 0 : i32
      %dma_wait3A_132 = tpu.memref_slice %arg3[%add3A, %dma_wait3A_131] : memref<6400x128xi32, #tpu.memory_space<hbm>> -> memref<8x128xi32, #tpu.memory_space<hbm>>
      tpu.wait_dma2 semaphore(%arg11 : memref<!tpu.dma_semaphore, #tpu.memory_space<semaphore_mem>>) src(%dma_wait3A_132 : memref<8x128xi32, #tpu.memory_space<hbm>>) dst(%dma_wait3A_130 : memref<8x128xi32, #tpu.memory_space<vmem>>)
      %dma_wait3A_133 = arith.constant 0 : i32
      %dma_wait3A_134 = arith.constant 0 : i32
      %dma_wait3A_135 = tpu.memref_slice %arg9[%rem3A_118, %dma_wait3A_133, %dma_wait3A_134] : memref<3x8x128xi32, #tpu.memory_space<vmem>> -> memref<1x8x128xi32, #tpu.memory_space<vmem>>
      %dma_wait3A_136 = tpu.memref_squeeze %dma_wait3A_135 : memref<1x8x128xi32, #tpu.memory_space<vmem>> -> memref<8x128xi32, #tpu.memory_space<vmem>>
      %dma_wait3A_137 = arith.constant 0 : i32
      %dma_wait3A_138 = tpu.memref_slice %arg4[%add3A, %dma_wait3A_137] : memref<6400x128xi32, #tpu.memory_space<hbm>> -> memref<8x128xi32, #tpu.memory_space<hbm>>
      %dma_wait3A_139 = arith.constant 0 : i32
      %dma_wait3A_140 = arith.constant 0 : i32
      %dma_wait3A_141 = tpu.memref_slice %arg9[%rem3A_118, %dma_wait3A_139, %dma_wait3A_140] : memref<3x8x128xi32, #tpu.memory_space<vmem>> -> memref<1x8x128xi32, #tpu.memory_space<vmem>>
      %dma_wait3A_142 = tpu.memref_squeeze %dma_wait3A_141 : memref<1x8x128xi32, #tpu.memory_space<vmem>> -> memref<8x128xi32, #tpu.memory_space<vmem>>
      %dma_wait3A_143 = arith.constant 0 : i32
      %dma_wait3A_144 = tpu.memref_slice %arg4[%add3A, %dma_wait3A_143] : memref<6400x128xi32, #tpu.memory_space<hbm>> -> memref<8x128xi32, #tpu.memory_space<hbm>>
      tpu.wait_dma2 semaphore(%arg11 : memref<!tpu.dma_semaphore, #tpu.memory_space<semaphore_mem>>) src(%dma_wait3A_144 : memref<8x128xi32, #tpu.memory_space<hbm>>) dst(%dma_wait3A_142 : memref<8x128xi32, #tpu.memory_space<vmem>>)
      %add3A_145 = arith.constant 1 : i32
      %add3A_146 = arith.addi %scan3A_116, %add3A_145 : i32
      %lt3A = arith.constant 50 : i32
      %lt3A_147 = arith.cmpi slt, %add3A_146, %lt3A : i32
      %convert_element_type3A = arith.extui %lt3A_147 : i1 to i32
      %cond3A = arith.constant 0 : i32
      %cond3A_148 = arith.cmpi ne, %convert_element_type3A, %cond3A : i32
      scf.if %cond3A_148 {
        %add3A_555 = arith.constant 1 : i32
        %add3A_556 = arith.addi %scan3A_116, %add3A_555 : i32
        %rem3A_557 = arith.constant 3 : i32
        %rem3A_558 = arith.remsi %add3A_556, %rem3A_557 : i32
        %add3A_559 = arith.constant 8 : i32
        %add3A_560 = arith.addi %add3A, %add3A_559 : i32
        %dma_start3A_561 = arith.constant 0 : i32
        %dma_start3A_562 = arith.constant 0 : i32
        %dma_start3A_563 = tpu.memref_slice %arg8[%rem3A_558, %dma_start3A_561, %dma_start3A_562] : memref<3x8x128xi32, #tpu.memory_space<vmem>> -> memref<1x8x128xi32, #tpu.memory_space<vmem>>
        %dma_start3A_564 = tpu.memref_squeeze %dma_start3A_563 : memref<1x8x128xi32, #tpu.memory_space<vmem>> -> memref<8x128xi32, #tpu.memory_space<vmem>>
        %dma_start3A_565 = arith.constant 0 : i32
        %dma_start3A_566 = tpu.memref_slice %arg3[%add3A_560, %dma_start3A_565] : memref<6400x128xi32, #tpu.memory_space<hbm>> -> memref<8x128xi32, #tpu.memory_space<hbm>>
        %dma_start3A_567 = arith.constant 0 : i32
        %dma_start3A_568 = arith.constant 0 : i32
        %dma_start3A_569 = tpu.memref_slice %arg8[%rem3A_558, %dma_start3A_567, %dma_start3A_568] : memref<3x8x128xi32, #tpu.memory_space<vmem>> -> memref<1x8x128xi32, #tpu.memory_space<vmem>>
        %dma_start3A_570 = tpu.memref_squeeze %dma_start3A_569 : memref<1x8x128xi32, #tpu.memory_space<vmem>> -> memref<8x128xi32, #tpu.memory_space<vmem>>
        %dma_start3A_571 = arith.constant 0 : i32
        %dma_start3A_572 = tpu.memref_slice %arg3[%add3A_560, %dma_start3A_571] : memref<6400x128xi32, #tpu.memory_space<hbm>> -> memref<8x128xi32, #tpu.memory_space<hbm>>
        tpu.enqueue_dma source(%dma_start3A_572 : memref<8x128xi32, #tpu.memory_space<hbm>>) target(%dma_start3A_570 : memref<8x128xi32, #tpu.memory_space<vmem>>) target_semaphore(%arg11 : memref<!tpu.dma_semaphore, #tpu.memory_space<semaphore_mem>>)
        %dma_start3A_573 = arith.constant 0 : i32
        %dma_start3A_574 = arith.constant 0 : i32
        %dma_start3A_575 = tpu.memref_slice %arg9[%rem3A_558, %dma_start3A_573, %dma_start3A_574] : memref<3x8x128xi32, #tpu.memory_space<vmem>> -> memref<1x8x128xi32, #tpu.memory_space<vmem>>
        %dma_start3A_576 = tpu.memref_squeeze %dma_start3A_575 : memref<1x8x128xi32, #tpu.memory_space<vmem>> -> memref<8x128xi32, #tpu.memory_space<vmem>>
        %dma_start3A_577 = arith.constant 0 : i32
        %dma_start3A_578 = tpu.memref_slice %arg4[%add3A_560, %dma_start3A_577] : memref<6400x128xi32, #tpu.memory_space<hbm>> -> memref<8x128xi32, #tpu.memory_space<hbm>>
        %dma_start3A_579 = arith.constant 0 : i32
        %dma_start3A_580 = arith.constant 0 : i32
        %dma_start3A_581 = tpu.memref_slice %arg9[%rem3A_558, %dma_start3A_579, %dma_start3A_580] : memref<3x8x128xi32, #tpu.memory_space<vmem>> -> memref<1x8x128xi32, #tpu.memory_space<vmem>>
        %dma_start3A_582 = tpu.memref_squeeze %dma_start3A_581 : memref<1x8x128xi32, #tpu.memory_space<vmem>> -> memref<8x128xi32, #tpu.memory_space<vmem>>
        %dma_start3A_583 = arith.constant 0 : i32
        %dma_start3A_584 = tpu.memref_slice %arg4[%add3A_560, %dma_start3A_583] : memref<6400x128xi32, #tpu.memory_space<hbm>> -> memref<8x128xi32, #tpu.memory_space<hbm>>
        tpu.enqueue_dma source(%dma_start3A_584 : memref<8x128xi32, #tpu.memory_space<hbm>>) target(%dma_start3A_582 : memref<8x128xi32, #tpu.memory_space<vmem>>) target_semaphore(%arg11 : memref<!tpu.dma_semaphore, #tpu.memory_space<semaphore_mem>>)
      } else {
      }
      %gt3A = arith.constant 0 : i32
      %gt3A_149 = arith.cmpi sgt, %scan3A_116, %gt3A : i32
      %convert_element_type3A_150 = arith.extui %gt3A_149 : i1 to i32
      %cond3A_151 = arith.constant 0 : i32
      %cond3A_152 = arith.cmpi ne, %convert_element_type3A_150, %cond3A_151 : i32
      scf.if %cond3A_152 {
        %dma_wait3A_555 = arith.constant 0 : i32
        %dma_wait3A_556 = arith.constant 0 : i32
        %dma_wait3A_557 = arith.constant 0 : i32
        %dma_wait3A_558 = arith.constant 0 : i32
        %dma_wait3A_559 = tpu.memref_slice %arg10[%dma_wait3A_555, %dma_wait3A_557, %dma_wait3A_558] : memref<6x128x32xf32, #tpu.memory_space<vmem>> -> memref<1x128x32xf32, #tpu.memory_space<vmem>>
        %dma_wait3A_560 = tpu.memref_squeeze %dma_wait3A_559 : memref<1x128x32xf32, #tpu.memory_space<vmem>> -> memref<128x32xf32, #tpu.memory_space<vmem>>
        %dma_wait3A_561 = arith.constant 0 : i32
        %dma_wait3A_562 = tpu.memref_slice %arg9[%rem3A_118, %dma_wait3A_556, %dma_wait3A_561] : memref<3x8x128xi32, #tpu.memory_space<vmem>> -> memref<1x1x128xi32, #tpu.memory_space<vmem>>
        %dma_wait3A_563 = tpu.memref_squeeze %dma_wait3A_562 : memref<1x1x128xi32, #tpu.memory_space<vmem>> -> memref<128xi32, #tpu.memory_space<vmem>>
        %dma_wait3A_564 = arith.constant 0 : i32
        %dma_wait3A_565 = arith.constant 0 : i32
        %dma_wait3A_566 = tpu.memref_slice %arg7[%dma_wait3A_564, %dma_wait3A_565] : memref<50016x32xf32, #tpu.memory_space<vmem_shared>> -> memref<50016x32xf32, #tpu.memory_space<vmem_shared>>
        tpu.wait_indirect_dma semaphore(%arg18 : memref<!tpu.dma_semaphore, #tpu.memory_space<semaphore_mem>>) src(%dma_wait3A_560 : memref<128x32xf32, #tpu.memory_space<vmem>>) dst(%dma_wait3A_566 : memref<50016x32xf32, #tpu.memory_space<vmem_shared>>)
      } else {
      }
      %dma_start3A_153 = arith.constant 0 : i32
      %dma_start3A_154 = arith.constant 0 : i32
      %dma_start3A_155 = arith.constant 0 : i32
      %dma_start3A_156 = arith.constant 0 : i32
      %dma_start3A_157 = tpu.memref_slice %arg10[%dma_start3A_154, %dma_start3A_155, %dma_start3A_156] : memref<6x128x32xf32, #tpu.memory_space<vmem>> -> memref<1x128x32xf32, #tpu.memory_space<vmem>>
      %dma_start3A_158 = tpu.memref_squeeze %dma_start3A_157 : memref<1x128x32xf32, #tpu.memory_space<vmem>> -> memref<128x32xf32, #tpu.memory_space<vmem>>
      %dma_start3A_159 = arith.constant 0 : i32
      %dma_start3A_160 = tpu.memref_slice %arg8[%rem3A_118, %dma_start3A_153, %dma_start3A_159] : memref<3x8x128xi32, #tpu.memory_space<vmem>> -> memref<1x1x128xi32, #tpu.memory_space<vmem>>
      %dma_start3A_161 = tpu.memref_squeeze %dma_start3A_160 : memref<1x1x128xi32, #tpu.memory_space<vmem>> -> memref<128xi32, #tpu.memory_space<vmem>>
      %dma_start3A_162 = arith.constant 0 : i32
      %dma_start3A_163 = arith.constant 0 : i32
      %dma_start3A_164 = tpu.memref_slice %arg2[%arg0, %dma_start3A_162, %dma_start3A_163] : memref<2x50000x32xf32, #tpu.memory_space<hbm>> -> memref<1x50000x32xf32, #tpu.memory_space<hbm>>
      %dma_start3A_165 = tpu.memref_squeeze %dma_start3A_164 : memref<1x50000x32xf32, #tpu.memory_space<hbm>> -> memref<50000x32xf32, #tpu.memory_space<hbm>>
      %dma_start3A_166 = arith.constant 0 : i32
      %dma_start3A_167 = arith.constant 0 : i32
      %dma_start3A_168 = tpu.memref_slice %dma_start3A_165[%dma_start3A_166, %dma_start3A_167] : memref<50000x32xf32, #tpu.memory_space<hbm>> -> memref<50000x32xf32, #tpu.memory_space<hbm>>
      tpu.enqueue_indirect_dma source(%dma_start3A_168 : memref<50000x32xf32, #tpu.memory_space<hbm>>) target(%dma_start3A_158 : memref<128x32xf32, #tpu.memory_space<vmem>>) offsets(%dma_start3A_161 : memref<128xi32, #tpu.memory_space<vmem>>) semaphore(%arg12 : memref<!tpu.dma_semaphore, #tpu.memory_space<semaphore_mem>>)
      %gt3A_169 = arith.constant 0 : i32
      %gt3A_170 = arith.cmpi sgt, %scan3A_116, %gt3A_169 : i32
      %convert_element_type3A_171 = arith.extui %gt3A_170 : i1 to i32
      %cond3A_172 = arith.constant 0 : i32
      %cond3A_173 = arith.cmpi ne, %convert_element_type3A_171, %cond3A_172 : i32
      scf.if %cond3A_173 {
        %dma_wait3A_555 = arith.constant 1 : i32
        %dma_wait3A_556 = arith.constant 1 : i32
        %dma_wait3A_557 = arith.constant 0 : i32
        %dma_wait3A_558 = arith.constant 0 : i32
        %dma_wait3A_559 = tpu.memref_slice %arg10[%dma_wait3A_555, %dma_wait3A_557, %dma_wait3A_558] : memref<6x128x32xf32, #tpu.memory_space<vmem>> -> memref<1x128x32xf32, #tpu.memory_space<vmem>>
        %dma_wait3A_560 = tpu.memref_squeeze %dma_wait3A_559 : memref<1x128x32xf32, #tpu.memory_space<vmem>> -> memref<128x32xf32, #tpu.memory_space<vmem>>
        %dma_wait3A_561 = arith.constant 0 : i32
        %dma_wait3A_562 = tpu.memref_slice %arg9[%rem3A_118, %dma_wait3A_556, %dma_wait3A_561] : memref<3x8x128xi32, #tpu.memory_space<vmem>> -> memref<1x1x128xi32, #tpu.memory_space<vmem>>
        %dma_wait3A_563 = tpu.memref_squeeze %dma_wait3A_562 : memref<1x1x128xi32, #tpu.memory_space<vmem>> -> memref<128xi32, #tpu.memory_space<vmem>>
        %dma_wait3A_564 = arith.constant 0 : i32
        %dma_wait3A_565 = arith.constant 0 : i32
        %dma_wait3A_566 = tpu.memref_slice %arg7[%dma_wait3A_564, %dma_wait3A_565] : memref<50016x32xf32, #tpu.memory_space<vmem_shared>> -> memref<50016x32xf32, #tpu.memory_space<vmem_shared>>
        tpu.wait_indirect_dma semaphore(%arg19 : memref<!tpu.dma_semaphore, #tpu.memory_space<semaphore_mem>>) src(%dma_wait3A_560 : memref<128x32xf32, #tpu.memory_space<vmem>>) dst(%dma_wait3A_566 : memref<50016x32xf32, #tpu.memory_space<vmem_shared>>)
      } else {
      }
      %dma_start3A_174 = arith.constant 1 : i32
      %dma_start3A_175 = arith.constant 1 : i32
      %dma_start3A_176 = arith.constant 0 : i32
      %dma_start3A_177 = arith.constant 0 : i32
      %dma_start3A_178 = tpu.memref_slice %arg10[%dma_start3A_175, %dma_start3A_176, %dma_start3A_177] : memref<6x128x32xf32, #tpu.memory_space<vmem>> -> memref<1x128x32xf32, #tpu.memory_space<vmem>>
      %dma_start3A_179 = tpu.memref_squeeze %dma_start3A_178 : memref<1x128x32xf32, #tpu.memory_space<vmem>> -> memref<128x32xf32, #tpu.memory_space<vmem>>
      %dma_start3A_180 = arith.constant 0 : i32
      %dma_start3A_181 = tpu.memref_slice %arg8[%rem3A_118, %dma_start3A_174, %dma_start3A_180] : memref<3x8x128xi32, #tpu.memory_space<vmem>> -> memref<1x1x128xi32, #tpu.memory_space<vmem>>
      %dma_start3A_182 = tpu.memref_squeeze %dma_start3A_181 : memref<1x1x128xi32, #tpu.memory_space<vmem>> -> memref<128xi32, #tpu.memory_space<vmem>>
      %dma_start3A_183 = arith.constant 0 : i32
      %dma_start3A_184 = arith.constant 0 : i32
      %dma_start3A_185 = tpu.memref_slice %arg2[%arg0, %dma_start3A_183, %dma_start3A_184] : memref<2x50000x32xf32, #tpu.memory_space<hbm>> -> memref<1x50000x32xf32, #tpu.memory_space<hbm>>
      %dma_start3A_186 = tpu.memref_squeeze %dma_start3A_185 : memref<1x50000x32xf32, #tpu.memory_space<hbm>> -> memref<50000x32xf32, #tpu.memory_space<hbm>>
      %dma_start3A_187 = arith.constant 0 : i32
      %dma_start3A_188 = arith.constant 0 : i32
      %dma_start3A_189 = tpu.memref_slice %dma_start3A_186[%dma_start3A_187, %dma_start3A_188] : memref<50000x32xf32, #tpu.memory_space<hbm>> -> memref<50000x32xf32, #tpu.memory_space<hbm>>
      tpu.enqueue_indirect_dma source(%dma_start3A_189 : memref<50000x32xf32, #tpu.memory_space<hbm>>) target(%dma_start3A_179 : memref<128x32xf32, #tpu.memory_space<vmem>>) offsets(%dma_start3A_182 : memref<128xi32, #tpu.memory_space<vmem>>) semaphore(%arg13 : memref<!tpu.dma_semaphore, #tpu.memory_space<semaphore_mem>>)
      %gt3A_190 = arith.constant 0 : i32
      %gt3A_191 = arith.cmpi sgt, %scan3A_116, %gt3A_190 : i32
      %convert_element_type3A_192 = arith.extui %gt3A_191 : i1 to i32
      %cond3A_193 = arith.constant 0 : i32
      %cond3A_194 = arith.cmpi ne, %convert_element_type3A_192, %cond3A_193 : i32
      scf.if %cond3A_194 {
        %dma_wait3A_555 = arith.constant 2 : i32
        %dma_wait3A_556 = arith.constant 2 : i32
        %dma_wait3A_557 = arith.constant 0 : i32
        %dma_wait3A_558 = arith.constant 0 : i32
        %dma_wait3A_559 = tpu.memref_slice %arg10[%dma_wait3A_555, %dma_wait3A_557, %dma_wait3A_558] : memref<6x128x32xf32, #tpu.memory_space<vmem>> -> memref<1x128x32xf32, #tpu.memory_space<vmem>>
        %dma_wait3A_560 = tpu.memref_squeeze %dma_wait3A_559 : memref<1x128x32xf32, #tpu.memory_space<vmem>> -> memref<128x32xf32, #tpu.memory_space<vmem>>
        %dma_wait3A_561 = arith.constant 0 : i32
        %dma_wait3A_562 = tpu.memref_slice %arg9[%rem3A_118, %dma_wait3A_556, %dma_wait3A_561] : memref<3x8x128xi32, #tpu.memory_space<vmem>> -> memref<1x1x128xi32, #tpu.memory_space<vmem>>
        %dma_wait3A_563 = tpu.memref_squeeze %dma_wait3A_562 : memref<1x1x128xi32, #tpu.memory_space<vmem>> -> memref<128xi32, #tpu.memory_space<vmem>>
        %dma_wait3A_564 = arith.constant 0 : i32
        %dma_wait3A_565 = arith.constant 0 : i32
        %dma_wait3A_566 = tpu.memref_slice %arg7[%dma_wait3A_564, %dma_wait3A_565] : memref<50016x32xf32, #tpu.memory_space<vmem_shared>> -> memref<50016x32xf32, #tpu.memory_space<vmem_shared>>
        tpu.wait_indirect_dma semaphore(%arg20 : memref<!tpu.dma_semaphore, #tpu.memory_space<semaphore_mem>>) src(%dma_wait3A_560 : memref<128x32xf32, #tpu.memory_space<vmem>>) dst(%dma_wait3A_566 : memref<50016x32xf32, #tpu.memory_space<vmem_shared>>)
      } else {
      }
      %dma_start3A_195 = arith.constant 2 : i32
      %dma_start3A_196 = arith.constant 2 : i32
      %dma_start3A_197 = arith.constant 0 : i32
      %dma_start3A_198 = arith.constant 0 : i32
      %dma_start3A_199 = tpu.memref_slice %arg10[%dma_start3A_196, %dma_start3A_197, %dma_start3A_198] : memref<6x128x32xf32, #tpu.memory_space<vmem>> -> memref<1x128x32xf32, #tpu.memory_space<vmem>>
      %dma_start3A_200 = tpu.memref_squeeze %dma_start3A_199 : memref<1x128x32xf32, #tpu.memory_space<vmem>> -> memref<128x32xf32, #tpu.memory_space<vmem>>
      %dma_start3A_201 = arith.constant 0 : i32
      %dma_start3A_202 = tpu.memref_slice %arg8[%rem3A_118, %dma_start3A_195, %dma_start3A_201] : memref<3x8x128xi32, #tpu.memory_space<vmem>> -> memref<1x1x128xi32, #tpu.memory_space<vmem>>
      %dma_start3A_203 = tpu.memref_squeeze %dma_start3A_202 : memref<1x1x128xi32, #tpu.memory_space<vmem>> -> memref<128xi32, #tpu.memory_space<vmem>>
      %dma_start3A_204 = arith.constant 0 : i32
      %dma_start3A_205 = arith.constant 0 : i32
      %dma_start3A_206 = tpu.memref_slice %arg2[%arg0, %dma_start3A_204, %dma_start3A_205] : memref<2x50000x32xf32, #tpu.memory_space<hbm>> -> memref<1x50000x32xf32, #tpu.memory_space<hbm>>
      %dma_start3A_207 = tpu.memref_squeeze %dma_start3A_206 : memref<1x50000x32xf32, #tpu.memory_space<hbm>> -> memref<50000x32xf32, #tpu.memory_space<hbm>>
      %dma_start3A_208 = arith.constant 0 : i32
      %dma_start3A_209 = arith.constant 0 : i32
      %dma_start3A_210 = tpu.memref_slice %dma_start3A_207[%dma_start3A_208, %dma_start3A_209] : memref<50000x32xf32, #tpu.memory_space<hbm>> -> memref<50000x32xf32, #tpu.memory_space<hbm>>
      tpu.enqueue_indirect_dma source(%dma_start3A_210 : memref<50000x32xf32, #tpu.memory_space<hbm>>) target(%dma_start3A_200 : memref<128x32xf32, #tpu.memory_space<vmem>>) offsets(%dma_start3A_203 : memref<128xi32, #tpu.memory_space<vmem>>) semaphore(%arg14 : memref<!tpu.dma_semaphore, #tpu.memory_space<semaphore_mem>>)
      %gt3A_211 = arith.constant 0 : i32
      %gt3A_212 = arith.cmpi sgt, %scan3A_116, %gt3A_211 : i32
      %convert_element_type3A_213 = arith.extui %gt3A_212 : i1 to i32
      %cond3A_214 = arith.constant 0 : i32
      %cond3A_215 = arith.cmpi ne, %convert_element_type3A_213, %cond3A_214 : i32
      scf.if %cond3A_215 {
        %dma_wait3A_555 = arith.constant 3 : i32
        %dma_wait3A_556 = arith.constant 3 : i32
        %dma_wait3A_557 = arith.constant 0 : i32
        %dma_wait3A_558 = arith.constant 0 : i32
        %dma_wait3A_559 = tpu.memref_slice %arg10[%dma_wait3A_555, %dma_wait3A_557, %dma_wait3A_558] : memref<6x128x32xf32, #tpu.memory_space<vmem>> -> memref<1x128x32xf32, #tpu.memory_space<vmem>>
        %dma_wait3A_560 = tpu.memref_squeeze %dma_wait3A_559 : memref<1x128x32xf32, #tpu.memory_space<vmem>> -> memref<128x32xf32, #tpu.memory_space<vmem>>
        %dma_wait3A_561 = arith.constant 0 : i32
        %dma_wait3A_562 = tpu.memref_slice %arg9[%rem3A_118, %dma_wait3A_556, %dma_wait3A_561] : memref<3x8x128xi32, #tpu.memory_space<vmem>> -> memref<1x1x128xi32, #tpu.memory_space<vmem>>
        %dma_wait3A_563 = tpu.memref_squeeze %dma_wait3A_562 : memref<1x1x128xi32, #tpu.memory_space<vmem>> -> memref<128xi32, #tpu.memory_space<vmem>>
        %dma_wait3A_564 = arith.constant 0 : i32
        %dma_wait3A_565 = arith.constant 0 : i32
        %dma_wait3A_566 = tpu.memref_slice %arg7[%dma_wait3A_564, %dma_wait3A_565] : memref<50016x32xf32, #tpu.memory_space<vmem_shared>> -> memref<50016x32xf32, #tpu.memory_space<vmem_shared>>
        tpu.wait_indirect_dma semaphore(%arg21 : memref<!tpu.dma_semaphore, #tpu.memory_space<semaphore_mem>>) src(%dma_wait3A_560 : memref<128x32xf32, #tpu.memory_space<vmem>>) dst(%dma_wait3A_566 : memref<50016x32xf32, #tpu.memory_space<vmem_shared>>)
      } else {
      }
      %dma_start3A_216 = arith.constant 3 : i32
      %dma_start3A_217 = arith.constant 3 : i32
      %dma_start3A_218 = arith.constant 0 : i32
      %dma_start3A_219 = arith.constant 0 : i32
      %dma_start3A_220 = tpu.memref_slice %arg10[%dma_start3A_217, %dma_start3A_218, %dma_start3A_219] : memref<6x128x32xf32, #tpu.memory_space<vmem>> -> memref<1x128x32xf32, #tpu.memory_space<vmem>>
      %dma_start3A_221 = tpu.memref_squeeze %dma_start3A_220 : memref<1x128x32xf32, #tpu.memory_space<vmem>> -> memref<128x32xf32, #tpu.memory_space<vmem>>
      %dma_start3A_222 = arith.constant 0 : i32
      %dma_start3A_223 = tpu.memref_slice %arg8[%rem3A_118, %dma_start3A_216, %dma_start3A_222] : memref<3x8x128xi32, #tpu.memory_space<vmem>> -> memref<1x1x128xi32, #tpu.memory_space<vmem>>
      %dma_start3A_224 = tpu.memref_squeeze %dma_start3A_223 : memref<1x1x128xi32, #tpu.memory_space<vmem>> -> memref<128xi32, #tpu.memory_space<vmem>>
      %dma_start3A_225 = arith.constant 0 : i32
      %dma_start3A_226 = arith.constant 0 : i32
      %dma_start3A_227 = tpu.memref_slice %arg2[%arg0, %dma_start3A_225, %dma_start3A_226] : memref<2x50000x32xf32, #tpu.memory_space<hbm>> -> memref<1x50000x32xf32, #tpu.memory_space<hbm>>
      %dma_start3A_228 = tpu.memref_squeeze %dma_start3A_227 : memref<1x50000x32xf32, #tpu.memory_space<hbm>> -> memref<50000x32xf32, #tpu.memory_space<hbm>>
      %dma_start3A_229 = arith.constant 0 : i32
      %dma_start3A_230 = arith.constant 0 : i32
      %dma_start3A_231 = tpu.memref_slice %dma_start3A_228[%dma_start3A_229, %dma_start3A_230] : memref<50000x32xf32, #tpu.memory_space<hbm>> -> memref<50000x32xf32, #tpu.memory_space<hbm>>
      tpu.enqueue_indirect_dma source(%dma_start3A_231 : memref<50000x32xf32, #tpu.memory_space<hbm>>) target(%dma_start3A_221 : memref<128x32xf32, #tpu.memory_space<vmem>>) offsets(%dma_start3A_224 : memref<128xi32, #tpu.memory_space<vmem>>) semaphore(%arg15 : memref<!tpu.dma_semaphore, #tpu.memory_space<semaphore_mem>>)
      %dma_wait3A_232 = arith.constant 0 : i32
      %dma_wait3A_233 = arith.constant 0 : i32
      %dma_wait3A_234 = arith.constant 0 : i32
      %dma_wait3A_235 = arith.constant 0 : i32
      %dma_wait3A_236 = tpu.memref_slice %arg10[%dma_wait3A_233, %dma_wait3A_234, %dma_wait3A_235] : memref<6x128x32xf32, #tpu.memory_space<vmem>> -> memref<1x128x32xf32, #tpu.memory_space<vmem>>
      %dma_wait3A_237 = tpu.memref_squeeze %dma_wait3A_236 : memref<1x128x32xf32, #tpu.memory_space<vmem>> -> memref<128x32xf32, #tpu.memory_space<vmem>>
      %dma_wait3A_238 = arith.constant 0 : i32
      %dma_wait3A_239 = tpu.memref_slice %arg8[%rem3A_118, %dma_wait3A_232, %dma_wait3A_238] : memref<3x8x128xi32, #tpu.memory_space<vmem>> -> memref<1x1x128xi32, #tpu.memory_space<vmem>>
      %dma_wait3A_240 = tpu.memref_squeeze %dma_wait3A_239 : memref<1x1x128xi32, #tpu.memory_space<vmem>> -> memref<128xi32, #tpu.memory_space<vmem>>
      %dma_wait3A_241 = arith.constant 0 : i32
      %dma_wait3A_242 = arith.constant 0 : i32
      %dma_wait3A_243 = tpu.memref_slice %arg2[%arg0, %dma_wait3A_241, %dma_wait3A_242] : memref<2x50000x32xf32, #tpu.memory_space<hbm>> -> memref<1x50000x32xf32, #tpu.memory_space<hbm>>
      %dma_wait3A_244 = tpu.memref_squeeze %dma_wait3A_243 : memref<1x50000x32xf32, #tpu.memory_space<hbm>> -> memref<50000x32xf32, #tpu.memory_space<hbm>>
      %dma_wait3A_245 = arith.constant 0 : i32
      %dma_wait3A_246 = arith.constant 0 : i32
      %dma_wait3A_247 = tpu.memref_slice %dma_wait3A_244[%dma_wait3A_245, %dma_wait3A_246] : memref<50000x32xf32, #tpu.memory_space<hbm>> -> memref<50000x32xf32, #tpu.memory_space<hbm>>
      tpu.wait_indirect_dma semaphore(%arg12 : memref<!tpu.dma_semaphore, #tpu.memory_space<semaphore_mem>>) src(%dma_wait3A_247 : memref<50000x32xf32, #tpu.memory_space<hbm>>) dst(%dma_wait3A_237 : memref<128x32xf32, #tpu.memory_space<vmem>>)
      %dma_start3A_248 = arith.constant 0 : i32
      %dma_start3A_249 = arith.constant 0 : i32
      %dma_start3A_250 = arith.constant 0 : i32
      %dma_start3A_251 = arith.constant 0 : i32
      %dma_start3A_252 = tpu.memref_slice %arg10[%dma_start3A_248, %dma_start3A_250, %dma_start3A_251] : memref<6x128x32xf32, #tpu.memory_space<vmem>> -> memref<1x128x32xf32, #tpu.memory_space<vmem>>
      %dma_start3A_253 = tpu.memref_squeeze %dma_start3A_252 : memref<1x128x32xf32, #tpu.memory_space<vmem>> -> memref<128x32xf32, #tpu.memory_space<vmem>>
      %dma_start3A_254 = arith.constant 0 : i32
      %dma_start3A_255 = tpu.memref_slice %arg9[%rem3A_118, %dma_start3A_249, %dma_start3A_254] : memref<3x8x128xi32, #tpu.memory_space<vmem>> -> memref<1x1x128xi32, #tpu.memory_space<vmem>>
      %dma_start3A_256 = tpu.memref_squeeze %dma_start3A_255 : memref<1x1x128xi32, #tpu.memory_space<vmem>> -> memref<128xi32, #tpu.memory_space<vmem>>
      %dma_start3A_257 = arith.constant 0 : i32
      %dma_start3A_258 = arith.constant 0 : i32
      %dma_start3A_259 = tpu.memref_slice %arg7[%dma_start3A_257, %dma_start3A_258] : memref<50016x32xf32, #tpu.memory_space<vmem_shared>> -> memref<50016x32xf32, #tpu.memory_space<vmem_shared>>
      tpu.enqueue_indirect_dma source(%dma_start3A_253 : memref<128x32xf32, #tpu.memory_space<vmem>>) target(%dma_start3A_259 : memref<50016x32xf32, #tpu.memory_space<vmem_shared>>) offsets(%dma_start3A_256 : memref<128xi32, #tpu.memory_space<vmem>>) semaphore(%arg18 : memref<!tpu.dma_semaphore, #tpu.memory_space<semaphore_mem>>) {add = true}
      %gt3A_260 = arith.constant 0 : i32
      %gt3A_261 = arith.cmpi sgt, %scan3A_116, %gt3A_260 : i32
      %convert_element_type3A_262 = arith.extui %gt3A_261 : i1 to i32
      %cond3A_263 = arith.constant 0 : i32
      %cond3A_264 = arith.cmpi ne, %convert_element_type3A_262, %cond3A_263 : i32
      scf.if %cond3A_264 {
        %dma_wait3A_555 = arith.constant 4 : i32
        %dma_wait3A_556 = arith.constant 4 : i32
        %dma_wait3A_557 = arith.constant 0 : i32
        %dma_wait3A_558 = arith.constant 0 : i32
        %dma_wait3A_559 = tpu.memref_slice %arg10[%dma_wait3A_555, %dma_wait3A_557, %dma_wait3A_558] : memref<6x128x32xf32, #tpu.memory_space<vmem>> -> memref<1x128x32xf32, #tpu.memory_space<vmem>>
        %dma_wait3A_560 = tpu.memref_squeeze %dma_wait3A_559 : memref<1x128x32xf32, #tpu.memory_space<vmem>> -> memref<128x32xf32, #tpu.memory_space<vmem>>
        %dma_wait3A_561 = arith.constant 0 : i32
        %dma_wait3A_562 = tpu.memref_slice %arg9[%rem3A_118, %dma_wait3A_556, %dma_wait3A_561] : memref<3x8x128xi32, #tpu.memory_space<vmem>> -> memref<1x1x128xi32, #tpu.memory_space<vmem>>
        %dma_wait3A_563 = tpu.memref_squeeze %dma_wait3A_562 : memref<1x1x128xi32, #tpu.memory_space<vmem>> -> memref<128xi32, #tpu.memory_space<vmem>>
        %dma_wait3A_564 = arith.constant 0 : i32
        %dma_wait3A_565 = arith.constant 0 : i32
        %dma_wait3A_566 = tpu.memref_slice %arg7[%dma_wait3A_564, %dma_wait3A_565] : memref<50016x32xf32, #tpu.memory_space<vmem_shared>> -> memref<50016x32xf32, #tpu.memory_space<vmem_shared>>
        tpu.wait_indirect_dma semaphore(%arg22 : memref<!tpu.dma_semaphore, #tpu.memory_space<semaphore_mem>>) src(%dma_wait3A_560 : memref<128x32xf32, #tpu.memory_space<vmem>>) dst(%dma_wait3A_566 : memref<50016x32xf32, #tpu.memory_space<vmem_shared>>)
      } else {
      }
      %dma_start3A_265 = arith.constant 4 : i32
      %dma_start3A_266 = arith.constant 4 : i32
      %dma_start3A_267 = arith.constant 0 : i32
      %dma_start3A_268 = arith.constant 0 : i32
      %dma_start3A_269 = tpu.memref_slice %arg10[%dma_start3A_266, %dma_start3A_267, %dma_start3A_268] : memref<6x128x32xf32, #tpu.memory_space<vmem>> -> memref<1x128x32xf32, #tpu.memory_space<vmem>>
      %dma_start3A_270 = tpu.memref_squeeze %dma_start3A_269 : memref<1x128x32xf32, #tpu.memory_space<vmem>> -> memref<128x32xf32, #tpu.memory_space<vmem>>
      %dma_start3A_271 = arith.constant 0 : i32
      %dma_start3A_272 = tpu.memref_slice %arg8[%rem3A_118, %dma_start3A_265, %dma_start3A_271] : memref<3x8x128xi32, #tpu.memory_space<vmem>> -> memref<1x1x128xi32, #tpu.memory_space<vmem>>
      %dma_start3A_273 = tpu.memref_squeeze %dma_start3A_272 : memref<1x1x128xi32, #tpu.memory_space<vmem>> -> memref<128xi32, #tpu.memory_space<vmem>>
      %dma_start3A_274 = arith.constant 0 : i32
      %dma_start3A_275 = arith.constant 0 : i32
      %dma_start3A_276 = tpu.memref_slice %arg2[%arg0, %dma_start3A_274, %dma_start3A_275] : memref<2x50000x32xf32, #tpu.memory_space<hbm>> -> memref<1x50000x32xf32, #tpu.memory_space<hbm>>
      %dma_start3A_277 = tpu.memref_squeeze %dma_start3A_276 : memref<1x50000x32xf32, #tpu.memory_space<hbm>> -> memref<50000x32xf32, #tpu.memory_space<hbm>>
      %dma_start3A_278 = arith.constant 0 : i32
      %dma_start3A_279 = arith.constant 0 : i32
      %dma_start3A_280 = tpu.memref_slice %dma_start3A_277[%dma_start3A_278, %dma_start3A_279] : memref<50000x32xf32, #tpu.memory_space<hbm>> -> memref<50000x32xf32, #tpu.memory_space<hbm>>
      tpu.enqueue_indirect_dma source(%dma_start3A_280 : memref<50000x32xf32, #tpu.memory_space<hbm>>) target(%dma_start3A_270 : memref<128x32xf32, #tpu.memory_space<vmem>>) offsets(%dma_start3A_273 : memref<128xi32, #tpu.memory_space<vmem>>) semaphore(%arg16 : memref<!tpu.dma_semaphore, #tpu.memory_space<semaphore_mem>>)
      %dma_wait3A_281 = arith.constant 1 : i32
      %dma_wait3A_282 = arith.constant 1 : i32
      %dma_wait3A_283 = arith.constant 0 : i32
      %dma_wait3A_284 = arith.constant 0 : i32
      %dma_wait3A_285 = tpu.memref_slice %arg10[%dma_wait3A_282, %dma_wait3A_283, %dma_wait3A_284] : memref<6x128x32xf32, #tpu.memory_space<vmem>> -> memref<1x128x32xf32, #tpu.memory_space<vmem>>
      %dma_wait3A_286 = tpu.memref_squeeze %dma_wait3A_285 : memref<1x128x32xf32, #tpu.memory_space<vmem>> -> memref<128x32xf32, #tpu.memory_space<vmem>>
      %dma_wait3A_287 = arith.constant 0 : i32
      %dma_wait3A_288 = tpu.memref_slice %arg8[%rem3A_118, %dma_wait3A_281, %dma_wait3A_287] : memref<3x8x128xi32, #tpu.memory_space<vmem>> -> memref<1x1x128xi32, #tpu.memory_space<vmem>>
      %dma_wait3A_289 = tpu.memref_squeeze %dma_wait3A_288 : memref<1x1x128xi32, #tpu.memory_space<vmem>> -> memref<128xi32, #tpu.memory_space<vmem>>
      %dma_wait3A_290 = arith.constant 0 : i32
      %dma_wait3A_291 = arith.constant 0 : i32
      %dma_wait3A_292 = tpu.memref_slice %arg2[%arg0, %dma_wait3A_290, %dma_wait3A_291] : memref<2x50000x32xf32, #tpu.memory_space<hbm>> -> memref<1x50000x32xf32, #tpu.memory_space<hbm>>
      %dma_wait3A_293 = tpu.memref_squeeze %dma_wait3A_292 : memref<1x50000x32xf32, #tpu.memory_space<hbm>> -> memref<50000x32xf32, #tpu.memory_space<hbm>>
      %dma_wait3A_294 = arith.constant 0 : i32
      %dma_wait3A_295 = arith.constant 0 : i32
      %dma_wait3A_296 = tpu.memref_slice %dma_wait3A_293[%dma_wait3A_294, %dma_wait3A_295] : memref<50000x32xf32, #tpu.memory_space<hbm>> -> memref<50000x32xf32, #tpu.memory_space<hbm>>
      tpu.wait_indirect_dma semaphore(%arg13 : memref<!tpu.dma_semaphore, #tpu.memory_space<semaphore_mem>>) src(%dma_wait3A_296 : memref<50000x32xf32, #tpu.memory_space<hbm>>) dst(%dma_wait3A_286 : memref<128x32xf32, #tpu.memory_space<vmem>>)
      %dma_start3A_297 = arith.constant 1 : i32
      %dma_start3A_298 = arith.constant 1 : i32
      %dma_start3A_299 = arith.constant 0 : i32
      %dma_start3A_300 = arith.constant 0 : i32
      %dma_start3A_301 = tpu.memref_slice %arg10[%dma_start3A_297, %dma_start3A_299, %dma_start3A_300] : memref<6x128x32xf32, #tpu.memory_space<vmem>> -> memref<1x128x32xf32, #tpu.memory_space<vmem>>
      %dma_start3A_302 = tpu.memref_squeeze %dma_start3A_301 : memref<1x128x32xf32, #tpu.memory_space<vmem>> -> memref<128x32xf32, #tpu.memory_space<vmem>>
      %dma_start3A_303 = arith.constant 0 : i32
      %dma_start3A_304 = tpu.memref_slice %arg9[%rem3A_118, %dma_start3A_298, %dma_start3A_303] : memref<3x8x128xi32, #tpu.memory_space<vmem>> -> memref<1x1x128xi32, #tpu.memory_space<vmem>>
      %dma_start3A_305 = tpu.memref_squeeze %dma_start3A_304 : memref<1x1x128xi32, #tpu.memory_space<vmem>> -> memref<128xi32, #tpu.memory_space<vmem>>
      %dma_start3A_306 = arith.constant 0 : i32
      %dma_start3A_307 = arith.constant 0 : i32
      %dma_start3A_308 = tpu.memref_slice %arg7[%dma_start3A_306, %dma_start3A_307] : memref<50016x32xf32, #tpu.memory_space<vmem_shared>> -> memref<50016x32xf32, #tpu.memory_space<vmem_shared>>
      tpu.enqueue_indirect_dma source(%dma_start3A_302 : memref<128x32xf32, #tpu.memory_space<vmem>>) target(%dma_start3A_308 : memref<50016x32xf32, #tpu.memory_space<vmem_shared>>) offsets(%dma_start3A_305 : memref<128xi32, #tpu.memory_space<vmem>>) semaphore(%arg19 : memref<!tpu.dma_semaphore, #tpu.memory_space<semaphore_mem>>) {add = true}
      %gt3A_309 = arith.constant 0 : i32
      %gt3A_310 = arith.cmpi sgt, %scan3A_116, %gt3A_309 : i32
      %convert_element_type3A_311 = arith.extui %gt3A_310 : i1 to i32
      %cond3A_312 = arith.constant 0 : i32
      %cond3A_313 = arith.cmpi ne, %convert_element_type3A_311, %cond3A_312 : i32
      scf.if %cond3A_313 {
        %dma_wait3A_555 = arith.constant 5 : i32
        %dma_wait3A_556 = arith.constant 5 : i32
        %dma_wait3A_557 = arith.constant 0 : i32
        %dma_wait3A_558 = arith.constant 0 : i32
        %dma_wait3A_559 = tpu.memref_slice %arg10[%dma_wait3A_555, %dma_wait3A_557, %dma_wait3A_558] : memref<6x128x32xf32, #tpu.memory_space<vmem>> -> memref<1x128x32xf32, #tpu.memory_space<vmem>>
        %dma_wait3A_560 = tpu.memref_squeeze %dma_wait3A_559 : memref<1x128x32xf32, #tpu.memory_space<vmem>> -> memref<128x32xf32, #tpu.memory_space<vmem>>
        %dma_wait3A_561 = arith.constant 0 : i32
        %dma_wait3A_562 = tpu.memref_slice %arg9[%rem3A_118, %dma_wait3A_556, %dma_wait3A_561] : memref<3x8x128xi32, #tpu.memory_space<vmem>> -> memref<1x1x128xi32, #tpu.memory_space<vmem>>
        %dma_wait3A_563 = tpu.memref_squeeze %dma_wait3A_562 : memref<1x1x128xi32, #tpu.memory_space<vmem>> -> memref<128xi32, #tpu.memory_space<vmem>>
        %dma_wait3A_564 = arith.constant 0 : i32
        %dma_wait3A_565 = arith.constant 0 : i32
        %dma_wait3A_566 = tpu.memref_slice %arg7[%dma_wait3A_564, %dma_wait3A_565] : memref<50016x32xf32, #tpu.memory_space<vmem_shared>> -> memref<50016x32xf32, #tpu.memory_space<vmem_shared>>
        tpu.wait_indirect_dma semaphore(%arg23 : memref<!tpu.dma_semaphore, #tpu.memory_space<semaphore_mem>>) src(%dma_wait3A_560 : memref<128x32xf32, #tpu.memory_space<vmem>>) dst(%dma_wait3A_566 : memref<50016x32xf32, #tpu.memory_space<vmem_shared>>)
      } else {
      }
      %dma_start3A_314 = arith.constant 5 : i32
      %dma_start3A_315 = arith.constant 5 : i32
      %dma_start3A_316 = arith.constant 0 : i32
      %dma_start3A_317 = arith.constant 0 : i32
      %dma_start3A_318 = tpu.memref_slice %arg10[%dma_start3A_315, %dma_start3A_316, %dma_start3A_317] : memref<6x128x32xf32, #tpu.memory_space<vmem>> -> memref<1x128x32xf32, #tpu.memory_space<vmem>>
      %dma_start3A_319 = tpu.memref_squeeze %dma_start3A_318 : memref<1x128x32xf32, #tpu.memory_space<vmem>> -> memref<128x32xf32, #tpu.memory_space<vmem>>
      %dma_start3A_320 = arith.constant 0 : i32
      %dma_start3A_321 = tpu.memref_slice %arg8[%rem3A_118, %dma_start3A_314, %dma_start3A_320] : memref<3x8x128xi32, #tpu.memory_space<vmem>> -> memref<1x1x128xi32, #tpu.memory_space<vmem>>
      %dma_start3A_322 = tpu.memref_squeeze %dma_start3A_321 : memref<1x1x128xi32, #tpu.memory_space<vmem>> -> memref<128xi32, #tpu.memory_space<vmem>>
      %dma_start3A_323 = arith.constant 0 : i32
      %dma_start3A_324 = arith.constant 0 : i32
      %dma_start3A_325 = tpu.memref_slice %arg2[%arg0, %dma_start3A_323, %dma_start3A_324] : memref<2x50000x32xf32, #tpu.memory_space<hbm>> -> memref<1x50000x32xf32, #tpu.memory_space<hbm>>
      %dma_start3A_326 = tpu.memref_squeeze %dma_start3A_325 : memref<1x50000x32xf32, #tpu.memory_space<hbm>> -> memref<50000x32xf32, #tpu.memory_space<hbm>>
      %dma_start3A_327 = arith.constant 0 : i32
      %dma_start3A_328 = arith.constant 0 : i32
      %dma_start3A_329 = tpu.memref_slice %dma_start3A_326[%dma_start3A_327, %dma_start3A_328] : memref<50000x32xf32, #tpu.memory_space<hbm>> -> memref<50000x32xf32, #tpu.memory_space<hbm>>
      tpu.enqueue_indirect_dma source(%dma_start3A_329 : memref<50000x32xf32, #tpu.memory_space<hbm>>) target(%dma_start3A_319 : memref<128x32xf32, #tpu.memory_space<vmem>>) offsets(%dma_start3A_322 : memref<128xi32, #tpu.memory_space<vmem>>) semaphore(%arg17 : memref<!tpu.dma_semaphore, #tpu.memory_space<semaphore_mem>>)
      %dma_wait3A_330 = arith.constant 2 : i32
      %dma_wait3A_331 = arith.constant 2 : i32
      %dma_wait3A_332 = arith.constant 0 : i32
      %dma_wait3A_333 = arith.constant 0 : i32
      %dma_wait3A_334 = tpu.memref_slice %arg10[%dma_wait3A_331, %dma_wait3A_332, %dma_wait3A_333] : memref<6x128x32xf32, #tpu.memory_space<vmem>> -> memref<1x128x32xf32, #tpu.memory_space<vmem>>
      %dma_wait3A_335 = tpu.memref_squeeze %dma_wait3A_334 : memref<1x128x32xf32, #tpu.memory_space<vmem>> -> memref<128x32xf32, #tpu.memory_space<vmem>>
      %dma_wait3A_336 = arith.constant 0 : i32
      %dma_wait3A_337 = tpu.memref_slice %arg8[%rem3A_118, %dma_wait3A_330, %dma_wait3A_336] : memref<3x8x128xi32, #tpu.memory_space<vmem>> -> memref<1x1x128xi32, #tpu.memory_space<vmem>>
      %dma_wait3A_338 = tpu.memref_squeeze %dma_wait3A_337 : memref<1x1x128xi32, #tpu.memory_space<vmem>> -> memref<128xi32, #tpu.memory_space<vmem>>
      %dma_wait3A_339 = arith.constant 0 : i32
      %dma_wait3A_340 = arith.constant 0 : i32
      %dma_wait3A_341 = tpu.memref_slice %arg2[%arg0, %dma_wait3A_339, %dma_wait3A_340] : memref<2x50000x32xf32, #tpu.memory_space<hbm>> -> memref<1x50000x32xf32, #tpu.memory_space<hbm>>
      %dma_wait3A_342 = tpu.memref_squeeze %dma_wait3A_341 : memref<1x50000x32xf32, #tpu.memory_space<hbm>> -> memref<50000x32xf32, #tpu.memory_space<hbm>>
      %dma_wait3A_343 = arith.constant 0 : i32
      %dma_wait3A_344 = arith.constant 0 : i32
      %dma_wait3A_345 = tpu.memref_slice %dma_wait3A_342[%dma_wait3A_343, %dma_wait3A_344] : memref<50000x32xf32, #tpu.memory_space<hbm>> -> memref<50000x32xf32, #tpu.memory_space<hbm>>
      tpu.wait_indirect_dma semaphore(%arg14 : memref<!tpu.dma_semaphore, #tpu.memory_space<semaphore_mem>>) src(%dma_wait3A_345 : memref<50000x32xf32, #tpu.memory_space<hbm>>) dst(%dma_wait3A_335 : memref<128x32xf32, #tpu.memory_space<vmem>>)
      %dma_start3A_346 = arith.constant 2 : i32
      %dma_start3A_347 = arith.constant 2 : i32
      %dma_start3A_348 = arith.constant 0 : i32
      %dma_start3A_349 = arith.constant 0 : i32
      %dma_start3A_350 = tpu.memref_slice %arg10[%dma_start3A_346, %dma_start3A_348, %dma_start3A_349] : memref<6x128x32xf32, #tpu.memory_space<vmem>> -> memref<1x128x32xf32, #tpu.memory_space<vmem>>
      %dma_start3A_351 = tpu.memref_squeeze %dma_start3A_350 : memref<1x128x32xf32, #tpu.memory_space<vmem>> -> memref<128x32xf32, #tpu.memory_space<vmem>>
      %dma_start3A_352 = arith.constant 0 : i32
      %dma_start3A_353 = tpu.memref_slice %arg9[%rem3A_118, %dma_start3A_347, %dma_start3A_352] : memref<3x8x128xi32, #tpu.memory_space<vmem>> -> memref<1x1x128xi32, #tpu.memory_space<vmem>>
      %dma_start3A_354 = tpu.memref_squeeze %dma_start3A_353 : memref<1x1x128xi32, #tpu.memory_space<vmem>> -> memref<128xi32, #tpu.memory_space<vmem>>
      %dma_start3A_355 = arith.constant 0 : i32
      %dma_start3A_356 = arith.constant 0 : i32
      %dma_start3A_357 = tpu.memref_slice %arg7[%dma_start3A_355, %dma_start3A_356] : memref<50016x32xf32, #tpu.memory_space<vmem_shared>> -> memref<50016x32xf32, #tpu.memory_space<vmem_shared>>
      tpu.enqueue_indirect_dma source(%dma_start3A_351 : memref<128x32xf32, #tpu.memory_space<vmem>>) target(%dma_start3A_357 : memref<50016x32xf32, #tpu.memory_space<vmem_shared>>) offsets(%dma_start3A_354 : memref<128xi32, #tpu.memory_space<vmem>>) semaphore(%arg20 : memref<!tpu.dma_semaphore, #tpu.memory_space<semaphore_mem>>) {add = true}
      %dma_wait3A_358 = arith.constant 0 : i32
      %dma_wait3A_359 = arith.constant 0 : i32
      %dma_wait3A_360 = arith.constant 0 : i32
      %dma_wait3A_361 = arith.constant 0 : i32
      %dma_wait3A_362 = tpu.memref_slice %arg10[%dma_wait3A_358, %dma_wait3A_360, %dma_wait3A_361] : memref<6x128x32xf32, #tpu.memory_space<vmem>> -> memref<1x128x32xf32, #tpu.memory_space<vmem>>
      %dma_wait3A_363 = tpu.memref_squeeze %dma_wait3A_362 : memref<1x128x32xf32, #tpu.memory_space<vmem>> -> memref<128x32xf32, #tpu.memory_space<vmem>>
      %dma_wait3A_364 = arith.constant 0 : i32
      %dma_wait3A_365 = tpu.memref_slice %arg9[%rem3A_118, %dma_wait3A_359, %dma_wait3A_364] : memref<3x8x128xi32, #tpu.memory_space<vmem>> -> memref<1x1x128xi32, #tpu.memory_space<vmem>>
      %dma_wait3A_366 = tpu.memref_squeeze %dma_wait3A_365 : memref<1x1x128xi32, #tpu.memory_space<vmem>> -> memref<128xi32, #tpu.memory_space<vmem>>
      %dma_wait3A_367 = arith.constant 0 : i32
      %dma_wait3A_368 = arith.constant 0 : i32
      %dma_wait3A_369 = tpu.memref_slice %arg7[%dma_wait3A_367, %dma_wait3A_368] : memref<50016x32xf32, #tpu.memory_space<vmem_shared>> -> memref<50016x32xf32, #tpu.memory_space<vmem_shared>>
      tpu.wait_indirect_dma semaphore(%arg18 : memref<!tpu.dma_semaphore, #tpu.memory_space<semaphore_mem>>) src(%dma_wait3A_363 : memref<128x32xf32, #tpu.memory_space<vmem>>) dst(%dma_wait3A_369 : memref<50016x32xf32, #tpu.memory_space<vmem_shared>>)
      %dma_start3A_370 = arith.constant 6 : i32
      %dma_start3A_371 = arith.constant 0 : i32
      %dma_start3A_372 = arith.constant 0 : i32
      %dma_start3A_373 = arith.constant 0 : i32
      %dma_start3A_374 = tpu.memref_slice %arg10[%dma_start3A_371, %dma_start3A_372, %dma_start3A_373] : memref<6x128x32xf32, #tpu.memory_space<vmem>> -> memref<1x128x32xf32, #tpu.memory_space<vmem>>
      %dma_start3A_375 = tpu.memref_squeeze %dma_start3A_374 : memref<1x128x32xf32, #tpu.memory_space<vmem>> -> memref<128x32xf32, #tpu.memory_space<vmem>>
      %dma_start3A_376 = arith.constant 0 : i32
      %dma_start3A_377 = tpu.memref_slice %arg8[%rem3A_118, %dma_start3A_370, %dma_start3A_376] : memref<3x8x128xi32, #tpu.memory_space<vmem>> -> memref<1x1x128xi32, #tpu.memory_space<vmem>>
      %dma_start3A_378 = tpu.memref_squeeze %dma_start3A_377 : memref<1x1x128xi32, #tpu.memory_space<vmem>> -> memref<128xi32, #tpu.memory_space<vmem>>
      %dma_start3A_379 = arith.constant 0 : i32
      %dma_start3A_380 = arith.constant 0 : i32
      %dma_start3A_381 = tpu.memref_slice %arg2[%arg0, %dma_start3A_379, %dma_start3A_380] : memref<2x50000x32xf32, #tpu.memory_space<hbm>> -> memref<1x50000x32xf32, #tpu.memory_space<hbm>>
      %dma_start3A_382 = tpu.memref_squeeze %dma_start3A_381 : memref<1x50000x32xf32, #tpu.memory_space<hbm>> -> memref<50000x32xf32, #tpu.memory_space<hbm>>
      %dma_start3A_383 = arith.constant 0 : i32
      %dma_start3A_384 = arith.constant 0 : i32
      %dma_start3A_385 = tpu.memref_slice %dma_start3A_382[%dma_start3A_383, %dma_start3A_384] : memref<50000x32xf32, #tpu.memory_space<hbm>> -> memref<50000x32xf32, #tpu.memory_space<hbm>>
      tpu.enqueue_indirect_dma source(%dma_start3A_385 : memref<50000x32xf32, #tpu.memory_space<hbm>>) target(%dma_start3A_375 : memref<128x32xf32, #tpu.memory_space<vmem>>) offsets(%dma_start3A_378 : memref<128xi32, #tpu.memory_space<vmem>>) semaphore(%arg12 : memref<!tpu.dma_semaphore, #tpu.memory_space<semaphore_mem>>)
      %dma_wait3A_386 = arith.constant 3 : i32
      %dma_wait3A_387 = arith.constant 3 : i32
      %dma_wait3A_388 = arith.constant 0 : i32
      %dma_wait3A_389 = arith.constant 0 : i32
      %dma_wait3A_390 = tpu.memref_slice %arg10[%dma_wait3A_387, %dma_wait3A_388, %dma_wait3A_389] : memref<6x128x32xf32, #tpu.memory_space<vmem>> -> memref<1x128x32xf32, #tpu.memory_space<vmem>>
      %dma_wait3A_391 = tpu.memref_squeeze %dma_wait3A_390 : memref<1x128x32xf32, #tpu.memory_space<vmem>> -> memref<128x32xf32, #tpu.memory_space<vmem>>
      %dma_wait3A_392 = arith.constant 0 : i32
      %dma_wait3A_393 = tpu.memref_slice %arg8[%rem3A_118, %dma_wait3A_386, %dma_wait3A_392] : memref<3x8x128xi32, #tpu.memory_space<vmem>> -> memref<1x1x128xi32, #tpu.memory_space<vmem>>
      %dma_wait3A_394 = tpu.memref_squeeze %dma_wait3A_393 : memref<1x1x128xi32, #tpu.memory_space<vmem>> -> memref<128xi32, #tpu.memory_space<vmem>>
      %dma_wait3A_395 = arith.constant 0 : i32
      %dma_wait3A_396 = arith.constant 0 : i32
      %dma_wait3A_397 = tpu.memref_slice %arg2[%arg0, %dma_wait3A_395, %dma_wait3A_396] : memref<2x50000x32xf32, #tpu.memory_space<hbm>> -> memref<1x50000x32xf32, #tpu.memory_space<hbm>>
      %dma_wait3A_398 = tpu.memref_squeeze %dma_wait3A_397 : memref<1x50000x32xf32, #tpu.memory_space<hbm>> -> memref<50000x32xf32, #tpu.memory_space<hbm>>
      %dma_wait3A_399 = arith.constant 0 : i32
      %dma_wait3A_400 = arith.constant 0 : i32
      %dma_wait3A_401 = tpu.memref_slice %dma_wait3A_398[%dma_wait3A_399, %dma_wait3A_400] : memref<50000x32xf32, #tpu.memory_space<hbm>> -> memref<50000x32xf32, #tpu.memory_space<hbm>>
      tpu.wait_indirect_dma semaphore(%arg15 : memref<!tpu.dma_semaphore, #tpu.memory_space<semaphore_mem>>) src(%dma_wait3A_401 : memref<50000x32xf32, #tpu.memory_space<hbm>>) dst(%dma_wait3A_391 : memref<128x32xf32, #tpu.memory_space<vmem>>)
      %dma_start3A_402 = arith.constant 3 : i32
      %dma_start3A_403 = arith.constant 3 : i32
      %dma_start3A_404 = arith.constant 0 : i32
      %dma_start3A_405 = arith.constant 0 : i32
      %dma_start3A_406 = tpu.memref_slice %arg10[%dma_start3A_402, %dma_start3A_404, %dma_start3A_405] : memref<6x128x32xf32, #tpu.memory_space<vmem>> -> memref<1x128x32xf32, #tpu.memory_space<vmem>>
      %dma_start3A_407 = tpu.memref_squeeze %dma_start3A_406 : memref<1x128x32xf32, #tpu.memory_space<vmem>> -> memref<128x32xf32, #tpu.memory_space<vmem>>
      %dma_start3A_408 = arith.constant 0 : i32
      %dma_start3A_409 = tpu.memref_slice %arg9[%rem3A_118, %dma_start3A_403, %dma_start3A_408] : memref<3x8x128xi32, #tpu.memory_space<vmem>> -> memref<1x1x128xi32, #tpu.memory_space<vmem>>
      %dma_start3A_410 = tpu.memref_squeeze %dma_start3A_409 : memref<1x1x128xi32, #tpu.memory_space<vmem>> -> memref<128xi32, #tpu.memory_space<vmem>>
      %dma_start3A_411 = arith.constant 0 : i32
      %dma_start3A_412 = arith.constant 0 : i32
      %dma_start3A_413 = tpu.memref_slice %arg7[%dma_start3A_411, %dma_start3A_412] : memref<50016x32xf32, #tpu.memory_space<vmem_shared>> -> memref<50016x32xf32, #tpu.memory_space<vmem_shared>>
      tpu.enqueue_indirect_dma source(%dma_start3A_407 : memref<128x32xf32, #tpu.memory_space<vmem>>) target(%dma_start3A_413 : memref<50016x32xf32, #tpu.memory_space<vmem_shared>>) offsets(%dma_start3A_410 : memref<128xi32, #tpu.memory_space<vmem>>) semaphore(%arg21 : memref<!tpu.dma_semaphore, #tpu.memory_space<semaphore_mem>>) {add = true}
      %dma_wait3A_414 = arith.constant 1 : i32
      %dma_wait3A_415 = arith.constant 1 : i32
      %dma_wait3A_416 = arith.constant 0 : i32
      %dma_wait3A_417 = arith.constant 0 : i32
      %dma_wait3A_418 = tpu.memref_slice %arg10[%dma_wait3A_414, %dma_wait3A_416, %dma_wait3A_417] : memref<6x128x32xf32, #tpu.memory_space<vmem>> -> memref<1x128x32xf32, #tpu.memory_space<vmem>>
      %dma_wait3A_419 = tpu.memref_squeeze %dma_wait3A_418 : memref<1x128x32xf32, #tpu.memory_space<vmem>> -> memref<128x32xf32, #tpu.memory_space<vmem>>
      %dma_wait3A_420 = arith.constant 0 : i32
      %dma_wait3A_421 = tpu.memref_slice %arg9[%rem3A_118, %dma_wait3A_415, %dma_wait3A_420] : memref<3x8x128xi32, #tpu.memory_space<vmem>> -> memref<1x1x128xi32, #tpu.memory_space<vmem>>
      %dma_wait3A_422 = tpu.memref_squeeze %dma_wait3A_421 : memref<1x1x128xi32, #tpu.memory_space<vmem>> -> memref<128xi32, #tpu.memory_space<vmem>>
      %dma_wait3A_423 = arith.constant 0 : i32
      %dma_wait3A_424 = arith.constant 0 : i32
      %dma_wait3A_425 = tpu.memref_slice %arg7[%dma_wait3A_423, %dma_wait3A_424] : memref<50016x32xf32, #tpu.memory_space<vmem_shared>> -> memref<50016x32xf32, #tpu.memory_space<vmem_shared>>
      tpu.wait_indirect_dma semaphore(%arg19 : memref<!tpu.dma_semaphore, #tpu.memory_space<semaphore_mem>>) src(%dma_wait3A_419 : memref<128x32xf32, #tpu.memory_space<vmem>>) dst(%dma_wait3A_425 : memref<50016x32xf32, #tpu.memory_space<vmem_shared>>)
      %dma_start3A_426 = arith.constant 7 : i32
      %dma_start3A_427 = arith.constant 1 : i32
      %dma_start3A_428 = arith.constant 0 : i32
      %dma_start3A_429 = arith.constant 0 : i32
      %dma_start3A_430 = tpu.memref_slice %arg10[%dma_start3A_427, %dma_start3A_428, %dma_start3A_429] : memref<6x128x32xf32, #tpu.memory_space<vmem>> -> memref<1x128x32xf32, #tpu.memory_space<vmem>>
      %dma_start3A_431 = tpu.memref_squeeze %dma_start3A_430 : memref<1x128x32xf32, #tpu.memory_space<vmem>> -> memref<128x32xf32, #tpu.memory_space<vmem>>
      %dma_start3A_432 = arith.constant 0 : i32
      %dma_start3A_433 = tpu.memref_slice %arg8[%rem3A_118, %dma_start3A_426, %dma_start3A_432] : memref<3x8x128xi32, #tpu.memory_space<vmem>> -> memref<1x1x128xi32, #tpu.memory_space<vmem>>
      %dma_start3A_434 = tpu.memref_squeeze %dma_start3A_433 : memref<1x1x128xi32, #tpu.memory_space<vmem>> -> memref<128xi32, #tpu.memory_space<vmem>>
      %dma_start3A_435 = arith.constant 0 : i32
      %dma_start3A_436 = arith.constant 0 : i32
      %dma_start3A_437 = tpu.memref_slice %arg2[%arg0, %dma_start3A_435, %dma_start3A_436] : memref<2x50000x32xf32, #tpu.memory_space<hbm>> -> memref<1x50000x32xf32, #tpu.memory_space<hbm>>
      %dma_start3A_438 = tpu.memref_squeeze %dma_start3A_437 : memref<1x50000x32xf32, #tpu.memory_space<hbm>> -> memref<50000x32xf32, #tpu.memory_space<hbm>>
      %dma_start3A_439 = arith.constant 0 : i32
      %dma_start3A_440 = arith.constant 0 : i32
      %dma_start3A_441 = tpu.memref_slice %dma_start3A_438[%dma_start3A_439, %dma_start3A_440] : memref<50000x32xf32, #tpu.memory_space<hbm>> -> memref<50000x32xf32, #tpu.memory_space<hbm>>
      tpu.enqueue_indirect_dma source(%dma_start3A_441 : memref<50000x32xf32, #tpu.memory_space<hbm>>) target(%dma_start3A_431 : memref<128x32xf32, #tpu.memory_space<vmem>>) offsets(%dma_start3A_434 : memref<128xi32, #tpu.memory_space<vmem>>) semaphore(%arg13 : memref<!tpu.dma_semaphore, #tpu.memory_space<semaphore_mem>>)
      %dma_wait3A_442 = arith.constant 4 : i32
      %dma_wait3A_443 = arith.constant 4 : i32
      %dma_wait3A_444 = arith.constant 0 : i32
      %dma_wait3A_445 = arith.constant 0 : i32
      %dma_wait3A_446 = tpu.memref_slice %arg10[%dma_wait3A_443, %dma_wait3A_444, %dma_wait3A_445] : memref<6x128x32xf32, #tpu.memory_space<vmem>> -> memref<1x128x32xf32, #tpu.memory_space<vmem>>
      %dma_wait3A_447 = tpu.memref_squeeze %dma_wait3A_446 : memref<1x128x32xf32, #tpu.memory_space<vmem>> -> memref<128x32xf32, #tpu.memory_space<vmem>>
      %dma_wait3A_448 = arith.constant 0 : i32
      %dma_wait3A_449 = tpu.memref_slice %arg8[%rem3A_118, %dma_wait3A_442, %dma_wait3A_448] : memref<3x8x128xi32, #tpu.memory_space<vmem>> -> memref<1x1x128xi32, #tpu.memory_space<vmem>>
      %dma_wait3A_450 = tpu.memref_squeeze %dma_wait3A_449 : memref<1x1x128xi32, #tpu.memory_space<vmem>> -> memref<128xi32, #tpu.memory_space<vmem>>
      %dma_wait3A_451 = arith.constant 0 : i32
      %dma_wait3A_452 = arith.constant 0 : i32
      %dma_wait3A_453 = tpu.memref_slice %arg2[%arg0, %dma_wait3A_451, %dma_wait3A_452] : memref<2x50000x32xf32, #tpu.memory_space<hbm>> -> memref<1x50000x32xf32, #tpu.memory_space<hbm>>
      %dma_wait3A_454 = tpu.memref_squeeze %dma_wait3A_453 : memref<1x50000x32xf32, #tpu.memory_space<hbm>> -> memref<50000x32xf32, #tpu.memory_space<hbm>>
      %dma_wait3A_455 = arith.constant 0 : i32
      %dma_wait3A_456 = arith.constant 0 : i32
      %dma_wait3A_457 = tpu.memref_slice %dma_wait3A_454[%dma_wait3A_455, %dma_wait3A_456] : memref<50000x32xf32, #tpu.memory_space<hbm>> -> memref<50000x32xf32, #tpu.memory_space<hbm>>
      tpu.wait_indirect_dma semaphore(%arg16 : memref<!tpu.dma_semaphore, #tpu.memory_space<semaphore_mem>>) src(%dma_wait3A_457 : memref<50000x32xf32, #tpu.memory_space<hbm>>) dst(%dma_wait3A_447 : memref<128x32xf32, #tpu.memory_space<vmem>>)
      %dma_start3A_458 = arith.constant 4 : i32
      %dma_start3A_459 = arith.constant 4 : i32
      %dma_start3A_460 = arith.constant 0 : i32
      %dma_start3A_461 = arith.constant 0 : i32
      %dma_start3A_462 = tpu.memref_slice %arg10[%dma_start3A_458, %dma_start3A_460, %dma_start3A_461] : memref<6x128x32xf32, #tpu.memory_space<vmem>> -> memref<1x128x32xf32, #tpu.memory_space<vmem>>
      %dma_start3A_463 = tpu.memref_squeeze %dma_start3A_462 : memref<1x128x32xf32, #tpu.memory_space<vmem>> -> memref<128x32xf32, #tpu.memory_space<vmem>>
      %dma_start3A_464 = arith.constant 0 : i32
      %dma_start3A_465 = tpu.memref_slice %arg9[%rem3A_118, %dma_start3A_459, %dma_start3A_464] : memref<3x8x128xi32, #tpu.memory_space<vmem>> -> memref<1x1x128xi32, #tpu.memory_space<vmem>>
      %dma_start3A_466 = tpu.memref_squeeze %dma_start3A_465 : memref<1x1x128xi32, #tpu.memory_space<vmem>> -> memref<128xi32, #tpu.memory_space<vmem>>
      %dma_start3A_467 = arith.constant 0 : i32
      %dma_start3A_468 = arith.constant 0 : i32
      %dma_start3A_469 = tpu.memref_slice %arg7[%dma_start3A_467, %dma_start3A_468] : memref<50016x32xf32, #tpu.memory_space<vmem_shared>> -> memref<50016x32xf32, #tpu.memory_space<vmem_shared>>
      tpu.enqueue_indirect_dma source(%dma_start3A_463 : memref<128x32xf32, #tpu.memory_space<vmem>>) target(%dma_start3A_469 : memref<50016x32xf32, #tpu.memory_space<vmem_shared>>) offsets(%dma_start3A_466 : memref<128xi32, #tpu.memory_space<vmem>>) semaphore(%arg22 : memref<!tpu.dma_semaphore, #tpu.memory_space<semaphore_mem>>) {add = true}
      %dma_wait3A_470 = arith.constant 5 : i32
      %dma_wait3A_471 = arith.constant 5 : i32
      %dma_wait3A_472 = arith.constant 0 : i32
      %dma_wait3A_473 = arith.constant 0 : i32
      %dma_wait3A_474 = tpu.memref_slice %arg10[%dma_wait3A_471, %dma_wait3A_472, %dma_wait3A_473] : memref<6x128x32xf32, #tpu.memory_space<vmem>> -> memref<1x128x32xf32, #tpu.memory_space<vmem>>
      %dma_wait3A_475 = tpu.memref_squeeze %dma_wait3A_474 : memref<1x128x32xf32, #tpu.memory_space<vmem>> -> memref<128x32xf32, #tpu.memory_space<vmem>>
      %dma_wait3A_476 = arith.constant 0 : i32
      %dma_wait3A_477 = tpu.memref_slice %arg8[%rem3A_118, %dma_wait3A_470, %dma_wait3A_476] : memref<3x8x128xi32, #tpu.memory_space<vmem>> -> memref<1x1x128xi32, #tpu.memory_space<vmem>>
      %dma_wait3A_478 = tpu.memref_squeeze %dma_wait3A_477 : memref<1x1x128xi32, #tpu.memory_space<vmem>> -> memref<128xi32, #tpu.memory_space<vmem>>
      %dma_wait3A_479 = arith.constant 0 : i32
      %dma_wait3A_480 = arith.constant 0 : i32
      %dma_wait3A_481 = tpu.memref_slice %arg2[%arg0, %dma_wait3A_479, %dma_wait3A_480] : memref<2x50000x32xf32, #tpu.memory_space<hbm>> -> memref<1x50000x32xf32, #tpu.memory_space<hbm>>
      %dma_wait3A_482 = tpu.memref_squeeze %dma_wait3A_481 : memref<1x50000x32xf32, #tpu.memory_space<hbm>> -> memref<50000x32xf32, #tpu.memory_space<hbm>>
      %dma_wait3A_483 = arith.constant 0 : i32
      %dma_wait3A_484 = arith.constant 0 : i32
      %dma_wait3A_485 = tpu.memref_slice %dma_wait3A_482[%dma_wait3A_483, %dma_wait3A_484] : memref<50000x32xf32, #tpu.memory_space<hbm>> -> memref<50000x32xf32, #tpu.memory_space<hbm>>
      tpu.wait_indirect_dma semaphore(%arg17 : memref<!tpu.dma_semaphore, #tpu.memory_space<semaphore_mem>>) src(%dma_wait3A_485 : memref<50000x32xf32, #tpu.memory_space<hbm>>) dst(%dma_wait3A_475 : memref<128x32xf32, #tpu.memory_space<vmem>>)
      %dma_start3A_486 = arith.constant 5 : i32
      %dma_start3A_487 = arith.constant 5 : i32
      %dma_start3A_488 = arith.constant 0 : i32
      %dma_start3A_489 = arith.constant 0 : i32
      %dma_start3A_490 = tpu.memref_slice %arg10[%dma_start3A_486, %dma_start3A_488, %dma_start3A_489] : memref<6x128x32xf32, #tpu.memory_space<vmem>> -> memref<1x128x32xf32, #tpu.memory_space<vmem>>
      %dma_start3A_491 = tpu.memref_squeeze %dma_start3A_490 : memref<1x128x32xf32, #tpu.memory_space<vmem>> -> memref<128x32xf32, #tpu.memory_space<vmem>>
      %dma_start3A_492 = arith.constant 0 : i32
      %dma_start3A_493 = tpu.memref_slice %arg9[%rem3A_118, %dma_start3A_487, %dma_start3A_492] : memref<3x8x128xi32, #tpu.memory_space<vmem>> -> memref<1x1x128xi32, #tpu.memory_space<vmem>>
      %dma_start3A_494 = tpu.memref_squeeze %dma_start3A_493 : memref<1x1x128xi32, #tpu.memory_space<vmem>> -> memref<128xi32, #tpu.memory_space<vmem>>
      %dma_start3A_495 = arith.constant 0 : i32
      %dma_start3A_496 = arith.constant 0 : i32
      %dma_start3A_497 = tpu.memref_slice %arg7[%dma_start3A_495, %dma_start3A_496] : memref<50016x32xf32, #tpu.memory_space<vmem_shared>> -> memref<50016x32xf32, #tpu.memory_space<vmem_shared>>
      tpu.enqueue_indirect_dma source(%dma_start3A_491 : memref<128x32xf32, #tpu.memory_space<vmem>>) target(%dma_start3A_497 : memref<50016x32xf32, #tpu.memory_space<vmem_shared>>) offsets(%dma_start3A_494 : memref<128xi32, #tpu.memory_space<vmem>>) semaphore(%arg23 : memref<!tpu.dma_semaphore, #tpu.memory_space<semaphore_mem>>) {add = true}
      %dma_wait3A_498 = arith.constant 6 : i32
      %dma_wait3A_499 = arith.constant 0 : i32
      %dma_wait3A_500 = arith.constant 0 : i32
      %dma_wait3A_501 = arith.constant 0 : i32
      %dma_wait3A_502 = tpu.memref_slice %arg10[%dma_wait3A_499, %dma_wait3A_500, %dma_wait3A_501] : memref<6x128x32xf32, #tpu.memory_space<vmem>> -> memref<1x128x32xf32, #tpu.memory_space<vmem>>
      %dma_wait3A_503 = tpu.memref_squeeze %dma_wait3A_502 : memref<1x128x32xf32, #tpu.memory_space<vmem>> -> memref<128x32xf32, #tpu.memory_space<vmem>>
      %dma_wait3A_504 = arith.constant 0 : i32
      %dma_wait3A_505 = tpu.memref_slice %arg8[%rem3A_118, %dma_wait3A_498, %dma_wait3A_504] : memref<3x8x128xi32, #tpu.memory_space<vmem>> -> memref<1x1x128xi32, #tpu.memory_space<vmem>>
      %dma_wait3A_506 = tpu.memref_squeeze %dma_wait3A_505 : memref<1x1x128xi32, #tpu.memory_space<vmem>> -> memref<128xi32, #tpu.memory_space<vmem>>
      %dma_wait3A_507 = arith.constant 0 : i32
      %dma_wait3A_508 = arith.constant 0 : i32
      %dma_wait3A_509 = tpu.memref_slice %arg2[%arg0, %dma_wait3A_507, %dma_wait3A_508] : memref<2x50000x32xf32, #tpu.memory_space<hbm>> -> memref<1x50000x32xf32, #tpu.memory_space<hbm>>
      %dma_wait3A_510 = tpu.memref_squeeze %dma_wait3A_509 : memref<1x50000x32xf32, #tpu.memory_space<hbm>> -> memref<50000x32xf32, #tpu.memory_space<hbm>>
      %dma_wait3A_511 = arith.constant 0 : i32
      %dma_wait3A_512 = arith.constant 0 : i32
      %dma_wait3A_513 = tpu.memref_slice %dma_wait3A_510[%dma_wait3A_511, %dma_wait3A_512] : memref<50000x32xf32, #tpu.memory_space<hbm>> -> memref<50000x32xf32, #tpu.memory_space<hbm>>
      tpu.wait_indirect_dma semaphore(%arg12 : memref<!tpu.dma_semaphore, #tpu.memory_space<semaphore_mem>>) src(%dma_wait3A_513 : memref<50000x32xf32, #tpu.memory_space<hbm>>) dst(%dma_wait3A_503 : memref<128x32xf32, #tpu.memory_space<vmem>>)
      %dma_start3A_514 = arith.constant 0 : i32
      %dma_start3A_515 = arith.constant 6 : i32
      %dma_start3A_516 = arith.constant 0 : i32
      %dma_start3A_517 = arith.constant 0 : i32
      %dma_start3A_518 = tpu.memref_slice %arg10[%dma_start3A_514, %dma_start3A_516, %dma_start3A_517] : memref<6x128x32xf32, #tpu.memory_space<vmem>> -> memref<1x128x32xf32, #tpu.memory_space<vmem>>
      %dma_start3A_519 = tpu.memref_squeeze %dma_start3A_518 : memref<1x128x32xf32, #tpu.memory_space<vmem>> -> memref<128x32xf32, #tpu.memory_space<vmem>>
      %dma_start3A_520 = arith.constant 0 : i32
      %dma_start3A_521 = tpu.memref_slice %arg9[%rem3A_118, %dma_start3A_515, %dma_start3A_520] : memref<3x8x128xi32, #tpu.memory_space<vmem>> -> memref<1x1x128xi32, #tpu.memory_space<vmem>>
      %dma_start3A_522 = tpu.memref_squeeze %dma_start3A_521 : memref<1x1x128xi32, #tpu.memory_space<vmem>> -> memref<128xi32, #tpu.memory_space<vmem>>
      %dma_start3A_523 = arith.constant 0 : i32
      %dma_start3A_524 = arith.constant 0 : i32
      %dma_start3A_525 = tpu.memref_slice %arg7[%dma_start3A_523, %dma_start3A_524] : memref<50016x32xf32, #tpu.memory_space<vmem_shared>> -> memref<50016x32xf32, #tpu.memory_space<vmem_shared>>
      tpu.enqueue_indirect_dma source(%dma_start3A_519 : memref<128x32xf32, #tpu.memory_space<vmem>>) target(%dma_start3A_525 : memref<50016x32xf32, #tpu.memory_space<vmem_shared>>) offsets(%dma_start3A_522 : memref<128xi32, #tpu.memory_space<vmem>>) semaphore(%arg18 : memref<!tpu.dma_semaphore, #tpu.memory_space<semaphore_mem>>) {add = true}
      %dma_wait3A_526 = arith.constant 7 : i32
      %dma_wait3A_527 = arith.constant 1 : i32
      %dma_wait3A_528 = arith.constant 0 : i32
      %dma_wait3A_529 = arith.constant 0 : i32
      %dma_wait3A_530 = tpu.memref_slice %arg10[%dma_wait3A_527, %dma_wait3A_528, %dma_wait3A_529] : memref<6x128x32xf32, #tpu.memory_space<vmem>> -> memref<1x128x32xf32, #tpu.memory_space<vmem>>
      %dma_wait3A_531 = tpu.memref_squeeze %dma_wait3A_530 : memref<1x128x32xf32, #tpu.memory_space<vmem>> -> memref<128x32xf32, #tpu.memory_space<vmem>>
      %dma_wait3A_532 = arith.constant 0 : i32
      %dma_wait3A_533 = tpu.memref_slice %arg8[%rem3A_118, %dma_wait3A_526, %dma_wait3A_532] : memref<3x8x128xi32, #tpu.memory_space<vmem>> -> memref<1x1x128xi32, #tpu.memory_space<vmem>>
      %dma_wait3A_534 = tpu.memref_squeeze %dma_wait3A_533 : memref<1x1x128xi32, #tpu.memory_space<vmem>> -> memref<128xi32, #tpu.memory_space<vmem>>
      %dma_wait3A_535 = arith.constant 0 : i32
      %dma_wait3A_536 = arith.constant 0 : i32
      %dma_wait3A_537 = tpu.memref_slice %arg2[%arg0, %dma_wait3A_535, %dma_wait3A_536] : memref<2x50000x32xf32, #tpu.memory_space<hbm>> -> memref<1x50000x32xf32, #tpu.memory_space<hbm>>
      %dma_wait3A_538 = tpu.memref_squeeze %dma_wait3A_537 : memref<1x50000x32xf32, #tpu.memory_space<hbm>> -> memref<50000x32xf32, #tpu.memory_space<hbm>>
      %dma_wait3A_539 = arith.constant 0 : i32
      %dma_wait3A_540 = arith.constant 0 : i32
      %dma_wait3A_541 = tpu.memref_slice %dma_wait3A_538[%dma_wait3A_539, %dma_wait3A_540] : memref<50000x32xf32, #tpu.memory_space<hbm>> -> memref<50000x32xf32, #tpu.memory_space<hbm>>
      tpu.wait_indirect_dma semaphore(%arg13 : memref<!tpu.dma_semaphore, #tpu.memory_space<semaphore_mem>>) src(%dma_wait3A_541 : memref<50000x32xf32, #tpu.memory_space<hbm>>) dst(%dma_wait3A_531 : memref<128x32xf32, #tpu.memory_space<vmem>>)
      %dma_start3A_542 = arith.constant 1 : i32
      %dma_start3A_543 = arith.constant 7 : i32
      %dma_start3A_544 = arith.constant 0 : i32
      %dma_start3A_545 = arith.constant 0 : i32
      %dma_start3A_546 = tpu.memref_slice %arg10[%dma_start3A_542, %dma_start3A_544, %dma_start3A_545] : memref<6x128x32xf32, #tpu.memory_space<vmem>> -> memref<1x128x32xf32, #tpu.memory_space<vmem>>
      %dma_start3A_547 = tpu.memref_squeeze %dma_start3A_546 : memref<1x128x32xf32, #tpu.memory_space<vmem>> -> memref<128x32xf32, #tpu.memory_space<vmem>>
      %dma_start3A_548 = arith.constant 0 : i32
      %dma_start3A_549 = tpu.memref_slice %arg9[%rem3A_118, %dma_start3A_543, %dma_start3A_548] : memref<3x8x128xi32, #tpu.memory_space<vmem>> -> memref<1x1x128xi32, #tpu.memory_space<vmem>>
      %dma_start3A_550 = tpu.memref_squeeze %dma_start3A_549 : memref<1x1x128xi32, #tpu.memory_space<vmem>> -> memref<128xi32, #tpu.memory_space<vmem>>
      %dma_start3A_551 = arith.constant 0 : i32
      %dma_start3A_552 = arith.constant 0 : i32
      %dma_start3A_553 = tpu.memref_slice %arg7[%dma_start3A_551, %dma_start3A_552] : memref<50016x32xf32, #tpu.memory_space<vmem_shared>> -> memref<50016x32xf32, #tpu.memory_space<vmem_shared>>
      tpu.enqueue_indirect_dma source(%dma_start3A_547 : memref<128x32xf32, #tpu.memory_space<vmem>>) target(%dma_start3A_553 : memref<50016x32xf32, #tpu.memory_space<vmem_shared>>) offsets(%dma_start3A_550 : memref<128xi32, #tpu.memory_space<vmem>>) semaphore(%arg19 : memref<!tpu.dma_semaphore, #tpu.memory_space<semaphore_mem>>) {add = true}
      %scan3A_554 = arith.constant 0 : i32
      scf.yield %scan3A_554 : i32
    }
    %scan3A_33 = arith.constant 50 : i32
    %dma_wait3A = arith.constant 2 : i32
    %dma_wait3A_34 = arith.constant 1 : i32
    %dma_wait3A_35 = arith.constant 2 : i32
    %dma_wait3A_36 = arith.constant 0 : i32
    %dma_wait3A_37 = arith.constant 0 : i32
    %dma_wait3A_38 = tpu.memref_slice %arg10[%dma_wait3A, %dma_wait3A_36, %dma_wait3A_37] : memref<6x128x32xf32, #tpu.memory_space<vmem>> -> memref<1x128x32xf32, #tpu.memory_space<vmem>>
    %dma_wait3A_39 = tpu.memref_squeeze %dma_wait3A_38 : memref<1x128x32xf32, #tpu.memory_space<vmem>> -> memref<128x32xf32, #tpu.memory_space<vmem>>
    %dma_wait3A_40 = arith.constant 0 : i32
    %dma_wait3A_41 = tpu.memref_slice %arg9[%dma_wait3A_34, %dma_wait3A_35, %dma_wait3A_40] : memref<3x8x128xi32, #tpu.memory_space<vmem>> -> memref<1x1x128xi32, #tpu.memory_space<vmem>>
    %dma_wait3A_42 = tpu.memref_squeeze %dma_wait3A_41 : memref<1x1x128xi32, #tpu.memory_space<vmem>> -> memref<128xi32, #tpu.memory_space<vmem>>
    %dma_wait3A_43 = arith.constant 0 : i32
    %dma_wait3A_44 = arith.constant 0 : i32
    %dma_wait3A_45 = tpu.memref_slice %arg7[%dma_wait3A_43, %dma_wait3A_44] : memref<50016x32xf32, #tpu.memory_space<vmem_shared>> -> memref<50016x32xf32, #tpu.memory_space<vmem_shared>>
    tpu.wait_indirect_dma semaphore(%arg20 : memref<!tpu.dma_semaphore, #tpu.memory_space<semaphore_mem>>) src(%dma_wait3A_39 : memref<128x32xf32, #tpu.memory_space<vmem>>) dst(%dma_wait3A_45 : memref<50016x32xf32, #tpu.memory_space<vmem_shared>>)
    %dma_wait3A_46 = arith.constant 3 : i32
    %dma_wait3A_47 = arith.constant 1 : i32
    %dma_wait3A_48 = arith.constant 3 : i32
    %dma_wait3A_49 = arith.constant 0 : i32
    %dma_wait3A_50 = arith.constant 0 : i32
    %dma_wait3A_51 = tpu.memref_slice %arg10[%dma_wait3A_46, %dma_wait3A_49, %dma_wait3A_50] : memref<6x128x32xf32, #tpu.memory_space<vmem>> -> memref<1x128x32xf32, #tpu.memory_space<vmem>>
    %dma_wait3A_52 = tpu.memref_squeeze %dma_wait3A_51 : memref<1x128x32xf32, #tpu.memory_space<vmem>> -> memref<128x32xf32, #tpu.memory_space<vmem>>
    %dma_wait3A_53 = arith.constant 0 : i32
    %dma_wait3A_54 = tpu.memref_slice %arg9[%dma_wait3A_47, %dma_wait3A_48, %dma_wait3A_53] : memref<3x8x128xi32, #tpu.memory_space<vmem>> -> memref<1x1x128xi32, #tpu.memory_space<vmem>>
    %dma_wait3A_55 = tpu.memref_squeeze %dma_wait3A_54 : memref<1x1x128xi32, #tpu.memory_space<vmem>> -> memref<128xi32, #tpu.memory_space<vmem>>
    %dma_wait3A_56 = arith.constant 0 : i32
    %dma_wait3A_57 = arith.constant 0 : i32
    %dma_wait3A_58 = tpu.memref_slice %arg7[%dma_wait3A_56, %dma_wait3A_57] : memref<50016x32xf32, #tpu.memory_space<vmem_shared>> -> memref<50016x32xf32, #tpu.memory_space<vmem_shared>>
    tpu.wait_indirect_dma semaphore(%arg21 : memref<!tpu.dma_semaphore, #tpu.memory_space<semaphore_mem>>) src(%dma_wait3A_52 : memref<128x32xf32, #tpu.memory_space<vmem>>) dst(%dma_wait3A_58 : memref<50016x32xf32, #tpu.memory_space<vmem_shared>>)
    %dma_wait3A_59 = arith.constant 4 : i32
    %dma_wait3A_60 = arith.constant 1 : i32
    %dma_wait3A_61 = arith.constant 4 : i32
    %dma_wait3A_62 = arith.constant 0 : i32
    %dma_wait3A_63 = arith.constant 0 : i32
    %dma_wait3A_64 = tpu.memref_slice %arg10[%dma_wait3A_59, %dma_wait3A_62, %dma_wait3A_63] : memref<6x128x32xf32, #tpu.memory_space<vmem>> -> memref<1x128x32xf32, #tpu.memory_space<vmem>>
    %dma_wait3A_65 = tpu.memref_squeeze %dma_wait3A_64 : memref<1x128x32xf32, #tpu.memory_space<vmem>> -> memref<128x32xf32, #tpu.memory_space<vmem>>
    %dma_wait3A_66 = arith.constant 0 : i32
    %dma_wait3A_67 = tpu.memref_slice %arg9[%dma_wait3A_60, %dma_wait3A_61, %dma_wait3A_66] : memref<3x8x128xi32, #tpu.memory_space<vmem>> -> memref<1x1x128xi32, #tpu.memory_space<vmem>>
    %dma_wait3A_68 = tpu.memref_squeeze %dma_wait3A_67 : memref<1x1x128xi32, #tpu.memory_space<vmem>> -> memref<128xi32, #tpu.memory_space<vmem>>
    %dma_wait3A_69 = arith.constant 0 : i32
    %dma_wait3A_70 = arith.constant 0 : i32
    %dma_wait3A_71 = tpu.memref_slice %arg7[%dma_wait3A_69, %dma_wait3A_70] : memref<50016x32xf32, #tpu.memory_space<vmem_shared>> -> memref<50016x32xf32, #tpu.memory_space<vmem_shared>>
    tpu.wait_indirect_dma semaphore(%arg22 : memref<!tpu.dma_semaphore, #tpu.memory_space<semaphore_mem>>) src(%dma_wait3A_65 : memref<128x32xf32, #tpu.memory_space<vmem>>) dst(%dma_wait3A_71 : memref<50016x32xf32, #tpu.memory_space<vmem_shared>>)
    %dma_wait3A_72 = arith.constant 5 : i32
    %dma_wait3A_73 = arith.constant 1 : i32
    %dma_wait3A_74 = arith.constant 5 : i32
    %dma_wait3A_75 = arith.constant 0 : i32
    %dma_wait3A_76 = arith.constant 0 : i32
    %dma_wait3A_77 = tpu.memref_slice %arg10[%dma_wait3A_72, %dma_wait3A_75, %dma_wait3A_76] : memref<6x128x32xf32, #tpu.memory_space<vmem>> -> memref<1x128x32xf32, #tpu.memory_space<vmem>>
    %dma_wait3A_78 = tpu.memref_squeeze %dma_wait3A_77 : memref<1x128x32xf32, #tpu.memory_space<vmem>> -> memref<128x32xf32, #tpu.memory_space<vmem>>
    %dma_wait3A_79 = arith.constant 0 : i32
    %dma_wait3A_80 = tpu.memref_slice %arg9[%dma_wait3A_73, %dma_wait3A_74, %dma_wait3A_79] : memref<3x8x128xi32, #tpu.memory_space<vmem>> -> memref<1x1x128xi32, #tpu.memory_space<vmem>>
    %dma_wait3A_81 = tpu.memref_squeeze %dma_wait3A_80 : memref<1x1x128xi32, #tpu.memory_space<vmem>> -> memref<128xi32, #tpu.memory_space<vmem>>
    %dma_wait3A_82 = arith.constant 0 : i32
    %dma_wait3A_83 = arith.constant 0 : i32
    %dma_wait3A_84 = tpu.memref_slice %arg7[%dma_wait3A_82, %dma_wait3A_83] : memref<50016x32xf32, #tpu.memory_space<vmem_shared>> -> memref<50016x32xf32, #tpu.memory_space<vmem_shared>>
    tpu.wait_indirect_dma semaphore(%arg23 : memref<!tpu.dma_semaphore, #tpu.memory_space<semaphore_mem>>) src(%dma_wait3A_78 : memref<128x32xf32, #tpu.memory_space<vmem>>) dst(%dma_wait3A_84 : memref<50016x32xf32, #tpu.memory_space<vmem_shared>>)
    %dma_wait3A_85 = arith.constant 0 : i32
    %dma_wait3A_86 = arith.constant 1 : i32
    %dma_wait3A_87 = arith.constant 6 : i32
    %dma_wait3A_88 = arith.constant 0 : i32
    %dma_wait3A_89 = arith.constant 0 : i32
    %dma_wait3A_90 = tpu.memref_slice %arg10[%dma_wait3A_85, %dma_wait3A_88, %dma_wait3A_89] : memref<6x128x32xf32, #tpu.memory_space<vmem>> -> memref<1x128x32xf32, #tpu.memory_space<vmem>>
    %dma_wait3A_91 = tpu.memref_squeeze %dma_wait3A_90 : memref<1x128x32xf32, #tpu.memory_space<vmem>> -> memref<128x32xf32, #tpu.memory_space<vmem>>
    %dma_wait3A_92 = arith.constant 0 : i32
    %dma_wait3A_93 = tpu.memref_slice %arg9[%dma_wait3A_86, %dma_wait3A_87, %dma_wait3A_92] : memref<3x8x128xi32, #tpu.memory_space<vmem>> -> memref<1x1x128xi32, #tpu.memory_space<vmem>>
    %dma_wait3A_94 = tpu.memref_squeeze %dma_wait3A_93 : memref<1x1x128xi32, #tpu.memory_space<vmem>> -> memref<128xi32, #tpu.memory_space<vmem>>
    %dma_wait3A_95 = arith.constant 0 : i32
    %dma_wait3A_96 = arith.constant 0 : i32
    %dma_wait3A_97 = tpu.memref_slice %arg7[%dma_wait3A_95, %dma_wait3A_96] : memref<50016x32xf32, #tpu.memory_space<vmem_shared>> -> memref<50016x32xf32, #tpu.memory_space<vmem_shared>>
    tpu.wait_indirect_dma semaphore(%arg18 : memref<!tpu.dma_semaphore, #tpu.memory_space<semaphore_mem>>) src(%dma_wait3A_91 : memref<128x32xf32, #tpu.memory_space<vmem>>) dst(%dma_wait3A_97 : memref<50016x32xf32, #tpu.memory_space<vmem_shared>>)
    %dma_wait3A_98 = arith.constant 1 : i32
    %dma_wait3A_99 = arith.constant 1 : i32
    %dma_wait3A_100 = arith.constant 7 : i32
    %dma_wait3A_101 = arith.constant 0 : i32
    %dma_wait3A_102 = arith.constant 0 : i32
    %dma_wait3A_103 = tpu.memref_slice %arg10[%dma_wait3A_98, %dma_wait3A_101, %dma_wait3A_102] : memref<6x128x32xf32, #tpu.memory_space<vmem>> -> memref<1x128x32xf32, #tpu.memory_space<vmem>>
    %dma_wait3A_104 = tpu.memref_squeeze %dma_wait3A_103 : memref<1x128x32xf32, #tpu.memory_space<vmem>> -> memref<128x32xf32, #tpu.memory_space<vmem>>
    %dma_wait3A_105 = arith.constant 0 : i32
    %dma_wait3A_106 = tpu.memref_slice %arg9[%dma_wait3A_99, %dma_wait3A_100, %dma_wait3A_105] : memref<3x8x128xi32, #tpu.memory_space<vmem>> -> memref<1x1x128xi32, #tpu.memory_space<vmem>>
    %dma_wait3A_107 = tpu.memref_squeeze %dma_wait3A_106 : memref<1x1x128xi32, #tpu.memory_space<vmem>> -> memref<128xi32, #tpu.memory_space<vmem>>
    %dma_wait3A_108 = arith.constant 0 : i32
    %dma_wait3A_109 = arith.constant 0 : i32
    %dma_wait3A_110 = tpu.memref_slice %arg7[%dma_wait3A_108, %dma_wait3A_109] : memref<50016x32xf32, #tpu.memory_space<vmem_shared>> -> memref<50016x32xf32, #tpu.memory_space<vmem_shared>>
    tpu.wait_indirect_dma semaphore(%arg19 : memref<!tpu.dma_semaphore, #tpu.memory_space<semaphore_mem>>) src(%dma_wait3A_104 : memref<128x32xf32, #tpu.memory_space<vmem>>) dst(%dma_wait3A_110 : memref<50016x32xf32, #tpu.memory_space<vmem_shared>>)
    %barrier3A_111 = arith.constant 0 : index
    tpu.barrier barrier_id(%barrier3A_111)
    %mul3A_112 = arith.constant 3125 : i32
    %mul3A_113 = arith.muli %arg1, %mul3A_112 : i32
    %mul3A_114 = arith.constant 3125 : i32
    %mul3A_115 = arith.muli %arg1, %mul3A_114 : i32
    "tpu.region"() ({
      %run_scoped3A = tpu.sem_alloc : memref<!tpu.dma_semaphore, #tpu.memory_space<semaphore_mem>>
      %dma_start3A_116 = arith.constant 0 : i32
      %dma_start3A_117 = tpu.memref_slice %arg6[%arg0, %mul3A_115, %dma_start3A_116] : memref<2x50000x32xf32, #tpu.memory_space<hbm>> -> memref<1x3125x32xf32, #tpu.memory_space<hbm>>
      %dma_start3A_118 = tpu.memref_squeeze %dma_start3A_117 : memref<1x3125x32xf32, #tpu.memory_space<hbm>> -> memref<3125x32xf32, #tpu.memory_space<hbm>>
      %dma_start3A_119 = arith.constant 0 : i32
      %dma_start3A_120 = tpu.memref_slice %arg7[%mul3A_113, %dma_start3A_119] : memref<50016x32xf32, #tpu.memory_space<vmem_shared>> -> memref<3125x32xf32, #tpu.memory_space<vmem_shared>>
      tpu.enqueue_dma source(%dma_start3A_120 : memref<3125x32xf32, #tpu.memory_space<vmem_shared>>) target(%dma_start3A_118 : memref<3125x32xf32, #tpu.memory_space<hbm>>) target_semaphore(%run_scoped3A : memref<!tpu.dma_semaphore, #tpu.memory_space<semaphore_mem>>)
      %dma_wait3A_121 = arith.constant 0 : i32
      %dma_wait3A_122 = tpu.memref_slice %arg6[%arg0, %mul3A_115, %dma_wait3A_121] : memref<2x50000x32xf32, #tpu.memory_space<hbm>> -> memref<1x3125x32xf32, #tpu.memory_space<hbm>>
      %dma_wait3A_123 = tpu.memref_squeeze %dma_wait3A_122 : memref<1x3125x32xf32, #tpu.memory_space<hbm>> -> memref<3125x32xf32, #tpu.memory_space<hbm>>
      %dma_wait3A_124 = arith.constant 0 : i32
      %dma_wait3A_125 = tpu.memref_slice %arg7[%mul3A_113, %dma_wait3A_124] : memref<50016x32xf32, #tpu.memory_space<vmem_shared>> -> memref<3125x32xf32, #tpu.memory_space<vmem_shared>>
      tpu.wait_dma2 semaphore(%run_scoped3A : memref<!tpu.dma_semaphore, #tpu.memory_space<semaphore_mem>>) src(%dma_wait3A_125 : memref<3125x32xf32, #tpu.memory_space<vmem_shared>>) dst(%dma_wait3A_123 : memref<3125x32xf32, #tpu.memory_space<hbm>>)
      tpu.yield
    }) : () -> ()
    return
  }
}

#map = affine_map<(d0, d1) -> (0, 0, 0)>
#map1 = affine_map<(d0, d1) -> (0, 0)>
module attributes {stable_mosaic.version = 14 : i64} {
  func.func @body(%arg0: i32, %arg1: i32, %arg2: memref<2x50000x32xf32, #tpu.memory_space<hbm>>, %arg3: memref<6400x128xi32, #tpu.memory_space<hbm>>, %arg4: memref<6400x128xi32, #tpu.memory_space<hbm>>, %arg5: memref<3126x32xf32, #tpu.memory_space<hbm>>, %arg6: memref<2x50000x32xf32, #tpu.memory_space<hbm>>, %arg7: memref<50016x32xf32, #tpu.memory_space<vmem_shared>>, %arg8: memref<3x8x128xi32, #tpu.memory_space<vmem>>, %arg9: memref<3x8x128xi32, #tpu.memory_space<vmem>>, %arg10: memref<6x128x32xf32, #tpu.memory_space<vmem>>, %arg11: memref<!tpu.dma_semaphore, #tpu.memory_space<semaphore_mem>>, %arg12: memref<!tpu.dma_semaphore, #tpu.memory_space<semaphore_mem>>, %arg13: memref<!tpu.dma_semaphore, #tpu.memory_space<semaphore_mem>>, %arg14: memref<!tpu.dma_semaphore, #tpu.memory_space<semaphore_mem>>, %arg15: memref<!tpu.dma_semaphore, #tpu.memory_space<semaphore_mem>>, %arg16: memref<!tpu.dma_semaphore, #tpu.memory_space<semaphore_mem>>, %arg17: memref<!tpu.dma_semaphore, #tpu.memory_space<semaphore_mem>>, %arg18: memref<!tpu.dma_semaphore, #tpu.memory_space<semaphore_mem>>, %arg19: memref<!tpu.dma_semaphore, #tpu.memory_space<semaphore_mem>>, %arg20: memref<!tpu.dma_semaphore, #tpu.memory_space<semaphore_mem>>, %arg21: memref<!tpu.dma_semaphore, #tpu.memory_space<semaphore_mem>>, %arg22: memref<!tpu.dma_semaphore, #tpu.memory_space<semaphore_mem>>, %arg23: memref<!tpu.dma_semaphore, #tpu.memory_space<semaphore_mem>>) attributes {dimension_semantics = [#tpu.dimension_semantics<core_parallel>, #tpu.dimension_semantics<subcore_parallel>], iteration_bounds = array<i64: 2, 16>, scalar_prefetch = 0 : i64, scratch_operands = 17 : i64, tpu.core_type = #tpu.core_type<sc_vector_subcore>, window_params = [{transform_indices = #map}, {transform_indices = #map1}, {transform_indices = #map1}, {transform_indices = #map1}, {transform_indices = #map}]} {
    %mul3A = arith.constant 400 : i32
    %mul3A_0 = arith.muli %arg1, %mul3A : i32
    %mul3A_1 = arith.constant 3126 : i32
    %mul3A_2 = arith.muli %arg1, %mul3A_1 : i32
    "tpu.region"() ({
      %run_scoped3A = tpu.sem_alloc : memref<!tpu.dma_semaphore, #tpu.memory_space<semaphore_mem>>
      %dma_start3A_116 = arith.constant 0 : i32
      %dma_start3A_117 = tpu.memref_slice %arg7[%mul3A_2, %dma_start3A_116] : memref<50016x32xf32, #tpu.memory_space<vmem_shared>> -> memref<3126x32xf32, #tpu.memory_space<vmem_shared>>
      tpu.enqueue_dma source(%arg5 : memref<3126x32xf32, #tpu.memory_space<hbm>>) target(%dma_start3A_117 : memref<3126x32xf32, #tpu.memory_space<vmem_shared>>) target_semaphore(%run_scoped3A : memref<!tpu.dma_semaphore, #tpu.memory_space<semaphore_mem>>)
      %dma_wait3A_118 = arith.constant 0 : i32
      %dma_wait3A_119 = tpu.memref_slice %arg7[%mul3A_2, %dma_wait3A_118] : memref<50016x32xf32, #tpu.memory_space<vmem_shared>> -> memref<3126x32xf32, #tpu.memory_space<vmem_shared>>
      tpu.wait_dma2 semaphore(%run_scoped3A : memref<!tpu.dma_semaphore, #tpu.memory_space<semaphore_mem>>) src(%arg5 : memref<3126x32xf32, #tpu.memory_space<hbm>>) dst(%dma_wait3A_119 : memref<3126x32xf32, #tpu.memory_space<vmem_shared>>)
      tpu.yield
    }) : () -> ()
    %barrier3A = arith.constant 0 : index
    tpu.barrier barrier_id(%barrier3A)
    %dma_start3A = arith.constant 0 : i32
    %dma_start3A_3 = arith.constant 0 : i32
    %dma_start3A_4 = arith.constant 0 : i32
    %dma_start3A_5 = tpu.memref_slice %arg8[%dma_start3A, %dma_start3A_3, %dma_start3A_4] : memref<3x8x128xi32, #tpu.memory_space<vmem>> -> memref<1x8x128xi32, #tpu.memory_space<vmem>>
    %dma_start3A_6 = tpu.memref_squeeze %dma_start3A_5 : memref<1x8x128xi32, #tpu.memory_space<vmem>> -> memref<8x128xi32, #tpu.memory_space<vmem>>
    %dma_start3A_7 = arith.constant 0 : i32
    %dma_start3A_8 = tpu.memref_slice %arg3[%mul3A_0, %dma_start3A_7] : memref<6400x128xi32, #tpu.memory_space<hbm>> -> memref<8x128xi32, #tpu.memory_space<hbm>>
    %dma_start3A_9 = arith.constant 0 : i32
    %dma_start3A_10 = arith.constant 0 : i32
    %dma_start3A_11 = tpu.memref_slice %arg8[%dma_start3A, %dma_start3A_9, %dma_start3A_10] : memref<3x8x128xi32, #tpu.memory_space<vmem>> -> memref<1x8x128xi32, #tpu.memory_space<vmem>>
    %dma_start3A_12 = tpu.memref_squeeze %dma_start3A_11 : memref<1x8x128xi32, #tpu.memory_space<vmem>> -> memref<8x128xi32, #tpu.memory_space<vmem>>
    %dma_start3A_13 = arith.constant 0 : i32
    %dma_start3A_14 = tpu.memref_slice %arg3[%mul3A_0, %dma_start3A_13] : memref<6400x128xi32, #tpu.memory_space<hbm>> -> memref<8x128xi32, #tpu.memory_space<hbm>>
    tpu.enqueue_dma source(%dma_start3A_14 : memref<8x128xi32, #tpu.memory_space<hbm>>) target(%dma_start3A_12 : memref<8x128xi32, #tpu.memory_space<vmem>>) target_semaphore(%arg11 : memref<!tpu.dma_semaphore, #tpu.memory_space<semaphore_mem>>)
    %dma_start3A_15 = arith.constant 0 : i32
    %dma_start3A_16 = arith.constant 0 : i32
    %dma_start3A_17 = arith.constant 0 : i32
    %dma_start3A_18 = tpu.memref_slice %arg9[%dma_start3A_15, %dma_start3A_16, %dma_start3A_17] : memref<3x8x128xi32, #tpu.memory_space<vmem>> -> memref<1x8x128xi32, #tpu.memory_space<vmem>>
    %dma_start3A_19 = tpu.memref_squeeze %dma_start3A_18 : memref<1x8x128xi32, #tpu.memory_space<vmem>> -> memref<8x128xi32, #tpu.memory_space<vmem>>
    %dma_start3A_20 = arith.constant 0 : i32
    %dma_start3A_21 = tpu.memref_slice %arg4[%mul3A_0, %dma_start3A_20] : memref<6400x128xi32, #tpu.memory_space<hbm>> -> memref<8x128xi32, #tpu.memory_space<hbm>>
    %dma_start3A_22 = arith.constant 0 : i32
    %dma_start3A_23 = arith.constant 0 : i32
    %dma_start3A_24 = tpu.memref_slice %arg9[%dma_start3A_15, %dma_start3A_22, %dma_start3A_23] : memref<3x8x128xi32, #tpu.memory_space<vmem>> -> memref<1x8x128xi32, #tpu.memory_space<vmem>>
    %dma_start3A_25 = tpu.memref_squeeze %dma_start3A_24 : memref<1x8x128xi32, #tpu.memory_space<vmem>> -> memref<8x128xi32, #tpu.memory_space<vmem>>
    %dma_start3A_26 = arith.constant 0 : i32
    %dma_start3A_27 = tpu.memref_slice %arg4[%mul3A_0, %dma_start3A_26] : memref<6400x128xi32, #tpu.memory_space<hbm>> -> memref<8x128xi32, #tpu.memory_space<hbm>>
    tpu.enqueue_dma source(%dma_start3A_27 : memref<8x128xi32, #tpu.memory_space<hbm>>) target(%dma_start3A_25 : memref<8x128xi32, #tpu.memory_space<vmem>>) target_semaphore(%arg11 : memref<!tpu.dma_semaphore, #tpu.memory_space<semaphore_mem>>)
    %scan3A = arith.constant 0 : i32
    %scan3A_28 = arith.constant 0 : i32
    %scan3A_29 = arith.constant 50 : i32
    %scan3A_30 = arith.addi %scan3A_28, %scan3A_29 : i32
    %scan3A_31 = arith.constant 1 : i32
    %scan3A_32 = scf.for %scan3A_116 = %scan3A_28 to %scan3A_30 step %scan3A_31 iter_args(%scan3A_117 = %scan3A) -> (i32)  : i32 {
      %rem3A = arith.constant 3 : i32
      %rem3A_118 = arith.remsi %scan3A_116, %rem3A : i32
      %mul3A_119 = arith.constant 8 : i32
      %mul3A_120 = arith.muli %scan3A_116, %mul3A_119 : i32
      %add3A = arith.addi %mul3A_0, %mul3A_120 : i32
      %dma_wait3A_121 = arith.constant 0 : i32
      %dma_wait3A_122 = arith.constant 0 : i32
      %dma_wait3A_123 = tpu.memref_slice %arg8[%rem3A_118, %dma_wait3A_121, %dma_wait3A_122] : memref<3x8x128xi32, #tpu.memory_space<vmem>> -> memref<1x8x128xi32, #tpu.memory_space<vmem>>
      %dma_wait3A_124 = tpu.memref_squeeze %dma_wait3A_123 : memref<1x8x128xi32, #tpu.memory_space<vmem>> -> memref<8x128xi32, #tpu.memory_space<vmem>>
      %dma_wait3A_125 = arith.constant 0 : i32
      %dma_wait3A_126 = tpu.memref_slice %arg3[%add3A, %dma_wait3A_125] : memref<6400x128xi32, #tpu.memory_space<hbm>> -> memref<8x128xi32, #tpu.memory_space<hbm>>
      %dma_wait3A_127 = arith.constant 0 : i32
      %dma_wait3A_128 = arith.constant 0 : i32
      %dma_wait3A_129 = tpu.memref_slice %arg8[%rem3A_118, %dma_wait3A_127, %dma_wait3A_128] : memref<3x8x128xi32, #tpu.memory_space<vmem>> -> memref<1x8x128xi32, #tpu.memory_space<vmem>>
      %dma_wait3A_130 = tpu.memref_squeeze %dma_wait3A_129 : memref<1x8x128xi32, #tpu.memory_space<vmem>> -> memref<8x128xi32, #tpu.memory_space<vmem>>
      %dma_wait3A_131 = arith.constant 0 : i32
      %dma_wait3A_132 = tpu.memref_slice %arg3[%add3A, %dma_wait3A_131] : memref<6400x128xi32, #tpu.memory_space<hbm>> -> memref<8x128xi32, #tpu.memory_space<hbm>>
      tpu.wait_dma2 semaphore(%arg11 : memref<!tpu.dma_semaphore, #tpu.memory_space<semaphore_mem>>) src(%dma_wait3A_132 : memref<8x128xi32, #tpu.memory_space<hbm>>) dst(%dma_wait3A_130 : memref<8x128xi32, #tpu.memory_space<vmem>>)
      %dma_wait3A_133 = arith.constant 0 : i32
      %dma_wait3A_134 = arith.constant 0 : i32
      %dma_wait3A_135 = tpu.memref_slice %arg9[%rem3A_118, %dma_wait3A_133, %dma_wait3A_134] : memref<3x8x128xi32, #tpu.memory_space<vmem>> -> memref<1x8x128xi32, #tpu.memory_space<vmem>>
      %dma_wait3A_136 = tpu.memref_squeeze %dma_wait3A_135 : memref<1x8x128xi32, #tpu.memory_space<vmem>> -> memref<8x128xi32, #tpu.memory_space<vmem>>
      %dma_wait3A_137 = arith.constant 0 : i32
      %dma_wait3A_138 = tpu.memref_slice %arg4[%add3A, %dma_wait3A_137] : memref<6400x128xi32, #tpu.memory_space<hbm>> -> memref<8x128xi32, #tpu.memory_space<hbm>>
      %dma_wait3A_139 = arith.constant 0 : i32
      %dma_wait3A_140 = arith.constant 0 : i32
      %dma_wait3A_141 = tpu.memref_slice %arg9[%rem3A_118, %dma_wait3A_139, %dma_wait3A_140] : memref<3x8x128xi32, #tpu.memory_space<vmem>> -> memref<1x8x128xi32, #tpu.memory_space<vmem>>
      %dma_wait3A_142 = tpu.memref_squeeze %dma_wait3A_141 : memref<1x8x128xi32, #tpu.memory_space<vmem>> -> memref<8x128xi32, #tpu.memory_space<vmem>>
      %dma_wait3A_143 = arith.constant 0 : i32
      %dma_wait3A_144 = tpu.memref_slice %arg4[%add3A, %dma_wait3A_143] : memref<6400x128xi32, #tpu.memory_space<hbm>> -> memref<8x128xi32, #tpu.memory_space<hbm>>
      tpu.wait_dma2 semaphore(%arg11 : memref<!tpu.dma_semaphore, #tpu.memory_space<semaphore_mem>>) src(%dma_wait3A_144 : memref<8x128xi32, #tpu.memory_space<hbm>>) dst(%dma_wait3A_142 : memref<8x128xi32, #tpu.memory_space<vmem>>)
      %add3A_145 = arith.constant 1 : i32
      %add3A_146 = arith.addi %scan3A_116, %add3A_145 : i32
      %lt3A = arith.constant 50 : i32
      %lt3A_147 = arith.cmpi slt, %add3A_146, %lt3A : i32
      %convert_element_type3A = arith.extui %lt3A_147 : i1 to i32
      %cond3A = arith.constant 0 : i32
      %cond3A_148 = arith.cmpi ne, %convert_element_type3A, %cond3A : i32
      scf.if %cond3A_148 {
        %add3A_555 = arith.constant 1 : i32
        %add3A_556 = arith.addi %scan3A_116, %add3A_555 : i32
        %rem3A_557 = arith.constant 3 : i32
        %rem3A_558 = arith.remsi %add3A_556, %rem3A_557 : i32
        %add3A_559 = arith.constant 8 : i32
        %add3A_560 = arith.addi %add3A, %add3A_559 : i32
        %dma_start3A_561 = arith.constant 0 : i32
        %dma_start3A_562 = arith.constant 0 : i32
        %dma_start3A_563 = tpu.memref_slice %arg8[%rem3A_558, %dma_start3A_561, %dma_start3A_562] : memref<3x8x128xi32, #tpu.memory_space<vmem>> -> memref<1x8x128xi32, #tpu.memory_space<vmem>>
        %dma_start3A_564 = tpu.memref_squeeze %dma_start3A_563 : memref<1x8x128xi32, #tpu.memory_space<vmem>> -> memref<8x128xi32, #tpu.memory_space<vmem>>
        %dma_start3A_565 = arith.constant 0 : i32
        %dma_start3A_566 = tpu.memref_slice %arg3[%add3A_560, %dma_start3A_565] : memref<6400x128xi32, #tpu.memory_space<hbm>> -> memref<8x128xi32, #tpu.memory_space<hbm>>
        %dma_start3A_567 = arith.constant 0 : i32
        %dma_start3A_568 = arith.constant 0 : i32
        %dma_start3A_569 = tpu.memref_slice %arg8[%rem3A_558, %dma_start3A_567, %dma_start3A_568] : memref<3x8x128xi32, #tpu.memory_space<vmem>> -> memref<1x8x128xi32, #tpu.memory_space<vmem>>
        %dma_start3A_570 = tpu.memref_squeeze %dma_start3A_569 : memref<1x8x128xi32, #tpu.memory_space<vmem>> -> memref<8x128xi32, #tpu.memory_space<vmem>>
        %dma_start3A_571 = arith.constant 0 : i32
        %dma_start3A_572 = tpu.memref_slice %arg3[%add3A_560, %dma_start3A_571] : memref<6400x128xi32, #tpu.memory_space<hbm>> -> memref<8x128xi32, #tpu.memory_space<hbm>>
        tpu.enqueue_dma source(%dma_start3A_572 : memref<8x128xi32, #tpu.memory_space<hbm>>) target(%dma_start3A_570 : memref<8x128xi32, #tpu.memory_space<vmem>>) target_semaphore(%arg11 : memref<!tpu.dma_semaphore, #tpu.memory_space<semaphore_mem>>)
        %dma_start3A_573 = arith.constant 0 : i32
        %dma_start3A_574 = arith.constant 0 : i32
        %dma_start3A_575 = tpu.memref_slice %arg9[%rem3A_558, %dma_start3A_573, %dma_start3A_574] : memref<3x8x128xi32, #tpu.memory_space<vmem>> -> memref<1x8x128xi32, #tpu.memory_space<vmem>>
        %dma_start3A_576 = tpu.memref_squeeze %dma_start3A_575 : memref<1x8x128xi32, #tpu.memory_space<vmem>> -> memref<8x128xi32, #tpu.memory_space<vmem>>
        %dma_start3A_577 = arith.constant 0 : i32
        %dma_start3A_578 = tpu.memref_slice %arg4[%add3A_560, %dma_start3A_577] : memref<6400x128xi32, #tpu.memory_space<hbm>> -> memref<8x128xi32, #tpu.memory_space<hbm>>
        %dma_start3A_579 = arith.constant 0 : i32
        %dma_start3A_580 = arith.constant 0 : i32
        %dma_start3A_581 = tpu.memref_slice %arg9[%rem3A_558, %dma_start3A_579, %dma_start3A_580] : memref<3x8x128xi32, #tpu.memory_space<vmem>> -> memref<1x8x128xi32, #tpu.memory_space<vmem>>
        %dma_start3A_582 = tpu.memref_squeeze %dma_start3A_581 : memref<1x8x128xi32, #tpu.memory_space<vmem>> -> memref<8x128xi32, #tpu.memory_space<vmem>>
        %dma_start3A_583 = arith.constant 0 : i32
        %dma_start3A_584 = tpu.memref_slice %arg4[%add3A_560, %dma_start3A_583] : memref<6400x128xi32, #tpu.memory_space<hbm>> -> memref<8x128xi32, #tpu.memory_space<hbm>>
        tpu.enqueue_dma source(%dma_start3A_584 : memref<8x128xi32, #tpu.memory_space<hbm>>) target(%dma_start3A_582 : memref<8x128xi32, #tpu.memory_space<vmem>>) target_semaphore(%arg11 : memref<!tpu.dma_semaphore, #tpu.memory_space<semaphore_mem>>)
      } else {
      }
      %gt3A = arith.constant 0 : i32
      %gt3A_149 = arith.cmpi sgt, %scan3A_116, %gt3A : i32
      %convert_element_type3A_150 = arith.extui %gt3A_149 : i1 to i32
      %cond3A_151 = arith.constant 0 : i32
      %cond3A_152 = arith.cmpi ne, %convert_element_type3A_150, %cond3A_151 : i32
      scf.if %cond3A_152 {
        %dma_wait3A_555 = arith.constant 0 : i32
        %dma_wait3A_556 = arith.constant 0 : i32
        %dma_wait3A_557 = arith.constant 0 : i32
        %dma_wait3A_558 = arith.constant 0 : i32
        %dma_wait3A_559 = tpu.memref_slice %arg10[%dma_wait3A_555, %dma_wait3A_557, %dma_wait3A_558] : memref<6x128x32xf32, #tpu.memory_space<vmem>> -> memref<1x128x32xf32, #tpu.memory_space<vmem>>
        %dma_wait3A_560 = tpu.memref_squeeze %dma_wait3A_559 : memref<1x128x32xf32, #tpu.memory_space<vmem>> -> memref<128x32xf32, #tpu.memory_space<vmem>>
        %dma_wait3A_561 = arith.constant 0 : i32
        %dma_wait3A_562 = tpu.memref_slice %arg9[%rem3A_118, %dma_wait3A_556, %dma_wait3A_561] : memref<3x8x128xi32, #tpu.memory_space<vmem>> -> memref<1x1x128xi32, #tpu.memory_space<vmem>>
        %dma_wait3A_563 = tpu.memref_squeeze %dma_wait3A_562 : memref<1x1x128xi32, #tpu.memory_space<vmem>> -> memref<128xi32, #tpu.memory_space<vmem>>
        %dma_wait3A_564 = arith.constant 0 : i32
        %dma_wait3A_565 = arith.constant 0 : i32
        %dma_wait3A_566 = tpu.memref_slice %arg7[%dma_wait3A_564, %dma_wait3A_565] : memref<50016x32xf32, #tpu.memory_space<vmem_shared>> -> memref<50016x32xf32, #tpu.memory_space<vmem_shared>>
        tpu.wait_indirect_dma semaphore(%arg18 : memref<!tpu.dma_semaphore, #tpu.memory_space<semaphore_mem>>) src(%dma_wait3A_560 : memref<128x32xf32, #tpu.memory_space<vmem>>) dst(%dma_wait3A_566 : memref<50016x32xf32, #tpu.memory_space<vmem_shared>>)
      } else {
      }
      %dma_start3A_153 = arith.constant 0 : i32
      %dma_start3A_154 = arith.constant 0 : i32
      %dma_start3A_155 = arith.constant 0 : i32
      %dma_start3A_156 = arith.constant 0 : i32
      %dma_start3A_157 = tpu.memref_slice %arg10[%dma_start3A_154, %dma_start3A_155, %dma_start3A_156] : memref<6x128x32xf32, #tpu.memory_space<vmem>> -> memref<1x128x32xf32, #tpu.memory_space<vmem>>
      %dma_start3A_158 = tpu.memref_squeeze %dma_start3A_157 : memref<1x128x32xf32, #tpu.memory_space<vmem>> -> memref<128x32xf32, #tpu.memory_space<vmem>>
      %dma_start3A_159 = arith.constant 0 : i32
      %dma_start3A_160 = tpu.memref_slice %arg8[%rem3A_118, %dma_start3A_153, %dma_start3A_159] : memref<3x8x128xi32, #tpu.memory_space<vmem>> -> memref<1x1x128xi32, #tpu.memory_space<vmem>>
      %dma_start3A_161 = tpu.memref_squeeze %dma_start3A_160 : memref<1x1x128xi32, #tpu.memory_space<vmem>> -> memref<128xi32, #tpu.memory_space<vmem>>
      %dma_start3A_162 = arith.constant 0 : i32
      %dma_start3A_163 = arith.constant 0 : i32
      %dma_start3A_164 = tpu.memref_slice %arg2[%arg0, %dma_start3A_162, %dma_start3A_163] : memref<2x50000x32xf32, #tpu.memory_space<hbm>> -> memref<1x50000x32xf32, #tpu.memory_space<hbm>>
      %dma_start3A_165 = tpu.memref_squeeze %dma_start3A_164 : memref<1x50000x32xf32, #tpu.memory_space<hbm>> -> memref<50000x32xf32, #tpu.memory_space<hbm>>
      %dma_start3A_166 = arith.constant 0 : i32
      %dma_start3A_167 = arith.constant 0 : i32
      %dma_start3A_168 = tpu.memref_slice %dma_start3A_165[%dma_start3A_166, %dma_start3A_167] : memref<50000x32xf32, #tpu.memory_space<hbm>> -> memref<50000x32xf32, #tpu.memory_space<hbm>>
      tpu.enqueue_indirect_dma source(%dma_start3A_168 : memref<50000x32xf32, #tpu.memory_space<hbm>>) target(%dma_start3A_158 : memref<128x32xf32, #tpu.memory_space<vmem>>) offsets(%dma_start3A_161 : memref<128xi32, #tpu.memory_space<vmem>>) semaphore(%arg12 : memref<!tpu.dma_semaphore, #tpu.memory_space<semaphore_mem>>)
      %gt3A_169 = arith.constant 0 : i32
      %gt3A_170 = arith.cmpi sgt, %scan3A_116, %gt3A_169 : i32
      %convert_element_type3A_171 = arith.extui %gt3A_170 : i1 to i32
      %cond3A_172 = arith.constant 0 : i32
      %cond3A_173 = arith.cmpi ne, %convert_element_type3A_171, %cond3A_172 : i32
      scf.if %cond3A_173 {
        %dma_wait3A_555 = arith.constant 1 : i32
        %dma_wait3A_556 = arith.constant 1 : i32
        %dma_wait3A_557 = arith.constant 0 : i32
        %dma_wait3A_558 = arith.constant 0 : i32
        %dma_wait3A_559 = tpu.memref_slice %arg10[%dma_wait3A_555, %dma_wait3A_557, %dma_wait3A_558] : memref<6x128x32xf32, #tpu.memory_space<vmem>> -> memref<1x128x32xf32, #tpu.memory_space<vmem>>
        %dma_wait3A_560 = tpu.memref_squeeze %dma_wait3A_559 : memref<1x128x32xf32, #tpu.memory_space<vmem>> -> memref<128x32xf32, #tpu.memory_space<vmem>>
        %dma_wait3A_561 = arith.constant 0 : i32
        %dma_wait3A_562 = tpu.memref_slice %arg9[%rem3A_118, %dma_wait3A_556, %dma_wait3A_561] : memref<3x8x128xi32, #tpu.memory_space<vmem>> -> memref<1x1x128xi32, #tpu.memory_space<vmem>>
        %dma_wait3A_563 = tpu.memref_squeeze %dma_wait3A_562 : memref<1x1x128xi32, #tpu.memory_space<vmem>> -> memref<128xi32, #tpu.memory_space<vmem>>
        %dma_wait3A_564 = arith.constant 0 : i32
        %dma_wait3A_565 = arith.constant 0 : i32
        %dma_wait3A_566 = tpu.memref_slice %arg7[%dma_wait3A_564, %dma_wait3A_565] : memref<50016x32xf32, #tpu.memory_space<vmem_shared>> -> memref<50016x32xf32, #tpu.memory_space<vmem_shared>>
        tpu.wait_indirect_dma semaphore(%arg19 : memref<!tpu.dma_semaphore, #tpu.memory_space<semaphore_mem>>) src(%dma_wait3A_560 : memref<128x32xf32, #tpu.memory_space<vmem>>) dst(%dma_wait3A_566 : memref<50016x32xf32, #tpu.memory_space<vmem_shared>>)
      } else {
      }
      %dma_start3A_174 = arith.constant 1 : i32
      %dma_start3A_175 = arith.constant 1 : i32
      %dma_start3A_176 = arith.constant 0 : i32
      %dma_start3A_177 = arith.constant 0 : i32
      %dma_start3A_178 = tpu.memref_slice %arg10[%dma_start3A_175, %dma_start3A_176, %dma_start3A_177] : memref<6x128x32xf32, #tpu.memory_space<vmem>> -> memref<1x128x32xf32, #tpu.memory_space<vmem>>
      %dma_start3A_179 = tpu.memref_squeeze %dma_start3A_178 : memref<1x128x32xf32, #tpu.memory_space<vmem>> -> memref<128x32xf32, #tpu.memory_space<vmem>>
      %dma_start3A_180 = arith.constant 0 : i32
      %dma_start3A_181 = tpu.memref_slice %arg8[%rem3A_118, %dma_start3A_174, %dma_start3A_180] : memref<3x8x128xi32, #tpu.memory_space<vmem>> -> memref<1x1x128xi32, #tpu.memory_space<vmem>>
      %dma_start3A_182 = tpu.memref_squeeze %dma_start3A_181 : memref<1x1x128xi32, #tpu.memory_space<vmem>> -> memref<128xi32, #tpu.memory_space<vmem>>
      %dma_start3A_183 = arith.constant 0 : i32
      %dma_start3A_184 = arith.constant 0 : i32
      %dma_start3A_185 = tpu.memref_slice %arg2[%arg0, %dma_start3A_183, %dma_start3A_184] : memref<2x50000x32xf32, #tpu.memory_space<hbm>> -> memref<1x50000x32xf32, #tpu.memory_space<hbm>>
      %dma_start3A_186 = tpu.memref_squeeze %dma_start3A_185 : memref<1x50000x32xf32, #tpu.memory_space<hbm>> -> memref<50000x32xf32, #tpu.memory_space<hbm>>
      %dma_start3A_187 = arith.constant 0 : i32
      %dma_start3A_188 = arith.constant 0 : i32
      %dma_start3A_189 = tpu.memref_slice %dma_start3A_186[%dma_start3A_187, %dma_start3A_188] : memref<50000x32xf32, #tpu.memory_space<hbm>> -> memref<50000x32xf32, #tpu.memory_space<hbm>>
      tpu.enqueue_indirect_dma source(%dma_start3A_189 : memref<50000x32xf32, #tpu.memory_space<hbm>>) target(%dma_start3A_179 : memref<128x32xf32, #tpu.memory_space<vmem>>) offsets(%dma_start3A_182 : memref<128xi32, #tpu.memory_space<vmem>>) semaphore(%arg13 : memref<!tpu.dma_semaphore, #tpu.memory_space<semaphore_mem>>)
      %gt3A_190 = arith.constant 0 : i32
      %gt3A_191 = arith.cmpi sgt, %scan3A_116, %gt3A_190 : i32
      %convert_element_type3A_192 = arith.extui %gt3A_191 : i1 to i32
      %cond3A_193 = arith.constant 0 : i32
      %cond3A_194 = arith.cmpi ne, %convert_element_type3A_192, %cond3A_193 : i32
      scf.if %cond3A_194 {
        %dma_wait3A_555 = arith.constant 2 : i32
        %dma_wait3A_556 = arith.constant 2 : i32
        %dma_wait3A_557 = arith.constant 0 : i32
        %dma_wait3A_558 = arith.constant 0 : i32
        %dma_wait3A_559 = tpu.memref_slice %arg10[%dma_wait3A_555, %dma_wait3A_557, %dma_wait3A_558] : memref<6x128x32xf32, #tpu.memory_space<vmem>> -> memref<1x128x32xf32, #tpu.memory_space<vmem>>
        %dma_wait3A_560 = tpu.memref_squeeze %dma_wait3A_559 : memref<1x128x32xf32, #tpu.memory_space<vmem>> -> memref<128x32xf32, #tpu.memory_space<vmem>>
        %dma_wait3A_561 = arith.constant 0 : i32
        %dma_wait3A_562 = tpu.memref_slice %arg9[%rem3A_118, %dma_wait3A_556, %dma_wait3A_561] : memref<3x8x128xi32, #tpu.memory_space<vmem>> -> memref<1x1x128xi32, #tpu.memory_space<vmem>>
        %dma_wait3A_563 = tpu.memref_squeeze %dma_wait3A_562 : memref<1x1x128xi32, #tpu.memory_space<vmem>> -> memref<128xi32, #tpu.memory_space<vmem>>
        %dma_wait3A_564 = arith.constant 0 : i32
        %dma_wait3A_565 = arith.constant 0 : i32
        %dma_wait3A_566 = tpu.memref_slice %arg7[%dma_wait3A_564, %dma_wait3A_565] : memref<50016x32xf32, #tpu.memory_space<vmem_shared>> -> memref<50016x32xf32, #tpu.memory_space<vmem_shared>>
        tpu.wait_indirect_dma semaphore(%arg20 : memref<!tpu.dma_semaphore, #tpu.memory_space<semaphore_mem>>) src(%dma_wait3A_560 : memref<128x32xf32, #tpu.memory_space<vmem>>) dst(%dma_wait3A_566 : memref<50016x32xf32, #tpu.memory_space<vmem_shared>>)
      } else {
      }
      %dma_start3A_195 = arith.constant 2 : i32
      %dma_start3A_196 = arith.constant 2 : i32
      %dma_start3A_197 = arith.constant 0 : i32
      %dma_start3A_198 = arith.constant 0 : i32
      %dma_start3A_199 = tpu.memref_slice %arg10[%dma_start3A_196, %dma_start3A_197, %dma_start3A_198] : memref<6x128x32xf32, #tpu.memory_space<vmem>> -> memref<1x128x32xf32, #tpu.memory_space<vmem>>
      %dma_start3A_200 = tpu.memref_squeeze %dma_start3A_199 : memref<1x128x32xf32, #tpu.memory_space<vmem>> -> memref<128x32xf32, #tpu.memory_space<vmem>>
      %dma_start3A_201 = arith.constant 0 : i32
      %dma_start3A_202 = tpu.memref_slice %arg8[%rem3A_118, %dma_start3A_195, %dma_start3A_201] : memref<3x8x128xi32, #tpu.memory_space<vmem>> -> memref<1x1x128xi32, #tpu.memory_space<vmem>>
      %dma_start3A_203 = tpu.memref_squeeze %dma_start3A_202 : memref<1x1x128xi32, #tpu.memory_space<vmem>> -> memref<128xi32, #tpu.memory_space<vmem>>
      %dma_start3A_204 = arith.constant 0 : i32
      %dma_start3A_205 = arith.constant 0 : i32
      %dma_start3A_206 = tpu.memref_slice %arg2[%arg0, %dma_start3A_204, %dma_start3A_205] : memref<2x50000x32xf32, #tpu.memory_space<hbm>> -> memref<1x50000x32xf32, #tpu.memory_space<hbm>>
      %dma_start3A_207 = tpu.memref_squeeze %dma_start3A_206 : memref<1x50000x32xf32, #tpu.memory_space<hbm>> -> memref<50000x32xf32, #tpu.memory_space<hbm>>
      %dma_start3A_208 = arith.constant 0 : i32
      %dma_start3A_209 = arith.constant 0 : i32
      %dma_start3A_210 = tpu.memref_slice %dma_start3A_207[%dma_start3A_208, %dma_start3A_209] : memref<50000x32xf32, #tpu.memory_space<hbm>> -> memref<50000x32xf32, #tpu.memory_space<hbm>>
      tpu.enqueue_indirect_dma source(%dma_start3A_210 : memref<50000x32xf32, #tpu.memory_space<hbm>>) target(%dma_start3A_200 : memref<128x32xf32, #tpu.memory_space<vmem>>) offsets(%dma_start3A_203 : memref<128xi32, #tpu.memory_space<vmem>>) semaphore(%arg14 : memref<!tpu.dma_semaphore, #tpu.memory_space<semaphore_mem>>)
      %gt3A_211 = arith.constant 0 : i32
      %gt3A_212 = arith.cmpi sgt, %scan3A_116, %gt3A_211 : i32
      %convert_element_type3A_213 = arith.extui %gt3A_212 : i1 to i32
      %cond3A_214 = arith.constant 0 : i32
      %cond3A_215 = arith.cmpi ne, %convert_element_type3A_213, %cond3A_214 : i32
      scf.if %cond3A_215 {
        %dma_wait3A_555 = arith.constant 3 : i32
        %dma_wait3A_556 = arith.constant 3 : i32
        %dma_wait3A_557 = arith.constant 0 : i32
        %dma_wait3A_558 = arith.constant 0 : i32
        %dma_wait3A_559 = tpu.memref_slice %arg10[%dma_wait3A_555, %dma_wait3A_557, %dma_wait3A_558] : memref<6x128x32xf32, #tpu.memory_space<vmem>> -> memref<1x128x32xf32, #tpu.memory_space<vmem>>
        %dma_wait3A_560 = tpu.memref_squeeze %dma_wait3A_559 : memref<1x128x32xf32, #tpu.memory_space<vmem>> -> memref<128x32xf32, #tpu.memory_space<vmem>>
        %dma_wait3A_561 = arith.constant 0 : i32
        %dma_wait3A_562 = tpu.memref_slice %arg9[%rem3A_118, %dma_wait3A_556, %dma_wait3A_561] : memref<3x8x128xi32, #tpu.memory_space<vmem>> -> memref<1x1x128xi32, #tpu.memory_space<vmem>>
        %dma_wait3A_563 = tpu.memref_squeeze %dma_wait3A_562 : memref<1x1x128xi32, #tpu.memory_space<vmem>> -> memref<128xi32, #tpu.memory_space<vmem>>
        %dma_wait3A_564 = arith.constant 0 : i32
        %dma_wait3A_565 = arith.constant 0 : i32
        %dma_wait3A_566 = tpu.memref_slice %arg7[%dma_wait3A_564, %dma_wait3A_565] : memref<50016x32xf32, #tpu.memory_space<vmem_shared>> -> memref<50016x32xf32, #tpu.memory_space<vmem_shared>>
        tpu.wait_indirect_dma semaphore(%arg21 : memref<!tpu.dma_semaphore, #tpu.memory_space<semaphore_mem>>) src(%dma_wait3A_560 : memref<128x32xf32, #tpu.memory_space<vmem>>) dst(%dma_wait3A_566 : memref<50016x32xf32, #tpu.memory_space<vmem_shared>>)
      } else {
      }
      %dma_start3A_216 = arith.constant 3 : i32
      %dma_start3A_217 = arith.constant 3 : i32
      %dma_start3A_218 = arith.constant 0 : i32
      %dma_start3A_219 = arith.constant 0 : i32
      %dma_start3A_220 = tpu.memref_slice %arg10[%dma_start3A_217, %dma_start3A_218, %dma_start3A_219] : memref<6x128x32xf32, #tpu.memory_space<vmem>> -> memref<1x128x32xf32, #tpu.memory_space<vmem>>
      %dma_start3A_221 = tpu.memref_squeeze %dma_start3A_220 : memref<1x128x32xf32, #tpu.memory_space<vmem>> -> memref<128x32xf32, #tpu.memory_space<vmem>>
      %dma_start3A_222 = arith.constant 0 : i32
      %dma_start3A_223 = tpu.memref_slice %arg8[%rem3A_118, %dma_start3A_216, %dma_start3A_222] : memref<3x8x128xi32, #tpu.memory_space<vmem>> -> memref<1x1x128xi32, #tpu.memory_space<vmem>>
      %dma_start3A_224 = tpu.memref_squeeze %dma_start3A_223 : memref<1x1x128xi32, #tpu.memory_space<vmem>> -> memref<128xi32, #tpu.memory_space<vmem>>
      %dma_start3A_225 = arith.constant 0 : i32
      %dma_start3A_226 = arith.constant 0 : i32
      %dma_start3A_227 = tpu.memref_slice %arg2[%arg0, %dma_start3A_225, %dma_start3A_226] : memref<2x50000x32xf32, #tpu.memory_space<hbm>> -> memref<1x50000x32xf32, #tpu.memory_space<hbm>>
      %dma_start3A_228 = tpu.memref_squeeze %dma_start3A_227 : memref<1x50000x32xf32, #tpu.memory_space<hbm>> -> memref<50000x32xf32, #tpu.memory_space<hbm>>
      %dma_start3A_229 = arith.constant 0 : i32
      %dma_start3A_230 = arith.constant 0 : i32
      %dma_start3A_231 = tpu.memref_slice %dma_start3A_228[%dma_start3A_229, %dma_start3A_230] : memref<50000x32xf32, #tpu.memory_space<hbm>> -> memref<50000x32xf32, #tpu.memory_space<hbm>>
      tpu.enqueue_indirect_dma source(%dma_start3A_231 : memref<50000x32xf32, #tpu.memory_space<hbm>>) target(%dma_start3A_221 : memref<128x32xf32, #tpu.memory_space<vmem>>) offsets(%dma_start3A_224 : memref<128xi32, #tpu.memory_space<vmem>>) semaphore(%arg15 : memref<!tpu.dma_semaphore, #tpu.memory_space<semaphore_mem>>)
      %dma_wait3A_232 = arith.constant 0 : i32
      %dma_wait3A_233 = arith.constant 0 : i32
      %dma_wait3A_234 = arith.constant 0 : i32
      %dma_wait3A_235 = arith.constant 0 : i32
      %dma_wait3A_236 = tpu.memref_slice %arg10[%dma_wait3A_233, %dma_wait3A_234, %dma_wait3A_235] : memref<6x128x32xf32, #tpu.memory_space<vmem>> -> memref<1x128x32xf32, #tpu.memory_space<vmem>>
      %dma_wait3A_237 = tpu.memref_squeeze %dma_wait3A_236 : memref<1x128x32xf32, #tpu.memory_space<vmem>> -> memref<128x32xf32, #tpu.memory_space<vmem>>
      %dma_wait3A_238 = arith.constant 0 : i32
      %dma_wait3A_239 = tpu.memref_slice %arg8[%rem3A_118, %dma_wait3A_232, %dma_wait3A_238] : memref<3x8x128xi32, #tpu.memory_space<vmem>> -> memref<1x1x128xi32, #tpu.memory_space<vmem>>
      %dma_wait3A_240 = tpu.memref_squeeze %dma_wait3A_239 : memref<1x1x128xi32, #tpu.memory_space<vmem>> -> memref<128xi32, #tpu.memory_space<vmem>>
      %dma_wait3A_241 = arith.constant 0 : i32
      %dma_wait3A_242 = arith.constant 0 : i32
      %dma_wait3A_243 = tpu.memref_slice %arg2[%arg0, %dma_wait3A_241, %dma_wait3A_242] : memref<2x50000x32xf32, #tpu.memory_space<hbm>> -> memref<1x50000x32xf32, #tpu.memory_space<hbm>>
      %dma_wait3A_244 = tpu.memref_squeeze %dma_wait3A_243 : memref<1x50000x32xf32, #tpu.memory_space<hbm>> -> memref<50000x32xf32, #tpu.memory_space<hbm>>
      %dma_wait3A_245 = arith.constant 0 : i32
      %dma_wait3A_246 = arith.constant 0 : i32
      %dma_wait3A_247 = tpu.memref_slice %dma_wait3A_244[%dma_wait3A_245, %dma_wait3A_246] : memref<50000x32xf32, #tpu.memory_space<hbm>> -> memref<50000x32xf32, #tpu.memory_space<hbm>>
      tpu.wait_indirect_dma semaphore(%arg12 : memref<!tpu.dma_semaphore, #tpu.memory_space<semaphore_mem>>) src(%dma_wait3A_247 : memref<50000x32xf32, #tpu.memory_space<hbm>>) dst(%dma_wait3A_237 : memref<128x32xf32, #tpu.memory_space<vmem>>)
      %dma_start3A_248 = arith.constant 0 : i32
      %dma_start3A_249 = arith.constant 0 : i32
      %dma_start3A_250 = arith.constant 0 : i32
      %dma_start3A_251 = arith.constant 0 : i32
      %dma_start3A_252 = tpu.memref_slice %arg10[%dma_start3A_248, %dma_start3A_250, %dma_start3A_251] : memref<6x128x32xf32, #tpu.memory_space<vmem>> -> memref<1x128x32xf32, #tpu.memory_space<vmem>>
      %dma_start3A_253 = tpu.memref_squeeze %dma_start3A_252 : memref<1x128x32xf32, #tpu.memory_space<vmem>> -> memref<128x32xf32, #tpu.memory_space<vmem>>
      %dma_start3A_254 = arith.constant 0 : i32
      %dma_start3A_255 = tpu.memref_slice %arg9[%rem3A_118, %dma_start3A_249, %dma_start3A_254] : memref<3x8x128xi32, #tpu.memory_space<vmem>> -> memref<1x1x128xi32, #tpu.memory_space<vmem>>
      %dma_start3A_256 = tpu.memref_squeeze %dma_start3A_255 : memref<1x1x128xi32, #tpu.memory_space<vmem>> -> memref<128xi32, #tpu.memory_space<vmem>>
      %dma_start3A_257 = arith.constant 0 : i32
      %dma_start3A_258 = arith.constant 0 : i32
      %dma_start3A_259 = tpu.memref_slice %arg7[%dma_start3A_257, %dma_start3A_258] : memref<50016x32xf32, #tpu.memory_space<vmem_shared>> -> memref<50016x32xf32, #tpu.memory_space<vmem_shared>>
      tpu.enqueue_indirect_dma source(%dma_start3A_253 : memref<128x32xf32, #tpu.memory_space<vmem>>) target(%dma_start3A_259 : memref<50016x32xf32, #tpu.memory_space<vmem_shared>>) offsets(%dma_start3A_256 : memref<128xi32, #tpu.memory_space<vmem>>) semaphore(%arg18 : memref<!tpu.dma_semaphore, #tpu.memory_space<semaphore_mem>>) {add = true}
      %gt3A_260 = arith.constant 0 : i32
      %gt3A_261 = arith.cmpi sgt, %scan3A_116, %gt3A_260 : i32
      %convert_element_type3A_262 = arith.extui %gt3A_261 : i1 to i32
      %cond3A_263 = arith.constant 0 : i32
      %cond3A_264 = arith.cmpi ne, %convert_element_type3A_262, %cond3A_263 : i32
      scf.if %cond3A_264 {
        %dma_wait3A_555 = arith.constant 4 : i32
        %dma_wait3A_556 = arith.constant 4 : i32
        %dma_wait3A_557 = arith.constant 0 : i32
        %dma_wait3A_558 = arith.constant 0 : i32
        %dma_wait3A_559 = tpu.memref_slice %arg10[%dma_wait3A_555, %dma_wait3A_557, %dma_wait3A_558] : memref<6x128x32xf32, #tpu.memory_space<vmem>> -> memref<1x128x32xf32, #tpu.memory_space<vmem>>
        %dma_wait3A_560 = tpu.memref_squeeze %dma_wait3A_559 : memref<1x128x32xf32, #tpu.memory_space<vmem>> -> memref<128x32xf32, #tpu.memory_space<vmem>>
        %dma_wait3A_561 = arith.constant 0 : i32
        %dma_wait3A_562 = tpu.memref_slice %arg9[%rem3A_118, %dma_wait3A_556, %dma_wait3A_561] : memref<3x8x128xi32, #tpu.memory_space<vmem>> -> memref<1x1x128xi32, #tpu.memory_space<vmem>>
        %dma_wait3A_563 = tpu.memref_squeeze %dma_wait3A_562 : memref<1x1x128xi32, #tpu.memory_space<vmem>> -> memref<128xi32, #tpu.memory_space<vmem>>
        %dma_wait3A_564 = arith.constant 0 : i32
        %dma_wait3A_565 = arith.constant 0 : i32
        %dma_wait3A_566 = tpu.memref_slice %arg7[%dma_wait3A_564, %dma_wait3A_565] : memref<50016x32xf32, #tpu.memory_space<vmem_shared>> -> memref<50016x32xf32, #tpu.memory_space<vmem_shared>>
        tpu.wait_indirect_dma semaphore(%arg22 : memref<!tpu.dma_semaphore, #tpu.memory_space<semaphore_mem>>) src(%dma_wait3A_560 : memref<128x32xf32, #tpu.memory_space<vmem>>) dst(%dma_wait3A_566 : memref<50016x32xf32, #tpu.memory_space<vmem_shared>>)
      } else {
      }
      %dma_start3A_265 = arith.constant 4 : i32
      %dma_start3A_266 = arith.constant 4 : i32
      %dma_start3A_267 = arith.constant 0 : i32
      %dma_start3A_268 = arith.constant 0 : i32
      %dma_start3A_269 = tpu.memref_slice %arg10[%dma_start3A_266, %dma_start3A_267, %dma_start3A_268] : memref<6x128x32xf32, #tpu.memory_space<vmem>> -> memref<1x128x32xf32, #tpu.memory_space<vmem>>
      %dma_start3A_270 = tpu.memref_squeeze %dma_start3A_269 : memref<1x128x32xf32, #tpu.memory_space<vmem>> -> memref<128x32xf32, #tpu.memory_space<vmem>>
      %dma_start3A_271 = arith.constant 0 : i32
      %dma_start3A_272 = tpu.memref_slice %arg8[%rem3A_118, %dma_start3A_265, %dma_start3A_271] : memref<3x8x128xi32, #tpu.memory_space<vmem>> -> memref<1x1x128xi32, #tpu.memory_space<vmem>>
      %dma_start3A_273 = tpu.memref_squeeze %dma_start3A_272 : memref<1x1x128xi32, #tpu.memory_space<vmem>> -> memref<128xi32, #tpu.memory_space<vmem>>
      %dma_start3A_274 = arith.constant 0 : i32
      %dma_start3A_275 = arith.constant 0 : i32
      %dma_start3A_276 = tpu.memref_slice %arg2[%arg0, %dma_start3A_274, %dma_start3A_275] : memref<2x50000x32xf32, #tpu.memory_space<hbm>> -> memref<1x50000x32xf32, #tpu.memory_space<hbm>>
      %dma_start3A_277 = tpu.memref_squeeze %dma_start3A_276 : memref<1x50000x32xf32, #tpu.memory_space<hbm>> -> memref<50000x32xf32, #tpu.memory_space<hbm>>
      %dma_start3A_278 = arith.constant 0 : i32
      %dma_start3A_279 = arith.constant 0 : i32
      %dma_start3A_280 = tpu.memref_slice %dma_start3A_277[%dma_start3A_278, %dma_start3A_279] : memref<50000x32xf32, #tpu.memory_space<hbm>> -> memref<50000x32xf32, #tpu.memory_space<hbm>>
      tpu.enqueue_indirect_dma source(%dma_start3A_280 : memref<50000x32xf32, #tpu.memory_space<hbm>>) target(%dma_start3A_270 : memref<128x32xf32, #tpu.memory_space<vmem>>) offsets(%dma_start3A_273 : memref<128xi32, #tpu.memory_space<vmem>>) semaphore(%arg16 : memref<!tpu.dma_semaphore, #tpu.memory_space<semaphore_mem>>)
      %dma_wait3A_281 = arith.constant 1 : i32
      %dma_wait3A_282 = arith.constant 1 : i32
      %dma_wait3A_283 = arith.constant 0 : i32
      %dma_wait3A_284 = arith.constant 0 : i32
      %dma_wait3A_285 = tpu.memref_slice %arg10[%dma_wait3A_282, %dma_wait3A_283, %dma_wait3A_284] : memref<6x128x32xf32, #tpu.memory_space<vmem>> -> memref<1x128x32xf32, #tpu.memory_space<vmem>>
      %dma_wait3A_286 = tpu.memref_squeeze %dma_wait3A_285 : memref<1x128x32xf32, #tpu.memory_space<vmem>> -> memref<128x32xf32, #tpu.memory_space<vmem>>
      %dma_wait3A_287 = arith.constant 0 : i32
      %dma_wait3A_288 = tpu.memref_slice %arg8[%rem3A_118, %dma_wait3A_281, %dma_wait3A_287] : memref<3x8x128xi32, #tpu.memory_space<vmem>> -> memref<1x1x128xi32, #tpu.memory_space<vmem>>
      %dma_wait3A_289 = tpu.memref_squeeze %dma_wait3A_288 : memref<1x1x128xi32, #tpu.memory_space<vmem>> -> memref<128xi32, #tpu.memory_space<vmem>>
      %dma_wait3A_290 = arith.constant 0 : i32
      %dma_wait3A_291 = arith.constant 0 : i32
      %dma_wait3A_292 = tpu.memref_slice %arg2[%arg0, %dma_wait3A_290, %dma_wait3A_291] : memref<2x50000x32xf32, #tpu.memory_space<hbm>> -> memref<1x50000x32xf32, #tpu.memory_space<hbm>>
      %dma_wait3A_293 = tpu.memref_squeeze %dma_wait3A_292 : memref<1x50000x32xf32, #tpu.memory_space<hbm>> -> memref<50000x32xf32, #tpu.memory_space<hbm>>
      %dma_wait3A_294 = arith.constant 0 : i32
      %dma_wait3A_295 = arith.constant 0 : i32
      %dma_wait3A_296 = tpu.memref_slice %dma_wait3A_293[%dma_wait3A_294, %dma_wait3A_295] : memref<50000x32xf32, #tpu.memory_space<hbm>> -> memref<50000x32xf32, #tpu.memory_space<hbm>>
      tpu.wait_indirect_dma semaphore(%arg13 : memref<!tpu.dma_semaphore, #tpu.memory_space<semaphore_mem>>) src(%dma_wait3A_296 : memref<50000x32xf32, #tpu.memory_space<hbm>>) dst(%dma_wait3A_286 : memref<128x32xf32, #tpu.memory_space<vmem>>)
      %dma_start3A_297 = arith.constant 1 : i32
      %dma_start3A_298 = arith.constant 1 : i32
      %dma_start3A_299 = arith.constant 0 : i32
      %dma_start3A_300 = arith.constant 0 : i32
      %dma_start3A_301 = tpu.memref_slice %arg10[%dma_start3A_297, %dma_start3A_299, %dma_start3A_300] : memref<6x128x32xf32, #tpu.memory_space<vmem>> -> memref<1x128x32xf32, #tpu.memory_space<vmem>>
      %dma_start3A_302 = tpu.memref_squeeze %dma_start3A_301 : memref<1x128x32xf32, #tpu.memory_space<vmem>> -> memref<128x32xf32, #tpu.memory_space<vmem>>
      %dma_start3A_303 = arith.constant 0 : i32
      %dma_start3A_304 = tpu.memref_slice %arg9[%rem3A_118, %dma_start3A_298, %dma_start3A_303] : memref<3x8x128xi32, #tpu.memory_space<vmem>> -> memref<1x1x128xi32, #tpu.memory_space<vmem>>
      %dma_start3A_305 = tpu.memref_squeeze %dma_start3A_304 : memref<1x1x128xi32, #tpu.memory_space<vmem>> -> memref<128xi32, #tpu.memory_space<vmem>>
      %dma_start3A_306 = arith.constant 0 : i32
      %dma_start3A_307 = arith.constant 0 : i32
      %dma_start3A_308 = tpu.memref_slice %arg7[%dma_start3A_306, %dma_start3A_307] : memref<50016x32xf32, #tpu.memory_space<vmem_shared>> -> memref<50016x32xf32, #tpu.memory_space<vmem_shared>>
      tpu.enqueue_indirect_dma source(%dma_start3A_302 : memref<128x32xf32, #tpu.memory_space<vmem>>) target(%dma_start3A_308 : memref<50016x32xf32, #tpu.memory_space<vmem_shared>>) offsets(%dma_start3A_305 : memref<128xi32, #tpu.memory_space<vmem>>) semaphore(%arg19 : memref<!tpu.dma_semaphore, #tpu.memory_space<semaphore_mem>>) {add = true}
      %gt3A_309 = arith.constant 0 : i32
      %gt3A_310 = arith.cmpi sgt, %scan3A_116, %gt3A_309 : i32
      %convert_element_type3A_311 = arith.extui %gt3A_310 : i1 to i32
      %cond3A_312 = arith.constant 0 : i32
      %cond3A_313 = arith.cmpi ne, %convert_element_type3A_311, %cond3A_312 : i32
      scf.if %cond3A_313 {
        %dma_wait3A_555 = arith.constant 5 : i32
        %dma_wait3A_556 = arith.constant 5 : i32
        %dma_wait3A_557 = arith.constant 0 : i32
        %dma_wait3A_558 = arith.constant 0 : i32
        %dma_wait3A_559 = tpu.memref_slice %arg10[%dma_wait3A_555, %dma_wait3A_557, %dma_wait3A_558] : memref<6x128x32xf32, #tpu.memory_space<vmem>> -> memref<1x128x32xf32, #tpu.memory_space<vmem>>
        %dma_wait3A_560 = tpu.memref_squeeze %dma_wait3A_559 : memref<1x128x32xf32, #tpu.memory_space<vmem>> -> memref<128x32xf32, #tpu.memory_space<vmem>>
        %dma_wait3A_561 = arith.constant 0 : i32
        %dma_wait3A_562 = tpu.memref_slice %arg9[%rem3A_118, %dma_wait3A_556, %dma_wait3A_561] : memref<3x8x128xi32, #tpu.memory_space<vmem>> -> memref<1x1x128xi32, #tpu.memory_space<vmem>>
        %dma_wait3A_563 = tpu.memref_squeeze %dma_wait3A_562 : memref<1x1x128xi32, #tpu.memory_space<vmem>> -> memref<128xi32, #tpu.memory_space<vmem>>
        %dma_wait3A_564 = arith.constant 0 : i32
        %dma_wait3A_565 = arith.constant 0 : i32
        %dma_wait3A_566 = tpu.memref_slice %arg7[%dma_wait3A_564, %dma_wait3A_565] : memref<50016x32xf32, #tpu.memory_space<vmem_shared>> -> memref<50016x32xf32, #tpu.memory_space<vmem_shared>>
        tpu.wait_indirect_dma semaphore(%arg23 : memref<!tpu.dma_semaphore, #tpu.memory_space<semaphore_mem>>) src(%dma_wait3A_560 : memref<128x32xf32, #tpu.memory_space<vmem>>) dst(%dma_wait3A_566 : memref<50016x32xf32, #tpu.memory_space<vmem_shared>>)
      } else {
      }
      %dma_start3A_314 = arith.constant 5 : i32
      %dma_start3A_315 = arith.constant 5 : i32
      %dma_start3A_316 = arith.constant 0 : i32
      %dma_start3A_317 = arith.constant 0 : i32
      %dma_start3A_318 = tpu.memref_slice %arg10[%dma_start3A_315, %dma_start3A_316, %dma_start3A_317] : memref<6x128x32xf32, #tpu.memory_space<vmem>> -> memref<1x128x32xf32, #tpu.memory_space<vmem>>
      %dma_start3A_319 = tpu.memref_squeeze %dma_start3A_318 : memref<1x128x32xf32, #tpu.memory_space<vmem>> -> memref<128x32xf32, #tpu.memory_space<vmem>>
      %dma_start3A_320 = arith.constant 0 : i32
      %dma_start3A_321 = tpu.memref_slice %arg8[%rem3A_118, %dma_start3A_314, %dma_start3A_320] : memref<3x8x128xi32, #tpu.memory_space<vmem>> -> memref<1x1x128xi32, #tpu.memory_space<vmem>>
      %dma_start3A_322 = tpu.memref_squeeze %dma_start3A_321 : memref<1x1x128xi32, #tpu.memory_space<vmem>> -> memref<128xi32, #tpu.memory_space<vmem>>
      %dma_start3A_323 = arith.constant 0 : i32
      %dma_start3A_324 = arith.constant 0 : i32
      %dma_start3A_325 = tpu.memref_slice %arg2[%arg0, %dma_start3A_323, %dma_start3A_324] : memref<2x50000x32xf32, #tpu.memory_space<hbm>> -> memref<1x50000x32xf32, #tpu.memory_space<hbm>>
      %dma_start3A_326 = tpu.memref_squeeze %dma_start3A_325 : memref<1x50000x32xf32, #tpu.memory_space<hbm>> -> memref<50000x32xf32, #tpu.memory_space<hbm>>
      %dma_start3A_327 = arith.constant 0 : i32
      %dma_start3A_328 = arith.constant 0 : i32
      %dma_start3A_329 = tpu.memref_slice %dma_start3A_326[%dma_start3A_327, %dma_start3A_328] : memref<50000x32xf32, #tpu.memory_space<hbm>> -> memref<50000x32xf32, #tpu.memory_space<hbm>>
      tpu.enqueue_indirect_dma source(%dma_start3A_329 : memref<50000x32xf32, #tpu.memory_space<hbm>>) target(%dma_start3A_319 : memref<128x32xf32, #tpu.memory_space<vmem>>) offsets(%dma_start3A_322 : memref<128xi32, #tpu.memory_space<vmem>>) semaphore(%arg17 : memref<!tpu.dma_semaphore, #tpu.memory_space<semaphore_mem>>)
      %dma_wait3A_330 = arith.constant 2 : i32
      %dma_wait3A_331 = arith.constant 2 : i32
      %dma_wait3A_332 = arith.constant 0 : i32
      %dma_wait3A_333 = arith.constant 0 : i32
      %dma_wait3A_334 = tpu.memref_slice %arg10[%dma_wait3A_331, %dma_wait3A_332, %dma_wait3A_333] : memref<6x128x32xf32, #tpu.memory_space<vmem>> -> memref<1x128x32xf32, #tpu.memory_space<vmem>>
      %dma_wait3A_335 = tpu.memref_squeeze %dma_wait3A_334 : memref<1x128x32xf32, #tpu.memory_space<vmem>> -> memref<128x32xf32, #tpu.memory_space<vmem>>
      %dma_wait3A_336 = arith.constant 0 : i32
      %dma_wait3A_337 = tpu.memref_slice %arg8[%rem3A_118, %dma_wait3A_330, %dma_wait3A_336] : memref<3x8x128xi32, #tpu.memory_space<vmem>> -> memref<1x1x128xi32, #tpu.memory_space<vmem>>
      %dma_wait3A_338 = tpu.memref_squeeze %dma_wait3A_337 : memref<1x1x128xi32, #tpu.memory_space<vmem>> -> memref<128xi32, #tpu.memory_space<vmem>>
      %dma_wait3A_339 = arith.constant 0 : i32
      %dma_wait3A_340 = arith.constant 0 : i32
      %dma_wait3A_341 = tpu.memref_slice %arg2[%arg0, %dma_wait3A_339, %dma_wait3A_340] : memref<2x50000x32xf32, #tpu.memory_space<hbm>> -> memref<1x50000x32xf32, #tpu.memory_space<hbm>>
      %dma_wait3A_342 = tpu.memref_squeeze %dma_wait3A_341 : memref<1x50000x32xf32, #tpu.memory_space<hbm>> -> memref<50000x32xf32, #tpu.memory_space<hbm>>
      %dma_wait3A_343 = arith.constant 0 : i32
      %dma_wait3A_344 = arith.constant 0 : i32
      %dma_wait3A_345 = tpu.memref_slice %dma_wait3A_342[%dma_wait3A_343, %dma_wait3A_344] : memref<50000x32xf32, #tpu.memory_space<hbm>> -> memref<50000x32xf32, #tpu.memory_space<hbm>>
      tpu.wait_indirect_dma semaphore(%arg14 : memref<!tpu.dma_semaphore, #tpu.memory_space<semaphore_mem>>) src(%dma_wait3A_345 : memref<50000x32xf32, #tpu.memory_space<hbm>>) dst(%dma_wait3A_335 : memref<128x32xf32, #tpu.memory_space<vmem>>)
      %dma_start3A_346 = arith.constant 2 : i32
      %dma_start3A_347 = arith.constant 2 : i32
      %dma_start3A_348 = arith.constant 0 : i32
      %dma_start3A_349 = arith.constant 0 : i32
      %dma_start3A_350 = tpu.memref_slice %arg10[%dma_start3A_346, %dma_start3A_348, %dma_start3A_349] : memref<6x128x32xf32, #tpu.memory_space<vmem>> -> memref<1x128x32xf32, #tpu.memory_space<vmem>>
      %dma_start3A_351 = tpu.memref_squeeze %dma_start3A_350 : memref<1x128x32xf32, #tpu.memory_space<vmem>> -> memref<128x32xf32, #tpu.memory_space<vmem>>
      %dma_start3A_352 = arith.constant 0 : i32
      %dma_start3A_353 = tpu.memref_slice %arg9[%rem3A_118, %dma_start3A_347, %dma_start3A_352] : memref<3x8x128xi32, #tpu.memory_space<vmem>> -> memref<1x1x128xi32, #tpu.memory_space<vmem>>
      %dma_start3A_354 = tpu.memref_squeeze %dma_start3A_353 : memref<1x1x128xi32, #tpu.memory_space<vmem>> -> memref<128xi32, #tpu.memory_space<vmem>>
      %dma_start3A_355 = arith.constant 0 : i32
      %dma_start3A_356 = arith.constant 0 : i32
      %dma_start3A_357 = tpu.memref_slice %arg7[%dma_start3A_355, %dma_start3A_356] : memref<50016x32xf32, #tpu.memory_space<vmem_shared>> -> memref<50016x32xf32, #tpu.memory_space<vmem_shared>>
      tpu.enqueue_indirect_dma source(%dma_start3A_351 : memref<128x32xf32, #tpu.memory_space<vmem>>) target(%dma_start3A_357 : memref<50016x32xf32, #tpu.memory_space<vmem_shared>>) offsets(%dma_start3A_354 : memref<128xi32, #tpu.memory_space<vmem>>) semaphore(%arg20 : memref<!tpu.dma_semaphore, #tpu.memory_space<semaphore_mem>>) {add = true}
      %dma_wait3A_358 = arith.constant 0 : i32
      %dma_wait3A_359 = arith.constant 0 : i32
      %dma_wait3A_360 = arith.constant 0 : i32
      %dma_wait3A_361 = arith.constant 0 : i32
      %dma_wait3A_362 = tpu.memref_slice %arg10[%dma_wait3A_358, %dma_wait3A_360, %dma_wait3A_361] : memref<6x128x32xf32, #tpu.memory_space<vmem>> -> memref<1x128x32xf32, #tpu.memory_space<vmem>>
      %dma_wait3A_363 = tpu.memref_squeeze %dma_wait3A_362 : memref<1x128x32xf32, #tpu.memory_space<vmem>> -> memref<128x32xf32, #tpu.memory_space<vmem>>
      %dma_wait3A_364 = arith.constant 0 : i32
      %dma_wait3A_365 = tpu.memref_slice %arg9[%rem3A_118, %dma_wait3A_359, %dma_wait3A_364] : memref<3x8x128xi32, #tpu.memory_space<vmem>> -> memref<1x1x128xi32, #tpu.memory_space<vmem>>
      %dma_wait3A_366 = tpu.memref_squeeze %dma_wait3A_365 : memref<1x1x128xi32, #tpu.memory_space<vmem>> -> memref<128xi32, #tpu.memory_space<vmem>>
      %dma_wait3A_367 = arith.constant 0 : i32
      %dma_wait3A_368 = arith.constant 0 : i32
      %dma_wait3A_369 = tpu.memref_slice %arg7[%dma_wait3A_367, %dma_wait3A_368] : memref<50016x32xf32, #tpu.memory_space<vmem_shared>> -> memref<50016x32xf32, #tpu.memory_space<vmem_shared>>
      tpu.wait_indirect_dma semaphore(%arg18 : memref<!tpu.dma_semaphore, #tpu.memory_space<semaphore_mem>>) src(%dma_wait3A_363 : memref<128x32xf32, #tpu.memory_space<vmem>>) dst(%dma_wait3A_369 : memref<50016x32xf32, #tpu.memory_space<vmem_shared>>)
      %dma_start3A_370 = arith.constant 6 : i32
      %dma_start3A_371 = arith.constant 0 : i32
      %dma_start3A_372 = arith.constant 0 : i32
      %dma_start3A_373 = arith.constant 0 : i32
      %dma_start3A_374 = tpu.memref_slice %arg10[%dma_start3A_371, %dma_start3A_372, %dma_start3A_373] : memref<6x128x32xf32, #tpu.memory_space<vmem>> -> memref<1x128x32xf32, #tpu.memory_space<vmem>>
      %dma_start3A_375 = tpu.memref_squeeze %dma_start3A_374 : memref<1x128x32xf32, #tpu.memory_space<vmem>> -> memref<128x32xf32, #tpu.memory_space<vmem>>
      %dma_start3A_376 = arith.constant 0 : i32
      %dma_start3A_377 = tpu.memref_slice %arg8[%rem3A_118, %dma_start3A_370, %dma_start3A_376] : memref<3x8x128xi32, #tpu.memory_space<vmem>> -> memref<1x1x128xi32, #tpu.memory_space<vmem>>
      %dma_start3A_378 = tpu.memref_squeeze %dma_start3A_377 : memref<1x1x128xi32, #tpu.memory_space<vmem>> -> memref<128xi32, #tpu.memory_space<vmem>>
      %dma_start3A_379 = arith.constant 0 : i32
      %dma_start3A_380 = arith.constant 0 : i32
      %dma_start3A_381 = tpu.memref_slice %arg2[%arg0, %dma_start3A_379, %dma_start3A_380] : memref<2x50000x32xf32, #tpu.memory_space<hbm>> -> memref<1x50000x32xf32, #tpu.memory_space<hbm>>
      %dma_start3A_382 = tpu.memref_squeeze %dma_start3A_381 : memref<1x50000x32xf32, #tpu.memory_space<hbm>> -> memref<50000x32xf32, #tpu.memory_space<hbm>>
      %dma_start3A_383 = arith.constant 0 : i32
      %dma_start3A_384 = arith.constant 0 : i32
      %dma_start3A_385 = tpu.memref_slice %dma_start3A_382[%dma_start3A_383, %dma_start3A_384] : memref<50000x32xf32, #tpu.memory_space<hbm>> -> memref<50000x32xf32, #tpu.memory_space<hbm>>
      tpu.enqueue_indirect_dma source(%dma_start3A_385 : memref<50000x32xf32, #tpu.memory_space<hbm>>) target(%dma_start3A_375 : memref<128x32xf32, #tpu.memory_space<vmem>>) offsets(%dma_start3A_378 : memref<128xi32, #tpu.memory_space<vmem>>) semaphore(%arg12 : memref<!tpu.dma_semaphore, #tpu.memory_space<semaphore_mem>>)
      %dma_wait3A_386 = arith.constant 3 : i32
      %dma_wait3A_387 = arith.constant 3 : i32
      %dma_wait3A_388 = arith.constant 0 : i32
      %dma_wait3A_389 = arith.constant 0 : i32
      %dma_wait3A_390 = tpu.memref_slice %arg10[%dma_wait3A_387, %dma_wait3A_388, %dma_wait3A_389] : memref<6x128x32xf32, #tpu.memory_space<vmem>> -> memref<1x128x32xf32, #tpu.memory_space<vmem>>
      %dma_wait3A_391 = tpu.memref_squeeze %dma_wait3A_390 : memref<1x128x32xf32, #tpu.memory_space<vmem>> -> memref<128x32xf32, #tpu.memory_space<vmem>>
      %dma_wait3A_392 = arith.constant 0 : i32
      %dma_wait3A_393 = tpu.memref_slice %arg8[%rem3A_118, %dma_wait3A_386, %dma_wait3A_392] : memref<3x8x128xi32, #tpu.memory_space<vmem>> -> memref<1x1x128xi32, #tpu.memory_space<vmem>>
      %dma_wait3A_394 = tpu.memref_squeeze %dma_wait3A_393 : memref<1x1x128xi32, #tpu.memory_space<vmem>> -> memref<128xi32, #tpu.memory_space<vmem>>
      %dma_wait3A_395 = arith.constant 0 : i32
      %dma_wait3A_396 = arith.constant 0 : i32
      %dma_wait3A_397 = tpu.memref_slice %arg2[%arg0, %dma_wait3A_395, %dma_wait3A_396] : memref<2x50000x32xf32, #tpu.memory_space<hbm>> -> memref<1x50000x32xf32, #tpu.memory_space<hbm>>
      %dma_wait3A_398 = tpu.memref_squeeze %dma_wait3A_397 : memref<1x50000x32xf32, #tpu.memory_space<hbm>> -> memref<50000x32xf32, #tpu.memory_space<hbm>>
      %dma_wait3A_399 = arith.constant 0 : i32
      %dma_wait3A_400 = arith.constant 0 : i32
      %dma_wait3A_401 = tpu.memref_slice %dma_wait3A_398[%dma_wait3A_399, %dma_wait3A_400] : memref<50000x32xf32, #tpu.memory_space<hbm>> -> memref<50000x32xf32, #tpu.memory_space<hbm>>
      tpu.wait_indirect_dma semaphore(%arg15 : memref<!tpu.dma_semaphore, #tpu.memory_space<semaphore_mem>>) src(%dma_wait3A_401 : memref<50000x32xf32, #tpu.memory_space<hbm>>) dst(%dma_wait3A_391 : memref<128x32xf32, #tpu.memory_space<vmem>>)
      %dma_start3A_402 = arith.constant 3 : i32
      %dma_start3A_403 = arith.constant 3 : i32
      %dma_start3A_404 = arith.constant 0 : i32
      %dma_start3A_405 = arith.constant 0 : i32
      %dma_start3A_406 = tpu.memref_slice %arg10[%dma_start3A_402, %dma_start3A_404, %dma_start3A_405] : memref<6x128x32xf32, #tpu.memory_space<vmem>> -> memref<1x128x32xf32, #tpu.memory_space<vmem>>
      %dma_start3A_407 = tpu.memref_squeeze %dma_start3A_406 : memref<1x128x32xf32, #tpu.memory_space<vmem>> -> memref<128x32xf32, #tpu.memory_space<vmem>>
      %dma_start3A_408 = arith.constant 0 : i32
      %dma_start3A_409 = tpu.memref_slice %arg9[%rem3A_118, %dma_start3A_403, %dma_start3A_408] : memref<3x8x128xi32, #tpu.memory_space<vmem>> -> memref<1x1x128xi32, #tpu.memory_space<vmem>>
      %dma_start3A_410 = tpu.memref_squeeze %dma_start3A_409 : memref<1x1x128xi32, #tpu.memory_space<vmem>> -> memref<128xi32, #tpu.memory_space<vmem>>
      %dma_start3A_411 = arith.constant 0 : i32
      %dma_start3A_412 = arith.constant 0 : i32
      %dma_start3A_413 = tpu.memref_slice %arg7[%dma_start3A_411, %dma_start3A_412] : memref<50016x32xf32, #tpu.memory_space<vmem_shared>> -> memref<50016x32xf32, #tpu.memory_space<vmem_shared>>
      tpu.enqueue_indirect_dma source(%dma_start3A_407 : memref<128x32xf32, #tpu.memory_space<vmem>>) target(%dma_start3A_413 : memref<50016x32xf32, #tpu.memory_space<vmem_shared>>) offsets(%dma_start3A_410 : memref<128xi32, #tpu.memory_space<vmem>>) semaphore(%arg21 : memref<!tpu.dma_semaphore, #tpu.memory_space<semaphore_mem>>) {add = true}
      %dma_wait3A_414 = arith.constant 1 : i32
      %dma_wait3A_415 = arith.constant 1 : i32
      %dma_wait3A_416 = arith.constant 0 : i32
      %dma_wait3A_417 = arith.constant 0 : i32
      %dma_wait3A_418 = tpu.memref_slice %arg10[%dma_wait3A_414, %dma_wait3A_416, %dma_wait3A_417] : memref<6x128x32xf32, #tpu.memory_space<vmem>> -> memref<1x128x32xf32, #tpu.memory_space<vmem>>
      %dma_wait3A_419 = tpu.memref_squeeze %dma_wait3A_418 : memref<1x128x32xf32, #tpu.memory_space<vmem>> -> memref<128x32xf32, #tpu.memory_space<vmem>>
      %dma_wait3A_420 = arith.constant 0 : i32
      %dma_wait3A_421 = tpu.memref_slice %arg9[%rem3A_118, %dma_wait3A_415, %dma_wait3A_420] : memref<3x8x128xi32, #tpu.memory_space<vmem>> -> memref<1x1x128xi32, #tpu.memory_space<vmem>>
      %dma_wait3A_422 = tpu.memref_squeeze %dma_wait3A_421 : memref<1x1x128xi32, #tpu.memory_space<vmem>> -> memref<128xi32, #tpu.memory_space<vmem>>
      %dma_wait3A_423 = arith.constant 0 : i32
      %dma_wait3A_424 = arith.constant 0 : i32
      %dma_wait3A_425 = tpu.memref_slice %arg7[%dma_wait3A_423, %dma_wait3A_424] : memref<50016x32xf32, #tpu.memory_space<vmem_shared>> -> memref<50016x32xf32, #tpu.memory_space<vmem_shared>>
      tpu.wait_indirect_dma semaphore(%arg19 : memref<!tpu.dma_semaphore, #tpu.memory_space<semaphore_mem>>) src(%dma_wait3A_419 : memref<128x32xf32, #tpu.memory_space<vmem>>) dst(%dma_wait3A_425 : memref<50016x32xf32, #tpu.memory_space<vmem_shared>>)
      %dma_start3A_426 = arith.constant 7 : i32
      %dma_start3A_427 = arith.constant 1 : i32
      %dma_start3A_428 = arith.constant 0 : i32
      %dma_start3A_429 = arith.constant 0 : i32
      %dma_start3A_430 = tpu.memref_slice %arg10[%dma_start3A_427, %dma_start3A_428, %dma_start3A_429] : memref<6x128x32xf32, #tpu.memory_space<vmem>> -> memref<1x128x32xf32, #tpu.memory_space<vmem>>
      %dma_start3A_431 = tpu.memref_squeeze %dma_start3A_430 : memref<1x128x32xf32, #tpu.memory_space<vmem>> -> memref<128x32xf32, #tpu.memory_space<vmem>>
      %dma_start3A_432 = arith.constant 0 : i32
      %dma_start3A_433 = tpu.memref_slice %arg8[%rem3A_118, %dma_start3A_426, %dma_start3A_432] : memref<3x8x128xi32, #tpu.memory_space<vmem>> -> memref<1x1x128xi32, #tpu.memory_space<vmem>>
      %dma_start3A_434 = tpu.memref_squeeze %dma_start3A_433 : memref<1x1x128xi32, #tpu.memory_space<vmem>> -> memref<128xi32, #tpu.memory_space<vmem>>
      %dma_start3A_435 = arith.constant 0 : i32
      %dma_start3A_436 = arith.constant 0 : i32
      %dma_start3A_437 = tpu.memref_slice %arg2[%arg0, %dma_start3A_435, %dma_start3A_436] : memref<2x50000x32xf32, #tpu.memory_space<hbm>> -> memref<1x50000x32xf32, #tpu.memory_space<hbm>>
      %dma_start3A_438 = tpu.memref_squeeze %dma_start3A_437 : memref<1x50000x32xf32, #tpu.memory_space<hbm>> -> memref<50000x32xf32, #tpu.memory_space<hbm>>
      %dma_start3A_439 = arith.constant 0 : i32
      %dma_start3A_440 = arith.constant 0 : i32
      %dma_start3A_441 = tpu.memref_slice %dma_start3A_438[%dma_start3A_439, %dma_start3A_440] : memref<50000x32xf32, #tpu.memory_space<hbm>> -> memref<50000x32xf32, #tpu.memory_space<hbm>>
      tpu.enqueue_indirect_dma source(%dma_start3A_441 : memref<50000x32xf32, #tpu.memory_space<hbm>>) target(%dma_start3A_431 : memref<128x32xf32, #tpu.memory_space<vmem>>) offsets(%dma_start3A_434 : memref<128xi32, #tpu.memory_space<vmem>>) semaphore(%arg13 : memref<!tpu.dma_semaphore, #tpu.memory_space<semaphore_mem>>)
      %dma_wait3A_442 = arith.constant 4 : i32
      %dma_wait3A_443 = arith.constant 4 : i32
      %dma_wait3A_444 = arith.constant 0 : i32
      %dma_wait3A_445 = arith.constant 0 : i32
      %dma_wait3A_446 = tpu.memref_slice %arg10[%dma_wait3A_443, %dma_wait3A_444, %dma_wait3A_445] : memref<6x128x32xf32, #tpu.memory_space<vmem>> -> memref<1x128x32xf32, #tpu.memory_space<vmem>>
      %dma_wait3A_447 = tpu.memref_squeeze %dma_wait3A_446 : memref<1x128x32xf32, #tpu.memory_space<vmem>> -> memref<128x32xf32, #tpu.memory_space<vmem>>
      %dma_wait3A_448 = arith.constant 0 : i32
      %dma_wait3A_449 = tpu.memref_slice %arg8[%rem3A_118, %dma_wait3A_442, %dma_wait3A_448] : memref<3x8x128xi32, #tpu.memory_space<vmem>> -> memref<1x1x128xi32, #tpu.memory_space<vmem>>
      %dma_wait3A_450 = tpu.memref_squeeze %dma_wait3A_449 : memref<1x1x128xi32, #tpu.memory_space<vmem>> -> memref<128xi32, #tpu.memory_space<vmem>>
      %dma_wait3A_451 = arith.constant 0 : i32
      %dma_wait3A_452 = arith.constant 0 : i32
      %dma_wait3A_453 = tpu.memref_slice %arg2[%arg0, %dma_wait3A_451, %dma_wait3A_452] : memref<2x50000x32xf32, #tpu.memory_space<hbm>> -> memref<1x50000x32xf32, #tpu.memory_space<hbm>>
      %dma_wait3A_454 = tpu.memref_squeeze %dma_wait3A_453 : memref<1x50000x32xf32, #tpu.memory_space<hbm>> -> memref<50000x32xf32, #tpu.memory_space<hbm>>
      %dma_wait3A_455 = arith.constant 0 : i32
      %dma_wait3A_456 = arith.constant 0 : i32
      %dma_wait3A_457 = tpu.memref_slice %dma_wait3A_454[%dma_wait3A_455, %dma_wait3A_456] : memref<50000x32xf32, #tpu.memory_space<hbm>> -> memref<50000x32xf32, #tpu.memory_space<hbm>>
      tpu.wait_indirect_dma semaphore(%arg16 : memref<!tpu.dma_semaphore, #tpu.memory_space<semaphore_mem>>) src(%dma_wait3A_457 : memref<50000x32xf32, #tpu.memory_space<hbm>>) dst(%dma_wait3A_447 : memref<128x32xf32, #tpu.memory_space<vmem>>)
      %dma_start3A_458 = arith.constant 4 : i32
      %dma_start3A_459 = arith.constant 4 : i32
      %dma_start3A_460 = arith.constant 0 : i32
      %dma_start3A_461 = arith.constant 0 : i32
      %dma_start3A_462 = tpu.memref_slice %arg10[%dma_start3A_458, %dma_start3A_460, %dma_start3A_461] : memref<6x128x32xf32, #tpu.memory_space<vmem>> -> memref<1x128x32xf32, #tpu.memory_space<vmem>>
      %dma_start3A_463 = tpu.memref_squeeze %dma_start3A_462 : memref<1x128x32xf32, #tpu.memory_space<vmem>> -> memref<128x32xf32, #tpu.memory_space<vmem>>
      %dma_start3A_464 = arith.constant 0 : i32
      %dma_start3A_465 = tpu.memref_slice %arg9[%rem3A_118, %dma_start3A_459, %dma_start3A_464] : memref<3x8x128xi32, #tpu.memory_space<vmem>> -> memref<1x1x128xi32, #tpu.memory_space<vmem>>
      %dma_start3A_466 = tpu.memref_squeeze %dma_start3A_465 : memref<1x1x128xi32, #tpu.memory_space<vmem>> -> memref<128xi32, #tpu.memory_space<vmem>>
      %dma_start3A_467 = arith.constant 0 : i32
      %dma_start3A_468 = arith.constant 0 : i32
      %dma_start3A_469 = tpu.memref_slice %arg7[%dma_start3A_467, %dma_start3A_468] : memref<50016x32xf32, #tpu.memory_space<vmem_shared>> -> memref<50016x32xf32, #tpu.memory_space<vmem_shared>>
      tpu.enqueue_indirect_dma source(%dma_start3A_463 : memref<128x32xf32, #tpu.memory_space<vmem>>) target(%dma_start3A_469 : memref<50016x32xf32, #tpu.memory_space<vmem_shared>>) offsets(%dma_start3A_466 : memref<128xi32, #tpu.memory_space<vmem>>) semaphore(%arg22 : memref<!tpu.dma_semaphore, #tpu.memory_space<semaphore_mem>>) {add = true}
      %dma_wait3A_470 = arith.constant 5 : i32
      %dma_wait3A_471 = arith.constant 5 : i32
      %dma_wait3A_472 = arith.constant 0 : i32
      %dma_wait3A_473 = arith.constant 0 : i32
      %dma_wait3A_474 = tpu.memref_slice %arg10[%dma_wait3A_471, %dma_wait3A_472, %dma_wait3A_473] : memref<6x128x32xf32, #tpu.memory_space<vmem>> -> memref<1x128x32xf32, #tpu.memory_space<vmem>>
      %dma_wait3A_475 = tpu.memref_squeeze %dma_wait3A_474 : memref<1x128x32xf32, #tpu.memory_space<vmem>> -> memref<128x32xf32, #tpu.memory_space<vmem>>
      %dma_wait3A_476 = arith.constant 0 : i32
      %dma_wait3A_477 = tpu.memref_slice %arg8[%rem3A_118, %dma_wait3A_470, %dma_wait3A_476] : memref<3x8x128xi32, #tpu.memory_space<vmem>> -> memref<1x1x128xi32, #tpu.memory_space<vmem>>
      %dma_wait3A_478 = tpu.memref_squeeze %dma_wait3A_477 : memref<1x1x128xi32, #tpu.memory_space<vmem>> -> memref<128xi32, #tpu.memory_space<vmem>>
      %dma_wait3A_479 = arith.constant 0 : i32
      %dma_wait3A_480 = arith.constant 0 : i32
      %dma_wait3A_481 = tpu.memref_slice %arg2[%arg0, %dma_wait3A_479, %dma_wait3A_480] : memref<2x50000x32xf32, #tpu.memory_space<hbm>> -> memref<1x50000x32xf32, #tpu.memory_space<hbm>>
      %dma_wait3A_482 = tpu.memref_squeeze %dma_wait3A_481 : memref<1x50000x32xf32, #tpu.memory_space<hbm>> -> memref<50000x32xf32, #tpu.memory_space<hbm>>
      %dma_wait3A_483 = arith.constant 0 : i32
      %dma_wait3A_484 = arith.constant 0 : i32
      %dma_wait3A_485 = tpu.memref_slice %dma_wait3A_482[%dma_wait3A_483, %dma_wait3A_484] : memref<50000x32xf32, #tpu.memory_space<hbm>> -> memref<50000x32xf32, #tpu.memory_space<hbm>>
      tpu.wait_indirect_dma semaphore(%arg17 : memref<!tpu.dma_semaphore, #tpu.memory_space<semaphore_mem>>) src(%dma_wait3A_485 : memref<50000x32xf32, #tpu.memory_space<hbm>>) dst(%dma_wait3A_475 : memref<128x32xf32, #tpu.memory_space<vmem>>)
      %dma_start3A_486 = arith.constant 5 : i32
      %dma_start3A_487 = arith.constant 5 : i32
      %dma_start3A_488 = arith.constant 0 : i32
      %dma_start3A_489 = arith.constant 0 : i32
      %dma_start3A_490 = tpu.memref_slice %arg10[%dma_start3A_486, %dma_start3A_488, %dma_start3A_489] : memref<6x128x32xf32, #tpu.memory_space<vmem>> -> memref<1x128x32xf32, #tpu.memory_space<vmem>>
      %dma_start3A_491 = tpu.memref_squeeze %dma_start3A_490 : memref<1x128x32xf32, #tpu.memory_space<vmem>> -> memref<128x32xf32, #tpu.memory_space<vmem>>
      %dma_start3A_492 = arith.constant 0 : i32
      %dma_start3A_493 = tpu.memref_slice %arg9[%rem3A_118, %dma_start3A_487, %dma_start3A_492] : memref<3x8x128xi32, #tpu.memory_space<vmem>> -> memref<1x1x128xi32, #tpu.memory_space<vmem>>
      %dma_start3A_494 = tpu.memref_squeeze %dma_start3A_493 : memref<1x1x128xi32, #tpu.memory_space<vmem>> -> memref<128xi32, #tpu.memory_space<vmem>>
      %dma_start3A_495 = arith.constant 0 : i32
      %dma_start3A_496 = arith.constant 0 : i32
      %dma_start3A_497 = tpu.memref_slice %arg7[%dma_start3A_495, %dma_start3A_496] : memref<50016x32xf32, #tpu.memory_space<vmem_shared>> -> memref<50016x32xf32, #tpu.memory_space<vmem_shared>>
      tpu.enqueue_indirect_dma source(%dma_start3A_491 : memref<128x32xf32, #tpu.memory_space<vmem>>) target(%dma_start3A_497 : memref<50016x32xf32, #tpu.memory_space<vmem_shared>>) offsets(%dma_start3A_494 : memref<128xi32, #tpu.memory_space<vmem>>) semaphore(%arg23 : memref<!tpu.dma_semaphore, #tpu.memory_space<semaphore_mem>>) {add = true}
      %dma_wait3A_498 = arith.constant 6 : i32
      %dma_wait3A_499 = arith.constant 0 : i32
      %dma_wait3A_500 = arith.constant 0 : i32
      %dma_wait3A_501 = arith.constant 0 : i32
      %dma_wait3A_502 = tpu.memref_slice %arg10[%dma_wait3A_499, %dma_wait3A_500, %dma_wait3A_501] : memref<6x128x32xf32, #tpu.memory_space<vmem>> -> memref<1x128x32xf32, #tpu.memory_space<vmem>>
      %dma_wait3A_503 = tpu.memref_squeeze %dma_wait3A_502 : memref<1x128x32xf32, #tpu.memory_space<vmem>> -> memref<128x32xf32, #tpu.memory_space<vmem>>
      %dma_wait3A_504 = arith.constant 0 : i32
      %dma_wait3A_505 = tpu.memref_slice %arg8[%rem3A_118, %dma_wait3A_498, %dma_wait3A_504] : memref<3x8x128xi32, #tpu.memory_space<vmem>> -> memref<1x1x128xi32, #tpu.memory_space<vmem>>
      %dma_wait3A_506 = tpu.memref_squeeze %dma_wait3A_505 : memref<1x1x128xi32, #tpu.memory_space<vmem>> -> memref<128xi32, #tpu.memory_space<vmem>>
      %dma_wait3A_507 = arith.constant 0 : i32
      %dma_wait3A_508 = arith.constant 0 : i32
      %dma_wait3A_509 = tpu.memref_slice %arg2[%arg0, %dma_wait3A_507, %dma_wait3A_508] : memref<2x50000x32xf32, #tpu.memory_space<hbm>> -> memref<1x50000x32xf32, #tpu.memory_space<hbm>>
      %dma_wait3A_510 = tpu.memref_squeeze %dma_wait3A_509 : memref<1x50000x32xf32, #tpu.memory_space<hbm>> -> memref<50000x32xf32, #tpu.memory_space<hbm>>
      %dma_wait3A_511 = arith.constant 0 : i32
      %dma_wait3A_512 = arith.constant 0 : i32
      %dma_wait3A_513 = tpu.memref_slice %dma_wait3A_510[%dma_wait3A_511, %dma_wait3A_512] : memref<50000x32xf32, #tpu.memory_space<hbm>> -> memref<50000x32xf32, #tpu.memory_space<hbm>>
      tpu.wait_indirect_dma semaphore(%arg12 : memref<!tpu.dma_semaphore, #tpu.memory_space<semaphore_mem>>) src(%dma_wait3A_513 : memref<50000x32xf32, #tpu.memory_space<hbm>>) dst(%dma_wait3A_503 : memref<128x32xf32, #tpu.memory_space<vmem>>)
      %dma_start3A_514 = arith.constant 0 : i32
      %dma_start3A_515 = arith.constant 6 : i32
      %dma_start3A_516 = arith.constant 0 : i32
      %dma_start3A_517 = arith.constant 0 : i32
      %dma_start3A_518 = tpu.memref_slice %arg10[%dma_start3A_514, %dma_start3A_516, %dma_start3A_517] : memref<6x128x32xf32, #tpu.memory_space<vmem>> -> memref<1x128x32xf32, #tpu.memory_space<vmem>>
      %dma_start3A_519 = tpu.memref_squeeze %dma_start3A_518 : memref<1x128x32xf32, #tpu.memory_space<vmem>> -> memref<128x32xf32, #tpu.memory_space<vmem>>
      %dma_start3A_520 = arith.constant 0 : i32
      %dma_start3A_521 = tpu.memref_slice %arg9[%rem3A_118, %dma_start3A_515, %dma_start3A_520] : memref<3x8x128xi32, #tpu.memory_space<vmem>> -> memref<1x1x128xi32, #tpu.memory_space<vmem>>
      %dma_start3A_522 = tpu.memref_squeeze %dma_start3A_521 : memref<1x1x128xi32, #tpu.memory_space<vmem>> -> memref<128xi32, #tpu.memory_space<vmem>>
      %dma_start3A_523 = arith.constant 0 : i32
      %dma_start3A_524 = arith.constant 0 : i32
      %dma_start3A_525 = tpu.memref_slice %arg7[%dma_start3A_523, %dma_start3A_524] : memref<50016x32xf32, #tpu.memory_space<vmem_shared>> -> memref<50016x32xf32, #tpu.memory_space<vmem_shared>>
      tpu.enqueue_indirect_dma source(%dma_start3A_519 : memref<128x32xf32, #tpu.memory_space<vmem>>) target(%dma_start3A_525 : memref<50016x32xf32, #tpu.memory_space<vmem_shared>>) offsets(%dma_start3A_522 : memref<128xi32, #tpu.memory_space<vmem>>) semaphore(%arg18 : memref<!tpu.dma_semaphore, #tpu.memory_space<semaphore_mem>>) {add = true}
      %dma_wait3A_526 = arith.constant 7 : i32
      %dma_wait3A_527 = arith.constant 1 : i32
      %dma_wait3A_528 = arith.constant 0 : i32
      %dma_wait3A_529 = arith.constant 0 : i32
      %dma_wait3A_530 = tpu.memref_slice %arg10[%dma_wait3A_527, %dma_wait3A_528, %dma_wait3A_529] : memref<6x128x32xf32, #tpu.memory_space<vmem>> -> memref<1x128x32xf32, #tpu.memory_space<vmem>>
      %dma_wait3A_531 = tpu.memref_squeeze %dma_wait3A_530 : memref<1x128x32xf32, #tpu.memory_space<vmem>> -> memref<128x32xf32, #tpu.memory_space<vmem>>
      %dma_wait3A_532 = arith.constant 0 : i32
      %dma_wait3A_533 = tpu.memref_slice %arg8[%rem3A_118, %dma_wait3A_526, %dma_wait3A_532] : memref<3x8x128xi32, #tpu.memory_space<vmem>> -> memref<1x1x128xi32, #tpu.memory_space<vmem>>
      %dma_wait3A_534 = tpu.memref_squeeze %dma_wait3A_533 : memref<1x1x128xi32, #tpu.memory_space<vmem>> -> memref<128xi32, #tpu.memory_space<vmem>>
      %dma_wait3A_535 = arith.constant 0 : i32
      %dma_wait3A_536 = arith.constant 0 : i32
      %dma_wait3A_537 = tpu.memref_slice %arg2[%arg0, %dma_wait3A_535, %dma_wait3A_536] : memref<2x50000x32xf32, #tpu.memory_space<hbm>> -> memref<1x50000x32xf32, #tpu.memory_space<hbm>>
      %dma_wait3A_538 = tpu.memref_squeeze %dma_wait3A_537 : memref<1x50000x32xf32, #tpu.memory_space<hbm>> -> memref<50000x32xf32, #tpu.memory_space<hbm>>
      %dma_wait3A_539 = arith.constant 0 : i32
      %dma_wait3A_540 = arith.constant 0 : i32
      %dma_wait3A_541 = tpu.memref_slice %dma_wait3A_538[%dma_wait3A_539, %dma_wait3A_540] : memref<50000x32xf32, #tpu.memory_space<hbm>> -> memref<50000x32xf32, #tpu.memory_space<hbm>>
      tpu.wait_indirect_dma semaphore(%arg13 : memref<!tpu.dma_semaphore, #tpu.memory_space<semaphore_mem>>) src(%dma_wait3A_541 : memref<50000x32xf32, #tpu.memory_space<hbm>>) dst(%dma_wait3A_531 : memref<128x32xf32, #tpu.memory_space<vmem>>)
      %dma_start3A_542 = arith.constant 1 : i32
      %dma_start3A_543 = arith.constant 7 : i32
      %dma_start3A_544 = arith.constant 0 : i32
      %dma_start3A_545 = arith.constant 0 : i32
      %dma_start3A_546 = tpu.memref_slice %arg10[%dma_start3A_542, %dma_start3A_544, %dma_start3A_545] : memref<6x128x32xf32, #tpu.memory_space<vmem>> -> memref<1x128x32xf32, #tpu.memory_space<vmem>>
      %dma_start3A_547 = tpu.memref_squeeze %dma_start3A_546 : memref<1x128x32xf32, #tpu.memory_space<vmem>> -> memref<128x32xf32, #tpu.memory_space<vmem>>
      %dma_start3A_548 = arith.constant 0 : i32
      %dma_start3A_549 = tpu.memref_slice %arg9[%rem3A_118, %dma_start3A_543, %dma_start3A_548] : memref<3x8x128xi32, #tpu.memory_space<vmem>> -> memref<1x1x128xi32, #tpu.memory_space<vmem>>
      %dma_start3A_550 = tpu.memref_squeeze %dma_start3A_549 : memref<1x1x128xi32, #tpu.memory_space<vmem>> -> memref<128xi32, #tpu.memory_space<vmem>>
      %dma_start3A_551 = arith.constant 0 : i32
      %dma_start3A_552 = arith.constant 0 : i32
      %dma_start3A_553 = tpu.memref_slice %arg7[%dma_start3A_551, %dma_start3A_552] : memref<50016x32xf32, #tpu.memory_space<vmem_shared>> -> memref<50016x32xf32, #tpu.memory_space<vmem_shared>>
      tpu.enqueue_indirect_dma source(%dma_start3A_547 : memref<128x32xf32, #tpu.memory_space<vmem>>) target(%dma_start3A_553 : memref<50016x32xf32, #tpu.memory_space<vmem_shared>>) offsets(%dma_start3A_550 : memref<128xi32, #tpu.memory_space<vmem>>) semaphore(%arg19 : memref<!tpu.dma_semaphore, #tpu.memory_space<semaphore_mem>>) {add = true}
      %scan3A_554 = arith.constant 0 : i32
      scf.yield %scan3A_554 : i32
    }
    %scan3A_33 = arith.constant 50 : i32
    %dma_wait3A = arith.constant 2 : i32
    %dma_wait3A_34 = arith.constant 1 : i32
    %dma_wait3A_35 = arith.constant 2 : i32
    %dma_wait3A_36 = arith.constant 0 : i32
    %dma_wait3A_37 = arith.constant 0 : i32
    %dma_wait3A_38 = tpu.memref_slice %arg10[%dma_wait3A, %dma_wait3A_36, %dma_wait3A_37] : memref<6x128x32xf32, #tpu.memory_space<vmem>> -> memref<1x128x32xf32, #tpu.memory_space<vmem>>
    %dma_wait3A_39 = tpu.memref_squeeze %dma_wait3A_38 : memref<1x128x32xf32, #tpu.memory_space<vmem>> -> memref<128x32xf32, #tpu.memory_space<vmem>>
    %dma_wait3A_40 = arith.constant 0 : i32
    %dma_wait3A_41 = tpu.memref_slice %arg9[%dma_wait3A_34, %dma_wait3A_35, %dma_wait3A_40] : memref<3x8x128xi32, #tpu.memory_space<vmem>> -> memref<1x1x128xi32, #tpu.memory_space<vmem>>
    %dma_wait3A_42 = tpu.memref_squeeze %dma_wait3A_41 : memref<1x1x128xi32, #tpu.memory_space<vmem>> -> memref<128xi32, #tpu.memory_space<vmem>>
    %dma_wait3A_43 = arith.constant 0 : i32
    %dma_wait3A_44 = arith.constant 0 : i32
    %dma_wait3A_45 = tpu.memref_slice %arg7[%dma_wait3A_43, %dma_wait3A_44] : memref<50016x32xf32, #tpu.memory_space<vmem_shared>> -> memref<50016x32xf32, #tpu.memory_space<vmem_shared>>
    tpu.wait_indirect_dma semaphore(%arg20 : memref<!tpu.dma_semaphore, #tpu.memory_space<semaphore_mem>>) src(%dma_wait3A_39 : memref<128x32xf32, #tpu.memory_space<vmem>>) dst(%dma_wait3A_45 : memref<50016x32xf32, #tpu.memory_space<vmem_shared>>)
    %dma_wait3A_46 = arith.constant 3 : i32
    %dma_wait3A_47 = arith.constant 1 : i32
    %dma_wait3A_48 = arith.constant 3 : i32
    %dma_wait3A_49 = arith.constant 0 : i32
    %dma_wait3A_50 = arith.constant 0 : i32
    %dma_wait3A_51 = tpu.memref_slice %arg10[%dma_wait3A_46, %dma_wait3A_49, %dma_wait3A_50] : memref<6x128x32xf32, #tpu.memory_space<vmem>> -> memref<1x128x32xf32, #tpu.memory_space<vmem>>
    %dma_wait3A_52 = tpu.memref_squeeze %dma_wait3A_51 : memref<1x128x32xf32, #tpu.memory_space<vmem>> -> memref<128x32xf32, #tpu.memory_space<vmem>>
    %dma_wait3A_53 = arith.constant 0 : i32
    %dma_wait3A_54 = tpu.memref_slice %arg9[%dma_wait3A_47, %dma_wait3A_48, %dma_wait3A_53] : memref<3x8x128xi32, #tpu.memory_space<vmem>> -> memref<1x1x128xi32, #tpu.memory_space<vmem>>
    %dma_wait3A_55 = tpu.memref_squeeze %dma_wait3A_54 : memref<1x1x128xi32, #tpu.memory_space<vmem>> -> memref<128xi32, #tpu.memory_space<vmem>>
    %dma_wait3A_56 = arith.constant 0 : i32
    %dma_wait3A_57 = arith.constant 0 : i32
    %dma_wait3A_58 = tpu.memref_slice %arg7[%dma_wait3A_56, %dma_wait3A_57] : memref<50016x32xf32, #tpu.memory_space<vmem_shared>> -> memref<50016x32xf32, #tpu.memory_space<vmem_shared>>
    tpu.wait_indirect_dma semaphore(%arg21 : memref<!tpu.dma_semaphore, #tpu.memory_space<semaphore_mem>>) src(%dma_wait3A_52 : memref<128x32xf32, #tpu.memory_space<vmem>>) dst(%dma_wait3A_58 : memref<50016x32xf32, #tpu.memory_space<vmem_shared>>)
    %dma_wait3A_59 = arith.constant 4 : i32
    %dma_wait3A_60 = arith.constant 1 : i32
    %dma_wait3A_61 = arith.constant 4 : i32
    %dma_wait3A_62 = arith.constant 0 : i32
    %dma_wait3A_63 = arith.constant 0 : i32
    %dma_wait3A_64 = tpu.memref_slice %arg10[%dma_wait3A_59, %dma_wait3A_62, %dma_wait3A_63] : memref<6x128x32xf32, #tpu.memory_space<vmem>> -> memref<1x128x32xf32, #tpu.memory_space<vmem>>
    %dma_wait3A_65 = tpu.memref_squeeze %dma_wait3A_64 : memref<1x128x32xf32, #tpu.memory_space<vmem>> -> memref<128x32xf32, #tpu.memory_space<vmem>>
    %dma_wait3A_66 = arith.constant 0 : i32
    %dma_wait3A_67 = tpu.memref_slice %arg9[%dma_wait3A_60, %dma_wait3A_61, %dma_wait3A_66] : memref<3x8x128xi32, #tpu.memory_space<vmem>> -> memref<1x1x128xi32, #tpu.memory_space<vmem>>
    %dma_wait3A_68 = tpu.memref_squeeze %dma_wait3A_67 : memref<1x1x128xi32, #tpu.memory_space<vmem>> -> memref<128xi32, #tpu.memory_space<vmem>>
    %dma_wait3A_69 = arith.constant 0 : i32
    %dma_wait3A_70 = arith.constant 0 : i32
    %dma_wait3A_71 = tpu.memref_slice %arg7[%dma_wait3A_69, %dma_wait3A_70] : memref<50016x32xf32, #tpu.memory_space<vmem_shared>> -> memref<50016x32xf32, #tpu.memory_space<vmem_shared>>
    tpu.wait_indirect_dma semaphore(%arg22 : memref<!tpu.dma_semaphore, #tpu.memory_space<semaphore_mem>>) src(%dma_wait3A_65 : memref<128x32xf32, #tpu.memory_space<vmem>>) dst(%dma_wait3A_71 : memref<50016x32xf32, #tpu.memory_space<vmem_shared>>)
    %dma_wait3A_72 = arith.constant 5 : i32
    %dma_wait3A_73 = arith.constant 1 : i32
    %dma_wait3A_74 = arith.constant 5 : i32
    %dma_wait3A_75 = arith.constant 0 : i32
    %dma_wait3A_76 = arith.constant 0 : i32
    %dma_wait3A_77 = tpu.memref_slice %arg10[%dma_wait3A_72, %dma_wait3A_75, %dma_wait3A_76] : memref<6x128x32xf32, #tpu.memory_space<vmem>> -> memref<1x128x32xf32, #tpu.memory_space<vmem>>
    %dma_wait3A_78 = tpu.memref_squeeze %dma_wait3A_77 : memref<1x128x32xf32, #tpu.memory_space<vmem>> -> memref<128x32xf32, #tpu.memory_space<vmem>>
    %dma_wait3A_79 = arith.constant 0 : i32
    %dma_wait3A_80 = tpu.memref_slice %arg9[%dma_wait3A_73, %dma_wait3A_74, %dma_wait3A_79] : memref<3x8x128xi32, #tpu.memory_space<vmem>> -> memref<1x1x128xi32, #tpu.memory_space<vmem>>
    %dma_wait3A_81 = tpu.memref_squeeze %dma_wait3A_80 : memref<1x1x128xi32, #tpu.memory_space<vmem>> -> memref<128xi32, #tpu.memory_space<vmem>>
    %dma_wait3A_82 = arith.constant 0 : i32
    %dma_wait3A_83 = arith.constant 0 : i32
    %dma_wait3A_84 = tpu.memref_slice %arg7[%dma_wait3A_82, %dma_wait3A_83] : memref<50016x32xf32, #tpu.memory_space<vmem_shared>> -> memref<50016x32xf32, #tpu.memory_space<vmem_shared>>
    tpu.wait_indirect_dma semaphore(%arg23 : memref<!tpu.dma_semaphore, #tpu.memory_space<semaphore_mem>>) src(%dma_wait3A_78 : memref<128x32xf32, #tpu.memory_space<vmem>>) dst(%dma_wait3A_84 : memref<50016x32xf32, #tpu.memory_space<vmem_shared>>)
    %dma_wait3A_85 = arith.constant 0 : i32
    %dma_wait3A_86 = arith.constant 1 : i32
    %dma_wait3A_87 = arith.constant 6 : i32
    %dma_wait3A_88 = arith.constant 0 : i32
    %dma_wait3A_89 = arith.constant 0 : i32
    %dma_wait3A_90 = tpu.memref_slice %arg10[%dma_wait3A_85, %dma_wait3A_88, %dma_wait3A_89] : memref<6x128x32xf32, #tpu.memory_space<vmem>> -> memref<1x128x32xf32, #tpu.memory_space<vmem>>
    %dma_wait3A_91 = tpu.memref_squeeze %dma_wait3A_90 : memref<1x128x32xf32, #tpu.memory_space<vmem>> -> memref<128x32xf32, #tpu.memory_space<vmem>>
    %dma_wait3A_92 = arith.constant 0 : i32
    %dma_wait3A_93 = tpu.memref_slice %arg9[%dma_wait3A_86, %dma_wait3A_87, %dma_wait3A_92] : memref<3x8x128xi32, #tpu.memory_space<vmem>> -> memref<1x1x128xi32, #tpu.memory_space<vmem>>
    %dma_wait3A_94 = tpu.memref_squeeze %dma_wait3A_93 : memref<1x1x128xi32, #tpu.memory_space<vmem>> -> memref<128xi32, #tpu.memory_space<vmem>>
    %dma_wait3A_95 = arith.constant 0 : i32
    %dma_wait3A_96 = arith.constant 0 : i32
    %dma_wait3A_97 = tpu.memref_slice %arg7[%dma_wait3A_95, %dma_wait3A_96] : memref<50016x32xf32, #tpu.memory_space<vmem_shared>> -> memref<50016x32xf32, #tpu.memory_space<vmem_shared>>
    tpu.wait_indirect_dma semaphore(%arg18 : memref<!tpu.dma_semaphore, #tpu.memory_space<semaphore_mem>>) src(%dma_wait3A_91 : memref<128x32xf32, #tpu.memory_space<vmem>>) dst(%dma_wait3A_97 : memref<50016x32xf32, #tpu.memory_space<vmem_shared>>)
    %dma_wait3A_98 = arith.constant 1 : i32
    %dma_wait3A_99 = arith.constant 1 : i32
    %dma_wait3A_100 = arith.constant 7 : i32
    %dma_wait3A_101 = arith.constant 0 : i32
    %dma_wait3A_102 = arith.constant 0 : i32
    %dma_wait3A_103 = tpu.memref_slice %arg10[%dma_wait3A_98, %dma_wait3A_101, %dma_wait3A_102] : memref<6x128x32xf32, #tpu.memory_space<vmem>> -> memref<1x128x32xf32, #tpu.memory_space<vmem>>
    %dma_wait3A_104 = tpu.memref_squeeze %dma_wait3A_103 : memref<1x128x32xf32, #tpu.memory_space<vmem>> -> memref<128x32xf32, #tpu.memory_space<vmem>>
    %dma_wait3A_105 = arith.constant 0 : i32
    %dma_wait3A_106 = tpu.memref_slice %arg9[%dma_wait3A_99, %dma_wait3A_100, %dma_wait3A_105] : memref<3x8x128xi32, #tpu.memory_space<vmem>> -> memref<1x1x128xi32, #tpu.memory_space<vmem>>
    %dma_wait3A_107 = tpu.memref_squeeze %dma_wait3A_106 : memref<1x1x128xi32, #tpu.memory_space<vmem>> -> memref<128xi32, #tpu.memory_space<vmem>>
    %dma_wait3A_108 = arith.constant 0 : i32
    %dma_wait3A_109 = arith.constant 0 : i32
    %dma_wait3A_110 = tpu.memref_slice %arg7[%dma_wait3A_108, %dma_wait3A_109] : memref<50016x32xf32, #tpu.memory_space<vmem_shared>> -> memref<50016x32xf32, #tpu.memory_space<vmem_shared>>
    tpu.wait_indirect_dma semaphore(%arg19 : memref<!tpu.dma_semaphore, #tpu.memory_space<semaphore_mem>>) src(%dma_wait3A_104 : memref<128x32xf32, #tpu.memory_space<vmem>>) dst(%dma_wait3A_110 : memref<50016x32xf32, #tpu.memory_space<vmem_shared>>)
    %barrier3A_111 = arith.constant 0 : index
    tpu.barrier barrier_id(%barrier3A_111)
    %mul3A_112 = arith.constant 3125 : i32
    %mul3A_113 = arith.muli %arg1, %mul3A_112 : i32
    %mul3A_114 = arith.constant 3125 : i32
    %mul3A_115 = arith.muli %arg1, %mul3A_114 : i32
    "tpu.region"() ({
      %run_scoped3A = tpu.sem_alloc : memref<!tpu.dma_semaphore, #tpu.memory_space<semaphore_mem>>
      %dma_start3A_116 = arith.constant 0 : i32
      %dma_start3A_117 = tpu.memref_slice %arg6[%arg0, %mul3A_115, %dma_start3A_116] : memref<2x50000x32xf32, #tpu.memory_space<hbm>> -> memref<1x3125x32xf32, #tpu.memory_space<hbm>>
      %dma_start3A_118 = tpu.memref_squeeze %dma_start3A_117 : memref<1x3125x32xf32, #tpu.memory_space<hbm>> -> memref<3125x32xf32, #tpu.memory_space<hbm>>
      %dma_start3A_119 = arith.constant 0 : i32
      %dma_start3A_120 = tpu.memref_slice %arg7[%mul3A_113, %dma_start3A_119] : memref<50016x32xf32, #tpu.memory_space<vmem_shared>> -> memref<3125x32xf32, #tpu.memory_space<vmem_shared>>
      tpu.enqueue_dma source(%dma_start3A_120 : memref<3125x32xf32, #tpu.memory_space<vmem_shared>>) target(%dma_start3A_118 : memref<3125x32xf32, #tpu.memory_space<hbm>>) target_semaphore(%run_scoped3A : memref<!tpu.dma_semaphore, #tpu.memory_space<semaphore_mem>>)
      %dma_wait3A_121 = arith.constant 0 : i32
      %dma_wait3A_122 = tpu.memref_slice %arg6[%arg0, %mul3A_115, %dma_wait3A_121] : memref<2x50000x32xf32, #tpu.memory_space<hbm>> -> memref<1x3125x32xf32, #tpu.memory_space<hbm>>
      %dma_wait3A_123 = tpu.memref_squeeze %dma_wait3A_122 : memref<1x3125x32xf32, #tpu.memory_space<hbm>> -> memref<3125x32xf32, #tpu.memory_space<hbm>>
      %dma_wait3A_124 = arith.constant 0 : i32
      %dma_wait3A_125 = tpu.memref_slice %arg7[%mul3A_113, %dma_wait3A_124] : memref<50016x32xf32, #tpu.memory_space<vmem_shared>> -> memref<3125x32xf32, #tpu.memory_space<vmem_shared>>
      tpu.wait_dma2 semaphore(%run_scoped3A : memref<!tpu.dma_semaphore, #tpu.memory_space<semaphore_mem>>) src(%dma_wait3A_125 : memref<3125x32xf32, #tpu.memory_space<vmem_shared>>) dst(%dma_wait3A_123 : memref<3125x32xf32, #tpu.memory_space<hbm>>)
      tpu.yield
    }) : () -> ()
    return
  }
}

module attributes {stable_mosaic.version = 14 : i64} {
  func.func @_bn_pool_body(%arg0: i32, %arg1: memref<5000x64xf32, #tpu.memory_space<vmem>>, %arg2: memref<2x64xf32, #tpu.memory_space<vmem>>, %arg3: memref<1x64xf32, #tpu.memory_space<vmem>>, %arg4: memref<1x64xf32, #tpu.memory_space<vmem>>, %arg5: memref<5000x1xi32, #tpu.memory_space<vmem>>, %arg6: memref<2x5000x32xf32, #tpu.memory_space<vmem>>, %arg7: memref<256x64xf32, #tpu.memory_space<vmem>>) attributes {dimension_semantics = [#tpu.dimension_semantics<arbitrary>], iteration_bounds = array<i64: 10>, scalar_prefetch = 0 : i64, scratch_operands = 0 : i64, tpu.core_type = #tpu.core_type<tc>, window_params = [{transform_indices = @transform_0, window_bounds = array<i64: 5000, 64>}, {pipeline_mode = #tpu.pipeline_mode<synchronous>, transform_indices = @transform_1, window_bounds = array<i64: 2, 64>}, {pipeline_mode = #tpu.pipeline_mode<synchronous>, transform_indices = @transform_2, window_bounds = array<i64: 1, 64>}, {pipeline_mode = #tpu.pipeline_mode<synchronous>, transform_indices = @transform_3, window_bounds = array<i64: 1, 64>}, {transform_indices = @transform_4, window_bounds = array<i64: 5000, 1>}, {transform_indices = @transform_5, window_bounds = array<i64: 2, 5000, 32>}, {pipeline_mode = #tpu.pipeline_mode<synchronous>, transform_indices = @transform_6, window_bounds = array<i64: 256, 64>}]} {
    %get3A = arith.constant 0 : index
    %get3A_0 = arith.constant 0 : index
    %get3A_1 = vector.load %arg2[%get3A, %get3A_0] : memref<2x64xf32, #tpu.memory_space<vmem>>, vector<1x64xf32>
    %mul3A = arith.constant 2.000000e-05 : f32
    %mul3A_2 = vector.broadcast %mul3A : f32 to vector<1x64xf32>
    %mul3A_3 = arith.mulf %get3A_1, %mul3A_2 : vector<1x64xf32>
    %get3A_4 = arith.constant 1 : index
    %get3A_5 = arith.constant 0 : index
    %get3A_6 = vector.load %arg2[%get3A_4, %get3A_5] : memref<2x64xf32, #tpu.memory_space<vmem>>, vector<1x64xf32>
    %mul3A_7 = arith.constant 2.000000e-05 : f32
    %mul3A_8 = vector.broadcast %mul3A_7 : f32 to vector<1x64xf32>
    %mul3A_9 = arith.mulf %get3A_6, %mul3A_8 : vector<1x64xf32>
    %mul3A_10 = arith.mulf %mul3A_3, %mul3A_3 : vector<1x64xf32>
    %sub3A = arith.subf %mul3A_9, %mul3A_10 : vector<1x64xf32>
    %add3A = arith.constant 9.99999974E-6 : f32
    %add3A_11 = vector.broadcast %add3A : f32 to vector<1x64xf32>
    %add3A_12 = arith.addf %sub3A, %add3A_11 : vector<1x64xf32>
    %rsqrt3A = math.rsqrt %add3A_12 : vector<1x64xf32>
    %get3A_13 = arith.constant 0 : index
    %get3A_14 = arith.constant 0 : index
    %get3A_15 = vector.load %arg3[%get3A_13, %get3A_14] : memref<1x64xf32, #tpu.memory_space<vmem>>, vector<1x64xf32>
    %mul3A_16 = arith.mulf %rsqrt3A, %get3A_15 : vector<1x64xf32>
    %get3A_17 = arith.constant 0 : index
    %get3A_18 = arith.constant 0 : index
    %get3A_19 = vector.load %arg1[%get3A_17, %get3A_18] : memref<5000x64xf32, #tpu.memory_space<vmem>>, vector<5000x64xf32>
    %sub3A_20 = vector.broadcast %mul3A_3 : vector<1x64xf32> to vector<5000x64xf32>
    %sub3A_21 = arith.subf %get3A_19, %sub3A_20 : vector<5000x64xf32>
    %mul3A_22 = vector.broadcast %mul3A_16 : vector<1x64xf32> to vector<5000x64xf32>
    %mul3A_23 = arith.mulf %sub3A_21, %mul3A_22 : vector<5000x64xf32>
    %get3A_24 = arith.constant 0 : index
    %get3A_25 = arith.constant 0 : index
    %get3A_26 = vector.load %arg4[%get3A_24, %get3A_25] : memref<1x64xf32, #tpu.memory_space<vmem>>, vector<1x64xf32>
    %add3A_27 = vector.broadcast %get3A_26 : vector<1x64xf32> to vector<5000x64xf32>
    %add3A_28 = arith.addf %mul3A_23, %add3A_27 : vector<5000x64xf32>
    %slice3A = vector.extract_strided_slice %add3A_28 {offsets = [0, 0], sizes = [5000, 32], strides = [1, 1]} : vector<5000x64xf32> to vector<5000x32xf32>
    %swap3A = arith.constant 0 : index
    %swap3A_29 = arith.constant 0 : index
    %swap3A_30 = arith.constant 0 : index
    %swap3A_31 = vector.load %arg6[%swap3A, %swap3A_29, %swap3A_30] : memref<2x5000x32xf32, #tpu.memory_space<vmem>>, vector<1x5000x32xf32>
    %swap3A_32 = vector.shape_cast %swap3A_31 : vector<1x5000x32xf32> to vector<5000x32xf32>
    %swap3A_33 = vector.shape_cast %slice3A : vector<5000x32xf32> to vector<1x5000x32xf32>
    tpu.vector_store %arg6[%swap3A, %swap3A_29, %swap3A_30], %swap3A_33 {strides = array<i32>} : memref<2x5000x32xf32, #tpu.memory_space<vmem>>, vector<1x5000x32xf32>,
    %slice3A_34 = vector.extract_strided_slice %add3A_28 {offsets = [0, 32], sizes = [5000, 32], strides = [1, 1]} : vector<5000x64xf32> to vector<5000x32xf32>
    %swap3A_35 = arith.constant 1 : index
    %swap3A_36 = arith.constant 0 : index
    %swap3A_37 = arith.constant 0 : index
    %swap3A_38 = vector.load %arg6[%swap3A_35, %swap3A_36, %swap3A_37] : memref<2x5000x32xf32, #tpu.memory_space<vmem>>, vector<1x5000x32xf32>
    %swap3A_39 = vector.shape_cast %swap3A_38 : vector<1x5000x32xf32> to vector<5000x32xf32>
    %swap3A_40 = vector.shape_cast %slice3A_34 : vector<5000x32xf32> to vector<1x5000x32xf32>
    tpu.vector_store %arg6[%swap3A_35, %swap3A_36, %swap3A_37], %swap3A_40 {strides = array<i32>} : memref<2x5000x32xf32, #tpu.memory_space<vmem>>, vector<1x5000x32xf32>,
    %get3A_41 = arith.constant 0 : index
    %get3A_42 = arith.constant 0 : index
    %get3A_43 = vector.load %arg5[%get3A_41, %get3A_42] : memref<5000x1xi32, #tpu.memory_space<vmem>>, vector<5000x1xi32>
    %iota3A = tpu.iota {dimensions = array<i32: 1>} : vector<1x256xi32>
    %eq3A = vector.broadcast %get3A_43 : vector<5000x1xi32> to vector<5000x256xi32>
    %eq3A_44 = vector.broadcast %iota3A : vector<1x256xi32> to vector<5000x256xi32>
    %eq3A_45 = arith.cmpi eq, %eq3A, %eq3A_44 : vector<5000x256xi32>
    %convert_element_type3A = arith.extui %eq3A_45 : vector<5000x256xi1> to vector<5000x256xi32>
    %convert_element_type3A_46 = arith.sitofp %convert_element_type3A : vector<5000x256xi32> to vector<5000x256xf32>
    %dot_general3A = arith.constant dense<0.000000e+00> : vector<256x64xf32>
    %dot_general3A_47 = tpu.matmul %convert_element_type3A_46, %add3A_28, %dot_general3A {dimension_numbers = #tpu.dot_dimension_numbers<[0], [0], [1], [1], [0, 1, 1, 1], [], []>, transpose_lhs_hint = false} : vector<5000x256xf32>, vector<5000x64xf32>, vector<256x64xf32> -> vector<256x64xf32>
    %eq3A_48 = arith.constant 0 : i32
    %eq3A_49 = arith.cmpi eq, %arg0, %eq3A_48 : i32
    %convert_element_type3A_50 = arith.extui %eq3A_49 : i1 to i32
    %cond3A = arith.constant 0 : i32
    %cond3A_51 = arith.cmpi ne, %convert_element_type3A_50, %cond3A : i32
    scf.if %cond3A_51 {
      %swap3A_56 = arith.constant 0 : index
      %swap3A_57 = arith.constant 0 : index
      %swap3A_58 = vector.load %arg7[%swap3A_56, %swap3A_57] : memref<256x64xf32, #tpu.memory_space<vmem>>, vector<256x64xf32>
      tpu.vector_store %arg7[%swap3A_56, %swap3A_57], %dot_general3A_47 {strides = array<i32>} : memref<256x64xf32, #tpu.memory_space<vmem>>, vector<256x64xf32>,
    } else {
    }
    %gt3A = arith.constant 0 : i32
    %gt3A_52 = arith.cmpi sgt, %arg0, %gt3A : i32
    %convert_element_type3A_53 = arith.extui %gt3A_52 : i1 to i32
    %cond3A_54 = arith.constant 0 : i32
    %cond3A_55 = arith.cmpi ne, %convert_element_type3A_53, %cond3A_54 : i32
    scf.if %cond3A_55 {
      %get3A_56 = arith.constant 0 : index
      %get3A_57 = arith.constant 0 : index
      %get3A_58 = vector.load %arg7[%get3A_56, %get3A_57] : memref<256x64xf32, #tpu.memory_space<vmem>>, vector<256x64xf32>
      %add3A_59 = arith.addf %get3A_58, %dot_general3A_47 : vector<256x64xf32>
      %swap3A_60 = arith.constant 0 : index
      %swap3A_61 = arith.constant 0 : index
      %swap3A_62 = vector.load %arg7[%swap3A_60, %swap3A_61] : memref<256x64xf32, #tpu.memory_space<vmem>>, vector<256x64xf32>
      tpu.vector_store %arg7[%swap3A_60, %swap3A_61], %add3A_59 {strides = array<i32>} : memref<256x64xf32, #tpu.memory_space<vmem>>, vector<256x64xf32>,
    } else {
    }
    return
  }
  func.func @transform_0(%arg0: i32) -> (i32, i32) {
    %c0_i32 = arith.constant 0 : i32
    %c0_i32_0 = arith.constant 0 : i32
    return %arg0, %c0_i32 : i32, i32
  }
  func.func @transform_1(%arg0: i32) -> (i32, i32) {
    %c0_i32 = arith.constant 0 : i32
    %c0_i32_0 = arith.constant 0 : i32
    %c0_i32_1 = arith.constant 0 : i32
    return %c0_i32, %c0_i32_0 : i32, i32
  }
  func.func @transform_2(%arg0: i32) -> (i32, i32) {
    %c0_i32 = arith.constant 0 : i32
    %c0_i32_0 = arith.constant 0 : i32
    %c0_i32_1 = arith.constant 0 : i32
    return %c0_i32, %c0_i32_0 : i32, i32
  }
  func.func @transform_3(%arg0: i32) -> (i32, i32) {
    %c0_i32 = arith.constant 0 : i32
    %c0_i32_0 = arith.constant 0 : i32
    %c0_i32_1 = arith.constant 0 : i32
    return %c0_i32, %c0_i32_0 : i32, i32
  }
  func.func @transform_4(%arg0: i32) -> (i32, i32) {
    %c0_i32 = arith.constant 0 : i32
    %c0_i32_0 = arith.constant 0 : i32
    return %arg0, %c0_i32 : i32, i32
  }
  func.func @transform_5(%arg0: i32) -> (i32, i32, i32) {
    %c0_i32 = arith.constant 0 : i32
    %c0_i32_0 = arith.constant 0 : i32
    %c0_i32_1 = arith.constant 0 : i32
    return %c0_i32, %arg0, %c0_i32_0 : i32, i32, i32
  }
  func.func @transform_6(%arg0: i32) -> (i32, i32) {
    %c0_i32 = arith.constant 0 : i32
    %c0_i32_0 = arith.constant 0 : i32
    %c0_i32_1 = arith.constant 0 : i32
    return %c0_i32, %c0_i32_0 : i32, i32
  }
}

module attributes {stable_mosaic.version = 14 : i64} {
  func.func @_mlp_body(%arg0: i32, %arg1: memref<2x5000x32xf32, #tpu.memory_space<vmem>>, %arg2: memref<2x5000x32xf32, #tpu.memory_space<vmem>>, %arg3: memref<64x64xf32, #tpu.memory_space<vmem>>, %arg4: memref<1x64xf32, #tpu.memory_space<vmem>>, %arg5: memref<64x64xf32, #tpu.memory_space<vmem>>, %arg6: memref<1x64xf32, #tpu.memory_space<vmem>>, %arg7: memref<64x64xf32, #tpu.memory_space<vmem>>, %arg8: memref<1x64xf32, #tpu.memory_space<vmem>>, %arg9: memref<1x1xf32, #tpu.memory_space<vmem>>, %arg10: memref<5000x64xf32, #tpu.memory_space<vmem>>, %arg11: memref<2x64xf32, #tpu.memory_space<vmem>>) attributes {dimension_semantics = [#tpu.dimension_semantics<arbitrary>], iteration_bounds = array<i64: 10>, scalar_prefetch = 0 : i64, scratch_operands = 0 : i64, tpu.core_type = #tpu.core_type<tc>, window_params = [{transform_indices = @transform_0, window_bounds = array<i64: 2, 5000, 32>}, {transform_indices = @transform_1, window_bounds = array<i64: 2, 5000, 32>}, {pipeline_mode = #tpu.pipeline_mode<synchronous>, transform_indices = @transform_2, window_bounds = array<i64: 64, 64>}, {pipeline_mode = #tpu.pipeline_mode<synchronous>, transform_indices = @transform_3, window_bounds = array<i64: 1, 64>}, {pipeline_mode = #tpu.pipeline_mode<synchronous>, transform_indices = @transform_4, window_bounds = array<i64: 64, 64>}, {pipeline_mode = #tpu.pipeline_mode<synchronous>, transform_indices = @transform_5, window_bounds = array<i64: 1, 64>}, {pipeline_mode = #tpu.pipeline_mode<synchronous>, transform_indices = @transform_6, window_bounds = array<i64: 64, 64>}, {pipeline_mode = #tpu.pipeline_mode<synchronous>, transform_indices = @transform_7, window_bounds = array<i64: 1, 64>}, {pipeline_mode = #tpu.pipeline_mode<synchronous>, transform_indices = @transform_8, window_bounds = array<i64: 1, 1>}, {transform_indices = @transform_9, window_bounds = array<i64: 5000, 64>}, {pipeline_mode = #tpu.pipeline_mode<synchronous>, transform_indices = @transform_10, window_bounds = array<i64: 2, 64>}]} {
    %get3A = arith.constant 0 : index
    %get3A_0 = arith.constant 0 : index
    %get3A_1 = arith.constant 0 : index
    %get3A_2 = vector.load %arg1[%get3A, %get3A_0, %get3A_1] : memref<2x5000x32xf32, #tpu.memory_space<vmem>>, vector<1x5000x32xf32>
    %get3A_3 = vector.shape_cast %get3A_2 : vector<1x5000x32xf32> to vector<5000x32xf32>
    %get3A_4 = arith.constant 1 : index
    %get3A_5 = arith.constant 0 : index
    %get3A_6 = arith.constant 0 : index
    %get3A_7 = vector.load %arg1[%get3A_4, %get3A_5, %get3A_6] : memref<2x5000x32xf32, #tpu.memory_space<vmem>>, vector<1x5000x32xf32>
    %get3A_8 = vector.shape_cast %get3A_7 : vector<1x5000x32xf32> to vector<5000x32xf32>
    %concatenate3A = tpu.concatenate %get3A_3, %get3A_8 in 1 : vector<5000x32xf32>, vector<5000x32xf32> -> vector<5000x64xf32>
    %get3A_9 = arith.constant 0 : index
    %get3A_10 = arith.constant 0 : index
    %get3A_11 = arith.constant 0 : index
    %get3A_12 = vector.load %arg2[%get3A_9, %get3A_10, %get3A_11] : memref<2x5000x32xf32, #tpu.memory_space<vmem>>, vector<1x5000x32xf32>
    %get3A_13 = vector.shape_cast %get3A_12 : vector<1x5000x32xf32> to vector<5000x32xf32>
    %get3A_14 = arith.constant 1 : index
    %get3A_15 = arith.constant 0 : index
    %get3A_16 = arith.constant 0 : index
    %get3A_17 = vector.load %arg2[%get3A_14, %get3A_15, %get3A_16] : memref<2x5000x32xf32, #tpu.memory_space<vmem>>, vector<1x5000x32xf32>
    %get3A_18 = vector.shape_cast %get3A_17 : vector<1x5000x32xf32> to vector<5000x32xf32>
    %concatenate3A_19 = tpu.concatenate %get3A_13, %get3A_18 in 1 : vector<5000x32xf32>, vector<5000x32xf32> -> vector<5000x64xf32>
    %get3A_20 = arith.constant 0 : index
    %get3A_21 = arith.constant 0 : index
    %get3A_22 = vector.load %arg9[%get3A_20, %get3A_21] : memref<1x1xf32, #tpu.memory_space<vmem>>, vector<1x1xf32>
    %get3A_23 = vector.extract %get3A_22[0, 0] : f32 from vector<1x1xf32>
    %add3A = arith.constant 1.000000e+00 : f32
    %add3A_24 = arith.addf %add3A, %get3A_23 : f32
    %mul3A = vector.broadcast %add3A_24 : f32 to vector<5000x64xf32>
    %mul3A_25 = arith.mulf %mul3A, %concatenate3A : vector<5000x64xf32>
    %add3A_26 = arith.addf %mul3A_25, %concatenate3A_19 : vector<5000x64xf32>
    %get3A_27 = arith.constant 0 : index
    %get3A_28 = arith.constant 0 : index
    %get3A_29 = vector.load %arg3[%get3A_27, %get3A_28] : memref<64x64xf32, #tpu.memory_space<vmem>>, vector<64x64xf32>
    %dot_general3A = arith.constant dense<0.000000e+00> : vector<5000x64xf32>
    %dot_general3A_30 = tpu.matmul %add3A_26, %get3A_29, %dot_general3A {dimension_numbers = #tpu.dot_dimension_numbers<[1], [1], [0], [0], [0, 0, 1, 0], [], []>, transpose_lhs_hint = false} : vector<5000x64xf32>, vector<64x64xf32>, vector<5000x64xf32> -> vector<5000x64xf32>
    %get3A_31 = arith.constant 0 : index
    %get3A_32 = arith.constant 0 : index
    %get3A_33 = vector.load %arg4[%get3A_31, %get3A_32] : memref<1x64xf32, #tpu.memory_space<vmem>>, vector<1x64xf32>
    %add3A_34 = vector.broadcast %get3A_33 : vector<1x64xf32> to vector<5000x64xf32>
    %add3A_35 = arith.addf %dot_general3A_30, %add3A_34 : vector<5000x64xf32>
    %max3A = arith.constant 0.000000e+00 : f32
    %max3A_36 = vector.broadcast %max3A : f32 to vector<5000x64xf32>
    %max3A_37 = arith.maximumf %add3A_35, %max3A_36 : vector<5000x64xf32>
    %get3A_38 = arith.constant 0 : index
    %get3A_39 = arith.constant 0 : index
    %get3A_40 = vector.load %arg5[%get3A_38, %get3A_39] : memref<64x64xf32, #tpu.memory_space<vmem>>, vector<64x64xf32>
    %dot_general3A_41 = arith.constant dense<0.000000e+00> : vector<5000x64xf32>
    %dot_general3A_42 = tpu.matmul %max3A_37, %get3A_40, %dot_general3A_41 {dimension_numbers = #tpu.dot_dimension_numbers<[1], [1], [0], [0], [0, 0, 1, 0], [], []>, transpose_lhs_hint = false} : vector<5000x64xf32>, vector<64x64xf32>, vector<5000x64xf32> -> vector<5000x64xf32>
    %get3A_43 = arith.constant 0 : index
    %get3A_44 = arith.constant 0 : index
    %get3A_45 = vector.load %arg6[%get3A_43, %get3A_44] : memref<1x64xf32, #tpu.memory_space<vmem>>, vector<1x64xf32>
    %add3A_46 = vector.broadcast %get3A_45 : vector<1x64xf32> to vector<5000x64xf32>
    %add3A_47 = arith.addf %dot_general3A_42, %add3A_46 : vector<5000x64xf32>
    %max3A_48 = arith.constant 0.000000e+00 : f32
    %max3A_49 = vector.broadcast %max3A_48 : f32 to vector<5000x64xf32>
    %max3A_50 = arith.maximumf %add3A_47, %max3A_49 : vector<5000x64xf32>
    %get3A_51 = arith.constant 0 : index
    %get3A_52 = arith.constant 0 : index
    %get3A_53 = vector.load %arg7[%get3A_51, %get3A_52] : memref<64x64xf32, #tpu.memory_space<vmem>>, vector<64x64xf32>
    %dot_general3A_54 = arith.constant dense<0.000000e+00> : vector<5000x64xf32>
    %dot_general3A_55 = tpu.matmul %max3A_50, %get3A_53, %dot_general3A_54 {dimension_numbers = #tpu.dot_dimension_numbers<[1], [1], [0], [0], [0, 0, 1, 0], [], []>, transpose_lhs_hint = false} : vector<5000x64xf32>, vector<64x64xf32>, vector<5000x64xf32> -> vector<5000x64xf32>
    %get3A_56 = arith.constant 0 : index
    %get3A_57 = arith.constant 0 : index
    %get3A_58 = vector.load %arg8[%get3A_56, %get3A_57] : memref<1x64xf32, #tpu.memory_space<vmem>>, vector<1x64xf32>
    %add3A_59 = vector.broadcast %get3A_58 : vector<1x64xf32> to vector<5000x64xf32>
    %add3A_60 = arith.addf %dot_general3A_55, %add3A_59 : vector<5000x64xf32>
    %max3A_61 = arith.constant 0.000000e+00 : f32
    %max3A_62 = vector.broadcast %max3A_61 : f32 to vector<5000x64xf32>
    %max3A_63 = arith.maximumf %add3A_60, %max3A_62 : vector<5000x64xf32>
    %swap3A = arith.constant 0 : index
    %swap3A_64 = arith.constant 0 : index
    %swap3A_65 = vector.load %arg10[%swap3A, %swap3A_64] : memref<5000x64xf32, #tpu.memory_space<vmem>>, vector<5000x64xf32>
    tpu.vector_store %arg10[%swap3A, %swap3A_64], %max3A_63 {strides = array<i32>} : memref<5000x64xf32, #tpu.memory_space<vmem>>, vector<5000x64xf32>,
    %reduce_sum3A = arith.constant dense<0.000000e+00> : vector<64xf32>
    %reduce_sum3A_66 = vector.multi_reduction <add>, %max3A_63, %reduce_sum3A [0] : vector<5000x64xf32> to vector<64xf32>
    %broadcast_in_dim3A = vector.shape_cast %reduce_sum3A_66 : vector<64xf32> to vector<1x64xf32>
    %mul3A_67 = arith.mulf %max3A_63, %max3A_63 : vector<5000x64xf32>
    %reduce_sum3A_68 = arith.constant dense<0.000000e+00> : vector<64xf32>
    %reduce_sum3A_69 = vector.multi_reduction <add>, %mul3A_67, %reduce_sum3A_68 [0] : vector<5000x64xf32> to vector<64xf32>
    %broadcast_in_dim3A_70 = vector.shape_cast %reduce_sum3A_69 : vector<64xf32> to vector<1x64xf32>
    %concatenate3A_71 = tpu.concatenate %broadcast_in_dim3A, %broadcast_in_dim3A_70 in 0 : vector<1x64xf32>, vector<1x64xf32> -> vector<2x64xf32>
    %eq3A = arith.constant 0 : i32
    %eq3A_72 = arith.cmpi eq, %arg0, %eq3A : i32
    %convert_element_type3A = arith.extui %eq3A_72 : i1 to i32
    %cond3A = arith.constant 0 : i32
    %cond3A_73 = arith.cmpi ne, %convert_element_type3A, %cond3A : i32
    scf.if %cond3A_73 {
      %swap3A_78 = arith.constant 0 : index
      %swap3A_79 = arith.constant 0 : index
      %swap3A_80 = vector.load %arg11[%swap3A_78, %swap3A_79] : memref<2x64xf32, #tpu.memory_space<vmem>>, vector<2x64xf32>
      tpu.vector_store %arg11[%swap3A_78, %swap3A_79], %concatenate3A_71 {strides = array<i32>} : memref<2x64xf32, #tpu.memory_space<vmem>>, vector<2x64xf32>,
    } else {
    }
    %gt3A = arith.constant 0 : i32
    %gt3A_74 = arith.cmpi sgt, %arg0, %gt3A : i32
    %convert_element_type3A_75 = arith.extui %gt3A_74 : i1 to i32
    %cond3A_76 = arith.constant 0 : i32
    %cond3A_77 = arith.cmpi ne, %convert_element_type3A_75, %cond3A_76 : i32
    scf.if %cond3A_77 {
      %get3A_78 = arith.constant 0 : index
      %get3A_79 = arith.constant 0 : index
      %get3A_80 = vector.load %arg11[%get3A_78, %get3A_79] : memref<2x64xf32, #tpu.memory_space<vmem>>, vector<2x64xf32>
      %add3A_81 = arith.addf %get3A_80, %concatenate3A_71 : vector<2x64xf32>
      %swap3A_82 = arith.constant 0 : index
      %swap3A_83 = arith.constant 0 : index
      %swap3A_84 = vector.load %arg11[%swap3A_82, %swap3A_83] : memref<2x64xf32, #tpu.memory_space<vmem>>, vector<2x64xf32>
      tpu.vector_store %arg11[%swap3A_82, %swap3A_83], %add3A_81 {strides = array<i32>} : memref<2x64xf32, #tpu.memory_space<vmem>>, vector<2x64xf32>,
    } else {
    }
    return
  }
  func.func @transform_0(%arg0: i32) -> (i32, i32, i32) {
    %c0_i32 = arith.constant 0 : i32
    %c0_i32_0 = arith.constant 0 : i32
    %c0_i32_1 = arith.constant 0 : i32
    return %c0_i32, %arg0, %c0_i32_0 : i32, i32, i32
  }
  func.func @transform_1(%arg0: i32) -> (i32, i32, i32) {
    %c0_i32 = arith.constant 0 : i32
    %c0_i32_0 = arith.constant 0 : i32
    %c0_i32_1 = arith.constant 0 : i32
    return %c0_i32, %arg0, %c0_i32_0 : i32, i32, i32
  }
  func.func @transform_2(%arg0: i32) -> (i32, i32) {
    %c0_i32 = arith.constant 0 : i32
    %c0_i32_0 = arith.constant 0 : i32
    %c0_i32_1 = arith.constant 0 : i32
    return %c0_i32, %c0_i32_0 : i32, i32
  }
  func.func @transform_3(%arg0: i32) -> (i32, i32) {
    %c0_i32 = arith.constant 0 : i32
    %c0_i32_0 = arith.constant 0 : i32
    %c0_i32_1 = arith.constant 0 : i32
    return %c0_i32, %c0_i32_0 : i32, i32
  }
  func.func @transform_4(%arg0: i32) -> (i32, i32) {
    %c0_i32 = arith.constant 0 : i32
    %c0_i32_0 = arith.constant 0 : i32
    %c0_i32_1 = arith.constant 0 : i32
    return %c0_i32, %c0_i32_0 : i32, i32
  }
  func.func @transform_5(%arg0: i32) -> (i32, i32) {
    %c0_i32 = arith.constant 0 : i32
    %c0_i32_0 = arith.constant 0 : i32
    %c0_i32_1 = arith.constant 0 : i32
    return %c0_i32, %c0_i32_0 : i32, i32
  }
  func.func @transform_6(%arg0: i32) -> (i32, i32) {
    %c0_i32 = arith.constant 0 : i32
    %c0_i32_0 = arith.constant 0 : i32
    %c0_i32_1 = arith.constant 0 : i32
    return %c0_i32, %c0_i32_0 : i32, i32
  }
  func.func @transform_7(%arg0: i32) -> (i32, i32) {
    %c0_i32 = arith.constant 0 : i32
    %c0_i32_0 = arith.constant 0 : i32
    %c0_i32_1 = arith.constant 0 : i32
    return %c0_i32, %c0_i32_0 : i32, i32
  }
  func.func @transform_8(%arg0: i32) -> (i32, i32) {
    %c0_i32 = arith.constant 0 : i32
    %c0_i32_0 = arith.constant 0 : i32
    %c0_i32_1 = arith.constant 0 : i32
    return %c0_i32, %c0_i32_0 : i32, i32
  }
  func.func @transform_9(%arg0: i32) -> (i32, i32) {
    %c0_i32 = arith.constant 0 : i32
    %c0_i32_0 = arith.constant 0 : i32
    return %arg0, %c0_i32 : i32, i32
  }
  func.func @transform_10(%arg0: i32) -> (i32, i32) {
    %c0_i32 = arith.constant 0 : i32
    %c0_i32_0 = arith.constant 0 : i32
    %c0_i32_1 = arith.constant 0 : i32
    return %c0_i32, %c0_i32_0 : i32, i32
  }
}

module attributes {stable_mosaic.version = 14 : i64} {
  func.func @_final_body(%arg0: memref<256x64xf32, #tpu.memory_space<vmem>>, %arg1: memref<256x64xf32, #tpu.memory_space<vmem>>, %arg2: memref<256x64xf32, #tpu.memory_space<vmem>>, %arg3: memref<53x192xf32, #tpu.memory_space<vmem>>, %arg4: memref<1x53xf32, #tpu.memory_space<vmem>>, %arg5: memref<256x53xf32, #tpu.memory_space<vmem>>) attributes {dimension_semantics = [], scalar_prefetch = 0 : i64, scratch_operands = 0 : i64, tpu.core_type = #tpu.core_type<tc>} {
    %get3A = arith.constant 0 : index
    %get3A_0 = arith.constant 0 : index
    %get3A_1 = vector.load %arg0[%get3A, %get3A_0] : memref<256x64xf32, #tpu.memory_space<vmem>>, vector<256x64xf32>
    %get3A_2 = arith.constant 0 : index
    %get3A_3 = arith.constant 0 : index
    %get3A_4 = vector.load %arg3[%get3A_2, %get3A_3] : memref<53x192xf32, #tpu.memory_space<vmem>>, vector<53x64xf32>
    %dot_general3A = arith.constant dense<0.000000e+00> : vector<256x53xf32>
    %dot_general3A_5 = tpu.matmul %get3A_1, %get3A_4, %dot_general3A {dimension_numbers = #tpu.dot_dimension_numbers<[1], [1], [0], [0], [0, 0, 1, 0], [], []>, transpose_lhs_hint = false} : vector<256x64xf32>, vector<53x64xf32>, vector<256x53xf32> -> vector<256x53xf32>
    %get3A_6 = arith.constant 0 : index
    %get3A_7 = arith.constant 0 : index
    %get3A_8 = vector.load %arg1[%get3A_6, %get3A_7] : memref<256x64xf32, #tpu.memory_space<vmem>>, vector<256x64xf32>
    %get3A_9 = arith.constant 0 : index
    %get3A_10 = arith.constant 64 : index
    %get3A_11 = vector.load %arg3[%get3A_9, %get3A_10] : memref<53x192xf32, #tpu.memory_space<vmem>>, vector<53x64xf32>
    %dot_general3A_12 = arith.constant dense<0.000000e+00> : vector<256x53xf32>
    %dot_general3A_13 = tpu.matmul %get3A_8, %get3A_11, %dot_general3A_12 {dimension_numbers = #tpu.dot_dimension_numbers<[1], [1], [0], [0], [0, 0, 1, 0], [], []>, transpose_lhs_hint = false} : vector<256x64xf32>, vector<53x64xf32>, vector<256x53xf32> -> vector<256x53xf32>
    %add3A = arith.addf %dot_general3A_5, %dot_general3A_13 : vector<256x53xf32>
    %get3A_14 = arith.constant 0 : index
    %get3A_15 = arith.constant 0 : index
    %get3A_16 = vector.load %arg2[%get3A_14, %get3A_15] : memref<256x64xf32, #tpu.memory_space<vmem>>, vector<256x64xf32>
    %get3A_17 = arith.constant 0 : index
    %get3A_18 = arith.constant 128 : index
    %get3A_19 = vector.load %arg3[%get3A_17, %get3A_18] : memref<53x192xf32, #tpu.memory_space<vmem>>, vector<53x64xf32>
    %dot_general3A_20 = arith.constant dense<0.000000e+00> : vector<256x53xf32>
    %dot_general3A_21 = tpu.matmul %get3A_16, %get3A_19, %dot_general3A_20 {dimension_numbers = #tpu.dot_dimension_numbers<[1], [1], [0], [0], [0, 0, 1, 0], [], []>, transpose_lhs_hint = false} : vector<256x64xf32>, vector<53x64xf32>, vector<256x53xf32> -> vector<256x53xf32>
    %add3A_22 = arith.addf %add3A, %dot_general3A_21 : vector<256x53xf32>
    %get3A_23 = arith.constant 0 : index
    %get3A_24 = arith.constant 0 : index
    %get3A_25 = vector.load %arg4[%get3A_23, %get3A_24] : memref<1x53xf32, #tpu.memory_space<vmem>>, vector<1x53xf32>
    %add3A_26 = vector.broadcast %get3A_25 : vector<1x53xf32> to vector<256x53xf32>
    %add3A_27 = arith.addf %add3A_22, %add3A_26 : vector<256x53xf32>
    %swap3A = arith.constant 0 : index
    %swap3A_28 = arith.constant 0 : index
    %swap3A_29 = vector.load %arg5[%swap3A, %swap3A_28] : memref<256x53xf32, #tpu.memory_space<vmem>>, vector<256x53xf32>
    tpu.vector_store %arg5[%swap3A, %swap3A_28], %add3A_27 {strides = array<i32>} : memref<256x53xf32, #tpu.memory_space<vmem>>, vector<256x53xf32>,
    return
  }
}

</mosaic_0001>

<sc_bundles>
// kernel: kernel.13.cloned.1.call-start
scs
__scs_entry_jumppad:
0x0: {  	(pc) =	sbr.rel $0x88, $3  }
0x1: {  	(tag) =	ssettag $0x0;
	lr =	simm.s32 $0x1  }
0x2: {  	[smem:$0x3F92] =	sst lr;
	_ =	strace $0xD0000000  }
0x3: {  	_ = 	snop  }
0x4: {  	_ = 	snop  }
0x5: {  	_ = 	snop  }
0x6: {  	_ = 	snop  }
0x7: {  	_ = 	snop  }
__scs_overlays_trampoline_lowered:
0x8: {  	[smem:$0x3FA1] =	sst s0  }
0x9: {  	[smem:$0x3FA2] =	sst s1  }
0xa: {  	[smem:$0x3FA3] =	sst s2  }
0xb: {  	[smem:$0x3FA4] =	sst s3  }
0xc: {  	[smem:$0x3FA5] =	sst s4  }
0xd: {  	[smem:$0x3FA6] =	sst s5  }
0xe: {  	[smem:$0x3FA7] =	sst s6  }
0xf: {  	[smem:$0x3FA8] =	sst s7  }
0x10: {  	[smem:$0x3FA9] =	sst s8  }
0x11: {  	[smem:$0x3FAA] =	sst s9;
	s0 =	simm.s32 @!p0 $0x0  }
0x12: {  	s1 =	sld [smem:$0x3F90];
	s0 =	simm.s32 @p0 $0x1  }
0x13: {  	[smem:$0x3FAB] =	sst s0;
	s0 =	simm.s32 @!p1 $0x0  }
0x14: {  	s2 =	sld [smem:$0x3F8F];
	s0 =	simm.s32 @p1 $0x1  }
0x15: {  	[smem:$0x3FAC] =	sst s0;
	s0 =	simm.s32 @!p2 $0x0  }
0x16: {  	s3 =	sld [smem:$0x3FDB];
	s0 =	simm.s32 @p2 $0x1  }
0x17: {  	s4 =	simm.s32 $0x1BF5;
	[smem:$0x3FAE] =	sst s0  }
0x18: {  	s0 =	sld [smem:$0x3F91];
	_ =	swait.ge [sflag:s4], $0x0  }
0x19: {  	s7 =	sld [smem:$0x3F92]  }
0x1a: {  	s8 =	sadd.s32 $0xFFFFE003, lr  }
0x1b: {  	s9 =	sadd.s32 $0xFFFFFEF7, lr;
	s5 =	simm.s32 $0xFFFFFFFF;
	p2 =	slt.u32 s8, $0xFFFFF086  }
0x1c: {  	p1 =	slt.u32 s9, $0xF7A;
	s5 =	simm.s32 @!p2 $0x0  }
0x1d: {  	s5 =	simm.s32 @p1 $0x1;
	p0 =	seq.s32 s7, s2  }
0x1e: {  	s7 =	smul.u32 @!p0 $0xF7A, s2;
	p2 =	seq.s32 @!p0 s5, $0x0  }
0x1f: {  	s9 =	smul.u32 $0xF7A, s1;
	s8 =	simm.s32 @!p0 $0x1BF5;
	p2 =	por !p2, p0  }
0x20: {  	[sflag:s8] =	ssyncset.s32 @!p0 $0xFFFFF086;
	s6 =	sadd.s32 @!p0 s3, s7;
	s7 =	simm.s32 @!p0 $0x108  }
0x21: {  	s3 =	sadd.s32 s3, s9;
	s6 =	sadd.s32 @!p0 $0x88, s6;
	s7 =	simm.s32 @p2 $0x1082  }
0x22: {  	[simem:s7], [sflag:s8] =	dma.local @!p0 [hbm:s6], $0xF7A  }
0x23: {  	s9 =	sor.u32 $0xD0000000, s2;
	s6 =	simm.s32 $0x108;
	_ =	swait.ge @!p0 [sflag:s8], $0x0  }
0x24: {  	s3 =	sadd.s32 $0x88, s3;
	s6 =	simm.s32 @!p1 $0x1082;
	[sflag:s4] =	ssyncset.s32 $0xFFFFF086  }
0x25: {  	[simem:s6], [sflag:s4] =	dma.local [hbm:s3], $0xF7A  }
0x26: {  	[smem:$0x3F92] =	sst s1;
	(tag) =	ssettag s2;
	_ =	strace s9  }
0x27: {  	s1 =	sld [smem:$0x3FA2]  }
0x28: {  	s2 =	sld [smem:$0x3FA3]  }
0x29: {  	s4 =	sld [smem:$0x3FA5]  }
0x2a: {  	p0 =	seq.s32 s5, $0x0;
	s5 =	sld [smem:$0x3FA6]  }
0x2b: {  	s6 =	sld [smem:$0x3FA7]  }
0x2c: {  	s7 =	sld [smem:$0x3FA8]  }
0x2d: {  	s3 =	simm.s32 $0x108;
	s8 =	sld [smem:$0x3FA9]  }
0x2e: {  	s3 =	simm.s32 @!p0 $0x1082;
	s9 =	sld [smem:$0x3FAA]  }
0x2f: {  	lr =	sadd.s32 s0, s3;
	s0 =	sld [smem:$0x3FA1]  }
0x30: {  	s3 =	sld [smem:$0x3FA4]  }
0x31: {  	[smem:$0x3FAD] =	sst s10  }
0x32: {  	s10 =	sld [smem:$0x3FAB];
	_ =	sdelay $0x3  }
0x33: {  	p0 =	seq.s32 s10, $0x1;
	s10 =	sld [smem:$0x3FAD];
	_ =	sdelay $0x3  }
0x34: {  	[smem:$0x3FAD] =	sst s10  }
0x35: {  	s10 =	sld [smem:$0x3FAC];
	_ =	sdelay $0x3  }
0x36: {  	p1 =	seq.s32 s10, $0x1;
	s10 =	sld [smem:$0x3FAD];
	_ =	sdelay $0x3  }
0x37: {  	[smem:$0x3FAD] =	sst s10  }
0x38: {  	s10 =	sld [smem:$0x3FAE]  }
0x39: {  	_ = 	snop;
	(pc) =	sbr.ind lr, $3  }
0x3a: {  	_ = 	snop  }
0x3b: {  	_ = 	snop  }
0x3c: {  	p2 =	seq.s32 s10, $0x1;
	s10 =	sld [smem:$0x3FAD]  }
0x3d: {  	_ =	shalt  }
0x3e: {  	_ =	shalt  }
0x3f: {  	_ =	shalt  }
0x40: {  	_ =	shalt  }
0x41: {  	_ =	shalt  }
0x42: {  	_ =	shalt  }
0x43: {  	_ =	shalt  }
0x44: {  	_ =	shalt  }
0x45: {  	_ =	shalt  }
0x46: {  	_ =	shalt  }
0x47: {  	_ =	shalt  }
0x48: {  	_ =	shalt  }
0x49: {  	_ =	shalt  }
0x4a: {  	_ =	shalt  }
0x4b: {  	_ =	shalt  }
0x4c: {  	_ =	shalt  }
0x4d: {  	_ =	shalt  }
0x4e: {  	_ =	shalt  }
0x4f: {  	_ =	shalt  }
0x50: {  	_ =	shalt  }
0x51: {  	_ =	shalt  }
0x52: {  	_ =	shalt  }
0x53: {  	_ =	shalt  }
0x54: {  	_ =	shalt  }
0x55: {  	_ =	shalt  }
0x56: {  	_ =	shalt  }
0x57: {  	_ =	shalt  }
0x58: {  	_ =	shalt  }
0x59: {  	_ =	shalt  }
0x5a: {  	_ =	shalt  }
0x5b: {  	_ =	shalt  }
0x5c: {  	_ =	shalt  }
0x5d: {  	_ =	shalt  }
0x5e: {  	_ =	shalt  }
0x5f: {  	_ =	shalt  }
0x60: {  	_ =	shalt  }
0x61: {  	_ =	shalt  }
0x62: {  	_ =	shalt  }
0x63: {  	_ =	shalt  }
0x64: {  	_ =	shalt  }
0x65: {  	_ =	shalt  }
0x66: {  	_ =	shalt  }
0x67: {  	_ =	shalt  }
0x68: {  	_ =	shalt  }
0x69: {  	_ =	shalt  }
0x6a: {  	_ =	shalt  }
0x6b: {  	_ =	shalt  }
0x6c: {  	_ =	shalt  }
0x6d: {  	_ =	shalt  }
0x6e: {  	_ =	shalt  }
0x6f: {  	_ =	shalt  }
0x70: {  	_ =	shalt  }
0x71: {  	_ =	shalt  }
0x72: {  	_ =	shalt  }
0x73: {  	_ =	shalt  }
0x74: {  	_ =	shalt  }
0x75: {  	_ =	shalt  }
0x76: {  	_ =	shalt  }
0x77: {  	_ =	shalt  }
0x78: {  	_ =	shalt  }
0x79: {  	_ =	shalt  }
0x7a: {  	_ =	shalt  }
0x7b: {  	_ =	shalt  }
0x7c: {  	_ =	shalt  }
0x7d: {  	_ =	shalt  }
0x7e: {  	_ =	shalt  }
0x7f: {  	_ =	shalt  }
0x80: {  	_ =	shalt  }
0x81: {  	_ =	shalt  }
0x82: {  	_ =	shalt  }
0x83: {  	_ =	shalt  }
0x84: {  	_ =	shalt  }
0x85: {  	_ =	shalt  }
0x86: {  	_ =	shalt  }
0x87: {  	_ =	shalt  }
.Lfunc_end0:
.L_simem_size_0:
called_computation_lowered:
.L_overlay_start_0:
0x88: {  	s2 =	sld [smem:$0x3FD9]  }
0x89: {  	s3 =	sld [smem:$0x3FFE];
	_ =	sdelay $0x1  }
0x8a: {  	s1 =	srdreg.scid  }
0x8b: {  	s0 =	sand.u32 $0x1, s1  }
0x8c: {  	s16 =	sshll.u32 s0, $0xA;
	s2 =	sadd.s32 s3, s2  }
0x8d: {  	s2 =	sadd.s32 s2, s16  }
0x8e: {  	[smem:$0x3FB9] =	sst s2  }
0x8f: {  	_ = 	snop  }
0x90: {  	(tm) =	ssettm $0x1  }
0x91: {  	s17 =	sld [smem:$0x3FFB];
	_ =	sdelay $0x3  }
0x92: {  	_ =	strace s17  }
0x93: {  	s2 =	sld [smem:$0x3FFC];
	_ =	sdelay $0x3  }
0x94: {  	_ =	strace s2  }
0x95: {  	s2 =	sld [smem:$0x3FFD];
	_ =	sdelay $0x3  }
0x96: {  	_ =	strace s2  }
0x97: {  	_ =	strace $0x8FFFFFFF  }
0x98: {  	s18 =	sld [smem:$0x3FDB];
	_ =	sdelay $0x1  }
0x99: {  	s19 =	simm.s32 $_scs_section_size  }
0x9a: {  	s4 =	simm.s32 $_size__tile_overlayer_lowered;
	s5 =	simm.s32 $_tile_overlayer_lowered  }
0x9b: {  	s22 =	simm.s32 $0x1BFF;
	s21 =	sshll.u32 s5, $0x1;
	s2 =	sadd.s32 s19, s18  }
0x9c: {  	s6 =	simm.s32 $0x0;
	s20 =	sshll.u32 s4, $0x1;
	s4 =	sadd.s32 s21, s2  }
0x9d: {  	[timem:s6], [sflag:s22] =	dma.local [hbm:s4], s20  }
0x9e: {  	_ =	swait.ge [sflag:s22], s20  }
0x9f: {  	s3 =	ssub.s32 $0x0, s20;
	[sflag:s22] =	ssyncset.done $0x0  }
0xa0: {  	[sflag:s22] =	ssyncadd.s32 s3;
	_ =	sdelay $0x1  }
0xa1: {  	s23 =	simm.s32 $0x1B8B  }
0xa2: {  	_ =	swait.ge [sflag:s23], $0x1  }
0xa3: {  	[sflag:s23] =	ssyncset.done $0x0  }
0xa4: {  	s25 =	simm.s32 $0x1B8E;
	s24 =	sld [smem:$0x3FFE];
	[sflag:s23] =	ssyncadd.s32 $0xFFFFFFFF  }
0xa5: {  	s26 =	simm.s32 $execute0_lowered;
	[smem:$0x3FD2] =	sst s25  }
0xa6: {  	s4 =	sshll.u32 s26, $0x1;
	_ =	strace $0x80000046;
	[dreg:$0x1] =	wrdreg $0xFFFFFFFF  }
0xa7: {  	s28 =	simm.s32 $_size_execute0_lowered;
	s2 =	sadd.s32 s2, s4;
	[dreg:$0x0] =	wrdreg $0x0  }
0xa8: {  	s4 =	sshll.u32 s28, $0x1;
	[dreg:$0x2] =	wrdreg s2  }
0xa9: {  	[dreg:$0x3] =	wrdreg s4  }
0xaa: {  	[dreg:$0x4] =	wrdreg $0xC0  }
0xab: {  	_ =	task [dreg:s6], $0x5FFFF  }
0xac: {  	[dreg:$0x1] =	wrdreg $0xFFFFFFFF  }
0xad: {  	[dreg:$0x0] =	wrdreg $0x60  }
0xae: {  	[dreg:$0x2] =	wrdreg s24  }
0xaf: {  	[dreg:$0x3] =	wrdreg $0x9  }
0xb0: {  	_ =	task.clear_ibuf [dreg:s6], $0x4FFFF;
	_ =	strace $0x90000046  }
0xb1: {  	s29 =	simm.s32 $0x9;
	_ =	strace $0x80000048  }
0xb2: {  	_ =	swait.ge [sflag:s29], $0x1  }
0xb3: {  	[sflag:s29] =	ssyncadd.s32 $0xFFFFFFFF  }
0xb4: {  	_ =	strace $0x90000048  }
0xb5: {  	_ =	sfence  }
0xb6: {  	s30 =	sld [smem:$0x0];
	_ =	sdelay $0x2  }
0xb7: {  	s31 =	sshll.u32 s1, $0xD;
	s1 =	sshrl.u32 s1, $0x2  }
0xb8: {  	s3 =	sand.u32 $0x4000, s31;
	s1 =	sadd.s32 s1, s30  }
0xb9: {  	s0 =	sor.u32 s3, s0;
	s1 =	sshll.u32 s1, $0x11  }
0xba: {  	s0 =	sor.u32 s1, s0  }
0xbb: {  	s0 =	sadd.s32 $0x8F2B, s0  }
0xbc: {  	[sflag:s0] =	ssyncadd.remote.s32 $0x1  }
0xbd: {  	_ =	sfence.sel $0xFFFF  }
0xbe: {  	[dreg:$0x0] =	wrdreg $0xFFFFFFFF;
	(pc) =	sbr.abs _section_cstart, $3  }
0xbf: {  	[dreg:$0x1] =	wrdreg $0xFFFFFFFF  }
0xc0: {  	_ =	task.clear_ibuf [dreg:s6], $0x2FFFF;
	_ =	strace $0x9FFFFFFF  }
0xc1: {  	(tm) =	ssettm $0x7FFFFFFF  }
tec
execute0_lowered:
.L_overlay_start_1:
0x0: {  	(tag) =	ssettag $0x1  }
0x1: {  	s3 =	rddreg [dreg:$0x0]  }
0x2: {  	s2 =	srdreg.scid;
	s0 =	rddreg [dreg:$0x1]  }
0x3: {  	s1 =	simm.s32 $0x0;
	s12 =	simm.s32 $0x0;
	s4 =	sand.u32 $0x1, s2  }
0x4: {  	[smem:$0x7FF] =	sst s1;
	s2 =	stileid.u32;
	s10 =	sadd.s32 $0xB400, s3  }
0x5: {  	s5 =	smul.u32 $0x3070, s4;
	_ =	strace $0x80000047;
	s6 =	sshll.u32 s2, $0x4  }
0x6: {  	s7 =	ssub.s32 $0x2, s4;
	s9 =	smul.u32 $0x186A00, s4;
	s28 =	ssub.s32 $0x196, s2  }
0x7: {  	s11 =	sshll.u32 s2, $0xC;
	s8 =	sadd.s32 s6, s3;
	s26 =	sshrl.u32 s7, $0x1  }
0x8: {  	s5 =	sadd.s32 s5, s3;
	s6 =	ssub.s32 s7, s26;
	s3 =	sshrl.u32 s28, $0x4  }
0x9: {  	s29 =	sshrl.u32 s9, $0x3;
	s31 =	sadd.s32 s11, s9;
	s8 =	sadd.s32 $0x9A00, s8  }
0xa: {  	s9 =	simm.s32 $0x3;
	s11 =	simm.s32 $0x1;
	s4 =	sadd.s32 $0x3800, s5  }
0xb: {  	s30 =	sadd.s32 s10, s29;
	s6 =	smax.u32 s6, $0x1;
	s7 =	sshrl.u32 s31, $0x3  }
0xc: {  	s5 =	sadd.s32 $0x30C00, s30;
	s7 =	sadd.s32 s7, s10;
	s10 =	simm.s32 $0x80  }
.LBB2_1:
0xd: {  	[tilespmem:s1], [sflag:$0x3] =	stream.linear.gather [hbm4b:s8+s1], $0x80, $0x38;
	[tilespmem:$0x1080] =	vst v63  }
0xe: {  	_ =	swait.ge [sflag:s9], $0x80  }
0xf: {  	p0 =	sgt.u32 s2, $0x185;
	[sflag:s9] =	ssyncset.done $0x0  }
0x10: {  	p1 =	sne.s32 @p0 s2, $0x186;
	[sflag:s9] =	ssyncadd.s32 $0xFFFFFF80  }
0x11: {  	[tilespmem:s10], [sflag:$0x1] =	stream.indirect.gather [hbm4b:s4+s10], $0x20, s1, s10, $0xb8;
	[tilespmem:$0x1080] =	vst v63  }
0x12: {  	p1 =	por p1, !p0;
	_ =	swait.ge [sflag:s11], $0x1000  }
0x13: {  	s13 =	simm.s32 @!p1 $0x0;
	[sflag:s11] =	ssyncset.done $0x0  }
0x14: {  	s14 =	simm.s32 @!p1 $0x80;
	s15 =	simm.s32 @!p1 $0x2;
	[sflag:s11] =	ssyncadd.s32 $0xFFFFF000  }
0x15: {  	[hbm4b:s5+s13] =	stream.linear.scatter @!p1 [tilespmem:s14], [sflag:$0x2], $0xA00, $0x38;
	[tilespmem:$0x1080] =	vst v63  }
0x16: {  	_ =	swait.ge @!p1 [sflag:s15], $0xA00  }
0x17: {  	s13 =	sadd.s32 $0xFFFFFFFF, s3;
	[sflag:s15] =	ssyncset.done @!p1 $0x0  }
0x18: {  	[sflag:s15] =	ssyncadd.s32 @!p1 $0xFFFFF600;
	p1 =	sne.s32 s13, $0x0  }
.Ltmp0:
0x19: {  	_ = 	snop;
	(pc) =	sbr.rel @!p1 .LBB2_3-.Ltmp0, $4  }
0x1a: {  	s16 =	simm.s32 @!p0 $0x80  }
0x1b: {  	s17 =	simm.s32 @!p0 $0x3;
	s14 =	simm.s32 @!p0 $0x0;
	s15 =	sadd.s32 $0x100, s8  }
0x1c: {  	[hbm4b:s7+s14] =	stream.linear.scatter @!p0 [tilespmem:s16], [sflag:$0x3], $0x1000, $0x38;
	[tilespmem:$0x1080] =	vst v63  }
0x1d: {  	s14 =	sadd.s32 $0x2000, s7;
	s16 =	stileid.u32;
	_ =	swait.ge @!p0 [sflag:s17], $0x1000  }
.LBB2_2:
0x1e: {  	s13 =	sadd.s32 $0xFFFFFFFF, s13;
	[sflag:s17] =	ssyncset.done @!p0 $0x0;
	s16 =	sadd.s32 $0x10, s16  }
0x1f: {  	p1 =	sne.s32 s13, $0x0;
	[sflag:s17] =	ssyncadd.s32 @!p0 $0xFFFFF000  }
0x20: {  	[tilespmem:s1], [sflag:$0x3] =	stream.linear.gather [hbm4b:s15+s1], $0x80, $0x38;
	[tilespmem:$0x1080] =	vst v63  }
0x21: {  	_ =	swait.ge [sflag:s9], $0x80  }
0x22: {  	p0 =	sgt.u32 s16, $0x185;
	[sflag:s9] =	ssyncset.done $0x0  }
0x23: {  	p2 =	sne.s32 @p0 s16, $0x186;
	[sflag:s9] =	ssyncadd.s32 $0xFFFFFF80  }
0x24: {  	[tilespmem:s10], [sflag:$0x1] =	stream.indirect.gather [hbm4b:s4+s10], $0x20, s1, s10, $0xb8;
	[tilespmem:$0x1080] =	vst v63  }
0x25: {  	p2 =	por p2, !p0;
	_ =	swait.ge [sflag:s11], $0x1000  }
0x26: {  	s17 =	simm.s32 @!p2 $0x0;
	s18 =	simm.s32 @!p2 $0x80;
	[sflag:s11] =	ssyncset.done $0x0  }
0x27: {  	s19 =	simm.s32 @!p2 $0x2;
	[sflag:s11] =	ssyncadd.s32 $0xFFFFF000  }
0x28: {  	[hbm4b:s5+s17] =	stream.linear.scatter @!p2 [tilespmem:s18], [sflag:$0x2], $0xA00, $0x38;
	[tilespmem:$0x1080] =	vst v63  }
.Ltmp1:
0x29: {  	_ =	swait.ge @!p2 [sflag:s19], $0xA00;
	(pc) =	sbr.rel @p1 .LBB2_2-.Ltmp1, $4  }
0x2a: {  	s20 =	simm.s32 @!p0 $0x80;
	s18 =	simm.s32 @!p0 $0x0;
	[sflag:s19] =	ssyncset.done @!p2 $0x0  }
0x2b: {  	s17 =	simm.s32 @!p0 $0x3;
	[sflag:s19] =	ssyncadd.s32 @!p2 $0xFFFFF600  }
0x2c: {  	[hbm4b:s14+s18] =	stream.linear.scatter @!p0 [tilespmem:s20], [sflag:$0x3], $0x1000, $0x38;
	[tilespmem:$0x1080] =	vst v63  }
0x2d: {  	s15 =	sadd.s32 $0x100, s15;
	s14 =	sadd.s32 $0x2000, s14;
	_ =	swait.ge @!p0 [sflag:s17], $0x1000  }
.LBB2_3:
0x2e: {  	s12 =	sadd.s32 $0x1, s12  }
0x2f: {  	p1 =	sne.s32 s12, s6  }
.Ltmp2:
0x30: {  	_ = 	snop;
	(pc) =	sbr.rel @p1 .LBB2_1-.Ltmp2, $3  }
0x31: {  	_ =	sdelay $0x1  }
0x32: {  	[sflag:s17] =	ssyncset.done @!p0 $0x0  }
0x33: {  	[sflag:s17] =	ssyncadd.s32 @!p0 $0xFFFFF000  }
0x34: {  	_ =	sfence.sel $0x180000  }
0x35: {  	[bflag:$0x0] =	sbarrier.arrive $0xFFFF  }
0x36: {  	p0 =	sne.s32 s2, $0x0;
	_ =	strace $0x90000047  }
0x37: {  	s0 =	sadd.s32 @!p0 $0x100000, s0;
	[bflag:$0x2] =	sbarrier.arrive $0xFFFF  }
0x38: {  	[sflag:s0] =	ssyncadd.tile.s32 @!p0 $0x1;
	_ =	shalt  }
.Lfunc_end2:
_tile_overlayer_lowered:
.L_overlay_start_2:
0x39: {  	(tag) =	ssettag $0x2  }
0x3a: {  	s0 =	rddreg [dreg:$0x0];
	s2 =	stileid.u32  }
0x3b: {  	s1 =	rddreg [dreg:$0x1];
	p0 =	sne.s32 s2, $0x0  }
0x3c: {  	s3 =	rddreg [dreg:$0x2];
	[bflag:$0x3] =	sbarrier.arrive $0xFFFF;
	s2 =	simm.s32 @!p0 $0x1C02  }
0x3d: {  	[timem:s3], [sflag:s2] =	dma.local @!p0 [hbm:s0], s1  }
0x3e: {  	s0 =	simm.s32 @!p0 $0x2  }
0x3f: {  	_ =	swait.ge @!p0 [sflag:s0], s1  }
0x40: {  	s1 =	ssub.s32 @!p0 $0x0, s1;
	[sflag:s0] =	ssyncset.done @!p0 $0x0  }
0x41: {  	[sflag:s0] =	ssyncadd.s32 @!p0 s1  }
0x42: {  	[bflag:$0x3] =	sbarrier.arrive $0xFFFF  }
0x43: {  	_ =	shalt  }

// kernel: kernel.16.cloned.1.call-start
scs
__scs_entry_jumppad:
0x0: {  	(pc) =	sbr.rel $0x88, $3  }
0x1: {  	(tag) =	ssettag $0x0;
	lr =	simm.s32 $0x1  }
0x2: {  	[smem:$0x3F92] =	sst lr;
	_ =	strace $0xD0000000  }
0x3: {  	_ = 	snop  }
0x4: {  	_ = 	snop  }
0x5: {  	_ = 	snop  }
0x6: {  	_ = 	snop  }
0x7: {  	_ = 	snop  }
__scs_overlays_trampoline_lowered:
0x8: {  	[smem:$0x3FA1] =	sst s0  }
0x9: {  	[smem:$0x3FA2] =	sst s1  }
0xa: {  	[smem:$0x3FA3] =	sst s2  }
0xb: {  	[smem:$0x3FA4] =	sst s3  }
0xc: {  	[smem:$0x3FA5] =	sst s4  }
0xd: {  	[smem:$0x3FA6] =	sst s5  }
0xe: {  	[smem:$0x3FA7] =	sst s6  }
0xf: {  	[smem:$0x3FA8] =	sst s7  }
0x10: {  	[smem:$0x3FA9] =	sst s8  }
0x11: {  	[smem:$0x3FAA] =	sst s9;
	s0 =	simm.s32 @!p0 $0x0  }
0x12: {  	s1 =	sld [smem:$0x3F90];
	s0 =	simm.s32 @p0 $0x1  }
0x13: {  	[smem:$0x3FAB] =	sst s0;
	s0 =	simm.s32 @!p1 $0x0  }
0x14: {  	s2 =	sld [smem:$0x3F8F];
	s0 =	simm.s32 @p1 $0x1  }
0x15: {  	[smem:$0x3FAC] =	sst s0;
	s0 =	simm.s32 @!p2 $0x0  }
0x16: {  	s3 =	sld [smem:$0x3FDB];
	s0 =	simm.s32 @p2 $0x1  }
0x17: {  	s4 =	simm.s32 $0x1BF5;
	[smem:$0x3FAE] =	sst s0  }
0x18: {  	s0 =	sld [smem:$0x3F91];
	_ =	swait.ge [sflag:s4], $0x0  }
0x19: {  	s7 =	sld [smem:$0x3F92]  }
0x1a: {  	s8 =	sadd.s32 $0xFFFFE003, lr  }
0x1b: {  	s9 =	sadd.s32 $0xFFFFFEF7, lr;
	s5 =	simm.s32 $0xFFFFFFFF;
	p2 =	slt.u32 s8, $0xFFFFF086  }
0x1c: {  	p1 =	slt.u32 s9, $0xF7A;
	s5 =	simm.s32 @!p2 $0x0  }
0x1d: {  	s5 =	simm.s32 @p1 $0x1;
	p0 =	seq.s32 s7, s2  }
0x1e: {  	s7 =	smul.u32 @!p0 $0xF7A, s2;
	p2 =	seq.s32 @!p0 s5, $0x0  }
0x1f: {  	s9 =	smul.u32 $0xF7A, s1;
	s8 =	simm.s32 @!p0 $0x1BF5;
	p2 =	por !p2, p0  }
0x20: {  	[sflag:s8] =	ssyncset.s32 @!p0 $0xFFFFF086;
	s6 =	sadd.s32 @!p0 s3, s7;
	s7 =	simm.s32 @!p0 $0x108  }
0x21: {  	s3 =	sadd.s32 s3, s9;
	s6 =	sadd.s32 @!p0 $0x88, s6;
	s7 =	simm.s32 @p2 $0x1082  }
0x22: {  	[simem:s7], [sflag:s8] =	dma.local @!p0 [hbm:s6], $0xF7A  }
0x23: {  	s9 =	sor.u32 $0xD0000000, s2;
	s6 =	simm.s32 $0x108;
	_ =	swait.ge @!p0 [sflag:s8], $0x0  }
0x24: {  	s3 =	sadd.s32 $0x88, s3;
	s6 =	simm.s32 @!p1 $0x1082;
	[sflag:s4] =	ssyncset.s32 $0xFFFFF086  }
0x25: {  	[simem:s6], [sflag:s4] =	dma.local [hbm:s3], $0xF7A  }
0x26: {  	[smem:$0x3F92] =	sst s1;
	(tag) =	ssettag s2;
	_ =	strace s9  }
0x27: {  	s1 =	sld [smem:$0x3FA2]  }
0x28: {  	s2 =	sld [smem:$0x3FA3]  }
0x29: {  	s4 =	sld [smem:$0x3FA5]  }
0x2a: {  	p0 =	seq.s32 s5, $0x0;
	s5 =	sld [smem:$0x3FA6]  }
0x2b: {  	s6 =	sld [smem:$0x3FA7]  }
0x2c: {  	s7 =	sld [smem:$0x3FA8]  }
0x2d: {  	s3 =	simm.s32 $0x108;
	s8 =	sld [smem:$0x3FA9]  }
0x2e: {  	s3 =	simm.s32 @!p0 $0x1082;
	s9 =	sld [smem:$0x3FAA]  }
0x2f: {  	lr =	sadd.s32 s0, s3;
	s0 =	sld [smem:$0x3FA1]  }
0x30: {  	s3 =	sld [smem:$0x3FA4]  }
0x31: {  	[smem:$0x3FAD] =	sst s10  }
0x32: {  	s10 =	sld [smem:$0x3FAB];
	_ =	sdelay $0x3  }
0x33: {  	p0 =	seq.s32 s10, $0x1;
	s10 =	sld [smem:$0x3FAD];
	_ =	sdelay $0x3  }
0x34: {  	[smem:$0x3FAD] =	sst s10  }
0x35: {  	s10 =	sld [smem:$0x3FAC];
	_ =	sdelay $0x3  }
0x36: {  	p1 =	seq.s32 s10, $0x1;
	s10 =	sld [smem:$0x3FAD];
	_ =	sdelay $0x3  }
0x37: {  	[smem:$0x3FAD] =	sst s10  }
0x38: {  	s10 =	sld [smem:$0x3FAE]  }
0x39: {  	_ = 	snop;
	(pc) =	sbr.ind lr, $3  }
0x3a: {  	_ = 	snop  }
0x3b: {  	_ = 	snop  }
0x3c: {  	p2 =	seq.s32 s10, $0x1;
	s10 =	sld [smem:$0x3FAD]  }
0x3d: {  	_ =	shalt  }
0x3e: {  	_ =	shalt  }
0x3f: {  	_ =	shalt  }
0x40: {  	_ =	shalt  }
0x41: {  	_ =	shalt  }
0x42: {  	_ =	shalt  }
0x43: {  	_ =	shalt  }
0x44: {  	_ =	shalt  }
0x45: {  	_ =	shalt  }
0x46: {  	_ =	shalt  }
0x47: {  	_ =	shalt  }
0x48: {  	_ =	shalt  }
0x49: {  	_ =	shalt  }
0x4a: {  	_ =	shalt  }
0x4b: {  	_ =	shalt  }
0x4c: {  	_ =	shalt  }
0x4d: {  	_ =	shalt  }
0x4e: {  	_ =	shalt  }
0x4f: {  	_ =	shalt  }
0x50: {  	_ =	shalt  }
0x51: {  	_ =	shalt  }
0x52: {  	_ =	shalt  }
0x53: {  	_ =	shalt  }
0x54: {  	_ =	shalt  }
0x55: {  	_ =	shalt  }
0x56: {  	_ =	shalt  }
0x57: {  	_ =	shalt  }
0x58: {  	_ =	shalt  }
0x59: {  	_ =	shalt  }
0x5a: {  	_ =	shalt  }
0x5b: {  	_ =	shalt  }
0x5c: {  	_ =	shalt  }
0x5d: {  	_ =	shalt  }
0x5e: {  	_ =	shalt  }
0x5f: {  	_ =	shalt  }
0x60: {  	_ =	shalt  }
0x61: {  	_ =	shalt  }
0x62: {  	_ =	shalt  }
0x63: {  	_ =	shalt  }
0x64: {  	_ =	shalt  }
0x65: {  	_ =	shalt  }
0x66: {  	_ =	shalt  }
0x67: {  	_ =	shalt  }
0x68: {  	_ =	shalt  }
0x69: {  	_ =	shalt  }
0x6a: {  	_ =	shalt  }
0x6b: {  	_ =	shalt  }
0x6c: {  	_ =	shalt  }
0x6d: {  	_ =	shalt  }
0x6e: {  	_ =	shalt  }
0x6f: {  	_ =	shalt  }
0x70: {  	_ =	shalt  }
0x71: {  	_ =	shalt  }
0x72: {  	_ =	shalt  }
0x73: {  	_ =	shalt  }
0x74: {  	_ =	shalt  }
0x75: {  	_ =	shalt  }
0x76: {  	_ =	shalt  }
0x77: {  	_ =	shalt  }
0x78: {  	_ =	shalt  }
0x79: {  	_ =	shalt  }
0x7a: {  	_ =	shalt  }
0x7b: {  	_ =	shalt  }
0x7c: {  	_ =	shalt  }
0x7d: {  	_ =	shalt  }
0x7e: {  	_ =	shalt  }
0x7f: {  	_ =	shalt  }
0x80: {  	_ =	shalt  }
0x81: {  	_ =	shalt  }
0x82: {  	_ =	shalt  }
0x83: {  	_ =	shalt  }
0x84: {  	_ =	shalt  }
0x85: {  	_ =	shalt  }
0x86: {  	_ =	shalt  }
0x87: {  	_ =	shalt  }
.Lfunc_end0:
.L_simem_size_0:
called_computation.1_lowered:
.L_overlay_start_0:
0x88: {  	s2 =	sld [smem:$0x3FD9]  }
0x89: {  	s3 =	sld [smem:$0x3FFE];
	_ =	sdelay $0x1  }
0x8a: {  	s1 =	srdreg.scid  }
0x8b: {  	s0 =	sand.u32 $0x1, s1  }
0x8c: {  	s16 =	sshll.u32 s0, $0xA;
	s2 =	sadd.s32 s3, s2  }
0x8d: {  	s2 =	sadd.s32 s2, s16  }
0x8e: {  	[smem:$0x3FB9] =	sst s2  }
0x8f: {  	_ = 	snop  }
0x90: {  	(tm) =	ssettm $0x1  }
0x91: {  	s17 =	sld [smem:$0x3FFB];
	_ =	sdelay $0x3  }
0x92: {  	_ =	strace s17  }
0x93: {  	s2 =	sld [smem:$0x3FFC];
	_ =	sdelay $0x3  }
0x94: {  	_ =	strace s2  }
0x95: {  	s2 =	sld [smem:$0x3FFD];
	_ =	sdelay $0x3  }
0x96: {  	_ =	strace s2  }
0x97: {  	_ =	strace $0x8FFFFFFF  }
0x98: {  	s18 =	sld [smem:$0x3FDB];
	_ =	sdelay $0x1  }
0x99: {  	s19 =	simm.s32 $_scs_section_size  }
0x9a: {  	s4 =	simm.s32 $_size__tile_overlayer_lowered;
	s5 =	simm.s32 $_tile_overlayer_lowered  }
0x9b: {  	s22 =	simm.s32 $0x1BFF;
	s21 =	sshll.u32 s5, $0x1;
	s2 =	sadd.s32 s19, s18  }
0x9c: {  	s6 =	simm.s32 $0x0;
	s20 =	sshll.u32 s4, $0x1;
	s4 =	sadd.s32 s21, s2  }
0x9d: {  	[timem:s6], [sflag:s22] =	dma.local [hbm:s4], s20  }
0x9e: {  	_ =	swait.ge [sflag:s22], s20  }
0x9f: {  	s3 =	ssub.s32 $0x0, s20;
	[sflag:s22] =	ssyncset.done $0x0  }
0xa0: {  	[sflag:s22] =	ssyncadd.s32 s3;
	_ =	sdelay $0x1  }
0xa1: {  	s23 =	simm.s32 $0x1B8B  }
0xa2: {  	_ =	swait.ge [sflag:s23], $0x1  }
0xa3: {  	[sflag:s23] =	ssyncset.done $0x0  }
0xa4: {  	s25 =	simm.s32 $0x1B8E;
	s24 =	sld [smem:$0x3FFE];
	[sflag:s23] =	ssyncadd.s32 $0xFFFFFFFF  }
0xa5: {  	s26 =	simm.s32 $execute0_lowered;
	[smem:$0x3FD2] =	sst s25  }
0xa6: {  	s4 =	sshll.u32 s26, $0x1;
	_ =	strace $0x80000049;
	[dreg:$0x1] =	wrdreg $0xFFFFFFFF  }
0xa7: {  	s28 =	simm.s32 $_size_execute0_lowered;
	s2 =	sadd.s32 s2, s4;
	[dreg:$0x0] =	wrdreg $0x0  }
0xa8: {  	s4 =	sshll.u32 s28, $0x1;
	[dreg:$0x2] =	wrdreg s2  }
0xa9: {  	[dreg:$0x3] =	wrdreg s4  }
0xaa: {  	[dreg:$0x4] =	wrdreg $0xC0  }
0xab: {  	_ =	task [dreg:s6], $0x5FFFF  }
0xac: {  	[dreg:$0x1] =	wrdreg $0xFFFFFFFF  }
0xad: {  	[dreg:$0x0] =	wrdreg $0x60  }
0xae: {  	[dreg:$0x2] =	wrdreg s24  }
0xaf: {  	[dreg:$0x3] =	wrdreg $0x0  }
0xb0: {  	[dreg:$0x4] =	wrdreg $0x9  }
0xb1: {  	_ =	task.clear_ibuf [dreg:s6], $0x5FFFF;
	_ =	strace $0x90000049  }
0xb2: {  	s29 =	simm.s32 $0x9;
	_ =	strace $0x8000004B  }
0xb3: {  	_ =	swait.ge [sflag:s29], $0x1  }
0xb4: {  	[sflag:s29] =	ssyncadd.s32 $0xFFFFFFFF  }
0xb5: {  	_ =	strace $0x9000004B  }
0xb6: {  	_ =	sfence  }
0xb7: {  	s30 =	sld [smem:$0x0];
	_ =	sdelay $0x2  }
0xb8: {  	s31 =	sshll.u32 s1, $0xD;
	s1 =	sshrl.u32 s1, $0x2  }
0xb9: {  	s3 =	sand.u32 $0x4000, s31;
	s1 =	sadd.s32 s1, s30  }
0xba: {  	s0 =	sor.u32 s3, s0;
	s1 =	sshll.u32 s1, $0x11  }
0xbb: {  	s0 =	sor.u32 s1, s0  }
0xbc: {  	s0 =	sadd.s32 $0x8F2B, s0  }
0xbd: {  	[sflag:s0] =	ssyncadd.remote.s32 $0x1  }
0xbe: {  	_ =	sfence.sel $0xFFFF  }
0xbf: {  	[dreg:$0x0] =	wrdreg $0xFFFFFFFF;
	(pc) =	sbr.abs _section_cstart, $3  }
0xc0: {  	[dreg:$0x1] =	wrdreg $0xFFFFFFFF  }
0xc1: {  	_ =	task.clear_ibuf [dreg:s6], $0x2FFFF;
	_ =	strace $0x9FFFFFFF  }
0xc2: {  	(tm) =	ssettm $0x7FFFFFFF  }
0xc3: {  	_ =	shalt  }
tec
execute0_lowered:
.L_overlay_start_1:
0x0: {  	(tag) =	ssettag $0x1  }
0x1: {  	s0 =	srdreg.scid  }
0x2: {  	s1 =	rddreg [dreg:$0x0];
	s8 =	stileid.u32  }
0x3: {  	s2 =	rddreg [dreg:$0x1];
	s6 =	simm.s32 $0x0;
	s17 =	simm.s32 $0x1  }
0x4: {  	s18 =	simm.s32 $0x80;
	s19 =	simm.s32 $0x19EC0;
	s20 =	simm.s32 $0x1CEC0  }
0x5: {  	s21 =	simm.s32 $0x2;
	s22 =	simm.s32 $0x1DEC0;
	s28 =	simm.s32 $0x4  }
0x6: {  	s29 =	simm.s32 $0x1BEC0;
	s30 =	simm.s32 $0x8;
	s4 =	smul.u32 $0x1900, s8  }
0x7: {  	s31 =	simm.s32 $0x5;
	s0 =	sand.u32 $0x1, s0;
	s26 =	smul.u32 $0x186A0, s8  }
0x8: {  	[smem:$0x7FF] =	sst s6;
	s7 =	smul.u32 $0x61B00, s8;
	s9 =	sadd.s32 $0x3800, s1  }
0x9: {  	s13 =	sshll.u32 s8, $0x6;
	s6 =	simm.s32 $0xD;
	s3 =	smul.u32 $0x30D40, s0  }
0xa: {  	s5 =	smul.u32 $0x186A00, s0;
	_ =	strace $0x8000004A;
	s0 =	ssub.s32 $0x2, s0  }
0xb: {  	[dreg:$0x3] =	wrdreg s9;
	s4 =	sadd.s32 s4, s1;
	s11 =	sshrl.u32 s0, $0x1  }
0xc: {  	s12 =	sshrl.u32 s7, $0x2;
	s16 =	sadd.s32 s26, s2;
	s7 =	simm.s32 $0x0  }
0xd: {  	s3 =	sadd.s32 s3, s1;
	s5 =	sadd.s32 s26, s5;
	s0 =	ssub.s32 s0, s11  }
0xe: {  	s10 =	sadd.s32 s12, s2;
	s14 =	sadd.s32 $0x6D000, s4;
	s15 =	sadd.s32 $0x86000, s4  }
0xf: {  	s23 =	sadd.s32 $0x86080, s4;
	s24 =	sadd.s32 $0x6D080, s4;
	[dreg:$0x4] =	wrdreg s14  }
0x10: {  	s26 =	sshrl.u32 s16, $0x3;
	s4 =	simm.s32 $0xC;
	[dreg:$0x5] =	wrdreg s15  }
0x11: {  	s5 =	sshrl.u32 s5, $0x3;
	s8 =	sadd.s32 $0xB400, s3;
	[dreg:$0x8] =	wrdreg s23  }
0x12: {  	s0 =	smax.u32 s0, $0x1;
	[dreg:$0x9] =	wrdreg s24;
	s25 =	sshrl.u32 s10, $0x3  }
.Ltmp0:
0x13: {  	s14 =	simm.s32 $0xE;
	s23 =	simm.s32 $0x3;
	(pc) =	sbr.rel .LBB2_1-.Ltmp0, $4  }
0x14: {  	s24 =	simm.s32 $0x1AEC0;
	[dreg:$0xb] =	wrdreg s26;
	s26 =	simm.s32 $0x1EEC0  }
0x15: {  	s15 =	simm.s32 $0x7;
	s1 =	sadd.s32 s5, s1;
	[dreg:$0x7] =	wrdreg s0  }
0x16: {  	s5 =	sor.u32 $0x1C0E, s13;
	[dreg:$0xa] =	wrdreg s25;
	s1 =	sadd.s32 $0x9F000, s1  }
0x17: {  	s0 =	simm.s32 $0x6;
	[dreg:$0x6] =	wrdreg s1;
	s1 =	simm.s32 $0x9  }
.LBB2_6:
0x18: {  	s3 =	simm.s32 $0xA  }
0x19: {  	_ =	swait.ge [sflag:s3], $0x1000  }
0x1a: {  	[sflag:s3] =	ssyncset.done $0x0  }
0x1b: {  	s13 =	simm.s32 $0xB;
	[sflag:s3] =	ssyncadd.s32 $0xFFFFF000  }
0x1c: {  	_ =	swait.ge [sflag:s13], $0x1000  }
0x1d: {  	[sflag:s13] =	ssyncset.done $0x0  }
0x1e: {  	[sflag:s13] =	ssyncadd.s32 $0xFFFFF000  }
0x1f: {  	_ =	swait.ge [sflag:s4], $0x1000  }
0x20: {  	[sflag:s4] =	ssyncset.done $0x0  }
0x21: {  	[sflag:s4] =	ssyncadd.s32 $0xFFFFF000  }
0x22: {  	_ =	swait.ge [sflag:s6], $0x1000  }
0x23: {  	[sflag:s6] =	ssyncset.done $0x0  }
0x24: {  	[sflag:s6] =	ssyncadd.s32 $0xFFFFF000  }
0x25: {  	_ =	swait.ge [sflag:s30], $0x1000  }
0x26: {  	[sflag:s30] =	ssyncset.done $0x0  }
0x27: {  	[sflag:s30] =	ssyncadd.s32 $0xFFFFF000  }
0x28: {  	_ =	swait.ge [sflag:s1], $0x1000  }
0x29: {  	[sflag:s1] =	ssyncset.done $0x0  }
0x2a: {  	[sflag:s1] =	ssyncadd.s32 $0xFFFFF000  }
0x2b: {  	[bflag:$0x0] =	sbarrier.arrive $0xFFFF  }
0x2c: {  	s16 =	rddreg [dreg:$0x6]  }
0x2d: {  	s9 =	rddreg [dreg:$0xb]  }
0x2e: {  	[hbm:s16], [sflag:s5] =	dma.local [spmem:s9], $0x30D4  }
0x2f: {  	_ =	swait.ge [sflag:s14], $0x30D4  }
0x30: {  	s7 =	sadd.s32 $0x1, s7;
	s25 =	rddreg [dreg:$0x7]  }
0x31: {  	p0 =	sne.s32 s7, s25  }
.Ltmp1:
0x32: {  	_ = 	snop;
	(pc) =	sbr.rel @!p0 .LBB2_7-.Ltmp1, $3  }
0x33: {  	_ =	sdelay $0x1  }
0x34: {  	[sflag:s14] =	ssyncset.done $0x0  }
0x35: {  	[sflag:s14] =	ssyncadd.s32 $0xFFFFCF2C  }
.LBB2_1:
0x36: {  	s3 =	rddreg [dreg:$0x3]  }
0x37: {  	s9 =	rddreg [dreg:$0xa]  }
0x38: {  	[spmem:s9], [sflag:s5] =	dma.local [hbm:s3], $0x30D8  }
0x39: {  	_ =	swait.ge [sflag:s14], $0x30D8  }
0x3a: {  	[sflag:s14] =	ssyncset.done $0x0  }
0x3b: {  	[sflag:s14] =	ssyncadd.s32 $0xFFFFCF28  }
0x3c: {  	[bflag:$0x0] =	sbarrier.arrive $0xFFFF  }
0x3d: {  	s12 =	simm.s32 $0x0;
	s13 =	rddreg [dreg:$0x4]  }
.Ltmp2:
0x3e: {  	s10 =	simm.s32 $0x186C0;
	s16 =	rddreg [dreg:$0x5];
	(pc) =	sbr.rel .LBB2_2-.Ltmp2, $4  }
0x3f: {  	[tilespmem:s10], [sflag:$0x1] =	stream.linear.gather [hbm4b:s13+s12], $0x400, $0x38;
	[tilespmem:$0x1FEC0] =	vst v63  }
0x40: {  	s25 =	simm.s32 $0x192C0;
	s11 =	rddreg [dreg:$0x8]  }
0x41: {  	[tilespmem:s25], [sflag:$0x1] =	stream.linear.gather [hbm4b:s16+s12], $0x400, $0x38;
	[tilespmem:$0x1FEC0] =	vst v63  }
0x42: {  	s13 =	simm.s32 $0x0;
	s12 =	rddreg [dreg:$0x9]  }
.LBB2_4:
0x43: {  	_ =	swait.ge [sflag:s30], $0x1000  }
0x44: {  	[sflag:s30] =	ssyncset.done $0x0  }
0x45: {  	p0 =	por $0x0, $0x0;
	[sflag:s30] =	ssyncadd.s32 $0xFFFFF000  }
.LBB2_5:
0x46: {  	s10 =	sshll.u32 s10, $0xA  }
0x47: {  	s3 =	sadd.s32 $0x186C0, s10  }
0x48: {  	[tilespmem:s19], [sflag:$0x2] =	stream.indirect.gather [hbm4b:s8+s18], $0x20, s3, s18, $0xb8;
	[tilespmem:$0x1FEC0] =	vst v63  }
0x49: {  	s3 =	simm.s32 @!p0 $0x9  }
0x4a: {  	_ =	swait.ge @!p0 [sflag:s3], $0x1000  }
0x4b: {  	s9 =	simm.s32 @!p0 $0x80;
	[sflag:s3] =	ssyncset.done @!p0 $0x0  }
0x4c: {  	s16 =	simm.s32 @!p0 $0x1AEC0;
	[sflag:s3] =	ssyncadd.s32 @!p0 $0xFFFFF000;
	s3 =	sadd.s32 @!p0 $0x18740, s10  }
0x4d: {  	[tilespmem:s16], [sflag:$0x3] =	stream.indirect.gather @!p0 [hbm4b:s8+s9], $0x20, s3, s9, $0xb8;
	[tilespmem:$0x1FEC0] =	vst v63  }
0x4e: {  	s3 =	simm.s32 @!p0 $0xA  }
0x4f: {  	_ =	swait.ge @!p0 [sflag:s3], $0x1000  }
0x50: {  	[sflag:s3] =	ssyncset.done @!p0 $0x0  }
0x51: {  	s16 =	simm.s32 @!p0 $0x1BEC0;
	[sflag:s3] =	ssyncadd.s32 @!p0 $0xFFFFF000;
	s3 =	sadd.s32 @!p0 $0x187C0, s10  }
0x52: {  	[tilespmem:s16], [sflag:$0x4] =	stream.indirect.gather @!p0 [hbm4b:s8+s9], $0x20, s3, s9, $0xb8;
	[tilespmem:$0x1FEC0] =	vst v63  }
0x53: {  	s3 =	simm.s32 @!p0 $0xB  }
0x54: {  	_ =	swait.ge @!p0 [sflag:s3], $0x1000  }
0x55: {  	s9 =	simm.s32 @p0 $0x80;
	[sflag:s3] =	ssyncset.done @!p0 $0x0  }
0x56: {  	s16 =	simm.s32 @p0 $0x1AEC0;
	[sflag:s3] =	ssyncadd.s32 @!p0 $0xFFFFF000;
	s3 =	sadd.s32 @p0 $0x18740, s10  }
0x57: {  	[tilespmem:s16], [sflag:$0x3] =	stream.indirect.gather @p0 [hbm4b:s8+s9], $0x20, s3, s9, $0xb8;
	[tilespmem:$0x1FEC0] =	vst v63  }
0x58: {  	s3 =	sadd.s32 @p0 $0x187C0, s10;
	s16 =	simm.s32 @p0 $0x1BEC0  }
0x59: {  	[tilespmem:s16], [sflag:$0x4] =	stream.indirect.gather @p0 [hbm4b:s8+s9], $0x20, s3, s9, $0xb8;
	[tilespmem:$0x1FEC0] =	vst v63  }
0x5a: {  	s16 =	sadd.s32 $0x18840, s10  }
0x5b: {  	[tilespmem:s20], [sflag:$0x5] =	stream.indirect.gather [hbm4b:s8+s18], $0x20, s16, s18, $0xb8;
	[tilespmem:$0x1FEC0] =	vst v63  }
0x5c: {  	_ =	swait.ge [sflag:s21], $0x1000  }
0x5d: {  	[sflag:s21] =	ssyncset.done $0x0  }
0x5e: {  	s25 =	sadd.s32 $0x192C0, s10;
	s3 =	simm.s32 @!p0 $0xC;
	[sflag:s21] =	ssyncadd.s32 $0xFFFFF000  }
0x5f: {  	[spmem:s2] =	stream.indirect.scatter.add.f32 [tilespmem:s19], [sflag:$0x8], $0x20, s25, s18, $0xb8;
	[tilespmem:$0x1FEC0] =	vst v63  }
0x60: {  	_ =	swait.ge @!p0 [sflag:s3], $0x1000  }
0x61: {  	[sflag:s3] =	ssyncset.done @!p0 $0x0  }
0x62: {  	s9 =	sadd.s32 $0x188C0, s10;
	[sflag:s3] =	ssyncadd.s32 @!p0 $0xFFFFF000  }
0x63: {  	[tilespmem:s22], [sflag:$0x6] =	stream.indirect.gather [hbm4b:s8+s18], $0x20, s9, s18, $0xb8;
	[tilespmem:$0x1FEC0] =	vst v63  }
0x64: {  	s3 =	sor.u32 @!p0 $0x80, s10;
	s9 =	sor.u32 @p0 $0x80, s10;
	_ =	swait.ge [sflag:s23], $0x1000  }
0x65: {  	s3 =	smov.u32 @p0 s9;
	[sflag:s23] =	ssyncset.done $0x0  }
0x66: {  	s3 =	sadd.s32 $0x192C0, s3;
	[sflag:s23] =	ssyncadd.s32 $0xFFFFF000  }
0x67: {  	[spmem:s2] =	stream.indirect.scatter.add.f32 [tilespmem:s24], [sflag:$0x9], $0x20, s3, s18, $0xb8;
	[tilespmem:$0x1FEC0] =	vst v63  }
0x68: {  	s3 =	simm.s32 @!p0 $0xD  }
0x69: {  	_ =	swait.ge @!p0 [sflag:s3], $0x1000  }
0x6a: {  	[sflag:s3] =	ssyncset.done @!p0 $0x0  }
0x6b: {  	s16 =	sadd.s32 $0x18940, s10;
	[sflag:s3] =	ssyncadd.s32 @!p0 $0xFFFFF000  }
0x6c: {  	[tilespmem:s26], [sflag:$0x7] =	stream.indirect.gather [hbm4b:s8+s18], $0x20, s16, s18, $0xb8;
	[tilespmem:$0x1FEC0] =	vst v63  }
0x6d: {  	s9 =	sor.u32 @p0 $0x100, s10;
	s3 =	sor.u32 @!p0 $0x100, s10;
	_ =	swait.ge [sflag:s28], $0x1000  }
0x6e: {  	s3 =	smov.u32 @p0 s9;
	[sflag:s28] =	ssyncset.done $0x0  }
0x6f: {  	s3 =	sadd.s32 $0x192C0, s3;
	[sflag:s28] =	ssyncadd.s32 $0xFFFFF000  }
0x70: {  	[spmem:s2] =	stream.indirect.scatter.add.f32 [tilespmem:s29], [sflag:$0xA], $0x20, s3, s18, $0xb8;
	[tilespmem:$0x1FEC0] =	vst v63  }
0x71: {  	_ =	swait.ge [sflag:s30], $0x1000  }
0x72: {  	[sflag:s30] =	ssyncset.done $0x0  }
0x73: {  	s25 =	sadd.s32 $0x189C0, s10;
	[sflag:s30] =	ssyncadd.s32 $0xFFFFF000  }
0x74: {  	[tilespmem:s19], [sflag:$0x2] =	stream.indirect.gather [hbm4b:s8+s18], $0x20, s25, s18, $0xb8;
	[tilespmem:$0x1FEC0] =	vst v63  }
0x75: {  	_ =	swait.ge [sflag:s31], $0x1000  }
0x76: {  	s9 =	sor.u32 $0x180, s10;
	[sflag:s31] =	ssyncset.done $0x0  }
0x77: {  	s3 =	sadd.s32 $0x192C0, s9;
	[sflag:s31] =	ssyncadd.s32 $0xFFFFF000  }
0x78: {  	[spmem:s2] =	stream.indirect.scatter.add.f32 [tilespmem:s20], [sflag:$0xB], $0x20, s3, s18, $0xb8;
	[tilespmem:$0x1FEC0] =	vst v63  }
0x79: {  	_ =	swait.ge [sflag:s1], $0x1000  }
0x7a: {  	[sflag:s1] =	ssyncset.done $0x0  }
0x7b: {  	s16 =	sadd.s32 $0x18A40, s10;
	[sflag:s1] =	ssyncadd.s32 $0xFFFFF000  }
0x7c: {  	[tilespmem:s24], [sflag:$0x3] =	stream.indirect.gather [hbm4b:s8+s18], $0x20, s16, s18, $0xb8;
	[tilespmem:$0x1FEC0] =	vst v63  }
0x7d: {  	_ =	swait.ge [sflag:s0], $0x1000  }
0x7e: {  	s25 =	sor.u32 $0x200, s10;
	[sflag:s0] =	ssyncset.done $0x0  }
0x7f: {  	s3 =	sadd.s32 $0x192C0, s25;
	[sflag:s0] =	ssyncadd.s32 $0xFFFFF000  }
0x80: {  	[spmem:s2] =	stream.indirect.scatter.add.f32 [tilespmem:s22], [sflag:$0xC], $0x20, s3, s18, $0xb8;
	[tilespmem:$0x1FEC0] =	vst v63  }
0x81: {  	_ =	swait.ge [sflag:s15], $0x1000  }
0x82: {  	[sflag:s15] =	ssyncset.done $0x0  }
0x83: {  	s9 =	sadd.s32 $0x19540, s10;
	[sflag:s15] =	ssyncadd.s32 $0xFFFFF000  }
0x84: {  	[spmem:s2] =	stream.indirect.scatter.add.f32 [tilespmem:s26], [sflag:$0xD], $0x20, s9, s18, $0xb8;
	[tilespmem:$0x1FEC0] =	vst v63  }
0x85: {  	_ =	swait.ge [sflag:s21], $0x1000  }
0x86: {  	[sflag:s21] =	ssyncset.done $0x0  }
0x87: {  	p0 =	sne.s32 s13, $0x32;
	s16 =	sadd.s32 $0x195C0, s10;
	[sflag:s21] =	ssyncadd.s32 $0xFFFFF000  }
0x88: {  	[spmem:s2] =	stream.indirect.scatter.add.f32 [tilespmem:s19], [sflag:$0x8], $0x20, s16, s18, $0xb8;
	[tilespmem:$0x1FEC0] =	vst v63  }
.Ltmp3:
0x89: {  	_ = 	snop;
	(pc) =	sbr.rel @!p0 .LBB2_6-.Ltmp3, $4  }
0x8a: {  	_ =	swait.ge [sflag:s23], $0x1000  }
0x8b: {  	s11 =	sadd.s32 $0x80, s11;
	[sflag:s23] =	ssyncset.done $0x0  }
0x8c: {  	s12 =	sadd.s32 $0x80, s12;
	s25 =	sadd.s32 $0x19640, s10;
	[sflag:s23] =	ssyncadd.s32 $0xFFFFF000  }
0x8d: {  	[spmem:s2] =	stream.indirect.scatter.add.f32 [tilespmem:s24], [sflag:$0x9], $0x20, s25, s18, $0xb8;
	[tilespmem:$0x1FEC0] =	vst v63  }
.LBB2_2:
0x8e: {  	s10 =	smov.u32 s13  }
0x8f: {  	s13 =	sadd.s32 $0x1, s13;
	p0 =	seq.s32 s10, $0x31  }
0x90: {  	s9 =	smul.u32 @!p0 $0xAB, s13;
	_ =	sdelay $0x1  }
0x91: {  	_ =	swait.ge [sflag:s17], $0x400;
	s9 =	sshrl.u32 @!p0 s9, $0x9  }
0x92: {  	s25 =	smul.u32 $0xAB, s10;
	[sflag:s17] =	ssyncset.done $0x0;
	s9 =	sand.u32 @!p0 $0x7F, s9  }
0x93: {  	[sflag:s17] =	ssyncadd.s32 $0xFFFFFC00;
	s9 =	smul.u32 @!p0 $0x3, s9  }
0x94: {  	s3 =	simm.s32 @!p0 $0x0;
	p1 =	seq.s32 @!p0 s10, $0x0;
	s25 =	sshrl.u32 s25, $0x9  }
0x95: {  	_ =	swait.ge [sflag:s17], $0x400;
	s25 =	sand.u32 $0x7F, s25;
	s9 =	ssub.s32 @!p0 s13, s9  }
0x96: {  	p1 =	por p0, !p1;
	s25 =	smul.u32 $0x3, s25;
	s9 =	sand.u32 @!p0 $0xFF, s9  }
.Ltmp4:
0x97: {  	[sflag:s17] =	ssyncset.done $0x0;
	s9 =	sshll.u32 @!p0 s9, $0xA;
	(pc) =	sbr.rel @p1 .LBB2_4-.Ltmp4, $4  }
0x98: {  	[sflag:s17] =	ssyncadd.s32 $0xFFFFFC00;
	s25 =	ssub.s32 s10, s25;
	s16 =	sadd.s32 @!p0 $0x186C0, s9  }
0x99: {  	[tilespmem:s16], [sflag:$0x1] =	stream.linear.gather @!p0 [hbm4b:s12+s3], $0x400, $0x38;
	[tilespmem:$0x1FEC0] =	vst v63  }
0x9a: {  	s10 =	sand.u32 $0xFF, s25;
	s9 =	sor.u32 @!p0 $0x192C0, s9  }
0x9b: {  	[tilespmem:s9], [sflag:$0x1] =	stream.linear.gather @!p0 [hbm4b:s11+s3], $0x400, $0x38;
	[tilespmem:$0x1FEC0] =	vst v63  }
.Ltmp5:
0x9c: {  	(pc) =	sbr.rel .LBB2_5-.Ltmp5, $2  }
0x9d: {  	_ =	sdelay $0x2  }
0x9e: {  	p0 =	por @!p0 $0x1, $0x1  }
.LBB2_7:
0x9f: {  	_ =	sfence.sel $0x180000  }
0xa0: {  	[bflag:$0x0] =	sbarrier.arrive $0xFFFF  }
0xa1: {  	_ =	strace $0x9000004A  }
0xa2: {  	s0 =	stileid.u32;
	[bflag:$0x2] =	sbarrier.arrive $0xFFFF  }
0xa3: {  	p0 =	sne.s32 s0, $0x0;
	s0 =	rddreg [dreg:$0x2]  }
0xa4: {  	s0 =	sadd.s32 @!p0 $0x100000, s0  }
0xa5: {  	[sflag:s0] =	ssyncadd.tile.s32 @!p0 $0x1;
	_ =	shalt  }
.Lfunc_end2:
_tile_overlayer_lowered:
.L_overlay_start_2:
0xa6: {  	(tag) =	ssettag $0x2  }
0xa7: {  	s0 =	rddreg [dreg:$0x0];
	s2 =	stileid.u32  }
0xa8: {  	s1 =	rddreg [dreg:$0x1];
	p0 =	sne.s32 s2, $0x0  }
0xa9: {  	s3 =	rddreg [dreg:$0x2];
	[bflag:$0x3] =	sbarrier.arrive $0xFFFF;
	s2 =	simm.s32 @!p0 $0x1C0E  }
0xaa: {  	[timem:s3], [sflag:s2] =	dma.local @!p0 [hbm:s0], s1  }
0xab: {  	s0 =	simm.s32 @!p0 $0xE  }
0xac: {  	_ =	swait.ge @!p0 [sflag:s0], s1  }
0xad: {  	s1 =	ssub.s32 @!p0 $0x0, s1;
	[sflag:s0] =	ssyncset.done @!p0 $0x0  }
0xae: {  	[sflag:s0] =	ssyncadd.s32 @!p0 s1  }
0xaf: {  	[bflag:$0x3] =	sbarrier.arrive $0xFFFF  }
0xb0: {  	_ =	shalt  }

// kernel: kernel.19.cloned.1.call-start
scs
__scs_entry_jumppad:
0x0: {  	(pc) =	sbr.rel $0x88, $3  }
0x1: {  	(tag) =	ssettag $0x0;
	lr =	simm.s32 $0x1  }
0x2: {  	[smem:$0x3F92] =	sst lr;
	_ =	strace $0xD0000000  }
0x3: {  	_ = 	snop  }
0x4: {  	_ = 	snop  }
0x5: {  	_ = 	snop  }
0x6: {  	_ = 	snop  }
0x7: {  	_ = 	snop  }
__scs_overlays_trampoline_lowered:
0x8: {  	[smem:$0x3FA1] =	sst s0  }
0x9: {  	[smem:$0x3FA2] =	sst s1  }
0xa: {  	[smem:$0x3FA3] =	sst s2  }
0xb: {  	[smem:$0x3FA4] =	sst s3  }
0xc: {  	[smem:$0x3FA5] =	sst s4  }
0xd: {  	[smem:$0x3FA6] =	sst s5  }
0xe: {  	[smem:$0x3FA7] =	sst s6  }
0xf: {  	[smem:$0x3FA8] =	sst s7  }
0x10: {  	[smem:$0x3FA9] =	sst s8  }
0x11: {  	[smem:$0x3FAA] =	sst s9;
	s0 =	simm.s32 @!p0 $0x0  }
0x12: {  	s1 =	sld [smem:$0x3F90];
	s0 =	simm.s32 @p0 $0x1  }
0x13: {  	[smem:$0x3FAB] =	sst s0;
	s0 =	simm.s32 @!p1 $0x0  }
0x14: {  	s2 =	sld [smem:$0x3F8F];
	s0 =	simm.s32 @p1 $0x1  }
0x15: {  	[smem:$0x3FAC] =	sst s0;
	s0 =	simm.s32 @!p2 $0x0  }
0x16: {  	s3 =	sld [smem:$0x3FDB];
	s0 =	simm.s32 @p2 $0x1  }
0x17: {  	s4 =	simm.s32 $0x1BF5;
	[smem:$0x3FAE] =	sst s0  }
0x18: {  	s0 =	sld [smem:$0x3F91];
	_ =	swait.ge [sflag:s4], $0x0  }
0x19: {  	s7 =	sld [smem:$0x3F92]  }
0x1a: {  	s8 =	sadd.s32 $0xFFFFE003, lr  }
0x1b: {  	s9 =	sadd.s32 $0xFFFFFEF7, lr;
	s5 =	simm.s32 $0xFFFFFFFF;
	p2 =	slt.u32 s8, $0xFFFFF086  }
0x1c: {  	p1 =	slt.u32 s9, $0xF7A;
	s5 =	simm.s32 @!p2 $0x0  }
0x1d: {  	s5 =	simm.s32 @p1 $0x1;
	p0 =	seq.s32 s7, s2  }
0x1e: {  	s7 =	smul.u32 @!p0 $0xF7A, s2;
	p2 =	seq.s32 @!p0 s5, $0x0  }
0x1f: {  	s9 =	smul.u32 $0xF7A, s1;
	s8 =	simm.s32 @!p0 $0x1BF5;
	p2 =	por !p2, p0  }
0x20: {  	[sflag:s8] =	ssyncset.s32 @!p0 $0xFFFFF086;
	s6 =	sadd.s32 @!p0 s3, s7;
	s7 =	simm.s32 @!p0 $0x108  }
0x21: {  	s3 =	sadd.s32 s3, s9;
	s6 =	sadd.s32 @!p0 $0x88, s6;
	s7 =	simm.s32 @p2 $0x1082  }
0x22: {  	[simem:s7], [sflag:s8] =	dma.local @!p0 [hbm:s6], $0xF7A  }
0x23: {  	s9 =	sor.u32 $0xD0000000, s2;
	s6 =	simm.s32 $0x108;
	_ =	swait.ge @!p0 [sflag:s8], $0x0  }
0x24: {  	s3 =	sadd.s32 $0x88, s3;
	s6 =	simm.s32 @!p1 $0x1082;
	[sflag:s4] =	ssyncset.s32 $0xFFFFF086  }
0x25: {  	[simem:s6], [sflag:s4] =	dma.local [hbm:s3], $0xF7A  }
0x26: {  	[smem:$0x3F92] =	sst s1;
	(tag) =	ssettag s2;
	_ =	strace s9  }
0x27: {  	s1 =	sld [smem:$0x3FA2]  }
0x28: {  	s2 =	sld [smem:$0x3FA3]  }
0x29: {  	s4 =	sld [smem:$0x3FA5]  }
0x2a: {  	p0 =	seq.s32 s5, $0x0;
	s5 =	sld [smem:$0x3FA6]  }
0x2b: {  	s6 =	sld [smem:$0x3FA7]  }
0x2c: {  	s7 =	sld [smem:$0x3FA8]  }
0x2d: {  	s3 =	simm.s32 $0x108;
	s8 =	sld [smem:$0x3FA9]  }
0x2e: {  	s3 =	simm.s32 @!p0 $0x1082;
	s9 =	sld [smem:$0x3FAA]  }
0x2f: {  	lr =	sadd.s32 s0, s3;
	s0 =	sld [smem:$0x3FA1]  }
0x30: {  	s3 =	sld [smem:$0x3FA4]  }
0x31: {  	[smem:$0x3FAD] =	sst s10  }
0x32: {  	s10 =	sld [smem:$0x3FAB];
	_ =	sdelay $0x3  }
0x33: {  	p0 =	seq.s32 s10, $0x1;
	s10 =	sld [smem:$0x3FAD];
	_ =	sdelay $0x3  }
0x34: {  	[smem:$0x3FAD] =	sst s10  }
0x35: {  	s10 =	sld [smem:$0x3FAC];
	_ =	sdelay $0x3  }
0x36: {  	p1 =	seq.s32 s10, $0x1;
	s10 =	sld [smem:$0x3FAD];
	_ =	sdelay $0x3  }
0x37: {  	[smem:$0x3FAD] =	sst s10  }
0x38: {  	s10 =	sld [smem:$0x3FAE]  }
0x39: {  	_ = 	snop;
	(pc) =	sbr.ind lr, $3  }
0x3a: {  	_ = 	snop  }
0x3b: {  	_ = 	snop  }
0x3c: {  	p2 =	seq.s32 s10, $0x1;
	s10 =	sld [smem:$0x3FAD]  }
0x3d: {  	_ =	shalt  }
0x3e: {  	_ =	shalt  }
0x3f: {  	_ =	shalt  }
0x40: {  	_ =	shalt  }
0x41: {  	_ =	shalt  }
0x42: {  	_ =	shalt  }
0x43: {  	_ =	shalt  }
0x44: {  	_ =	shalt  }
0x45: {  	_ =	shalt  }
0x46: {  	_ =	shalt  }
0x47: {  	_ =	shalt  }
0x48: {  	_ =	shalt  }
0x49: {  	_ =	shalt  }
0x4a: {  	_ =	shalt  }
0x4b: {  	_ =	shalt  }
0x4c: {  	_ =	shalt  }
0x4d: {  	_ =	shalt  }
0x4e: {  	_ =	shalt  }
0x4f: {  	_ =	shalt  }
0x50: {  	_ =	shalt  }
0x51: {  	_ =	shalt  }
0x52: {  	_ =	shalt  }
0x53: {  	_ =	shalt  }
0x54: {  	_ =	shalt  }
0x55: {  	_ =	shalt  }
0x56: {  	_ =	shalt  }
0x57: {  	_ =	shalt  }
0x58: {  	_ =	shalt  }
0x59: {  	_ =	shalt  }
0x5a: {  	_ =	shalt  }
0x5b: {  	_ =	shalt  }
0x5c: {  	_ =	shalt  }
0x5d: {  	_ =	shalt  }
0x5e: {  	_ =	shalt  }
0x5f: {  	_ =	shalt  }
0x60: {  	_ =	shalt  }
0x61: {  	_ =	shalt  }
0x62: {  	_ =	shalt  }
0x63: {  	_ =	shalt  }
0x64: {  	_ =	shalt  }
0x65: {  	_ =	shalt  }
0x66: {  	_ =	shalt  }
0x67: {  	_ =	shalt  }
0x68: {  	_ =	shalt  }
0x69: {  	_ =	shalt  }
0x6a: {  	_ =	shalt  }
0x6b: {  	_ =	shalt  }
0x6c: {  	_ =	shalt  }
0x6d: {  	_ =	shalt  }
0x6e: {  	_ =	shalt  }
0x6f: {  	_ =	shalt  }
0x70: {  	_ =	shalt  }
0x71: {  	_ =	shalt  }
0x72: {  	_ =	shalt  }
0x73: {  	_ =	shalt  }
0x74: {  	_ =	shalt  }
0x75: {  	_ =	shalt  }
0x76: {  	_ =	shalt  }
0x77: {  	_ =	shalt  }
0x78: {  	_ =	shalt  }
0x79: {  	_ =	shalt  }
0x7a: {  	_ =	shalt  }
0x7b: {  	_ =	shalt  }
0x7c: {  	_ =	shalt  }
0x7d: {  	_ =	shalt  }
0x7e: {  	_ =	shalt  }
0x7f: {  	_ =	shalt  }
0x80: {  	_ =	shalt  }
0x81: {  	_ =	shalt  }
0x82: {  	_ =	shalt  }
0x83: {  	_ =	shalt  }
0x84: {  	_ =	shalt  }
0x85: {  	_ =	shalt  }
0x86: {  	_ =	shalt  }
0x87: {  	_ =	shalt  }
.Lfunc_end0:
.L_simem_size_0:
called_computation.2_lowered:
.L_overlay_start_0:
0x88: {  	s2 =	sld [smem:$0x3FD9]  }
0x89: {  	s3 =	sld [smem:$0x3FFE];
	_ =	sdelay $0x1  }
0x8a: {  	s1 =	srdreg.scid  }
0x8b: {  	s0 =	sand.u32 $0x1, s1  }
0x8c: {  	s16 =	sshll.u32 s0, $0xA;
	s2 =	sadd.s32 s3, s2  }
0x8d: {  	s2 =	sadd.s32 s2, s16  }
0x8e: {  	[smem:$0x3FB9] =	sst s2  }
0x8f: {  	_ = 	snop  }
0x90: {  	(tm) =	ssettm $0x1  }
0x91: {  	s17 =	sld [smem:$0x3FFB];
	_ =	sdelay $0x3  }
0x92: {  	_ =	strace s17  }
0x93: {  	s2 =	sld [smem:$0x3FFC];
	_ =	sdelay $0x3  }
0x94: {  	_ =	strace s2  }
0x95: {  	s2 =	sld [smem:$0x3FFD];
	_ =	sdelay $0x3  }
0x96: {  	_ =	strace s2  }
0x97: {  	_ =	strace $0x8FFFFFFF  }
0x98: {  	s18 =	sld [smem:$0x3FDB];
	_ =	sdelay $0x1  }
0x99: {  	s19 =	simm.s32 $_scs_section_size  }
0x9a: {  	s4 =	simm.s32 $_size__tile_overlayer_lowered;
	s5 =	simm.s32 $_tile_overlayer_lowered  }
0x9b: {  	s22 =	simm.s32 $0x1BFF;
	s21 =	sshll.u32 s5, $0x1;
	s2 =	sadd.s32 s19, s18  }
0x9c: {  	s6 =	simm.s32 $0x0;
	s20 =	sshll.u32 s4, $0x1;
	s4 =	sadd.s32 s21, s2  }
0x9d: {  	[timem:s6], [sflag:s22] =	dma.local [hbm:s4], s20  }
0x9e: {  	_ =	swait.ge [sflag:s22], s20  }
0x9f: {  	s3 =	ssub.s32 $0x0, s20;
	[sflag:s22] =	ssyncset.done $0x0  }
0xa0: {  	[sflag:s22] =	ssyncadd.s32 s3;
	_ =	sdelay $0x1  }
0xa1: {  	s23 =	simm.s32 $0x1B8B  }
0xa2: {  	_ =	swait.ge [sflag:s23], $0x1  }
0xa3: {  	[sflag:s23] =	ssyncset.done $0x0  }
0xa4: {  	s25 =	simm.s32 $0x1B8E;
	s24 =	sld [smem:$0x3FFE];
	[sflag:s23] =	ssyncadd.s32 $0xFFFFFFFF  }
0xa5: {  	s26 =	simm.s32 $execute0_lowered;
	[smem:$0x3FD2] =	sst s25  }
0xa6: {  	s4 =	sshll.u32 s26, $0x1;
	_ =	strace $0x8000004C;
	[dreg:$0x1] =	wrdreg $0xFFFFFFFF  }
0xa7: {  	s28 =	simm.s32 $_size_execute0_lowered;
	s2 =	sadd.s32 s2, s4;
	[dreg:$0x0] =	wrdreg $0x0  }
0xa8: {  	s4 =	sshll.u32 s28, $0x1;
	[dreg:$0x2] =	wrdreg s2  }
0xa9: {  	[dreg:$0x3] =	wrdreg s4  }
0xaa: {  	[dreg:$0x4] =	wrdreg $0xC0  }
0xab: {  	_ =	task [dreg:s6], $0x5FFFF  }
0xac: {  	[dreg:$0x1] =	wrdreg $0xFFFFFFFF  }
0xad: {  	[dreg:$0x0] =	wrdreg $0x60  }
0xae: {  	[dreg:$0x2] =	wrdreg s24  }
0xaf: {  	[dreg:$0x3] =	wrdreg $0x0  }
0xb0: {  	[dreg:$0x4] =	wrdreg $0x9  }
0xb1: {  	_ =	task.clear_ibuf [dreg:s6], $0x5FFFF;
	_ =	strace $0x9000004C  }
0xb2: {  	s29 =	simm.s32 $0x9;
	_ =	strace $0x8000004E  }
0xb3: {  	_ =	swait.ge [sflag:s29], $0x1  }
0xb4: {  	[sflag:s29] =	ssyncadd.s32 $0xFFFFFFFF  }
0xb5: {  	_ =	strace $0x9000004E  }
0xb6: {  	_ =	sfence  }
0xb7: {  	s30 =	sld [smem:$0x0];
	_ =	sdelay $0x2  }
0xb8: {  	s31 =	sshll.u32 s1, $0xD;
	s1 =	sshrl.u32 s1, $0x2  }
0xb9: {  	s3 =	sand.u32 $0x4000, s31;
	s1 =	sadd.s32 s1, s30  }
0xba: {  	s0 =	sor.u32 s3, s0;
	s1 =	sshll.u32 s1, $0x11  }
0xbb: {  	s0 =	sor.u32 s1, s0  }
0xbc: {  	s0 =	sadd.s32 $0x8F2B, s0  }
0xbd: {  	[sflag:s0] =	ssyncadd.remote.s32 $0x1  }
0xbe: {  	_ =	sfence.sel $0xFFFF  }
0xbf: {  	[dreg:$0x0] =	wrdreg $0xFFFFFFFF;
	(pc) =	sbr.abs _section_cstart, $3  }
0xc0: {  	[dreg:$0x1] =	wrdreg $0xFFFFFFFF  }
0xc1: {  	_ =	task.clear_ibuf [dreg:s6], $0x2FFFF;
	_ =	strace $0x9FFFFFFF  }
0xc2: {  	(tm) =	ssettm $0x7FFFFFFF  }
0xc3: {  	_ =	shalt  }
tec
execute0_lowered:
.L_overlay_start_1:
0x0: {  	(tag) =	ssettag $0x1  }
0x1: {  	s0 =	srdreg.scid  }
0x2: {  	s1 =	rddreg [dreg:$0x0];
	s8 =	stileid.u32  }
0x3: {  	s2 =	rddreg [dreg:$0x1];
	s6 =	simm.s32 $0x0;
	s17 =	simm.s32 $0x1  }
0x4: {  	s18 =	simm.s32 $0x80;
	s19 =	simm.s32 $0x19EC0;
	s20 =	simm.s32 $0x1CEC0  }
0x5: {  	s21 =	simm.s32 $0x2;
	s22 =	simm.s32 $0x1DEC0;
	s28 =	simm.s32 $0x4  }
0x6: {  	s29 =	simm.s32 $0x1BEC0;
	s30 =	simm.s32 $0x8;
	s4 =	smul.u32 $0x1900, s8  }
0x7: {  	s31 =	simm.s32 $0x5;
	s0 =	sand.u32 $0x1, s0;
	s26 =	smul.u32 $0x186A0, s8  }
0x8: {  	[smem:$0x7FF] =	sst s6;
	s7 =	smul.u32 $0x61B00, s8;
	s9 =	sadd.s32 $0x3800, s1  }
0x9: {  	s13 =	sshll.u32 s8, $0x6;
	s6 =	simm.s32 $0xD;
	s3 =	smul.u32 $0x30D40, s0  }
0xa: {  	s5 =	smul.u32 $0x186A00, s0;
	_ =	strace $0x8000004D;
	s0 =	ssub.s32 $0x2, s0  }
0xb: {  	[dreg:$0x3] =	wrdreg s9;
	s4 =	sadd.s32 s4, s1;
	s11 =	sshrl.u32 s0, $0x1  }
0xc: {  	s12 =	sshrl.u32 s7, $0x2;
	s16 =	sadd.s32 s26, s2;
	s7 =	simm.s32 $0x0  }
0xd: {  	s3 =	sadd.s32 s3, s1;
	s5 =	sadd.s32 s26, s5;
	s0 =	ssub.s32 s0, s11  }
0xe: {  	s10 =	sadd.s32 s12, s2;
	s14 =	sadd.s32 $0x6D000, s4;
	s15 =	sadd.s32 $0x86000, s4  }
0xf: {  	s23 =	sadd.s32 $0x86080, s4;
	s24 =	sadd.s32 $0x6D080, s4;
	[dreg:$0x4] =	wrdreg s14  }
0x10: {  	s26 =	sshrl.u32 s16, $0x3;
	s4 =	simm.s32 $0xC;
	[dreg:$0x5] =	wrdreg s15  }
0x11: {  	s5 =	sshrl.u32 s5, $0x3;
	s8 =	sadd.s32 $0x6A00, s3;
	[dreg:$0x8] =	wrdreg s23  }
0x12: {  	s0 =	smax.u32 s0, $0x1;
	[dreg:$0x9] =	wrdreg s24;
	s25 =	sshrl.u32 s10, $0x3  }
.Ltmp0:
0x13: {  	s14 =	simm.s32 $0xE;
	s23 =	simm.s32 $0x3;
	(pc) =	sbr.rel .LBB2_1-.Ltmp0, $4  }
0x14: {  	s24 =	simm.s32 $0x1AEC0;
	[dreg:$0xb] =	wrdreg s26;
	s26 =	simm.s32 $0x1EEC0  }
0x15: {  	s15 =	simm.s32 $0x7;
	s1 =	sadd.s32 s5, s1;
	[dreg:$0x7] =	wrdreg s0  }
0x16: {  	s5 =	sor.u32 $0x1C0E, s13;
	[dreg:$0xa] =	wrdreg s25;
	s1 =	sadd.s32 $0x34AC00, s1  }
0x17: {  	s0 =	simm.s32 $0x6;
	[dreg:$0x6] =	wrdreg s1;
	s1 =	simm.s32 $0x9  }
.LBB2_6:
0x18: {  	s3 =	simm.s32 $0xA  }
0x19: {  	_ =	swait.ge [sflag:s3], $0x1000  }
0x1a: {  	[sflag:s3] =	ssyncset.done $0x0  }
0x1b: {  	s13 =	simm.s32 $0xB;
	[sflag:s3] =	ssyncadd.s32 $0xFFFFF000  }
0x1c: {  	_ =	swait.ge [sflag:s13], $0x1000  }
0x1d: {  	[sflag:s13] =	ssyncset.done $0x0  }
0x1e: {  	[sflag:s13] =	ssyncadd.s32 $0xFFFFF000  }
0x1f: {  	_ =	swait.ge [sflag:s4], $0x1000  }
0x20: {  	[sflag:s4] =	ssyncset.done $0x0  }
0x21: {  	[sflag:s4] =	ssyncadd.s32 $0xFFFFF000  }
0x22: {  	_ =	swait.ge [sflag:s6], $0x1000  }
0x23: {  	[sflag:s6] =	ssyncset.done $0x0  }
0x24: {  	[sflag:s6] =	ssyncadd.s32 $0xFFFFF000  }
0x25: {  	_ =	swait.ge [sflag:s30], $0x1000  }
0x26: {  	[sflag:s30] =	ssyncset.done $0x0  }
0x27: {  	[sflag:s30] =	ssyncadd.s32 $0xFFFFF000  }
0x28: {  	_ =	swait.ge [sflag:s1], $0x1000  }
0x29: {  	[sflag:s1] =	ssyncset.done $0x0  }
0x2a: {  	[sflag:s1] =	ssyncadd.s32 $0xFFFFF000  }
0x2b: {  	[bflag:$0x0] =	sbarrier.arrive $0xFFFF  }
0x2c: {  	s16 =	rddreg [dreg:$0x6]  }
0x2d: {  	s9 =	rddreg [dreg:$0xb]  }
0x2e: {  	[hbm:s16], [sflag:s5] =	dma.local [spmem:s9], $0x30D4  }
0x2f: {  	_ =	swait.ge [sflag:s14], $0x30D4  }
0x30: {  	s7 =	sadd.s32 $0x1, s7;
	s25 =	rddreg [dreg:$0x7]  }
0x31: {  	p0 =	sne.s32 s7, s25  }
.Ltmp1:
0x32: {  	_ = 	snop;
	(pc) =	sbr.rel @!p0 .LBB2_7-.Ltmp1, $3  }
0x33: {  	_ =	sdelay $0x1  }
0x34: {  	[sflag:s14] =	ssyncset.done $0x0  }
0x35: {  	[sflag:s14] =	ssyncadd.s32 $0xFFFFCF2C  }
.LBB2_1:
0x36: {  	s3 =	rddreg [dreg:$0x3]  }
0x37: {  	s9 =	rddreg [dreg:$0xa]  }
0x38: {  	[spmem:s9], [sflag:s5] =	dma.local [hbm:s3], $0x30D8  }
0x39: {  	_ =	swait.ge [sflag:s14], $0x30D8  }
0x3a: {  	[sflag:s14] =	ssyncset.done $0x0  }
0x3b: {  	[sflag:s14] =	ssyncadd.s32 $0xFFFFCF28  }
0x3c: {  	[bflag:$0x0] =	sbarrier.arrive $0xFFFF  }
0x3d: {  	s12 =	simm.s32 $0x0;
	s13 =	rddreg [dreg:$0x4]  }
.Ltmp2:
0x3e: {  	s10 =	simm.s32 $0x186C0;
	s16 =	rddreg [dreg:$0x5];
	(pc) =	sbr.rel .LBB2_2-.Ltmp2, $4  }
0x3f: {  	[tilespmem:s10], [sflag:$0x1] =	stream.linear.gather [hbm4b:s13+s12], $0x400, $0x38;
	[tilespmem:$0x1FEC0] =	vst v63  }
0x40: {  	s25 =	simm.s32 $0x192C0;
	s11 =	rddreg [dreg:$0x8]  }
0x41: {  	[tilespmem:s25], [sflag:$0x1] =	stream.linear.gather [hbm4b:s16+s12], $0x400, $0x38;
	[tilespmem:$0x1FEC0] =	vst v63  }
0x42: {  	s13 =	simm.s32 $0x0;
	s12 =	rddreg [dreg:$0x9]  }
.LBB2_4:
0x43: {  	_ =	swait.ge [sflag:s30], $0x1000  }
0x44: {  	[sflag:s30] =	ssyncset.done $0x0  }
0x45: {  	p0 =	por $0x0, $0x0;
	[sflag:s30] =	ssyncadd.s32 $0xFFFFF000  }
.LBB2_5:
0x46: {  	s10 =	sshll.u32 s10, $0xA  }
0x47: {  	s3 =	sadd.s32 $0x186C0, s10  }
0x48: {  	[tilespmem:s19], [sflag:$0x2] =	stream.indirect.gather [hbm4b:s8+s18], $0x20, s3, s18, $0xb8;
	[tilespmem:$0x1FEC0] =	vst v63  }
0x49: {  	s3 =	simm.s32 @!p0 $0x9  }
0x4a: {  	_ =	swait.ge @!p0 [sflag:s3], $0x1000  }
0x4b: {  	s9 =	simm.s32 @!p0 $0x80;
	[sflag:s3] =	ssyncset.done @!p0 $0x0  }
0x4c: {  	s16 =	simm.s32 @!p0 $0x1AEC0;
	[sflag:s3] =	ssyncadd.s32 @!p0 $0xFFFFF000;
	s3 =	sadd.s32 @!p0 $0x18740, s10  }
0x4d: {  	[tilespmem:s16], [sflag:$0x3] =	stream.indirect.gather @!p0 [hbm4b:s8+s9], $0x20, s3, s9, $0xb8;
	[tilespmem:$0x1FEC0] =	vst v63  }
0x4e: {  	s3 =	simm.s32 @!p0 $0xA  }
0x4f: {  	_ =	swait.ge @!p0 [sflag:s3], $0x1000  }
0x50: {  	[sflag:s3] =	ssyncset.done @!p0 $0x0  }
0x51: {  	s16 =	simm.s32 @!p0 $0x1BEC0;
	[sflag:s3] =	ssyncadd.s32 @!p0 $0xFFFFF000;
	s3 =	sadd.s32 @!p0 $0x187C0, s10  }
0x52: {  	[tilespmem:s16], [sflag:$0x4] =	stream.indirect.gather @!p0 [hbm4b:s8+s9], $0x20, s3, s9, $0xb8;
	[tilespmem:$0x1FEC0] =	vst v63  }
0x53: {  	s3 =	simm.s32 @!p0 $0xB  }
0x54: {  	_ =	swait.ge @!p0 [sflag:s3], $0x1000  }
0x55: {  	s9 =	simm.s32 @p0 $0x80;
	[sflag:s3] =	ssyncset.done @!p0 $0x0  }
0x56: {  	s16 =	simm.s32 @p0 $0x1AEC0;
	[sflag:s3] =	ssyncadd.s32 @!p0 $0xFFFFF000;
	s3 =	sadd.s32 @p0 $0x18740, s10  }
0x57: {  	[tilespmem:s16], [sflag:$0x3] =	stream.indirect.gather @p0 [hbm4b:s8+s9], $0x20, s3, s9, $0xb8;
	[tilespmem:$0x1FEC0] =	vst v63  }
0x58: {  	s3 =	sadd.s32 @p0 $0x187C0, s10;
	s16 =	simm.s32 @p0 $0x1BEC0  }
0x59: {  	[tilespmem:s16], [sflag:$0x4] =	stream.indirect.gather @p0 [hbm4b:s8+s9], $0x20, s3, s9, $0xb8;
	[tilespmem:$0x1FEC0] =	vst v63  }
0x5a: {  	s16 =	sadd.s32 $0x18840, s10  }
0x5b: {  	[tilespmem:s20], [sflag:$0x5] =	stream.indirect.gather [hbm4b:s8+s18], $0x20, s16, s18, $0xb8;
	[tilespmem:$0x1FEC0] =	vst v63  }
0x5c: {  	_ =	swait.ge [sflag:s21], $0x1000  }
0x5d: {  	[sflag:s21] =	ssyncset.done $0x0  }
0x5e: {  	s25 =	sadd.s32 $0x192C0, s10;
	s3 =	simm.s32 @!p0 $0xC;
	[sflag:s21] =	ssyncadd.s32 $0xFFFFF000  }
0x5f: {  	[spmem:s2] =	stream.indirect.scatter.add.f32 [tilespmem:s19], [sflag:$0x8], $0x20, s25, s18, $0xb8;
	[tilespmem:$0x1FEC0] =	vst v63  }
0x60: {  	_ =	swait.ge @!p0 [sflag:s3], $0x1000  }
0x61: {  	[sflag:s3] =	ssyncset.done @!p0 $0x0  }
0x62: {  	s9 =	sadd.s32 $0x188C0, s10;
	[sflag:s3] =	ssyncadd.s32 @!p0 $0xFFFFF000  }
0x63: {  	[tilespmem:s22], [sflag:$0x6] =	stream.indirect.gather [hbm4b:s8+s18], $0x20, s9, s18, $0xb8;
	[tilespmem:$0x1FEC0] =	vst v63  }
0x64: {  	s3 =	sor.u32 @!p0 $0x80, s10;
	s9 =	sor.u32 @p0 $0x80, s10;
	_ =	swait.ge [sflag:s23], $0x1000  }
0x65: {  	s3 =	smov.u32 @p0 s9;
	[sflag:s23] =	ssyncset.done $0x0  }
0x66: {  	s3 =	sadd.s32 $0x192C0, s3;
	[sflag:s23] =	ssyncadd.s32 $0xFFFFF000  }
0x67: {  	[spmem:s2] =	stream.indirect.scatter.add.f32 [tilespmem:s24], [sflag:$0x9], $0x20, s3, s18, $0xb8;
	[tilespmem:$0x1FEC0] =	vst v63  }
0x68: {  	s3 =	simm.s32 @!p0 $0xD  }
0x69: {  	_ =	swait.ge @!p0 [sflag:s3], $0x1000  }
0x6a: {  	[sflag:s3] =	ssyncset.done @!p0 $0x0  }
0x6b: {  	s16 =	sadd.s32 $0x18940, s10;
	[sflag:s3] =	ssyncadd.s32 @!p0 $0xFFFFF000  }
0x6c: {  	[tilespmem:s26], [sflag:$0x7] =	stream.indirect.gather [hbm4b:s8+s18], $0x20, s16, s18, $0xb8;
	[tilespmem:$0x1FEC0] =	vst v63  }
0x6d: {  	s9 =	sor.u32 @p0 $0x100, s10;
	s3 =	sor.u32 @!p0 $0x100, s10;
	_ =	swait.ge [sflag:s28], $0x1000  }
0x6e: {  	s3 =	smov.u32 @p0 s9;
	[sflag:s28] =	ssyncset.done $0x0  }
0x6f: {  	s3 =	sadd.s32 $0x192C0, s3;
	[sflag:s28] =	ssyncadd.s32 $0xFFFFF000  }
0x70: {  	[spmem:s2] =	stream.indirect.scatter.add.f32 [tilespmem:s29], [sflag:$0xA], $0x20, s3, s18, $0xb8;
	[tilespmem:$0x1FEC0] =	vst v63  }
0x71: {  	_ =	swait.ge [sflag:s30], $0x1000  }
0x72: {  	[sflag:s30] =	ssyncset.done $0x0  }
0x73: {  	s25 =	sadd.s32 $0x189C0, s10;
	[sflag:s30] =	ssyncadd.s32 $0xFFFFF000  }
0x74: {  	[tilespmem:s19], [sflag:$0x2] =	stream.indirect.gather [hbm4b:s8+s18], $0x20, s25, s18, $0xb8;
	[tilespmem:$0x1FEC0] =	vst v63  }
0x75: {  	_ =	swait.ge [sflag:s31], $0x1000  }
0x76: {  	s9 =	sor.u32 $0x180, s10;
	[sflag:s31] =	ssyncset.done $0x0  }
0x77: {  	s3 =	sadd.s32 $0x192C0, s9;
	[sflag:s31] =	ssyncadd.s32 $0xFFFFF000  }
0x78: {  	[spmem:s2] =	stream.indirect.scatter.add.f32 [tilespmem:s20], [sflag:$0xB], $0x20, s3, s18, $0xb8;
	[tilespmem:$0x1FEC0] =	vst v63  }
0x79: {  	_ =	swait.ge [sflag:s1], $0x1000  }
0x7a: {  	[sflag:s1] =	ssyncset.done $0x0  }
0x7b: {  	s16 =	sadd.s32 $0x18A40, s10;
	[sflag:s1] =	ssyncadd.s32 $0xFFFFF000  }
0x7c: {  	[tilespmem:s24], [sflag:$0x3] =	stream.indirect.gather [hbm4b:s8+s18], $0x20, s16, s18, $0xb8;
	[tilespmem:$0x1FEC0] =	vst v63  }
0x7d: {  	_ =	swait.ge [sflag:s0], $0x1000  }
0x7e: {  	s25 =	sor.u32 $0x200, s10;
	[sflag:s0] =	ssyncset.done $0x0  }
0x7f: {  	s3 =	sadd.s32 $0x192C0, s25;
	[sflag:s0] =	ssyncadd.s32 $0xFFFFF000  }
0x80: {  	[spmem:s2] =	stream.indirect.scatter.add.f32 [tilespmem:s22], [sflag:$0xC], $0x20, s3, s18, $0xb8;
	[tilespmem:$0x1FEC0] =	vst v63  }
0x81: {  	_ =	swait.ge [sflag:s15], $0x1000  }
0x82: {  	[sflag:s15] =	ssyncset.done $0x0  }
0x83: {  	s9 =	sadd.s32 $0x19540, s10;
	[sflag:s15] =	ssyncadd.s32 $0xFFFFF000  }
0x84: {  	[spmem:s2] =	stream.indirect.scatter.add.f32 [tilespmem:s26], [sflag:$0xD], $0x20, s9, s18, $0xb8;
	[tilespmem:$0x1FEC0] =	vst v63  }
0x85: {  	_ =	swait.ge [sflag:s21], $0x1000  }
0x86: {  	[sflag:s21] =	ssyncset.done $0x0  }
0x87: {  	p0 =	sne.s32 s13, $0x32;
	s16 =	sadd.s32 $0x195C0, s10;
	[sflag:s21] =	ssyncadd.s32 $0xFFFFF000  }
0x88: {  	[spmem:s2] =	stream.indirect.scatter.add.f32 [tilespmem:s19], [sflag:$0x8], $0x20, s16, s18, $0xb8;
	[tilespmem:$0x1FEC0] =	vst v63  }
.Ltmp3:
0x89: {  	_ = 	snop;
	(pc) =	sbr.rel @!p0 .LBB2_6-.Ltmp3, $4  }
0x8a: {  	_ =	swait.ge [sflag:s23], $0x1000  }
0x8b: {  	s11 =	sadd.s32 $0x80, s11;
	[sflag:s23] =	ssyncset.done $0x0  }
0x8c: {  	s12 =	sadd.s32 $0x80, s12;
	s25 =	sadd.s32 $0x19640, s10;
	[sflag:s23] =	ssyncadd.s32 $0xFFFFF000  }
0x8d: {  	[spmem:s2] =	stream.indirect.scatter.add.f32 [tilespmem:s24], [sflag:$0x9], $0x20, s25, s18, $0xb8;
	[tilespmem:$0x1FEC0] =	vst v63  }
.LBB2_2:
0x8e: {  	s10 =	smov.u32 s13  }
0x8f: {  	s13 =	sadd.s32 $0x1, s13;
	p0 =	seq.s32 s10, $0x31  }
0x90: {  	s9 =	smul.u32 @!p0 $0xAB, s13;
	_ =	sdelay $0x1  }
0x91: {  	_ =	swait.ge [sflag:s17], $0x400;
	s9 =	sshrl.u32 @!p0 s9, $0x9  }
0x92: {  	s25 =	smul.u32 $0xAB, s10;
	[sflag:s17] =	ssyncset.done $0x0;
	s9 =	sand.u32 @!p0 $0x7F, s9  }
0x93: {  	[sflag:s17] =	ssyncadd.s32 $0xFFFFFC00;
	s9 =	smul.u32 @!p0 $0x3, s9  }
0x94: {  	s3 =	simm.s32 @!p0 $0x0;
	p1 =	seq.s32 @!p0 s10, $0x0;
	s25 =	sshrl.u32 s25, $0x9  }
0x95: {  	_ =	swait.ge [sflag:s17], $0x400;
	s25 =	sand.u32 $0x7F, s25;
	s9 =	ssub.s32 @!p0 s13, s9  }
0x96: {  	p1 =	por p0, !p1;
	s25 =	smul.u32 $0x3, s25;
	s9 =	sand.u32 @!p0 $0xFF, s9  }
.Ltmp4:
0x97: {  	[sflag:s17] =	ssyncset.done $0x0;
	s9 =	sshll.u32 @!p0 s9, $0xA;
	(pc) =	sbr.rel @p1 .LBB2_4-.Ltmp4, $4  }
0x98: {  	[sflag:s17] =	ssyncadd.s32 $0xFFFFFC00;
	s25 =	ssub.s32 s10, s25;
	s16 =	sadd.s32 @!p0 $0x186C0, s9  }
0x99: {  	[tilespmem:s16], [sflag:$0x1] =	stream.linear.gather @!p0 [hbm4b:s12+s3], $0x400, $0x38;
	[tilespmem:$0x1FEC0] =	vst v63  }
0x9a: {  	s10 =	sand.u32 $0xFF, s25;
	s9 =	sor.u32 @!p0 $0x192C0, s9  }
0x9b: {  	[tilespmem:s9], [sflag:$0x1] =	stream.linear.gather @!p0 [hbm4b:s11+s3], $0x400, $0x38;
	[tilespmem:$0x1FEC0] =	vst v63  }
.Ltmp5:
0x9c: {  	(pc) =	sbr.rel .LBB2_5-.Ltmp5, $2  }
0x9d: {  	_ =	sdelay $0x2  }
0x9e: {  	p0 =	por @!p0 $0x1, $0x1  }
.LBB2_7:
0x9f: {  	_ =	sfence.sel $0x180000  }
0xa0: {  	[bflag:$0x0] =	sbarrier.arrive $0xFFFF  }
0xa1: {  	_ =	strace $0x9000004D  }
0xa2: {  	s0 =	stileid.u32;
	[bflag:$0x2] =	sbarrier.arrive $0xFFFF  }
0xa3: {  	p0 =	sne.s32 s0, $0x0;
	s0 =	rddreg [dreg:$0x2]  }
0xa4: {  	s0 =	sadd.s32 @!p0 $0x100000, s0  }
0xa5: {  	[sflag:s0] =	ssyncadd.tile.s32 @!p0 $0x1;
	_ =	shalt  }
.Lfunc_end2:
_tile_overlayer_lowered:
.L_overlay_start_2:
0xa6: {  	(tag) =	ssettag $0x2  }
0xa7: {  	s0 =	rddreg [dreg:$0x0];
	s2 =	stileid.u32  }
0xa8: {  	s1 =	rddreg [dreg:$0x1];
	p0 =	sne.s32 s2, $0x0  }
0xa9: {  	s3 =	rddreg [dreg:$0x2];
	[bflag:$0x3] =	sbarrier.arrive $0xFFFF;
	s2 =	simm.s32 @!p0 $0x1C0E  }
0xaa: {  	[timem:s3], [sflag:s2] =	dma.local @!p0 [hbm:s0], s1  }
0xab: {  	s0 =	simm.s32 @!p0 $0xE  }
0xac: {  	_ =	swait.ge @!p0 [sflag:s0], s1  }
0xad: {  	s1 =	ssub.s32 @!p0 $0x0, s1;
	[sflag:s0] =	ssyncset.done @!p0 $0x0  }
0xae: {  	[sflag:s0] =	ssyncadd.s32 @!p0 s1  }
0xaf: {  	[bflag:$0x3] =	sbarrier.arrive $0xFFFF  }
0xb0: {  	_ =	shalt  }

// kernel: kernel.22.cloned.1.call-start
scs
__scs_entry_jumppad:
0x0: {  	(pc) =	sbr.rel $0x88, $3  }
0x1: {  	(tag) =	ssettag $0x0;
	lr =	simm.s32 $0x1  }
0x2: {  	[smem:$0x3F92] =	sst lr;
	_ =	strace $0xD0000000  }
0x3: {  	_ = 	snop  }
0x4: {  	_ = 	snop  }
0x5: {  	_ = 	snop  }
0x6: {  	_ = 	snop  }
0x7: {  	_ = 	snop  }
__scs_overlays_trampoline_lowered:
0x8: {  	[smem:$0x3FA1] =	sst s0  }
0x9: {  	[smem:$0x3FA2] =	sst s1  }
0xa: {  	[smem:$0x3FA3] =	sst s2  }
0xb: {  	[smem:$0x3FA4] =	sst s3  }
0xc: {  	[smem:$0x3FA5] =	sst s4  }
0xd: {  	[smem:$0x3FA6] =	sst s5  }
0xe: {  	[smem:$0x3FA7] =	sst s6  }
0xf: {  	[smem:$0x3FA8] =	sst s7  }
0x10: {  	[smem:$0x3FA9] =	sst s8  }
0x11: {  	[smem:$0x3FAA] =	sst s9;
	s0 =	simm.s32 @!p0 $0x0  }
0x12: {  	s1 =	sld [smem:$0x3F90];
	s0 =	simm.s32 @p0 $0x1  }
0x13: {  	[smem:$0x3FAB] =	sst s0;
	s0 =	simm.s32 @!p1 $0x0  }
0x14: {  	s2 =	sld [smem:$0x3F8F];
	s0 =	simm.s32 @p1 $0x1  }
0x15: {  	[smem:$0x3FAC] =	sst s0;
	s0 =	simm.s32 @!p2 $0x0  }
0x16: {  	s3 =	sld [smem:$0x3FDB];
	s0 =	simm.s32 @p2 $0x1  }
0x17: {  	s4 =	simm.s32 $0x1BF5;
	[smem:$0x3FAE] =	sst s0  }
0x18: {  	s0 =	sld [smem:$0x3F91];
	_ =	swait.ge [sflag:s4], $0x0  }
0x19: {  	s7 =	sld [smem:$0x3F92]  }
0x1a: {  	s8 =	sadd.s32 $0xFFFFE003, lr  }
0x1b: {  	s9 =	sadd.s32 $0xFFFFFEF7, lr;
	s5 =	simm.s32 $0xFFFFFFFF;
	p2 =	slt.u32 s8, $0xFFFFF086  }
0x1c: {  	p1 =	slt.u32 s9, $0xF7A;
	s5 =	simm.s32 @!p2 $0x0  }
0x1d: {  	s5 =	simm.s32 @p1 $0x1;
	p0 =	seq.s32 s7, s2  }
0x1e: {  	s7 =	smul.u32 @!p0 $0xF7A, s2;
	p2 =	seq.s32 @!p0 s5, $0x0  }
0x1f: {  	s9 =	smul.u32 $0xF7A, s1;
	s8 =	simm.s32 @!p0 $0x1BF5;
	p2 =	por !p2, p0  }
0x20: {  	[sflag:s8] =	ssyncset.s32 @!p0 $0xFFFFF086;
	s6 =	sadd.s32 @!p0 s3, s7;
	s7 =	simm.s32 @!p0 $0x108  }
0x21: {  	s3 =	sadd.s32 s3, s9;
	s6 =	sadd.s32 @!p0 $0x88, s6;
	s7 =	simm.s32 @p2 $0x1082  }
0x22: {  	[simem:s7], [sflag:s8] =	dma.local @!p0 [hbm:s6], $0xF7A  }
0x23: {  	s9 =	sor.u32 $0xD0000000, s2;
	s6 =	simm.s32 $0x108;
	_ =	swait.ge @!p0 [sflag:s8], $0x0  }
0x24: {  	s3 =	sadd.s32 $0x88, s3;
	s6 =	simm.s32 @!p1 $0x1082;
	[sflag:s4] =	ssyncset.s32 $0xFFFFF086  }
0x25: {  	[simem:s6], [sflag:s4] =	dma.local [hbm:s3], $0xF7A  }
0x26: {  	[smem:$0x3F92] =	sst s1;
	(tag) =	ssettag s2;
	_ =	strace s9  }
0x27: {  	s1 =	sld [smem:$0x3FA2]  }
0x28: {  	s2 =	sld [smem:$0x3FA3]  }
0x29: {  	s4 =	sld [smem:$0x3FA5]  }
0x2a: {  	p0 =	seq.s32 s5, $0x0;
	s5 =	sld [smem:$0x3FA6]  }
0x2b: {  	s6 =	sld [smem:$0x3FA7]  }
0x2c: {  	s7 =	sld [smem:$0x3FA8]  }
0x2d: {  	s3 =	simm.s32 $0x108;
	s8 =	sld [smem:$0x3FA9]  }
0x2e: {  	s3 =	simm.s32 @!p0 $0x1082;
	s9 =	sld [smem:$0x3FAA]  }
0x2f: {  	lr =	sadd.s32 s0, s3;
	s0 =	sld [smem:$0x3FA1]  }
0x30: {  	s3 =	sld [smem:$0x3FA4]  }
0x31: {  	[smem:$0x3FAD] =	sst s10  }
0x32: {  	s10 =	sld [smem:$0x3FAB];
	_ =	sdelay $0x3  }
0x33: {  	p0 =	seq.s32 s10, $0x1;
	s10 =	sld [smem:$0x3FAD];
	_ =	sdelay $0x3  }
0x34: {  	[smem:$0x3FAD] =	sst s10  }
0x35: {  	s10 =	sld [smem:$0x3FAC];
	_ =	sdelay $0x3  }
0x36: {  	p1 =	seq.s32 s10, $0x1;
	s10 =	sld [smem:$0x3FAD];
	_ =	sdelay $0x3  }
0x37: {  	[smem:$0x3FAD] =	sst s10  }
0x38: {  	s10 =	sld [smem:$0x3FAE]  }
0x39: {  	_ = 	snop;
	(pc) =	sbr.ind lr, $3  }
0x3a: {  	_ = 	snop  }
0x3b: {  	_ = 	snop  }
0x3c: {  	p2 =	seq.s32 s10, $0x1;
	s10 =	sld [smem:$0x3FAD]  }
0x3d: {  	_ =	shalt  }
0x3e: {  	_ =	shalt  }
0x3f: {  	_ =	shalt  }
0x40: {  	_ =	shalt  }
0x41: {  	_ =	shalt  }
0x42: {  	_ =	shalt  }
0x43: {  	_ =	shalt  }
0x44: {  	_ =	shalt  }
0x45: {  	_ =	shalt  }
0x46: {  	_ =	shalt  }
0x47: {  	_ =	shalt  }
0x48: {  	_ =	shalt  }
0x49: {  	_ =	shalt  }
0x4a: {  	_ =	shalt  }
0x4b: {  	_ =	shalt  }
0x4c: {  	_ =	shalt  }
0x4d: {  	_ =	shalt  }
0x4e: {  	_ =	shalt  }
0x4f: {  	_ =	shalt  }
0x50: {  	_ =	shalt  }
0x51: {  	_ =	shalt  }
0x52: {  	_ =	shalt  }
0x53: {  	_ =	shalt  }
0x54: {  	_ =	shalt  }
0x55: {  	_ =	shalt  }
0x56: {  	_ =	shalt  }
0x57: {  	_ =	shalt  }
0x58: {  	_ =	shalt  }
0x59: {  	_ =	shalt  }
0x5a: {  	_ =	shalt  }
0x5b: {  	_ =	shalt  }
0x5c: {  	_ =	shalt  }
0x5d: {  	_ =	shalt  }
0x5e: {  	_ =	shalt  }
0x5f: {  	_ =	shalt  }
0x60: {  	_ =	shalt  }
0x61: {  	_ =	shalt  }
0x62: {  	_ =	shalt  }
0x63: {  	_ =	shalt  }
0x64: {  	_ =	shalt  }
0x65: {  	_ =	shalt  }
0x66: {  	_ =	shalt  }
0x67: {  	_ =	shalt  }
0x68: {  	_ =	shalt  }
0x69: {  	_ =	shalt  }
0x6a: {  	_ =	shalt  }
0x6b: {  	_ =	shalt  }
0x6c: {  	_ =	shalt  }
0x6d: {  	_ =	shalt  }
0x6e: {  	_ =	shalt  }
0x6f: {  	_ =	shalt  }
0x70: {  	_ =	shalt  }
0x71: {  	_ =	shalt  }
0x72: {  	_ =	shalt  }
0x73: {  	_ =	shalt  }
0x74: {  	_ =	shalt  }
0x75: {  	_ =	shalt  }
0x76: {  	_ =	shalt  }
0x77: {  	_ =	shalt  }
0x78: {  	_ =	shalt  }
0x79: {  	_ =	shalt  }
0x7a: {  	_ =	shalt  }
0x7b: {  	_ =	shalt  }
0x7c: {  	_ =	shalt  }
0x7d: {  	_ =	shalt  }
0x7e: {  	_ =	shalt  }
0x7f: {  	_ =	shalt  }
0x80: {  	_ =	shalt  }
0x81: {  	_ =	shalt  }
0x82: {  	_ =	shalt  }
0x83: {  	_ =	shalt  }
0x84: {  	_ =	shalt  }
0x85: {  	_ =	shalt  }
0x86: {  	_ =	shalt  }
0x87: {  	_ =	shalt  }
.Lfunc_end0:
.L_simem_size_0:
called_computation.3_lowered:
.L_overlay_start_0:
0x88: {  	s2 =	sld [smem:$0x3FD9]  }
0x89: {  	s3 =	sld [smem:$0x3FFE];
	_ =	sdelay $0x1  }
0x8a: {  	s1 =	srdreg.scid  }
0x8b: {  	s0 =	sand.u32 $0x1, s1  }
0x8c: {  	s16 =	sshll.u32 s0, $0xA;
	s2 =	sadd.s32 s3, s2  }
0x8d: {  	s2 =	sadd.s32 s2, s16  }
0x8e: {  	[smem:$0x3FB9] =	sst s2  }
0x8f: {  	_ = 	snop  }
0x90: {  	(tm) =	ssettm $0x1  }
0x91: {  	s17 =	sld [smem:$0x3FFB];
	_ =	sdelay $0x3  }
0x92: {  	_ =	strace s17  }
0x93: {  	s2 =	sld [smem:$0x3FFC];
	_ =	sdelay $0x3  }
0x94: {  	_ =	strace s2  }
0x95: {  	s2 =	sld [smem:$0x3FFD];
	_ =	sdelay $0x3  }
0x96: {  	_ =	strace s2  }
0x97: {  	_ =	strace $0x8FFFFFFF  }
0x98: {  	s18 =	sld [smem:$0x3FDB];
	_ =	sdelay $0x1  }
0x99: {  	s19 =	simm.s32 $_scs_section_size  }
0x9a: {  	s4 =	simm.s32 $_size__tile_overlayer_lowered;
	s5 =	simm.s32 $_tile_overlayer_lowered  }
0x9b: {  	s22 =	simm.s32 $0x1BFF;
	s21 =	sshll.u32 s5, $0x1;
	s2 =	sadd.s32 s19, s18  }
0x9c: {  	s6 =	simm.s32 $0x0;
	s20 =	sshll.u32 s4, $0x1;
	s4 =	sadd.s32 s21, s2  }
0x9d: {  	[timem:s6], [sflag:s22] =	dma.local [hbm:s4], s20  }
0x9e: {  	_ =	swait.ge [sflag:s22], s20  }
0x9f: {  	s3 =	ssub.s32 $0x0, s20;
	[sflag:s22] =	ssyncset.done $0x0  }
0xa0: {  	[sflag:s22] =	ssyncadd.s32 s3;
	_ =	sdelay $0x1  }
0xa1: {  	s23 =	simm.s32 $0x1B8B  }
0xa2: {  	_ =	swait.ge [sflag:s23], $0x1  }
0xa3: {  	[sflag:s23] =	ssyncset.done $0x0  }
0xa4: {  	s25 =	simm.s32 $0x1B8E;
	s24 =	sld [smem:$0x3FFE];
	[sflag:s23] =	ssyncadd.s32 $0xFFFFFFFF  }
0xa5: {  	s26 =	simm.s32 $execute0_lowered;
	[smem:$0x3FD2] =	sst s25  }
0xa6: {  	s4 =	sshll.u32 s26, $0x1;
	_ =	strace $0x8000004F;
	[dreg:$0x1] =	wrdreg $0xFFFFFFFF  }
0xa7: {  	s28 =	simm.s32 $_size_execute0_lowered;
	s2 =	sadd.s32 s2, s4;
	[dreg:$0x0] =	wrdreg $0x0  }
0xa8: {  	s4 =	sshll.u32 s28, $0x1;
	[dreg:$0x2] =	wrdreg s2  }
0xa9: {  	[dreg:$0x3] =	wrdreg s4  }
0xaa: {  	[dreg:$0x4] =	wrdreg $0xC0  }
0xab: {  	_ =	task [dreg:s6], $0x5FFFF  }
0xac: {  	[dreg:$0x1] =	wrdreg $0xFFFFFFFF  }
0xad: {  	[dreg:$0x0] =	wrdreg $0x60  }
0xae: {  	[dreg:$0x2] =	wrdreg s24  }
0xaf: {  	[dreg:$0x3] =	wrdreg $0x0  }
0xb0: {  	[dreg:$0x4] =	wrdreg $0x9  }
0xb1: {  	_ =	task.clear_ibuf [dreg:s6], $0x5FFFF;
	_ =	strace $0x9000004F  }
0xb2: {  	s29 =	simm.s32 $0x9;
	_ =	strace $0x80000051  }
0xb3: {  	_ =	swait.ge [sflag:s29], $0x1  }
0xb4: {  	[sflag:s29] =	ssyncadd.s32 $0xFFFFFFFF  }
0xb5: {  	_ =	strace $0x90000051  }
0xb6: {  	_ =	sfence  }
0xb7: {  	s30 =	sld [smem:$0x0];
	_ =	sdelay $0x2  }
0xb8: {  	s31 =	sshll.u32 s1, $0xD;
	s1 =	sshrl.u32 s1, $0x2  }
0xb9: {  	s3 =	sand.u32 $0x4000, s31;
	s1 =	sadd.s32 s1, s30  }
0xba: {  	s0 =	sor.u32 s3, s0;
	s1 =	sshll.u32 s1, $0x11  }
0xbb: {  	s0 =	sor.u32 s1, s0  }
0xbc: {  	s0 =	sadd.s32 $0x8F2B, s0  }
0xbd: {  	[sflag:s0] =	ssyncadd.remote.s32 $0x1  }
0xbe: {  	_ =	sfence.sel $0xFFFF  }
0xbf: {  	[dreg:$0x0] =	wrdreg $0xFFFFFFFF;
	(pc) =	sbr.abs _section_cstart, $3  }
0xc0: {  	[dreg:$0x1] =	wrdreg $0xFFFFFFFF  }
0xc1: {  	_ =	task.clear_ibuf [dreg:s6], $0x2FFFF;
	_ =	strace $0x9FFFFFFF  }
0xc2: {  	(tm) =	ssettm $0x7FFFFFFF  }
0xc3: {  	_ =	shalt  }
tec
execute0_lowered:
.L_overlay_start_1:
0x0: {  	(tag) =	ssettag $0x1  }
0x1: {  	s0 =	srdreg.scid  }
0x2: {  	s1 =	rddreg [dreg:$0x0];
	s8 =	stileid.u32  }
0x3: {  	s2 =	rddreg [dreg:$0x1];
	s6 =	simm.s32 $0x0;
	s17 =	simm.s32 $0x1  }
0x4: {  	s18 =	simm.s32 $0x80;
	s19 =	simm.s32 $0x19EC0;
	s20 =	simm.s32 $0x1CEC0  }
0x5: {  	s21 =	simm.s32 $0x2;
	s22 =	simm.s32 $0x1DEC0;
	s28 =	simm.s32 $0x4  }
0x6: {  	s29 =	simm.s32 $0x1BEC0;
	s30 =	simm.s32 $0x8;
	s4 =	smul.u32 $0x1900, s8  }
0x7: {  	s31 =	simm.s32 $0x5;
	s0 =	sand.u32 $0x1, s0;
	s26 =	smul.u32 $0x186A0, s8  }
0x8: {  	[smem:$0x7FF] =	sst s6;
	s7 =	smul.u32 $0x61B00, s8;
	s9 =	sadd.s32 $0x3800, s1  }
0x9: {  	s13 =	sshll.u32 s8, $0x6;
	s6 =	simm.s32 $0xD;
	s3 =	smul.u32 $0x30D40, s0  }
0xa: {  	s5 =	smul.u32 $0x186A00, s0;
	_ =	strace $0x80000050;
	s0 =	ssub.s32 $0x2, s0  }
0xb: {  	[dreg:$0x3] =	wrdreg s9;
	s4 =	sadd.s32 s4, s1;
	s11 =	sshrl.u32 s0, $0x1  }
0xc: {  	s12 =	sshrl.u32 s7, $0x2;
	s16 =	sadd.s32 s26, s2;
	s7 =	simm.s32 $0x0  }
0xd: {  	s3 =	sadd.s32 s3, s1;
	s5 =	sadd.s32 s26, s5;
	s0 =	ssub.s32 s0, s11  }
0xe: {  	s10 =	sadd.s32 s12, s2;
	s14 =	sadd.s32 $0x6D000, s4;
	s15 =	sadd.s32 $0x86000, s4  }
0xf: {  	s23 =	sadd.s32 $0x86080, s4;
	s24 =	sadd.s32 $0x6D080, s4;
	[dreg:$0x4] =	wrdreg s14  }
0x10: {  	s26 =	sshrl.u32 s16, $0x3;
	s4 =	simm.s32 $0xC;
	[dreg:$0x5] =	wrdreg s15  }
0x11: {  	s5 =	sshrl.u32 s5, $0x3;
	s8 =	sadd.s32 $0x6A00, s3;
	[dreg:$0x8] =	wrdreg s23  }
0x12: {  	s0 =	smax.u32 s0, $0x1;
	[dreg:$0x9] =	wrdreg s24;
	s25 =	sshrl.u32 s10, $0x3  }
.Ltmp0:
0x13: {  	s14 =	simm.s32 $0xE;
	s23 =	simm.s32 $0x3;
	(pc) =	sbr.rel .LBB2_1-.Ltmp0, $4  }
0x14: {  	s24 =	simm.s32 $0x1AEC0;
	[dreg:$0xb] =	wrdreg s26;
	s26 =	simm.s32 $0x1EEC0  }
0x15: {  	s15 =	simm.s32 $0x7;
	s1 =	sadd.s32 s5, s1;
	[dreg:$0x7] =	wrdreg s0  }
0x16: {  	s5 =	sor.u32 $0x1C0E, s13;
	[dreg:$0xa] =	wrdreg s25;
	s1 =	sadd.s32 $0x34AC00, s1  }
0x17: {  	s0 =	simm.s32 $0x6;
	[dreg:$0x6] =	wrdreg s1;
	s1 =	simm.s32 $0x9  }
.LBB2_6:
0x18: {  	s3 =	simm.s32 $0xA  }
0x19: {  	_ =	swait.ge [sflag:s3], $0x1000  }
0x1a: {  	[sflag:s3] =	ssyncset.done $0x0  }
0x1b: {  	s13 =	simm.s32 $0xB;
	[sflag:s3] =	ssyncadd.s32 $0xFFFFF000  }
0x1c: {  	_ =	swait.ge [sflag:s13], $0x1000  }
0x1d: {  	[sflag:s13] =	ssyncset.done $0x0  }
0x1e: {  	[sflag:s13] =	ssyncadd.s32 $0xFFFFF000  }
0x1f: {  	_ =	swait.ge [sflag:s4], $0x1000  }
0x20: {  	[sflag:s4] =	ssyncset.done $0x0  }
0x21: {  	[sflag:s4] =	ssyncadd.s32 $0xFFFFF000  }
0x22: {  	_ =	swait.ge [sflag:s6], $0x1000  }
0x23: {  	[sflag:s6] =	ssyncset.done $0x0  }
0x24: {  	[sflag:s6] =	ssyncadd.s32 $0xFFFFF000  }
0x25: {  	_ =	swait.ge [sflag:s30], $0x1000  }
0x26: {  	[sflag:s30] =	ssyncset.done $0x0  }
0x27: {  	[sflag:s30] =	ssyncadd.s32 $0xFFFFF000  }
0x28: {  	_ =	swait.ge [sflag:s1], $0x1000  }
0x29: {  	[sflag:s1] =	ssyncset.done $0x0  }
0x2a: {  	[sflag:s1] =	ssyncadd.s32 $0xFFFFF000  }
0x2b: {  	[bflag:$0x0] =	sbarrier.arrive $0xFFFF  }
0x2c: {  	s16 =	rddreg [dreg:$0x6]  }
0x2d: {  	s9 =	rddreg [dreg:$0xb]  }
0x2e: {  	[hbm:s16], [sflag:s5] =	dma.local [spmem:s9], $0x30D4  }
0x2f: {  	_ =	swait.ge [sflag:s14], $0x30D4  }
0x30: {  	s7 =	sadd.s32 $0x1, s7;
	s25 =	rddreg [dreg:$0x7]  }
0x31: {  	p0 =	sne.s32 s7, s25  }
.Ltmp1:
0x32: {  	_ = 	snop;
	(pc) =	sbr.rel @!p0 .LBB2_7-.Ltmp1, $3  }
0x33: {  	_ =	sdelay $0x1  }
0x34: {  	[sflag:s14] =	ssyncset.done $0x0  }
0x35: {  	[sflag:s14] =	ssyncadd.s32 $0xFFFFCF2C  }
.LBB2_1:
0x36: {  	s3 =	rddreg [dreg:$0x3]  }
0x37: {  	s9 =	rddreg [dreg:$0xa]  }
0x38: {  	[spmem:s9], [sflag:s5] =	dma.local [hbm:s3], $0x30D8  }
0x39: {  	_ =	swait.ge [sflag:s14], $0x30D8  }
0x3a: {  	[sflag:s14] =	ssyncset.done $0x0  }
0x3b: {  	[sflag:s14] =	ssyncadd.s32 $0xFFFFCF28  }
0x3c: {  	[bflag:$0x0] =	sbarrier.arrive $0xFFFF  }
0x3d: {  	s12 =	simm.s32 $0x0;
	s13 =	rddreg [dreg:$0x4]  }
.Ltmp2:
0x3e: {  	s10 =	simm.s32 $0x186C0;
	s16 =	rddreg [dreg:$0x5];
	(pc) =	sbr.rel .LBB2_2-.Ltmp2, $4  }
0x3f: {  	[tilespmem:s10], [sflag:$0x1] =	stream.linear.gather [hbm4b:s13+s12], $0x400, $0x38;
	[tilespmem:$0x1FEC0] =	vst v63  }
0x40: {  	s25 =	simm.s32 $0x192C0;
	s11 =	rddreg [dreg:$0x8]  }
0x41: {  	[tilespmem:s25], [sflag:$0x1] =	stream.linear.gather [hbm4b:s16+s12], $0x400, $0x38;
	[tilespmem:$0x1FEC0] =	vst v63  }
0x42: {  	s13 =	simm.s32 $0x0;
	s12 =	rddreg [dreg:$0x9]  }
.LBB2_4:
0x43: {  	_ =	swait.ge [sflag:s30], $0x1000  }
0x44: {  	[sflag:s30] =	ssyncset.done $0x0  }
0x45: {  	p0 =	por $0x0, $0x0;
	[sflag:s30] =	ssyncadd.s32 $0xFFFFF000  }
.LBB2_5:
0x46: {  	s10 =	sshll.u32 s10, $0xA  }
0x47: {  	s3 =	sadd.s32 $0x186C0, s10  }
0x48: {  	[tilespmem:s19], [sflag:$0x2] =	stream.indirect.gather [hbm4b:s8+s18], $0x20, s3, s18, $0xb8;
	[tilespmem:$0x1FEC0] =	vst v63  }
0x49: {  	s3 =	simm.s32 @!p0 $0x9  }
0x4a: {  	_ =	swait.ge @!p0 [sflag:s3], $0x1000  }
0x4b: {  	s9 =	simm.s32 @!p0 $0x80;
	[sflag:s3] =	ssyncset.done @!p0 $0x0  }
0x4c: {  	s16 =	simm.s32 @!p0 $0x1AEC0;
	[sflag:s3] =	ssyncadd.s32 @!p0 $0xFFFFF000;
	s3 =	sadd.s32 @!p0 $0x18740, s10  }
0x4d: {  	[tilespmem:s16], [sflag:$0x3] =	stream.indirect.gather @!p0 [hbm4b:s8+s9], $0x20, s3, s9, $0xb8;
	[tilespmem:$0x1FEC0] =	vst v63  }
0x4e: {  	s3 =	simm.s32 @!p0 $0xA  }
0x4f: {  	_ =	swait.ge @!p0 [sflag:s3], $0x1000  }
0x50: {  	[sflag:s3] =	ssyncset.done @!p0 $0x0  }
0x51: {  	s16 =	simm.s32 @!p0 $0x1BEC0;
	[sflag:s3] =	ssyncadd.s32 @!p0 $0xFFFFF000;
	s3 =	sadd.s32 @!p0 $0x187C0, s10  }
0x52: {  	[tilespmem:s16], [sflag:$0x4] =	stream.indirect.gather @!p0 [hbm4b:s8+s9], $0x20, s3, s9, $0xb8;
	[tilespmem:$0x1FEC0] =	vst v63  }
0x53: {  	s3 =	simm.s32 @!p0 $0xB  }
0x54: {  	_ =	swait.ge @!p0 [sflag:s3], $0x1000  }
0x55: {  	s9 =	simm.s32 @p0 $0x80;
	[sflag:s3] =	ssyncset.done @!p0 $0x0  }
0x56: {  	s16 =	simm.s32 @p0 $0x1AEC0;
	[sflag:s3] =	ssyncadd.s32 @!p0 $0xFFFFF000;
	s3 =	sadd.s32 @p0 $0x18740, s10  }
0x57: {  	[tilespmem:s16], [sflag:$0x3] =	stream.indirect.gather @p0 [hbm4b:s8+s9], $0x20, s3, s9, $0xb8;
	[tilespmem:$0x1FEC0] =	vst v63  }
0x58: {  	s3 =	sadd.s32 @p0 $0x187C0, s10;
	s16 =	simm.s32 @p0 $0x1BEC0  }
0x59: {  	[tilespmem:s16], [sflag:$0x4] =	stream.indirect.gather @p0 [hbm4b:s8+s9], $0x20, s3, s9, $0xb8;
	[tilespmem:$0x1FEC0] =	vst v63  }
0x5a: {  	s16 =	sadd.s32 $0x18840, s10  }
0x5b: {  	[tilespmem:s20], [sflag:$0x5] =	stream.indirect.gather [hbm4b:s8+s18], $0x20, s16, s18, $0xb8;
	[tilespmem:$0x1FEC0] =	vst v63  }
0x5c: {  	_ =	swait.ge [sflag:s21], $0x1000  }
0x5d: {  	[sflag:s21] =	ssyncset.done $0x0  }
0x5e: {  	s25 =	sadd.s32 $0x192C0, s10;
	s3 =	simm.s32 @!p0 $0xC;
	[sflag:s21] =	ssyncadd.s32 $0xFFFFF000  }
0x5f: {  	[spmem:s2] =	stream.indirect.scatter.add.f32 [tilespmem:s19], [sflag:$0x8], $0x20, s25, s18, $0xb8;
	[tilespmem:$0x1FEC0] =	vst v63  }
0x60: {  	_ =	swait.ge @!p0 [sflag:s3], $0x1000  }
0x61: {  	[sflag:s3] =	ssyncset.done @!p0 $0x0  }
0x62: {  	s9 =	sadd.s32 $0x188C0, s10;
	[sflag:s3] =	ssyncadd.s32 @!p0 $0xFFFFF000  }
0x63: {  	[tilespmem:s22], [sflag:$0x6] =	stream.indirect.gather [hbm4b:s8+s18], $0x20, s9, s18, $0xb8;
	[tilespmem:$0x1FEC0] =	vst v63  }
0x64: {  	s3 =	sor.u32 @!p0 $0x80, s10;
	s9 =	sor.u32 @p0 $0x80, s10;
	_ =	swait.ge [sflag:s23], $0x1000  }
0x65: {  	s3 =	smov.u32 @p0 s9;
	[sflag:s23] =	ssyncset.done $0x0  }
0x66: {  	s3 =	sadd.s32 $0x192C0, s3;
	[sflag:s23] =	ssyncadd.s32 $0xFFFFF000  }
0x67: {  	[spmem:s2] =	stream.indirect.scatter.add.f32 [tilespmem:s24], [sflag:$0x9], $0x20, s3, s18, $0xb8;
	[tilespmem:$0x1FEC0] =	vst v63  }
0x68: {  	s3 =	simm.s32 @!p0 $0xD  }
0x69: {  	_ =	swait.ge @!p0 [sflag:s3], $0x1000  }
0x6a: {  	[sflag:s3] =	ssyncset.done @!p0 $0x0  }
0x6b: {  	s16 =	sadd.s32 $0x18940, s10;
	[sflag:s3] =	ssyncadd.s32 @!p0 $0xFFFFF000  }
0x6c: {  	[tilespmem:s26], [sflag:$0x7] =	stream.indirect.gather [hbm4b:s8+s18], $0x20, s16, s18, $0xb8;
	[tilespmem:$0x1FEC0] =	vst v63  }
0x6d: {  	s9 =	sor.u32 @p0 $0x100, s10;
	s3 =	sor.u32 @!p0 $0x100, s10;
	_ =	swait.ge [sflag:s28], $0x1000  }
0x6e: {  	s3 =	smov.u32 @p0 s9;
	[sflag:s28] =	ssyncset.done $0x0  }
0x6f: {  	s3 =	sadd.s32 $0x192C0, s3;
	[sflag:s28] =	ssyncadd.s32 $0xFFFFF000  }
0x70: {  	[spmem:s2] =	stream.indirect.scatter.add.f32 [tilespmem:s29], [sflag:$0xA], $0x20, s3, s18, $0xb8;
	[tilespmem:$0x1FEC0] =	vst v63  }
0x71: {  	_ =	swait.ge [sflag:s30], $0x1000  }
0x72: {  	[sflag:s30] =	ssyncset.done $0x0  }
0x73: {  	s25 =	sadd.s32 $0x189C0, s10;
	[sflag:s30] =	ssyncadd.s32 $0xFFFFF000  }
0x74: {  	[tilespmem:s19], [sflag:$0x2] =	stream.indirect.gather [hbm4b:s8+s18], $0x20, s25, s18, $0xb8;
	[tilespmem:$0x1FEC0] =	vst v63  }
0x75: {  	_ =	swait.ge [sflag:s31], $0x1000  }
0x76: {  	s9 =	sor.u32 $0x180, s10;
	[sflag:s31] =	ssyncset.done $0x0  }
0x77: {  	s3 =	sadd.s32 $0x192C0, s9;
	[sflag:s31] =	ssyncadd.s32 $0xFFFFF000  }
0x78: {  	[spmem:s2] =	stream.indirect.scatter.add.f32 [tilespmem:s20], [sflag:$0xB], $0x20, s3, s18, $0xb8;
	[tilespmem:$0x1FEC0] =	vst v63  }
0x79: {  	_ =	swait.ge [sflag:s1], $0x1000  }
0x7a: {  	[sflag:s1] =	ssyncset.done $0x0  }
0x7b: {  	s16 =	sadd.s32 $0x18A40, s10;
	[sflag:s1] =	ssyncadd.s32 $0xFFFFF000  }
0x7c: {  	[tilespmem:s24], [sflag:$0x3] =	stream.indirect.gather [hbm4b:s8+s18], $0x20, s16, s18, $0xb8;
	[tilespmem:$0x1FEC0] =	vst v63  }
0x7d: {  	_ =	swait.ge [sflag:s0], $0x1000  }
0x7e: {  	s25 =	sor.u32 $0x200, s10;
	[sflag:s0] =	ssyncset.done $0x0  }
0x7f: {  	s3 =	sadd.s32 $0x192C0, s25;
	[sflag:s0] =	ssyncadd.s32 $0xFFFFF000  }
0x80: {  	[spmem:s2] =	stream.indirect.scatter.add.f32 [tilespmem:s22], [sflag:$0xC], $0x20, s3, s18, $0xb8;
	[tilespmem:$0x1FEC0] =	vst v63  }
0x81: {  	_ =	swait.ge [sflag:s15], $0x1000  }
0x82: {  	[sflag:s15] =	ssyncset.done $0x0  }
0x83: {  	s9 =	sadd.s32 $0x19540, s10;
	[sflag:s15] =	ssyncadd.s32 $0xFFFFF000  }
0x84: {  	[spmem:s2] =	stream.indirect.scatter.add.f32 [tilespmem:s26], [sflag:$0xD], $0x20, s9, s18, $0xb8;
	[tilespmem:$0x1FEC0] =	vst v63  }
0x85: {  	_ =	swait.ge [sflag:s21], $0x1000  }
0x86: {  	[sflag:s21] =	ssyncset.done $0x0  }
0x87: {  	p0 =	sne.s32 s13, $0x32;
	s16 =	sadd.s32 $0x195C0, s10;
	[sflag:s21] =	ssyncadd.s32 $0xFFFFF000  }
0x88: {  	[spmem:s2] =	stream.indirect.scatter.add.f32 [tilespmem:s19], [sflag:$0x8], $0x20, s16, s18, $0xb8;
	[tilespmem:$0x1FEC0] =	vst v63  }
.Ltmp3:
0x89: {  	_ = 	snop;
	(pc) =	sbr.rel @!p0 .LBB2_6-.Ltmp3, $4  }
0x8a: {  	_ =	swait.ge [sflag:s23], $0x1000  }
0x8b: {  	s11 =	sadd.s32 $0x80, s11;
	[sflag:s23] =	ssyncset.done $0x0  }
0x8c: {  	s12 =	sadd.s32 $0x80, s12;
	s25 =	sadd.s32 $0x19640, s10;
	[sflag:s23] =	ssyncadd.s32 $0xFFFFF000  }
0x8d: {  	[spmem:s2] =	stream.indirect.scatter.add.f32 [tilespmem:s24], [sflag:$0x9], $0x20, s25, s18, $0xb8;
	[tilespmem:$0x1FEC0] =	vst v63  }
.LBB2_2:
0x8e: {  	s10 =	smov.u32 s13  }
0x8f: {  	s13 =	sadd.s32 $0x1, s13;
	p0 =	seq.s32 s10, $0x31  }
0x90: {  	s9 =	smul.u32 @!p0 $0xAB, s13;
	_ =	sdelay $0x1  }
0x91: {  	_ =	swait.ge [sflag:s17], $0x400;
	s9 =	sshrl.u32 @!p0 s9, $0x9  }
0x92: {  	s25 =	smul.u32 $0xAB, s10;
	[sflag:s17] =	ssyncset.done $0x0;
	s9 =	sand.u32 @!p0 $0x7F, s9  }
0x93: {  	[sflag:s17] =	ssyncadd.s32 $0xFFFFFC00;
	s9 =	smul.u32 @!p0 $0x3, s9  }
0x94: {  	s3 =	simm.s32 @!p0 $0x0;
	p1 =	seq.s32 @!p0 s10, $0x0;
	s25 =	sshrl.u32 s25, $0x9  }
0x95: {  	_ =	swait.ge [sflag:s17], $0x400;
	s25 =	sand.u32 $0x7F, s25;
	s9 =	ssub.s32 @!p0 s13, s9  }
0x96: {  	p1 =	por p0, !p1;
	s25 =	smul.u32 $0x3, s25;
	s9 =	sand.u32 @!p0 $0xFF, s9  }
.Ltmp4:
0x97: {  	[sflag:s17] =	ssyncset.done $0x0;
	s9 =	sshll.u32 @!p0 s9, $0xA;
	(pc) =	sbr.rel @p1 .LBB2_4-.Ltmp4, $4  }
0x98: {  	[sflag:s17] =	ssyncadd.s32 $0xFFFFFC00;
	s25 =	ssub.s32 s10, s25;
	s16 =	sadd.s32 @!p0 $0x186C0, s9  }
0x99: {  	[tilespmem:s16], [sflag:$0x1] =	stream.linear.gather @!p0 [hbm4b:s12+s3], $0x400, $0x38;
	[tilespmem:$0x1FEC0] =	vst v63  }
0x9a: {  	s10 =	sand.u32 $0xFF, s25;
	s9 =	sor.u32 @!p0 $0x192C0, s9  }
0x9b: {  	[tilespmem:s9], [sflag:$0x1] =	stream.linear.gather @!p0 [hbm4b:s11+s3], $0x400, $0x38;
	[tilespmem:$0x1FEC0] =	vst v63  }
.Ltmp5:
0x9c: {  	(pc) =	sbr.rel .LBB2_5-.Ltmp5, $2  }
0x9d: {  	_ =	sdelay $0x2  }
0x9e: {  	p0 =	por @!p0 $0x1, $0x1  }
.LBB2_7:
0x9f: {  	_ =	sfence.sel $0x180000  }
0xa0: {  	[bflag:$0x0] =	sbarrier.arrive $0xFFFF  }
0xa1: {  	_ =	strace $0x90000050  }
0xa2: {  	s0 =	stileid.u32;
	[bflag:$0x2] =	sbarrier.arrive $0xFFFF  }
0xa3: {  	p0 =	sne.s32 s0, $0x0;
	s0 =	rddreg [dreg:$0x2]  }
0xa4: {  	s0 =	sadd.s32 @!p0 $0x100000, s0  }
0xa5: {  	[sflag:s0] =	ssyncadd.tile.s32 @!p0 $0x1;
	_ =	shalt  }
.Lfunc_end2:
_tile_overlayer_lowered:
.L_overlay_start_2:
0xa6: {  	(tag) =	ssettag $0x2  }
0xa7: {  	s0 =	rddreg [dreg:$0x0];
	s2 =	stileid.u32  }
0xa8: {  	s1 =	rddreg [dreg:$0x1];
	p0 =	sne.s32 s2, $0x0  }
0xa9: {  	s3 =	rddreg [dreg:$0x2];
	[bflag:$0x3] =	sbarrier.arrive $0xFFFF;
	s2 =	simm.s32 @!p0 $0x1C0E  }
0xaa: {  	[timem:s3], [sflag:s2] =	dma.local @!p0 [hbm:s0], s1  }
0xab: {  	s0 =	simm.s32 @!p0 $0xE  }
0xac: {  	_ =	swait.ge @!p0 [sflag:s0], s1  }
0xad: {  	s1 =	ssub.s32 @!p0 $0x0, s1;
	[sflag:s0] =	ssyncset.done @!p0 $0x0  }
0xae: {  	[sflag:s0] =	ssyncadd.s32 @!p0 s1  }
0xaf: {  	[bflag:$0x3] =	sbarrier.arrive $0xFFFF  }
0xb0: {  	_ =	shalt  }

</sc_bundles>
